<compile_context>
chip_gen: v7x
topology: tpu7x:2x2x1
jax: 0.10.2.dev20260603
libtpu: 0.0.44.dev20260713+nightly
codegen_flags: <defaults>
</compile_context>

<pallas_src>
import functools

import numpy as np
import jax
import jax.numpy as jnp
from jax import lax
from jax.experimental import pallas as pl
from jax.experimental.pallas import tpu as pltpu
from jax.experimental.pallas import tpu_sc as plsc

_NUM_EMB = 1000
_EMB_DIM = 128
_BATCH = 16384


_BATCH_PER_BLOCK = 512
_SUB_LANES = 128
_NUM_SUB = _BATCH_PER_BLOCK // _SUB_LANES
_NUM_BLOCKS = _BATCH // _BATCH_PER_BLOCK

_ROT_A = (13, 15, 26, 6)
_ROT_B = (17, 29, 16, 24)
_KS0 = np.uint32(0)
_KS1 = np.uint32(42)
_KS2 = np.uint32(0x1BD11BDA) ^ _KS0 ^ _KS1


def _rotl(x, d):
    return (x << np.uint32(d)) | (x >> np.uint32(32 - d))


def _rounds(x0, x1, rots):
    for r in rots:
        x0 = x0 + x1
        x1 = x0 ^ _rotl(x1, r)
    return x0, x1


def _gumbel_bits(fi):
    x1 = fi + _KS1
    x0 = x1
    x1 = x0 ^ _rotl(x1, _ROT_A[0])
    x0, x1 = _rounds(x0, x1, _ROT_A[1:])
    x0, x1 = x0 + _KS1, x1 + (_KS2 + np.uint32(1))
    x0, x1 = _rounds(x0, x1, _ROT_B)
    x0, x1 = x0 + _KS2, x1 + (_KS0 + np.uint32(2))
    x0, x1 = _rounds(x0, x1, _ROT_A)
    x0, x1 = x0 + _KS0, x1 + (_KS1 + np.uint32(3))
    x0, x1 = _rounds(x0, x1, _ROT_B)
    x0, x1 = x0 + _KS1, x1 + (_KS2 + np.uint32(4))
    x0, x1 = _rounds(x0, x1, _ROT_A)
    x0, x1 = x0 + _KS2, x1 + (_KS0 + np.uint32(5))
    return x0 ^ x1


def _gumbel(fi):
    bits = _gumbel_bits(fi)
    fbits = (bits >> np.uint32(9)) | np.uint32(0x3F800000)
    f = lax.bitcast_convert_type(fbits, jnp.float32) - jnp.float32(1.0)
    u = jnp.maximum(jnp.float32(1e-10), f + jnp.float32(1e-10))
    return -jnp.log(-jnp.log(u))


_J_CHUNKS = (200, 200, 200, 200, 200)


def _argmax_body(xt_ref, o_ref):
    blk = pl.program_id(0)

    def sub(k):
        lane0 = k * _SUB_LANES
        flat0 = ((blk * _BATCH_PER_BLOCK + lane0) * _NUM_EMB).astype(jnp.uint32)
        m = jnp.full((1, _SUB_LANES), -jnp.inf, jnp.float32)
        idx = jnp.zeros((1, _SUB_LANES), jnp.int32)
        j0 = 0
        for w in _J_CHUNKS:
            shp = (w, _SUB_LANES)
            j = lax.broadcasted_iota(jnp.uint32, shp, 0)
            b = lax.broadcasted_iota(jnp.uint32, shp, 1)
            jrow = lax.broadcasted_iota(jnp.int32, shp, 0)
            fi = flat0 + b * np.uint32(_NUM_EMB) + (j + np.uint32(j0))
            v = xt_ref[pl.ds(j0, w), pl.ds(lane0, _SUB_LANES)] + _gumbel(fi)
            cm = jnp.max(v, axis=0, keepdims=True)
            cand = jnp.where(v == cm, jrow, jnp.int32(1 << 30))
            ci = jnp.min(cand, axis=0, keepdims=True) + j0
            better = cm > m
            m = jnp.where(better, cm, m)
            idx = jnp.where(better, ci, idx)
            j0 += w
        o_ref[0, 0, pl.ds(lane0, _SUB_LANES)] = idx[0, :]

    for k in range(_NUM_SUB):
        sub(k)


def _row_argmax(logits):
    idx = pl.pallas_call(
        _argmax_body,
        grid=(_NUM_BLOCKS,),
        in_specs=[
            pl.BlockSpec((_NUM_EMB, _BATCH_PER_BLOCK), lambda i: (0, i)),
        ],
        out_specs=pl.BlockSpec((1, 1, _BATCH_PER_BLOCK), lambda i: (i, 0, 0)),
        out_shape=jax.ShapeDtypeStruct((_NUM_BLOCKS, 1, _BATCH_PER_BLOCK), jnp.int32),
    )(logits.T)
    return idx.reshape(_BATCH)



_NC = 2
_NS = 16
_NW = _NC * _NS
_B_PER_W = _BATCH // _NW
_IDX_CHUNK = 128
_NIDX = _B_PER_W // _IDX_CHUNK


def _gather_body(table_hbm, idx_hbm, out_hbm, idx_v, rows_v, sem):
    wid = lax.axis_index("s") * _NC + lax.axis_index("c")
    base = wid * _B_PER_W
    pltpu.sync_copy(idx_hbm.at[wid], idx_v)
    copies = []
    for j in range(_NIDX):
        copies.append(
            pltpu.async_copy(
                table_hbm.at[idx_v.at[j]],
                rows_v.at[pl.ds(j * _IDX_CHUNK, _IDX_CHUNK)],
                sem,
            )
        )
    for c in copies:
        c.wait()
    pltpu.sync_copy(rows_v, out_hbm.at[pl.ds(base, _B_PER_W)])


_SC_GATHER = None


def _sc_gather():
    global _SC_GATHER
    if _SC_GATHER is None:
        _SC_GATHER = functools.partial(
            pl.kernel,
            mesh=plsc.VectorSubcoreMesh(core_axis_name="c", subcore_axis_name="s"),
            out_type=jax.ShapeDtypeStruct((_BATCH, _EMB_DIM), jnp.float32),
            scratch_types=[
                pltpu.VMEM((_NIDX, _IDX_CHUNK), jnp.int32),
                pltpu.VMEM((_B_PER_W, _EMB_DIM), jnp.float32),
                pltpu.SemaphoreType.DMA,
            ],
        )(_gather_body)
    return _SC_GATHER


def kernel(logits, weight):
    idx = _row_argmax(logits)
    idx3 = idx.reshape(_NW, _NIDX, _IDX_CHUNK)
    return _sc_gather()(weight, idx3)

# --- scband reference (transcript-rebuilt; emitter-appended) ---
"""Pipeline reference for scband-differentiable-embedding-67413806678401 (READ-ONLY COPY).

The authoritative reference and input builder live on the scoring server;
editing this copy changes nothing except your own understanding.
"""

import jax, jax.numpy as jnp
import numpy as np

NUM_EMBEDDINGS = 1000
EMBEDDING_DIM = 128
TAU = 1.0
BATCH = 16384


def setup_inputs(seed: int = 0) -> dict:
    key = jax.random.key(seed)
    k1, k2 = jax.random.split(key)
    logits = jax.random.normal(k1, (BATCH, NUM_EMBEDDINGS), dtype=jnp.float32)
    # learned parameter: nn.Embedding weight, init ~ N(0, 1) like torch default
    weight = jax.random.normal(k2, (NUM_EMBEDDINGS, EMBEDDING_DIM), dtype=jnp.float32)
    return {"logits": logits, "weight": weight}


def reference(logits, weight):
    # gumbel_softmax(logits, tau, hard=False): sample Gumbel(0,1) noise with a fixed key
    key = jax.random.key(42)
    u = jax.random.uniform(key, logits.shape, dtype=logits.dtype, minval=1e-10, maxval=1.0)
    gumbels = -jnp.log(-jnp.log(u))
    soft_indices = jax.nn.softmax((logits + gumbels) / TAU, axis=-1)
    hard_indices = jnp.argmax(soft_indices, axis=-1)
    # DifferentiableEmbeddingFunction: forward = F.embedding(hard_indices, W);
    # custom backward: grad_W = soft^T @ g, grad_soft = g @ W^T.
    # Exactly reproduced via straight-through surrogate soft @ W:
    surrogate = soft_indices @ weight
    hard_embed = jnp.take(weight, hard_indices, axis=0)
    out = surrogate + jax.lax.stop_gradient(hard_embed - surrogate)
    return out

if __name__ == "__main__":
    import jax
    _d = setup_inputs()
    print(jax.jit(kernel)(*tuple(_d.values())))

</pallas_src>

<mosaic_0001>
#map = affine_map<(d0, d1) -> (0, 0)>
#map1 = affine_map<(d0, d1) -> (0, 0, 0)>
module attributes {stable_mosaic.version = 14 : i64} {
  func.func @_gather_body(%arg0: i32, %arg1: i32, %arg2: memref<1000x128xf32, #tpu.memory_space<hbm>>, %arg3: memref<32x4x128xi32, #tpu.memory_space<hbm>>, %arg4: memref<16384x128xf32, #tpu.memory_space<hbm>>, %arg5: memref<4x128xi32, #tpu.memory_space<vmem>>, %arg6: memref<512x128xf32, #tpu.memory_space<vmem>>, %arg7: memref<!tpu.dma_semaphore, #tpu.memory_space<semaphore_mem>>) attributes {dimension_semantics = [#tpu.dimension_semantics<core_parallel>, #tpu.dimension_semantics<subcore_parallel>], iteration_bounds = array<i64: 2, 16>, scalar_prefetch = 0 : i64, scratch_operands = 3 : i64, tpu.core_type = #tpu.core_type<sc_vector_subcore>, window_params = [{transform_indices = #map}, {transform_indices = #map1}, {transform_indices = #map}]} {
    %mul3A = arith.constant 2 : i32
    %mul3A_0 = arith.muli %arg1, %mul3A : i32
    %add3A = arith.addi %mul3A_0, %arg0 : i32
    %mul3A_1 = arith.constant 512 : i32
    %mul3A_2 = arith.muli %add3A, %mul3A_1 : i32
    "tpu.region"() ({
      %run_scoped3A = tpu.sem_alloc : memref<!tpu.dma_semaphore, #tpu.memory_space<semaphore_mem>>
      %dma_start3A_81 = arith.constant 0 : i32
      %dma_start3A_82 = arith.constant 0 : i32
      %dma_start3A_83 = tpu.memref_slice %arg3[%add3A, %dma_start3A_81, %dma_start3A_82] : memref<32x4x128xi32, #tpu.memory_space<hbm>> -> memref<1x4x128xi32, #tpu.memory_space<hbm>>
      %dma_start3A_84 = tpu.memref_squeeze %dma_start3A_83 : memref<1x4x128xi32, #tpu.memory_space<hbm>> -> memref<4x128xi32, #tpu.memory_space<hbm>>
      %dma_start3A_85 = arith.constant 0 : i32
      %dma_start3A_86 = arith.constant 0 : i32
      %dma_start3A_87 = tpu.memref_slice %arg3[%add3A, %dma_start3A_85, %dma_start3A_86] : memref<32x4x128xi32, #tpu.memory_space<hbm>> -> memref<1x4x128xi32, #tpu.memory_space<hbm>>
      %dma_start3A_88 = tpu.memref_squeeze %dma_start3A_87 : memref<1x4x128xi32, #tpu.memory_space<hbm>> -> memref<4x128xi32, #tpu.memory_space<hbm>>
      tpu.enqueue_dma source(%dma_start3A_88 : memref<4x128xi32, #tpu.memory_space<hbm>>) target(%arg5 : memref<4x128xi32, #tpu.memory_space<vmem>>) target_semaphore(%run_scoped3A : memref<!tpu.dma_semaphore, #tpu.memory_space<semaphore_mem>>)
      %dma_wait3A_89 = arith.constant 0 : i32
      %dma_wait3A_90 = arith.constant 0 : i32
      %dma_wait3A_91 = tpu.memref_slice %arg3[%add3A, %dma_wait3A_89, %dma_wait3A_90] : memref<32x4x128xi32, #tpu.memory_space<hbm>> -> memref<1x4x128xi32, #tpu.memory_space<hbm>>
      %dma_wait3A_92 = tpu.memref_squeeze %dma_wait3A_91 : memref<1x4x128xi32, #tpu.memory_space<hbm>> -> memref<4x128xi32, #tpu.memory_space<hbm>>
      %dma_wait3A_93 = arith.constant 0 : i32
      %dma_wait3A_94 = arith.constant 0 : i32
      %dma_wait3A_95 = tpu.memref_slice %arg3[%add3A, %dma_wait3A_93, %dma_wait3A_94] : memref<32x4x128xi32, #tpu.memory_space<hbm>> -> memref<1x4x128xi32, #tpu.memory_space<hbm>>
      %dma_wait3A_96 = tpu.memref_squeeze %dma_wait3A_95 : memref<1x4x128xi32, #tpu.memory_space<hbm>> -> memref<4x128xi32, #tpu.memory_space<hbm>>
      tpu.wait_dma2 semaphore(%run_scoped3A : memref<!tpu.dma_semaphore, #tpu.memory_space<semaphore_mem>>) src(%dma_wait3A_96 : memref<4x128xi32, #tpu.memory_space<hbm>>) dst(%arg5 : memref<4x128xi32, #tpu.memory_space<vmem>>)
      tpu.yield
    }) : () -> ()
    %dma_start3A = arith.constant 0 : i32
    %dma_start3A_3 = arith.constant 0 : i32
    %dma_start3A_4 = arith.constant 0 : i32
    %dma_start3A_5 = tpu.memref_slice %arg6[%dma_start3A_3, %dma_start3A_4] : memref<512x128xf32, #tpu.memory_space<vmem>> -> memref<128x128xf32, #tpu.memory_space<vmem>>
    %dma_start3A_6 = arith.constant 0 : i32
    %dma_start3A_7 = tpu.memref_slice %arg5[%dma_start3A, %dma_start3A_6] : memref<4x128xi32, #tpu.memory_space<vmem>> -> memref<1x128xi32, #tpu.memory_space<vmem>>
    %dma_start3A_8 = tpu.memref_squeeze %dma_start3A_7 : memref<1x128xi32, #tpu.memory_space<vmem>> -> memref<128xi32, #tpu.memory_space<vmem>>
    %dma_start3A_9 = arith.constant 0 : i32
    %dma_start3A_10 = arith.constant 0 : i32
    %dma_start3A_11 = tpu.memref_slice %arg2[%dma_start3A_9, %dma_start3A_10] : memref<1000x128xf32, #tpu.memory_space<hbm>> -> memref<1000x128xf32, #tpu.memory_space<hbm>>
    tpu.enqueue_indirect_dma source(%dma_start3A_11 : memref<1000x128xf32, #tpu.memory_space<hbm>>) target(%dma_start3A_5 : memref<128x128xf32, #tpu.memory_space<vmem>>) offsets(%dma_start3A_8 : memref<128xi32, #tpu.memory_space<vmem>>) semaphore(%arg7 : memref<!tpu.dma_semaphore, #tpu.memory_space<semaphore_mem>>)
    %dma_start3A_12 = arith.constant 1 : i32
    %dma_start3A_13 = arith.constant 128 : i32
    %dma_start3A_14 = arith.constant 0 : i32
    %dma_start3A_15 = tpu.memref_slice %arg6[%dma_start3A_13, %dma_start3A_14] : memref<512x128xf32, #tpu.memory_space<vmem>> -> memref<128x128xf32, #tpu.memory_space<vmem>>
    %dma_start3A_16 = arith.constant 0 : i32
    %dma_start3A_17 = tpu.memref_slice %arg5[%dma_start3A_12, %dma_start3A_16] : memref<4x128xi32, #tpu.memory_space<vmem>> -> memref<1x128xi32, #tpu.memory_space<vmem>>
    %dma_start3A_18 = tpu.memref_squeeze %dma_start3A_17 : memref<1x128xi32, #tpu.memory_space<vmem>> -> memref<128xi32, #tpu.memory_space<vmem>>
    %dma_start3A_19 = arith.constant 0 : i32
    %dma_start3A_20 = arith.constant 0 : i32
    %dma_start3A_21 = tpu.memref_slice %arg2[%dma_start3A_19, %dma_start3A_20] : memref<1000x128xf32, #tpu.memory_space<hbm>> -> memref<1000x128xf32, #tpu.memory_space<hbm>>
    tpu.enqueue_indirect_dma source(%dma_start3A_21 : memref<1000x128xf32, #tpu.memory_space<hbm>>) target(%dma_start3A_15 : memref<128x128xf32, #tpu.memory_space<vmem>>) offsets(%dma_start3A_18 : memref<128xi32, #tpu.memory_space<vmem>>) semaphore(%arg7 : memref<!tpu.dma_semaphore, #tpu.memory_space<semaphore_mem>>)
    %dma_start3A_22 = arith.constant 2 : i32
    %dma_start3A_23 = arith.constant 256 : i32
    %dma_start3A_24 = arith.constant 0 : i32
    %dma_start3A_25 = tpu.memref_slice %arg6[%dma_start3A_23, %dma_start3A_24] : memref<512x128xf32, #tpu.memory_space<vmem>> -> memref<128x128xf32, #tpu.memory_space<vmem>>
    %dma_start3A_26 = arith.constant 0 : i32
    %dma_start3A_27 = tpu.memref_slice %arg5[%dma_start3A_22, %dma_start3A_26] : memref<4x128xi32, #tpu.memory_space<vmem>> -> memref<1x128xi32, #tpu.memory_space<vmem>>
    %dma_start3A_28 = tpu.memref_squeeze %dma_start3A_27 : memref<1x128xi32, #tpu.memory_space<vmem>> -> memref<128xi32, #tpu.memory_space<vmem>>
    %dma_start3A_29 = arith.constant 0 : i32
    %dma_start3A_30 = arith.constant 0 : i32
    %dma_start3A_31 = tpu.memref_slice %arg2[%dma_start3A_29, %dma_start3A_30] : memref<1000x128xf32, #tpu.memory_space<hbm>> -> memref<1000x128xf32, #tpu.memory_space<hbm>>
    tpu.enqueue_indirect_dma source(%dma_start3A_31 : memref<1000x128xf32, #tpu.memory_space<hbm>>) target(%dma_start3A_25 : memref<128x128xf32, #tpu.memory_space<vmem>>) offsets(%dma_start3A_28 : memref<128xi32, #tpu.memory_space<vmem>>) semaphore(%arg7 : memref<!tpu.dma_semaphore, #tpu.memory_space<semaphore_mem>>)
    %dma_start3A_32 = arith.constant 3 : i32
    %dma_start3A_33 = arith.constant 384 : i32
    %dma_start3A_34 = arith.constant 0 : i32
    %dma_start3A_35 = tpu.memref_slice %arg6[%dma_start3A_33, %dma_start3A_34] : memref<512x128xf32, #tpu.memory_space<vmem>> -> memref<128x128xf32, #tpu.memory_space<vmem>>
    %dma_start3A_36 = arith.constant 0 : i32
    %dma_start3A_37 = tpu.memref_slice %arg5[%dma_start3A_32, %dma_start3A_36] : memref<4x128xi32, #tpu.memory_space<vmem>> -> memref<1x128xi32, #tpu.memory_space<vmem>>
    %dma_start3A_38 = tpu.memref_squeeze %dma_start3A_37 : memref<1x128xi32, #tpu.memory_space<vmem>> -> memref<128xi32, #tpu.memory_space<vmem>>
    %dma_start3A_39 = arith.constant 0 : i32
    %dma_start3A_40 = arith.constant 0 : i32
    %dma_start3A_41 = tpu.memref_slice %arg2[%dma_start3A_39, %dma_start3A_40] : memref<1000x128xf32, #tpu.memory_space<hbm>> -> memref<1000x128xf32, #tpu.memory_space<hbm>>
    tpu.enqueue_indirect_dma source(%dma_start3A_41 : memref<1000x128xf32, #tpu.memory_space<hbm>>) target(%dma_start3A_35 : memref<128x128xf32, #tpu.memory_space<vmem>>) offsets(%dma_start3A_38 : memref<128xi32, #tpu.memory_space<vmem>>) semaphore(%arg7 : memref<!tpu.dma_semaphore, #tpu.memory_space<semaphore_mem>>)
    %dma_wait3A = arith.constant 0 : i32
    %dma_wait3A_42 = arith.constant 0 : i32
    %dma_wait3A_43 = arith.constant 0 : i32
    %dma_wait3A_44 = tpu.memref_slice %arg6[%dma_wait3A_42, %dma_wait3A_43] : memref<512x128xf32, #tpu.memory_space<vmem>> -> memref<128x128xf32, #tpu.memory_space<vmem>>
    %dma_wait3A_45 = arith.constant 0 : i32
    %dma_wait3A_46 = tpu.memref_slice %arg5[%dma_wait3A, %dma_wait3A_45] : memref<4x128xi32, #tpu.memory_space<vmem>> -> memref<1x128xi32, #tpu.memory_space<vmem>>
    %dma_wait3A_47 = tpu.memref_squeeze %dma_wait3A_46 : memref<1x128xi32, #tpu.memory_space<vmem>> -> memref<128xi32, #tpu.memory_space<vmem>>
    %dma_wait3A_48 = arith.constant 0 : i32
    %dma_wait3A_49 = arith.constant 0 : i32
    %dma_wait3A_50 = tpu.memref_slice %arg2[%dma_wait3A_48, %dma_wait3A_49] : memref<1000x128xf32, #tpu.memory_space<hbm>> -> memref<1000x128xf32, #tpu.memory_space<hbm>>
    tpu.wait_indirect_dma semaphore(%arg7 : memref<!tpu.dma_semaphore, #tpu.memory_space<semaphore_mem>>) src(%dma_wait3A_50 : memref<1000x128xf32, #tpu.memory_space<hbm>>) dst(%dma_wait3A_44 : memref<128x128xf32, #tpu.memory_space<vmem>>)
    %dma_wait3A_51 = arith.constant 1 : i32
    %dma_wait3A_52 = arith.constant 128 : i32
    %dma_wait3A_53 = arith.constant 0 : i32
    %dma_wait3A_54 = tpu.memref_slice %arg6[%dma_wait3A_52, %dma_wait3A_53] : memref<512x128xf32, #tpu.memory_space<vmem>> -> memref<128x128xf32, #tpu.memory_space<vmem>>
    %dma_wait3A_55 = arith.constant 0 : i32
    %dma_wait3A_56 = tpu.memref_slice %arg5[%dma_wait3A_51, %dma_wait3A_55] : memref<4x128xi32, #tpu.memory_space<vmem>> -> memref<1x128xi32, #tpu.memory_space<vmem>>
    %dma_wait3A_57 = tpu.memref_squeeze %dma_wait3A_56 : memref<1x128xi32, #tpu.memory_space<vmem>> -> memref<128xi32, #tpu.memory_space<vmem>>
    %dma_wait3A_58 = arith.constant 0 : i32
    %dma_wait3A_59 = arith.constant 0 : i32
    %dma_wait3A_60 = tpu.memref_slice %arg2[%dma_wait3A_58, %dma_wait3A_59] : memref<1000x128xf32, #tpu.memory_space<hbm>> -> memref<1000x128xf32, #tpu.memory_space<hbm>>
    tpu.wait_indirect_dma semaphore(%arg7 : memref<!tpu.dma_semaphore, #tpu.memory_space<semaphore_mem>>) src(%dma_wait3A_60 : memref<1000x128xf32, #tpu.memory_space<hbm>>) dst(%dma_wait3A_54 : memref<128x128xf32, #tpu.memory_space<vmem>>)
    %dma_wait3A_61 = arith.constant 2 : i32
    %dma_wait3A_62 = arith.constant 256 : i32
    %dma_wait3A_63 = arith.constant 0 : i32
    %dma_wait3A_64 = tpu.memref_slice %arg6[%dma_wait3A_62, %dma_wait3A_63] : memref<512x128xf32, #tpu.memory_space<vmem>> -> memref<128x128xf32, #tpu.memory_space<vmem>>
    %dma_wait3A_65 = arith.constant 0 : i32
    %dma_wait3A_66 = tpu.memref_slice %arg5[%dma_wait3A_61, %dma_wait3A_65] : memref<4x128xi32, #tpu.memory_space<vmem>> -> memref<1x128xi32, #tpu.memory_space<vmem>>
    %dma_wait3A_67 = tpu.memref_squeeze %dma_wait3A_66 : memref<1x128xi32, #tpu.memory_space<vmem>> -> memref<128xi32, #tpu.memory_space<vmem>>
    %dma_wait3A_68 = arith.constant 0 : i32
    %dma_wait3A_69 = arith.constant 0 : i32
    %dma_wait3A_70 = tpu.memref_slice %arg2[%dma_wait3A_68, %dma_wait3A_69] : memref<1000x128xf32, #tpu.memory_space<hbm>> -> memref<1000x128xf32, #tpu.memory_space<hbm>>
    tpu.wait_indirect_dma semaphore(%arg7 : memref<!tpu.dma_semaphore, #tpu.memory_space<semaphore_mem>>) src(%dma_wait3A_70 : memref<1000x128xf32, #tpu.memory_space<hbm>>) dst(%dma_wait3A_64 : memref<128x128xf32, #tpu.memory_space<vmem>>)
    %dma_wait3A_71 = arith.constant 3 : i32
    %dma_wait3A_72 = arith.constant 384 : i32
    %dma_wait3A_73 = arith.constant 0 : i32
    %dma_wait3A_74 = tpu.memref_slice %arg6[%dma_wait3A_72, %dma_wait3A_73] : memref<512x128xf32, #tpu.memory_space<vmem>> -> memref<128x128xf32, #tpu.memory_space<vmem>>
    %dma_wait3A_75 = arith.constant 0 : i32
    %dma_wait3A_76 = tpu.memref_slice %arg5[%dma_wait3A_71, %dma_wait3A_75] : memref<4x128xi32, #tpu.memory_space<vmem>> -> memref<1x128xi32, #tpu.memory_space<vmem>>
    %dma_wait3A_77 = tpu.memref_squeeze %dma_wait3A_76 : memref<1x128xi32, #tpu.memory_space<vmem>> -> memref<128xi32, #tpu.memory_space<vmem>>
    %dma_wait3A_78 = arith.constant 0 : i32
    %dma_wait3A_79 = arith.constant 0 : i32
    %dma_wait3A_80 = tpu.memref_slice %arg2[%dma_wait3A_78, %dma_wait3A_79] : memref<1000x128xf32, #tpu.memory_space<hbm>> -> memref<1000x128xf32, #tpu.memory_space<hbm>>
    tpu.wait_indirect_dma semaphore(%arg7 : memref<!tpu.dma_semaphore, #tpu.memory_space<semaphore_mem>>) src(%dma_wait3A_80 : memref<1000x128xf32, #tpu.memory_space<hbm>>) dst(%dma_wait3A_74 : memref<128x128xf32, #tpu.memory_space<vmem>>)
    "tpu.region"() ({
      %run_scoped3A = tpu.sem_alloc : memref<!tpu.dma_semaphore, #tpu.memory_space<semaphore_mem>>
      %dma_start3A_81 = arith.constant 0 : i32
      %dma_start3A_82 = tpu.memref_slice %arg4[%mul3A_2, %dma_start3A_81] : memref<16384x128xf32, #tpu.memory_space<hbm>> -> memref<512x128xf32, #tpu.memory_space<hbm>>
      %dma_start3A_83 = arith.constant 0 : i32
      %dma_start3A_84 = tpu.memref_slice %arg4[%mul3A_2, %dma_start3A_83] : memref<16384x128xf32, #tpu.memory_space<hbm>> -> memref<512x128xf32, #tpu.memory_space<hbm>>
      tpu.enqueue_dma source(%arg6 : memref<512x128xf32, #tpu.memory_space<vmem>>) target(%dma_start3A_84 : memref<512x128xf32, #tpu.memory_space<hbm>>) target_semaphore(%run_scoped3A : memref<!tpu.dma_semaphore, #tpu.memory_space<semaphore_mem>>)
      %dma_wait3A_85 = arith.constant 0 : i32
      %dma_wait3A_86 = tpu.memref_slice %arg4[%mul3A_2, %dma_wait3A_85] : memref<16384x128xf32, #tpu.memory_space<hbm>> -> memref<512x128xf32, #tpu.memory_space<hbm>>
      %dma_wait3A_87 = arith.constant 0 : i32
      %dma_wait3A_88 = tpu.memref_slice %arg4[%mul3A_2, %dma_wait3A_87] : memref<16384x128xf32, #tpu.memory_space<hbm>> -> memref<512x128xf32, #tpu.memory_space<hbm>>
      tpu.wait_dma2 semaphore(%run_scoped3A : memref<!tpu.dma_semaphore, #tpu.memory_space<semaphore_mem>>) src(%arg6 : memref<512x128xf32, #tpu.memory_space<vmem>>) dst(%dma_wait3A_88 : memref<512x128xf32, #tpu.memory_space<hbm>>)
      tpu.yield
    }) : () -> ()
    return
  }
}

module attributes {stable_mosaic.version = 14 : i64} {
  func.func @_argmax_body(%arg0: i32, %arg1: memref<1000x512xf32, #tpu.memory_space<vmem>>, %arg2: memref<1x1x512xi32, #tpu.memory_space<vmem>>) attributes {dimension_semantics = [#tpu.dimension_semantics<arbitrary>], iteration_bounds = array<i64: 32>, scalar_prefetch = 0 : i64, scratch_operands = 0 : i64, tpu.core_type = #tpu.core_type<tc>, window_params = [{transform_indices = @transform_0, window_bounds = array<i64: 1000, 512>}, {transform_indices = @transform_1, window_bounds = array<i64: 1, 1, 512>}]} {
    %mul3A = arith.constant 512 : i32
    %mul3A_0 = arith.muli %arg0, %mul3A : i32
    %add3A = arith.constant 0 : i32
    %add3A_1 = arith.addi %mul3A_0, %add3A : i32
    %mul3A_2 = arith.constant 1000 : i32
    %mul3A_3 = arith.muli %add3A_1, %mul3A_2 : i32
    %broadcast_in_dim3A = arith.constant 0xFF800000 : f32
    %broadcast_in_dim3A_4 = vector.broadcast %broadcast_in_dim3A : f32 to vector<1x128xf32>
    %broadcast_in_dim3A_5 = arith.constant 0 : i32
    %broadcast_in_dim3A_6 = vector.broadcast %broadcast_in_dim3A_5 : i32 to vector<1x128xi32>
    %iota3A = tpu.iota {dimensions = array<i32: 0>} : vector<200x128xi32>
    %iota3A_7 = tpu.iota {dimensions = array<i32: 1>} : vector<200x128xi32>
    %iota3A_8 = tpu.iota {dimensions = array<i32: 0>} : vector<200x128xi32>
    %mul3A_9 = arith.constant 1000 : i32
    %mul3A_10 = vector.broadcast %mul3A_9 : i32 to vector<200x128xi32>
    %mul3A_11 = arith.muli %iota3A_7, %mul3A_10 : vector<200x128xi32>
    %add3A_12 = vector.broadcast %mul3A_3 : i32 to vector<200x128xi32>
    %add3A_13 = arith.addi %add3A_12, %mul3A_11 : vector<200x128xi32>
    %add3A_14 = arith.constant 0 : i32
    %add3A_15 = vector.broadcast %add3A_14 : i32 to vector<200x128xi32>
    %add3A_16 = arith.addi %iota3A, %add3A_15 : vector<200x128xi32>
    %add3A_17 = arith.addi %add3A_13, %add3A_16 : vector<200x128xi32>
    %get3A = arith.constant 0 : index
    %get3A_18 = arith.constant 0 : index
    %get3A_19 = vector.load %arg1[%get3A, %get3A_18] : memref<1000x512xf32, #tpu.memory_space<vmem>>, vector<200x128xf32>
    %add3A_20 = arith.constant 42 : i32
    %add3A_21 = vector.broadcast %add3A_20 : i32 to vector<200x128xi32>
    %add3A_22 = arith.addi %add3A_17, %add3A_21 : vector<200x128xi32>
    %shift_left3A = arith.constant 13 : i32
    %shift_left3A_23 = vector.broadcast %shift_left3A : i32 to vector<200x128xi32>
    %shift_left3A_24 = arith.shli %add3A_22, %shift_left3A_23 : vector<200x128xi32>
    %shift_right_logical3A = arith.constant 19 : i32
    %shift_right_logical3A_25 = vector.broadcast %shift_right_logical3A : i32 to vector<200x128xi32>
    %shift_right_logical3A_26 = arith.shrui %add3A_22, %shift_right_logical3A_25 : vector<200x128xi32>
    %or3A = arith.ori %shift_left3A_24, %shift_right_logical3A_26 : vector<200x128xi32>
    %xor3A = arith.xori %add3A_22, %or3A : vector<200x128xi32>
    %add3A_27 = arith.addi %add3A_22, %xor3A : vector<200x128xi32>
    %shift_left3A_28 = arith.constant 15 : i32
    %shift_left3A_29 = vector.broadcast %shift_left3A_28 : i32 to vector<200x128xi32>
    %shift_left3A_30 = arith.shli %xor3A, %shift_left3A_29 : vector<200x128xi32>
    %shift_right_logical3A_31 = arith.constant 17 : i32
    %shift_right_logical3A_32 = vector.broadcast %shift_right_logical3A_31 : i32 to vector<200x128xi32>
    %shift_right_logical3A_33 = arith.shrui %xor3A, %shift_right_logical3A_32 : vector<200x128xi32>
    %or3A_34 = arith.ori %shift_left3A_30, %shift_right_logical3A_33 : vector<200x128xi32>
    %xor3A_35 = arith.xori %add3A_27, %or3A_34 : vector<200x128xi32>
    %add3A_36 = arith.addi %add3A_27, %xor3A_35 : vector<200x128xi32>
    %shift_left3A_37 = arith.constant 26 : i32
    %shift_left3A_38 = vector.broadcast %shift_left3A_37 : i32 to vector<200x128xi32>
    %shift_left3A_39 = arith.shli %xor3A_35, %shift_left3A_38 : vector<200x128xi32>
    %shift_right_logical3A_40 = arith.constant 6 : i32
    %shift_right_logical3A_41 = vector.broadcast %shift_right_logical3A_40 : i32 to vector<200x128xi32>
    %shift_right_logical3A_42 = arith.shrui %xor3A_35, %shift_right_logical3A_41 : vector<200x128xi32>
    %or3A_43 = arith.ori %shift_left3A_39, %shift_right_logical3A_42 : vector<200x128xi32>
    %xor3A_44 = arith.xori %add3A_36, %or3A_43 : vector<200x128xi32>
    %add3A_45 = arith.addi %add3A_36, %xor3A_44 : vector<200x128xi32>
    %shift_left3A_46 = arith.constant 6 : i32
    %shift_left3A_47 = vector.broadcast %shift_left3A_46 : i32 to vector<200x128xi32>
    %shift_left3A_48 = arith.shli %xor3A_44, %shift_left3A_47 : vector<200x128xi32>
    %shift_right_logical3A_49 = arith.constant 26 : i32
    %shift_right_logical3A_50 = vector.broadcast %shift_right_logical3A_49 : i32 to vector<200x128xi32>
    %shift_right_logical3A_51 = arith.shrui %xor3A_44, %shift_right_logical3A_50 : vector<200x128xi32>
    %or3A_52 = arith.ori %shift_left3A_48, %shift_right_logical3A_51 : vector<200x128xi32>
    %xor3A_53 = arith.xori %add3A_45, %or3A_52 : vector<200x128xi32>
    %add3A_54 = arith.constant 42 : i32
    %add3A_55 = vector.broadcast %add3A_54 : i32 to vector<200x128xi32>
    %add3A_56 = arith.addi %add3A_45, %add3A_55 : vector<200x128xi32>
    %add3A_57 = arith.constant 466689009 : i32
    %add3A_58 = vector.broadcast %add3A_57 : i32 to vector<200x128xi32>
    %add3A_59 = arith.addi %xor3A_53, %add3A_58 : vector<200x128xi32>
    %add3A_60 = arith.addi %add3A_56, %add3A_59 : vector<200x128xi32>
    %shift_left3A_61 = arith.constant 17 : i32
    %shift_left3A_62 = vector.broadcast %shift_left3A_61 : i32 to vector<200x128xi32>
    %shift_left3A_63 = arith.shli %add3A_59, %shift_left3A_62 : vector<200x128xi32>
    %shift_right_logical3A_64 = arith.constant 15 : i32
    %shift_right_logical3A_65 = vector.broadcast %shift_right_logical3A_64 : i32 to vector<200x128xi32>
    %shift_right_logical3A_66 = arith.shrui %add3A_59, %shift_right_logical3A_65 : vector<200x128xi32>
    %or3A_67 = arith.ori %shift_left3A_63, %shift_right_logical3A_66 : vector<200x128xi32>
    %xor3A_68 = arith.xori %add3A_60, %or3A_67 : vector<200x128xi32>
    %add3A_69 = arith.addi %add3A_60, %xor3A_68 : vector<200x128xi32>
    %shift_left3A_70 = arith.constant 29 : i32
    %shift_left3A_71 = vector.broadcast %shift_left3A_70 : i32 to vector<200x128xi32>
    %shift_left3A_72 = arith.shli %xor3A_68, %shift_left3A_71 : vector<200x128xi32>
    %shift_right_logical3A_73 = arith.constant 3 : i32
    %shift_right_logical3A_74 = vector.broadcast %shift_right_logical3A_73 : i32 to vector<200x128xi32>
    %shift_right_logical3A_75 = arith.shrui %xor3A_68, %shift_right_logical3A_74 : vector<200x128xi32>
    %or3A_76 = arith.ori %shift_left3A_72, %shift_right_logical3A_75 : vector<200x128xi32>
    %xor3A_77 = arith.xori %add3A_69, %or3A_76 : vector<200x128xi32>
    %add3A_78 = arith.addi %add3A_69, %xor3A_77 : vector<200x128xi32>
    %shift_left3A_79 = arith.constant 16 : i32
    %shift_left3A_80 = vector.broadcast %shift_left3A_79 : i32 to vector<200x128xi32>
    %shift_left3A_81 = arith.shli %xor3A_77, %shift_left3A_80 : vector<200x128xi32>
    %shift_right_logical3A_82 = arith.constant 16 : i32
    %shift_right_logical3A_83 = vector.broadcast %shift_right_logical3A_82 : i32 to vector<200x128xi32>
    %shift_right_logical3A_84 = arith.shrui %xor3A_77, %shift_right_logical3A_83 : vector<200x128xi32>
    %or3A_85 = arith.ori %shift_left3A_81, %shift_right_logical3A_84 : vector<200x128xi32>
    %xor3A_86 = arith.xori %add3A_78, %or3A_85 : vector<200x128xi32>
    %add3A_87 = arith.addi %add3A_78, %xor3A_86 : vector<200x128xi32>
    %shift_left3A_88 = arith.constant 24 : i32
    %shift_left3A_89 = vector.broadcast %shift_left3A_88 : i32 to vector<200x128xi32>
    %shift_left3A_90 = arith.shli %xor3A_86, %shift_left3A_89 : vector<200x128xi32>
    %shift_right_logical3A_91 = arith.constant 8 : i32
    %shift_right_logical3A_92 = vector.broadcast %shift_right_logical3A_91 : i32 to vector<200x128xi32>
    %shift_right_logical3A_93 = arith.shrui %xor3A_86, %shift_right_logical3A_92 : vector<200x128xi32>
    %or3A_94 = arith.ori %shift_left3A_90, %shift_right_logical3A_93 : vector<200x128xi32>
    %xor3A_95 = arith.xori %add3A_87, %or3A_94 : vector<200x128xi32>
    %add3A_96 = arith.constant 466689008 : i32
    %add3A_97 = vector.broadcast %add3A_96 : i32 to vector<200x128xi32>
    %add3A_98 = arith.addi %add3A_87, %add3A_97 : vector<200x128xi32>
    %add3A_99 = arith.constant 2 : i32
    %add3A_100 = vector.broadcast %add3A_99 : i32 to vector<200x128xi32>
    %add3A_101 = arith.addi %xor3A_95, %add3A_100 : vector<200x128xi32>
    %add3A_102 = arith.addi %add3A_98, %add3A_101 : vector<200x128xi32>
    %shift_left3A_103 = arith.constant 13 : i32
    %shift_left3A_104 = vector.broadcast %shift_left3A_103 : i32 to vector<200x128xi32>
    %shift_left3A_105 = arith.shli %add3A_101, %shift_left3A_104 : vector<200x128xi32>
    %shift_right_logical3A_106 = arith.constant 19 : i32
    %shift_right_logical3A_107 = vector.broadcast %shift_right_logical3A_106 : i32 to vector<200x128xi32>
    %shift_right_logical3A_108 = arith.shrui %add3A_101, %shift_right_logical3A_107 : vector<200x128xi32>
    %or3A_109 = arith.ori %shift_left3A_105, %shift_right_logical3A_108 : vector<200x128xi32>
    %xor3A_110 = arith.xori %add3A_102, %or3A_109 : vector<200x128xi32>
    %add3A_111 = arith.addi %add3A_102, %xor3A_110 : vector<200x128xi32>
    %shift_left3A_112 = arith.constant 15 : i32
    %shift_left3A_113 = vector.broadcast %shift_left3A_112 : i32 to vector<200x128xi32>
    %shift_left3A_114 = arith.shli %xor3A_110, %shift_left3A_113 : vector<200x128xi32>
    %shift_right_logical3A_115 = arith.constant 17 : i32
    %shift_right_logical3A_116 = vector.broadcast %shift_right_logical3A_115 : i32 to vector<200x128xi32>
    %shift_right_logical3A_117 = arith.shrui %xor3A_110, %shift_right_logical3A_116 : vector<200x128xi32>
    %or3A_118 = arith.ori %shift_left3A_114, %shift_right_logical3A_117 : vector<200x128xi32>
    %xor3A_119 = arith.xori %add3A_111, %or3A_118 : vector<200x128xi32>
    %add3A_120 = arith.addi %add3A_111, %xor3A_119 : vector<200x128xi32>
    %shift_left3A_121 = arith.constant 26 : i32
    %shift_left3A_122 = vector.broadcast %shift_left3A_121 : i32 to vector<200x128xi32>
    %shift_left3A_123 = arith.shli %xor3A_119, %shift_left3A_122 : vector<200x128xi32>
    %shift_right_logical3A_124 = arith.constant 6 : i32
    %shift_right_logical3A_125 = vector.broadcast %shift_right_logical3A_124 : i32 to vector<200x128xi32>
    %shift_right_logical3A_126 = arith.shrui %xor3A_119, %shift_right_logical3A_125 : vector<200x128xi32>
    %or3A_127 = arith.ori %shift_left3A_123, %shift_right_logical3A_126 : vector<200x128xi32>
    %xor3A_128 = arith.xori %add3A_120, %or3A_127 : vector<200x128xi32>
    %add3A_129 = arith.addi %add3A_120, %xor3A_128 : vector<200x128xi32>
    %shift_left3A_130 = arith.constant 6 : i32
    %shift_left3A_131 = vector.broadcast %shift_left3A_130 : i32 to vector<200x128xi32>
    %shift_left3A_132 = arith.shli %xor3A_128, %shift_left3A_131 : vector<200x128xi32>
    %shift_right_logical3A_133 = arith.constant 26 : i32
    %shift_right_logical3A_134 = vector.broadcast %shift_right_logical3A_133 : i32 to vector<200x128xi32>
    %shift_right_logical3A_135 = arith.shrui %xor3A_128, %shift_right_logical3A_134 : vector<200x128xi32>
    %or3A_136 = arith.ori %shift_left3A_132, %shift_right_logical3A_135 : vector<200x128xi32>
    %xor3A_137 = arith.xori %add3A_129, %or3A_136 : vector<200x128xi32>
    %add3A_138 = arith.constant 0 : i32
    %add3A_139 = vector.broadcast %add3A_138 : i32 to vector<200x128xi32>
    %add3A_140 = arith.addi %add3A_129, %add3A_139 : vector<200x128xi32>
    %add3A_141 = arith.constant 45 : i32
    %add3A_142 = vector.broadcast %add3A_141 : i32 to vector<200x128xi32>
    %add3A_143 = arith.addi %xor3A_137, %add3A_142 : vector<200x128xi32>
    %add3A_144 = arith.addi %add3A_140, %add3A_143 : vector<200x128xi32>
    %shift_left3A_145 = arith.constant 17 : i32
    %shift_left3A_146 = vector.broadcast %shift_left3A_145 : i32 to vector<200x128xi32>
    %shift_left3A_147 = arith.shli %add3A_143, %shift_left3A_146 : vector<200x128xi32>
    %shift_right_logical3A_148 = arith.constant 15 : i32
    %shift_right_logical3A_149 = vector.broadcast %shift_right_logical3A_148 : i32 to vector<200x128xi32>
    %shift_right_logical3A_150 = arith.shrui %add3A_143, %shift_right_logical3A_149 : vector<200x128xi32>
    %or3A_151 = arith.ori %shift_left3A_147, %shift_right_logical3A_150 : vector<200x128xi32>
    %xor3A_152 = arith.xori %add3A_144, %or3A_151 : vector<200x128xi32>
    %add3A_153 = arith.addi %add3A_144, %xor3A_152 : vector<200x128xi32>
    %shift_left3A_154 = arith.constant 29 : i32
    %shift_left3A_155 = vector.broadcast %shift_left3A_154 : i32 to vector<200x128xi32>
    %shift_left3A_156 = arith.shli %xor3A_152, %shift_left3A_155 : vector<200x128xi32>
    %shift_right_logical3A_157 = arith.constant 3 : i32
    %shift_right_logical3A_158 = vector.broadcast %shift_right_logical3A_157 : i32 to vector<200x128xi32>
    %shift_right_logical3A_159 = arith.shrui %xor3A_152, %shift_right_logical3A_158 : vector<200x128xi32>
    %or3A_160 = arith.ori %shift_left3A_156, %shift_right_logical3A_159 : vector<200x128xi32>
    %xor3A_161 = arith.xori %add3A_153, %or3A_160 : vector<200x128xi32>
    %add3A_162 = arith.addi %add3A_153, %xor3A_161 : vector<200x128xi32>
    %shift_left3A_163 = arith.constant 16 : i32
    %shift_left3A_164 = vector.broadcast %shift_left3A_163 : i32 to vector<200x128xi32>
    %shift_left3A_165 = arith.shli %xor3A_161, %shift_left3A_164 : vector<200x128xi32>
    %shift_right_logical3A_166 = arith.constant 16 : i32
    %shift_right_logical3A_167 = vector.broadcast %shift_right_logical3A_166 : i32 to vector<200x128xi32>
    %shift_right_logical3A_168 = arith.shrui %xor3A_161, %shift_right_logical3A_167 : vector<200x128xi32>
    %or3A_169 = arith.ori %shift_left3A_165, %shift_right_logical3A_168 : vector<200x128xi32>
    %xor3A_170 = arith.xori %add3A_162, %or3A_169 : vector<200x128xi32>
    %add3A_171 = arith.addi %add3A_162, %xor3A_170 : vector<200x128xi32>
    %shift_left3A_172 = arith.constant 24 : i32
    %shift_left3A_173 = vector.broadcast %shift_left3A_172 : i32 to vector<200x128xi32>
    %shift_left3A_174 = arith.shli %xor3A_170, %shift_left3A_173 : vector<200x128xi32>
    %shift_right_logical3A_175 = arith.constant 8 : i32
    %shift_right_logical3A_176 = vector.broadcast %shift_right_logical3A_175 : i32 to vector<200x128xi32>
    %shift_right_logical3A_177 = arith.shrui %xor3A_170, %shift_right_logical3A_176 : vector<200x128xi32>
    %or3A_178 = arith.ori %shift_left3A_174, %shift_right_logical3A_177 : vector<200x128xi32>
    %xor3A_179 = arith.xori %add3A_171, %or3A_178 : vector<200x128xi32>
    %add3A_180 = arith.constant 42 : i32
    %add3A_181 = vector.broadcast %add3A_180 : i32 to vector<200x128xi32>
    %add3A_182 = arith.addi %add3A_171, %add3A_181 : vector<200x128xi32>
    %add3A_183 = arith.constant 466689012 : i32
    %add3A_184 = vector.broadcast %add3A_183 : i32 to vector<200x128xi32>
    %add3A_185 = arith.addi %xor3A_179, %add3A_184 : vector<200x128xi32>
    %add3A_186 = arith.addi %add3A_182, %add3A_185 : vector<200x128xi32>
    %shift_left3A_187 = arith.constant 13 : i32
    %shift_left3A_188 = vector.broadcast %shift_left3A_187 : i32 to vector<200x128xi32>
    %shift_left3A_189 = arith.shli %add3A_185, %shift_left3A_188 : vector<200x128xi32>
    %shift_right_logical3A_190 = arith.constant 19 : i32
    %shift_right_logical3A_191 = vector.broadcast %shift_right_logical3A_190 : i32 to vector<200x128xi32>
    %shift_right_logical3A_192 = arith.shrui %add3A_185, %shift_right_logical3A_191 : vector<200x128xi32>
    %or3A_193 = arith.ori %shift_left3A_189, %shift_right_logical3A_192 : vector<200x128xi32>
    %xor3A_194 = arith.xori %add3A_186, %or3A_193 : vector<200x128xi32>
    %add3A_195 = arith.addi %add3A_186, %xor3A_194 : vector<200x128xi32>
    %shift_left3A_196 = arith.constant 15 : i32
    %shift_left3A_197 = vector.broadcast %shift_left3A_196 : i32 to vector<200x128xi32>
    %shift_left3A_198 = arith.shli %xor3A_194, %shift_left3A_197 : vector<200x128xi32>
    %shift_right_logical3A_199 = arith.constant 17 : i32
    %shift_right_logical3A_200 = vector.broadcast %shift_right_logical3A_199 : i32 to vector<200x128xi32>
    %shift_right_logical3A_201 = arith.shrui %xor3A_194, %shift_right_logical3A_200 : vector<200x128xi32>
    %or3A_202 = arith.ori %shift_left3A_198, %shift_right_logical3A_201 : vector<200x128xi32>
    %xor3A_203 = arith.xori %add3A_195, %or3A_202 : vector<200x128xi32>
    %add3A_204 = arith.addi %add3A_195, %xor3A_203 : vector<200x128xi32>
    %shift_left3A_205 = arith.constant 26 : i32
    %shift_left3A_206 = vector.broadcast %shift_left3A_205 : i32 to vector<200x128xi32>
    %shift_left3A_207 = arith.shli %xor3A_203, %shift_left3A_206 : vector<200x128xi32>
    %shift_right_logical3A_208 = arith.constant 6 : i32
    %shift_right_logical3A_209 = vector.broadcast %shift_right_logical3A_208 : i32 to vector<200x128xi32>
    %shift_right_logical3A_210 = arith.shrui %xor3A_203, %shift_right_logical3A_209 : vector<200x128xi32>
    %or3A_211 = arith.ori %shift_left3A_207, %shift_right_logical3A_210 : vector<200x128xi32>
    %xor3A_212 = arith.xori %add3A_204, %or3A_211 : vector<200x128xi32>
    %add3A_213 = arith.addi %add3A_204, %xor3A_212 : vector<200x128xi32>
    %shift_left3A_214 = arith.constant 6 : i32
    %shift_left3A_215 = vector.broadcast %shift_left3A_214 : i32 to vector<200x128xi32>
    %shift_left3A_216 = arith.shli %xor3A_212, %shift_left3A_215 : vector<200x128xi32>
    %shift_right_logical3A_217 = arith.constant 26 : i32
    %shift_right_logical3A_218 = vector.broadcast %shift_right_logical3A_217 : i32 to vector<200x128xi32>
    %shift_right_logical3A_219 = arith.shrui %xor3A_212, %shift_right_logical3A_218 : vector<200x128xi32>
    %or3A_220 = arith.ori %shift_left3A_216, %shift_right_logical3A_219 : vector<200x128xi32>
    %xor3A_221 = arith.xori %add3A_213, %or3A_220 : vector<200x128xi32>
    %add3A_222 = arith.constant 466689008 : i32
    %add3A_223 = vector.broadcast %add3A_222 : i32 to vector<200x128xi32>
    %add3A_224 = arith.addi %add3A_213, %add3A_223 : vector<200x128xi32>
    %add3A_225 = arith.constant 5 : i32
    %add3A_226 = vector.broadcast %add3A_225 : i32 to vector<200x128xi32>
    %add3A_227 = arith.addi %xor3A_221, %add3A_226 : vector<200x128xi32>
    %xor3A_228 = arith.xori %add3A_224, %add3A_227 : vector<200x128xi32>
    %shift_right_logical3A_229 = arith.constant 9 : i32
    %shift_right_logical3A_230 = vector.broadcast %shift_right_logical3A_229 : i32 to vector<200x128xi32>
    %shift_right_logical3A_231 = arith.shrui %xor3A_228, %shift_right_logical3A_230 : vector<200x128xi32>
    %or3A_232 = arith.constant 1065353216 : i32
    %or3A_233 = vector.broadcast %or3A_232 : i32 to vector<200x128xi32>
    %or3A_234 = arith.ori %shift_right_logical3A_231, %or3A_233 : vector<200x128xi32>
    %bitcast_convert_type3A = tpu.bitcast %or3A_234 : vector<200x128xi32> -> vector<200x128xf32>
    %sub3A = arith.constant 1.000000e+00 : f32
    %sub3A_235 = vector.broadcast %sub3A : f32 to vector<200x128xf32>
    %sub3A_236 = arith.subf %bitcast_convert_type3A, %sub3A_235 : vector<200x128xf32>
    %add3A_237 = arith.constant 1.000000e-10 : f32
    %add3A_238 = vector.broadcast %add3A_237 : f32 to vector<200x128xf32>
    %add3A_239 = arith.addf %sub3A_236, %add3A_238 : vector<200x128xf32>
    %max3A = arith.constant 1.000000e-10 : f32
    %max3A_240 = vector.broadcast %max3A : f32 to vector<200x128xf32>
    %max3A_241 = arith.maximumf %max3A_240, %add3A_239 : vector<200x128xf32>
    %log3A = math.log %max3A_241 : vector<200x128xf32>
    %neg3A = arith.constant 0.000000e+00 : f32
    %neg3A_242 = vector.broadcast %neg3A : f32 to vector<200x128xf32>
    %neg3A_243 = arith.subf %neg3A_242, %log3A : vector<200x128xf32>
    %log3A_244 = math.log %neg3A_243 : vector<200x128xf32>
    %neg3A_245 = arith.constant 0.000000e+00 : f32
    %neg3A_246 = vector.broadcast %neg3A_245 : f32 to vector<200x128xf32>
    %neg3A_247 = arith.subf %neg3A_246, %log3A_244 : vector<200x128xf32>
    %add3A_248 = arith.addf %get3A_19, %neg3A_247 : vector<200x128xf32>
    %reduce_max3A = arith.constant dense<0xFF800000> : vector<128xf32>
    %reduce_max3A_249 = vector.multi_reduction <maximumf>, %add3A_248, %reduce_max3A [0] : vector<200x128xf32> to vector<128xf32>
    %broadcast_in_dim3A_250 = vector.shape_cast %reduce_max3A_249 : vector<128xf32> to vector<1x128xf32>
    %eq3A = vector.broadcast %broadcast_in_dim3A_250 : vector<1x128xf32> to vector<200x128xf32>
    %eq3A_251 = arith.cmpf oeq, %add3A_248, %eq3A : vector<200x128xf32>
    %jit3A = arith.constant 1073741824 : i32
    %broadcast_in_dim3A_252 = vector.broadcast %jit3A : i32 to vector<200x128xi32>
    %select_n3A = arith.select %eq3A_251, %iota3A_8, %broadcast_in_dim3A_252 : vector<200x128xi1>, vector<200x128xi32>
    %reduce_min3A = arith.constant dense<2147483647> : vector<128xi32>
    %reduce_min3A_253 = vector.multi_reduction <minsi>, %select_n3A, %reduce_min3A [0] : vector<200x128xi32> to vector<128xi32>
    %broadcast_in_dim3A_254 = vector.shape_cast %reduce_min3A_253 : vector<128xi32> to vector<1x128xi32>
    %add3A_255 = arith.constant 0 : i32
    %add3A_256 = vector.broadcast %add3A_255 : i32 to vector<1x128xi32>
    %add3A_257 = arith.addi %broadcast_in_dim3A_254, %add3A_256 : vector<1x128xi32>
    %gt3A = arith.cmpf ogt, %broadcast_in_dim3A_250, %broadcast_in_dim3A_4 : vector<1x128xf32>
    %select_n3A_258 = arith.select %gt3A, %broadcast_in_dim3A_250, %broadcast_in_dim3A_4 : vector<1x128xi1>, vector<1x128xf32>
    %select_n3A_259 = arith.select %gt3A, %add3A_257, %broadcast_in_dim3A_6 : vector<1x128xi1>, vector<1x128xi32>
    %iota3A_260 = tpu.iota {dimensions = array<i32: 0>} : vector<200x128xi32>
    %iota3A_261 = tpu.iota {dimensions = array<i32: 1>} : vector<200x128xi32>
    %iota3A_262 = tpu.iota {dimensions = array<i32: 0>} : vector<200x128xi32>
    %mul3A_263 = arith.constant 1000 : i32
    %mul3A_264 = vector.broadcast %mul3A_263 : i32 to vector<200x128xi32>
    %mul3A_265 = arith.muli %iota3A_261, %mul3A_264 : vector<200x128xi32>
    %add3A_266 = vector.broadcast %mul3A_3 : i32 to vector<200x128xi32>
    %add3A_267 = arith.addi %add3A_266, %mul3A_265 : vector<200x128xi32>
    %add3A_268 = arith.constant 200 : i32
    %add3A_269 = vector.broadcast %add3A_268 : i32 to vector<200x128xi32>
    %add3A_270 = arith.addi %iota3A_260, %add3A_269 : vector<200x128xi32>
    %add3A_271 = arith.addi %add3A_267, %add3A_270 : vector<200x128xi32>
    %get3A_272 = arith.constant 200 : index
    %get3A_273 = arith.constant 0 : index
    %get3A_274 = vector.load %arg1[%get3A_272, %get3A_273] : memref<1000x512xf32, #tpu.memory_space<vmem>>, vector<200x128xf32>
    %add3A_275 = arith.constant 42 : i32
    %add3A_276 = vector.broadcast %add3A_275 : i32 to vector<200x128xi32>
    %add3A_277 = arith.addi %add3A_271, %add3A_276 : vector<200x128xi32>
    %shift_left3A_278 = arith.constant 13 : i32
    %shift_left3A_279 = vector.broadcast %shift_left3A_278 : i32 to vector<200x128xi32>
    %shift_left3A_280 = arith.shli %add3A_277, %shift_left3A_279 : vector<200x128xi32>
    %shift_right_logical3A_281 = arith.constant 19 : i32
    %shift_right_logical3A_282 = vector.broadcast %shift_right_logical3A_281 : i32 to vector<200x128xi32>
    %shift_right_logical3A_283 = arith.shrui %add3A_277, %shift_right_logical3A_282 : vector<200x128xi32>
    %or3A_284 = arith.ori %shift_left3A_280, %shift_right_logical3A_283 : vector<200x128xi32>
    %xor3A_285 = arith.xori %add3A_277, %or3A_284 : vector<200x128xi32>
    %add3A_286 = arith.addi %add3A_277, %xor3A_285 : vector<200x128xi32>
    %shift_left3A_287 = arith.constant 15 : i32
    %shift_left3A_288 = vector.broadcast %shift_left3A_287 : i32 to vector<200x128xi32>
    %shift_left3A_289 = arith.shli %xor3A_285, %shift_left3A_288 : vector<200x128xi32>
    %shift_right_logical3A_290 = arith.constant 17 : i32
    %shift_right_logical3A_291 = vector.broadcast %shift_right_logical3A_290 : i32 to vector<200x128xi32>
    %shift_right_logical3A_292 = arith.shrui %xor3A_285, %shift_right_logical3A_291 : vector<200x128xi32>
    %or3A_293 = arith.ori %shift_left3A_289, %shift_right_logical3A_292 : vector<200x128xi32>
    %xor3A_294 = arith.xori %add3A_286, %or3A_293 : vector<200x128xi32>
    %add3A_295 = arith.addi %add3A_286, %xor3A_294 : vector<200x128xi32>
    %shift_left3A_296 = arith.constant 26 : i32
    %shift_left3A_297 = vector.broadcast %shift_left3A_296 : i32 to vector<200x128xi32>
    %shift_left3A_298 = arith.shli %xor3A_294, %shift_left3A_297 : vector<200x128xi32>
    %shift_right_logical3A_299 = arith.constant 6 : i32
    %shift_right_logical3A_300 = vector.broadcast %shift_right_logical3A_299 : i32 to vector<200x128xi32>
    %shift_right_logical3A_301 = arith.shrui %xor3A_294, %shift_right_logical3A_300 : vector<200x128xi32>
    %or3A_302 = arith.ori %shift_left3A_298, %shift_right_logical3A_301 : vector<200x128xi32>
    %xor3A_303 = arith.xori %add3A_295, %or3A_302 : vector<200x128xi32>
    %add3A_304 = arith.addi %add3A_295, %xor3A_303 : vector<200x128xi32>
    %shift_left3A_305 = arith.constant 6 : i32
    %shift_left3A_306 = vector.broadcast %shift_left3A_305 : i32 to vector<200x128xi32>
    %shift_left3A_307 = arith.shli %xor3A_303, %shift_left3A_306 : vector<200x128xi32>
    %shift_right_logical3A_308 = arith.constant 26 : i32
    %shift_right_logical3A_309 = vector.broadcast %shift_right_logical3A_308 : i32 to vector<200x128xi32>
    %shift_right_logical3A_310 = arith.shrui %xor3A_303, %shift_right_logical3A_309 : vector<200x128xi32>
    %or3A_311 = arith.ori %shift_left3A_307, %shift_right_logical3A_310 : vector<200x128xi32>
    %xor3A_312 = arith.xori %add3A_304, %or3A_311 : vector<200x128xi32>
    %add3A_313 = arith.constant 42 : i32
    %add3A_314 = vector.broadcast %add3A_313 : i32 to vector<200x128xi32>
    %add3A_315 = arith.addi %add3A_304, %add3A_314 : vector<200x128xi32>
    %add3A_316 = arith.constant 466689009 : i32
    %add3A_317 = vector.broadcast %add3A_316 : i32 to vector<200x128xi32>
    %add3A_318 = arith.addi %xor3A_312, %add3A_317 : vector<200x128xi32>
    %add3A_319 = arith.addi %add3A_315, %add3A_318 : vector<200x128xi32>
    %shift_left3A_320 = arith.constant 17 : i32
    %shift_left3A_321 = vector.broadcast %shift_left3A_320 : i32 to vector<200x128xi32>
    %shift_left3A_322 = arith.shli %add3A_318, %shift_left3A_321 : vector<200x128xi32>
    %shift_right_logical3A_323 = arith.constant 15 : i32
    %shift_right_logical3A_324 = vector.broadcast %shift_right_logical3A_323 : i32 to vector<200x128xi32>
    %shift_right_logical3A_325 = arith.shrui %add3A_318, %shift_right_logical3A_324 : vector<200x128xi32>
    %or3A_326 = arith.ori %shift_left3A_322, %shift_right_logical3A_325 : vector<200x128xi32>
    %xor3A_327 = arith.xori %add3A_319, %or3A_326 : vector<200x128xi32>
    %add3A_328 = arith.addi %add3A_319, %xor3A_327 : vector<200x128xi32>
    %shift_left3A_329 = arith.constant 29 : i32
    %shift_left3A_330 = vector.broadcast %shift_left3A_329 : i32 to vector<200x128xi32>
    %shift_left3A_331 = arith.shli %xor3A_327, %shift_left3A_330 : vector<200x128xi32>
    %shift_right_logical3A_332 = arith.constant 3 : i32
    %shift_right_logical3A_333 = vector.broadcast %shift_right_logical3A_332 : i32 to vector<200x128xi32>
    %shift_right_logical3A_334 = arith.shrui %xor3A_327, %shift_right_logical3A_333 : vector<200x128xi32>
    %or3A_335 = arith.ori %shift_left3A_331, %shift_right_logical3A_334 : vector<200x128xi32>
    %xor3A_336 = arith.xori %add3A_328, %or3A_335 : vector<200x128xi32>
    %add3A_337 = arith.addi %add3A_328, %xor3A_336 : vector<200x128xi32>
    %shift_left3A_338 = arith.constant 16 : i32
    %shift_left3A_339 = vector.broadcast %shift_left3A_338 : i32 to vector<200x128xi32>
    %shift_left3A_340 = arith.shli %xor3A_336, %shift_left3A_339 : vector<200x128xi32>
    %shift_right_logical3A_341 = arith.constant 16 : i32
    %shift_right_logical3A_342 = vector.broadcast %shift_right_logical3A_341 : i32 to vector<200x128xi32>
    %shift_right_logical3A_343 = arith.shrui %xor3A_336, %shift_right_logical3A_342 : vector<200x128xi32>
    %or3A_344 = arith.ori %shift_left3A_340, %shift_right_logical3A_343 : vector<200x128xi32>
    %xor3A_345 = arith.xori %add3A_337, %or3A_344 : vector<200x128xi32>
    %add3A_346 = arith.addi %add3A_337, %xor3A_345 : vector<200x128xi32>
    %shift_left3A_347 = arith.constant 24 : i32
    %shift_left3A_348 = vector.broadcast %shift_left3A_347 : i32 to vector<200x128xi32>
    %shift_left3A_349 = arith.shli %xor3A_345, %shift_left3A_348 : vector<200x128xi32>
    %shift_right_logical3A_350 = arith.constant 8 : i32
    %shift_right_logical3A_351 = vector.broadcast %shift_right_logical3A_350 : i32 to vector<200x128xi32>
    %shift_right_logical3A_352 = arith.shrui %xor3A_345, %shift_right_logical3A_351 : vector<200x128xi32>
    %or3A_353 = arith.ori %shift_left3A_349, %shift_right_logical3A_352 : vector<200x128xi32>
    %xor3A_354 = arith.xori %add3A_346, %or3A_353 : vector<200x128xi32>
    %add3A_355 = arith.constant 466689008 : i32
    %add3A_356 = vector.broadcast %add3A_355 : i32 to vector<200x128xi32>
    %add3A_357 = arith.addi %add3A_346, %add3A_356 : vector<200x128xi32>
    %add3A_358 = arith.constant 2 : i32
    %add3A_359 = vector.broadcast %add3A_358 : i32 to vector<200x128xi32>
    %add3A_360 = arith.addi %xor3A_354, %add3A_359 : vector<200x128xi32>
    %add3A_361 = arith.addi %add3A_357, %add3A_360 : vector<200x128xi32>
    %shift_left3A_362 = arith.constant 13 : i32
    %shift_left3A_363 = vector.broadcast %shift_left3A_362 : i32 to vector<200x128xi32>
    %shift_left3A_364 = arith.shli %add3A_360, %shift_left3A_363 : vector<200x128xi32>
    %shift_right_logical3A_365 = arith.constant 19 : i32
    %shift_right_logical3A_366 = vector.broadcast %shift_right_logical3A_365 : i32 to vector<200x128xi32>
    %shift_right_logical3A_367 = arith.shrui %add3A_360, %shift_right_logical3A_366 : vector<200x128xi32>
    %or3A_368 = arith.ori %shift_left3A_364, %shift_right_logical3A_367 : vector<200x128xi32>
    %xor3A_369 = arith.xori %add3A_361, %or3A_368 : vector<200x128xi32>
    %add3A_370 = arith.addi %add3A_361, %xor3A_369 : vector<200x128xi32>
    %shift_left3A_371 = arith.constant 15 : i32
    %shift_left3A_372 = vector.broadcast %shift_left3A_371 : i32 to vector<200x128xi32>
    %shift_left3A_373 = arith.shli %xor3A_369, %shift_left3A_372 : vector<200x128xi32>
    %shift_right_logical3A_374 = arith.constant 17 : i32
    %shift_right_logical3A_375 = vector.broadcast %shift_right_logical3A_374 : i32 to vector<200x128xi32>
    %shift_right_logical3A_376 = arith.shrui %xor3A_369, %shift_right_logical3A_375 : vector<200x128xi32>
    %or3A_377 = arith.ori %shift_left3A_373, %shift_right_logical3A_376 : vector<200x128xi32>
    %xor3A_378 = arith.xori %add3A_370, %or3A_377 : vector<200x128xi32>
    %add3A_379 = arith.addi %add3A_370, %xor3A_378 : vector<200x128xi32>
    %shift_left3A_380 = arith.constant 26 : i32
    %shift_left3A_381 = vector.broadcast %shift_left3A_380 : i32 to vector<200x128xi32>
    %shift_left3A_382 = arith.shli %xor3A_378, %shift_left3A_381 : vector<200x128xi32>
    %shift_right_logical3A_383 = arith.constant 6 : i32
    %shift_right_logical3A_384 = vector.broadcast %shift_right_logical3A_383 : i32 to vector<200x128xi32>
    %shift_right_logical3A_385 = arith.shrui %xor3A_378, %shift_right_logical3A_384 : vector<200x128xi32>
    %or3A_386 = arith.ori %shift_left3A_382, %shift_right_logical3A_385 : vector<200x128xi32>
    %xor3A_387 = arith.xori %add3A_379, %or3A_386 : vector<200x128xi32>
    %add3A_388 = arith.addi %add3A_379, %xor3A_387 : vector<200x128xi32>
    %shift_left3A_389 = arith.constant 6 : i32
    %shift_left3A_390 = vector.broadcast %shift_left3A_389 : i32 to vector<200x128xi32>
    %shift_left3A_391 = arith.shli %xor3A_387, %shift_left3A_390 : vector<200x128xi32>
    %shift_right_logical3A_392 = arith.constant 26 : i32
    %shift_right_logical3A_393 = vector.broadcast %shift_right_logical3A_392 : i32 to vector<200x128xi32>
    %shift_right_logical3A_394 = arith.shrui %xor3A_387, %shift_right_logical3A_393 : vector<200x128xi32>
    %or3A_395 = arith.ori %shift_left3A_391, %shift_right_logical3A_394 : vector<200x128xi32>
    %xor3A_396 = arith.xori %add3A_388, %or3A_395 : vector<200x128xi32>
    %add3A_397 = arith.constant 0 : i32
    %add3A_398 = vector.broadcast %add3A_397 : i32 to vector<200x128xi32>
    %add3A_399 = arith.addi %add3A_388, %add3A_398 : vector<200x128xi32>
    %add3A_400 = arith.constant 45 : i32
    %add3A_401 = vector.broadcast %add3A_400 : i32 to vector<200x128xi32>
    %add3A_402 = arith.addi %xor3A_396, %add3A_401 : vector<200x128xi32>
    %add3A_403 = arith.addi %add3A_399, %add3A_402 : vector<200x128xi32>
    %shift_left3A_404 = arith.constant 17 : i32
    %shift_left3A_405 = vector.broadcast %shift_left3A_404 : i32 to vector<200x128xi32>
    %shift_left3A_406 = arith.shli %add3A_402, %shift_left3A_405 : vector<200x128xi32>
    %shift_right_logical3A_407 = arith.constant 15 : i32
    %shift_right_logical3A_408 = vector.broadcast %shift_right_logical3A_407 : i32 to vector<200x128xi32>
    %shift_right_logical3A_409 = arith.shrui %add3A_402, %shift_right_logical3A_408 : vector<200x128xi32>
    %or3A_410 = arith.ori %shift_left3A_406, %shift_right_logical3A_409 : vector<200x128xi32>
    %xor3A_411 = arith.xori %add3A_403, %or3A_410 : vector<200x128xi32>
    %add3A_412 = arith.addi %add3A_403, %xor3A_411 : vector<200x128xi32>
    %shift_left3A_413 = arith.constant 29 : i32
    %shift_left3A_414 = vector.broadcast %shift_left3A_413 : i32 to vector<200x128xi32>
    %shift_left3A_415 = arith.shli %xor3A_411, %shift_left3A_414 : vector<200x128xi32>
    %shift_right_logical3A_416 = arith.constant 3 : i32
    %shift_right_logical3A_417 = vector.broadcast %shift_right_logical3A_416 : i32 to vector<200x128xi32>
    %shift_right_logical3A_418 = arith.shrui %xor3A_411, %shift_right_logical3A_417 : vector<200x128xi32>
    %or3A_419 = arith.ori %shift_left3A_415, %shift_right_logical3A_418 : vector<200x128xi32>
    %xor3A_420 = arith.xori %add3A_412, %or3A_419 : vector<200x128xi32>
    %add3A_421 = arith.addi %add3A_412, %xor3A_420 : vector<200x128xi32>
    %shift_left3A_422 = arith.constant 16 : i32
    %shift_left3A_423 = vector.broadcast %shift_left3A_422 : i32 to vector<200x128xi32>
    %shift_left3A_424 = arith.shli %xor3A_420, %shift_left3A_423 : vector<200x128xi32>
    %shift_right_logical3A_425 = arith.constant 16 : i32
    %shift_right_logical3A_426 = vector.broadcast %shift_right_logical3A_425 : i32 to vector<200x128xi32>
    %shift_right_logical3A_427 = arith.shrui %xor3A_420, %shift_right_logical3A_426 : vector<200x128xi32>
    %or3A_428 = arith.ori %shift_left3A_424, %shift_right_logical3A_427 : vector<200x128xi32>
    %xor3A_429 = arith.xori %add3A_421, %or3A_428 : vector<200x128xi32>
    %add3A_430 = arith.addi %add3A_421, %xor3A_429 : vector<200x128xi32>
    %shift_left3A_431 = arith.constant 24 : i32
    %shift_left3A_432 = vector.broadcast %shift_left3A_431 : i32 to vector<200x128xi32>
    %shift_left3A_433 = arith.shli %xor3A_429, %shift_left3A_432 : vector<200x128xi32>
    %shift_right_logical3A_434 = arith.constant 8 : i32
    %shift_right_logical3A_435 = vector.broadcast %shift_right_logical3A_434 : i32 to vector<200x128xi32>
    %shift_right_logical3A_436 = arith.shrui %xor3A_429, %shift_right_logical3A_435 : vector<200x128xi32>
    %or3A_437 = arith.ori %shift_left3A_433, %shift_right_logical3A_436 : vector<200x128xi32>
    %xor3A_438 = arith.xori %add3A_430, %or3A_437 : vector<200x128xi32>
    %add3A_439 = arith.constant 42 : i32
    %add3A_440 = vector.broadcast %add3A_439 : i32 to vector<200x128xi32>
    %add3A_441 = arith.addi %add3A_430, %add3A_440 : vector<200x128xi32>
    %add3A_442 = arith.constant 466689012 : i32
    %add3A_443 = vector.broadcast %add3A_442 : i32 to vector<200x128xi32>
    %add3A_444 = arith.addi %xor3A_438, %add3A_443 : vector<200x128xi32>
    %add3A_445 = arith.addi %add3A_441, %add3A_444 : vector<200x128xi32>
    %shift_left3A_446 = arith.constant 13 : i32
    %shift_left3A_447 = vector.broadcast %shift_left3A_446 : i32 to vector<200x128xi32>
    %shift_left3A_448 = arith.shli %add3A_444, %shift_left3A_447 : vector<200x128xi32>
    %shift_right_logical3A_449 = arith.constant 19 : i32
    %shift_right_logical3A_450 = vector.broadcast %shift_right_logical3A_449 : i32 to vector<200x128xi32>
    %shift_right_logical3A_451 = arith.shrui %add3A_444, %shift_right_logical3A_450 : vector<200x128xi32>
    %or3A_452 = arith.ori %shift_left3A_448, %shift_right_logical3A_451 : vector<200x128xi32>
    %xor3A_453 = arith.xori %add3A_445, %or3A_452 : vector<200x128xi32>
    %add3A_454 = arith.addi %add3A_445, %xor3A_453 : vector<200x128xi32>
    %shift_left3A_455 = arith.constant 15 : i32
    %shift_left3A_456 = vector.broadcast %shift_left3A_455 : i32 to vector<200x128xi32>
    %shift_left3A_457 = arith.shli %xor3A_453, %shift_left3A_456 : vector<200x128xi32>
    %shift_right_logical3A_458 = arith.constant 17 : i32
    %shift_right_logical3A_459 = vector.broadcast %shift_right_logical3A_458 : i32 to vector<200x128xi32>
    %shift_right_logical3A_460 = arith.shrui %xor3A_453, %shift_right_logical3A_459 : vector<200x128xi32>
    %or3A_461 = arith.ori %shift_left3A_457, %shift_right_logical3A_460 : vector<200x128xi32>
    %xor3A_462 = arith.xori %add3A_454, %or3A_461 : vector<200x128xi32>
    %add3A_463 = arith.addi %add3A_454, %xor3A_462 : vector<200x128xi32>
    %shift_left3A_464 = arith.constant 26 : i32
    %shift_left3A_465 = vector.broadcast %shift_left3A_464 : i32 to vector<200x128xi32>
    %shift_left3A_466 = arith.shli %xor3A_462, %shift_left3A_465 : vector<200x128xi32>
    %shift_right_logical3A_467 = arith.constant 6 : i32
    %shift_right_logical3A_468 = vector.broadcast %shift_right_logical3A_467 : i32 to vector<200x128xi32>
    %shift_right_logical3A_469 = arith.shrui %xor3A_462, %shift_right_logical3A_468 : vector<200x128xi32>
    %or3A_470 = arith.ori %shift_left3A_466, %shift_right_logical3A_469 : vector<200x128xi32>
    %xor3A_471 = arith.xori %add3A_463, %or3A_470 : vector<200x128xi32>
    %add3A_472 = arith.addi %add3A_463, %xor3A_471 : vector<200x128xi32>
    %shift_left3A_473 = arith.constant 6 : i32
    %shift_left3A_474 = vector.broadcast %shift_left3A_473 : i32 to vector<200x128xi32>
    %shift_left3A_475 = arith.shli %xor3A_471, %shift_left3A_474 : vector<200x128xi32>
    %shift_right_logical3A_476 = arith.constant 26 : i32
    %shift_right_logical3A_477 = vector.broadcast %shift_right_logical3A_476 : i32 to vector<200x128xi32>
    %shift_right_logical3A_478 = arith.shrui %xor3A_471, %shift_right_logical3A_477 : vector<200x128xi32>
    %or3A_479 = arith.ori %shift_left3A_475, %shift_right_logical3A_478 : vector<200x128xi32>
    %xor3A_480 = arith.xori %add3A_472, %or3A_479 : vector<200x128xi32>
    %add3A_481 = arith.constant 466689008 : i32
    %add3A_482 = vector.broadcast %add3A_481 : i32 to vector<200x128xi32>
    %add3A_483 = arith.addi %add3A_472, %add3A_482 : vector<200x128xi32>
    %add3A_484 = arith.constant 5 : i32
    %add3A_485 = vector.broadcast %add3A_484 : i32 to vector<200x128xi32>
    %add3A_486 = arith.addi %xor3A_480, %add3A_485 : vector<200x128xi32>
    %xor3A_487 = arith.xori %add3A_483, %add3A_486 : vector<200x128xi32>
    %shift_right_logical3A_488 = arith.constant 9 : i32
    %shift_right_logical3A_489 = vector.broadcast %shift_right_logical3A_488 : i32 to vector<200x128xi32>
    %shift_right_logical3A_490 = arith.shrui %xor3A_487, %shift_right_logical3A_489 : vector<200x128xi32>
    %or3A_491 = arith.constant 1065353216 : i32
    %or3A_492 = vector.broadcast %or3A_491 : i32 to vector<200x128xi32>
    %or3A_493 = arith.ori %shift_right_logical3A_490, %or3A_492 : vector<200x128xi32>
    %bitcast_convert_type3A_494 = tpu.bitcast %or3A_493 : vector<200x128xi32> -> vector<200x128xf32>
    %sub3A_495 = arith.constant 1.000000e+00 : f32
    %sub3A_496 = vector.broadcast %sub3A_495 : f32 to vector<200x128xf32>
    %sub3A_497 = arith.subf %bitcast_convert_type3A_494, %sub3A_496 : vector<200x128xf32>
    %add3A_498 = arith.constant 1.000000e-10 : f32
    %add3A_499 = vector.broadcast %add3A_498 : f32 to vector<200x128xf32>
    %add3A_500 = arith.addf %sub3A_497, %add3A_499 : vector<200x128xf32>
    %max3A_501 = arith.constant 1.000000e-10 : f32
    %max3A_502 = vector.broadcast %max3A_501 : f32 to vector<200x128xf32>
    %max3A_503 = arith.maximumf %max3A_502, %add3A_500 : vector<200x128xf32>
    %log3A_504 = math.log %max3A_503 : vector<200x128xf32>
    %neg3A_505 = arith.constant 0.000000e+00 : f32
    %neg3A_506 = vector.broadcast %neg3A_505 : f32 to vector<200x128xf32>
    %neg3A_507 = arith.subf %neg3A_506, %log3A_504 : vector<200x128xf32>
    %log3A_508 = math.log %neg3A_507 : vector<200x128xf32>
    %neg3A_509 = arith.constant 0.000000e+00 : f32
    %neg3A_510 = vector.broadcast %neg3A_509 : f32 to vector<200x128xf32>
    %neg3A_511 = arith.subf %neg3A_510, %log3A_508 : vector<200x128xf32>
    %add3A_512 = arith.addf %get3A_274, %neg3A_511 : vector<200x128xf32>
    %reduce_max3A_513 = arith.constant dense<0xFF800000> : vector<128xf32>
    %reduce_max3A_514 = vector.multi_reduction <maximumf>, %add3A_512, %reduce_max3A_513 [0] : vector<200x128xf32> to vector<128xf32>
    %broadcast_in_dim3A_515 = vector.shape_cast %reduce_max3A_514 : vector<128xf32> to vector<1x128xf32>
    %eq3A_516 = vector.broadcast %broadcast_in_dim3A_515 : vector<1x128xf32> to vector<200x128xf32>
    %eq3A_517 = arith.cmpf oeq, %add3A_512, %eq3A_516 : vector<200x128xf32>
    %jit3A_518 = arith.constant 1073741824 : i32
    %broadcast_in_dim3A_519 = vector.broadcast %jit3A_518 : i32 to vector<200x128xi32>
    %select_n3A_520 = arith.select %eq3A_517, %iota3A_262, %broadcast_in_dim3A_519 : vector<200x128xi1>, vector<200x128xi32>
    %reduce_min3A_521 = arith.constant dense<2147483647> : vector<128xi32>
    %reduce_min3A_522 = vector.multi_reduction <minsi>, %select_n3A_520, %reduce_min3A_521 [0] : vector<200x128xi32> to vector<128xi32>
    %broadcast_in_dim3A_523 = vector.shape_cast %reduce_min3A_522 : vector<128xi32> to vector<1x128xi32>
    %add3A_524 = arith.constant 200 : i32
    %add3A_525 = vector.broadcast %add3A_524 : i32 to vector<1x128xi32>
    %add3A_526 = arith.addi %broadcast_in_dim3A_523, %add3A_525 : vector<1x128xi32>
    %gt3A_527 = arith.cmpf ogt, %broadcast_in_dim3A_515, %select_n3A_258 : vector<1x128xf32>
    %select_n3A_528 = arith.select %gt3A_527, %broadcast_in_dim3A_515, %select_n3A_258 : vector<1x128xi1>, vector<1x128xf32>
    %select_n3A_529 = arith.select %gt3A_527, %add3A_526, %select_n3A_259 : vector<1x128xi1>, vector<1x128xi32>
    %iota3A_530 = tpu.iota {dimensions = array<i32: 0>} : vector<200x128xi32>
    %iota3A_531 = tpu.iota {dimensions = array<i32: 1>} : vector<200x128xi32>
    %iota3A_532 = tpu.iota {dimensions = array<i32: 0>} : vector<200x128xi32>
    %mul3A_533 = arith.constant 1000 : i32
    %mul3A_534 = vector.broadcast %mul3A_533 : i32 to vector<200x128xi32>
    %mul3A_535 = arith.muli %iota3A_531, %mul3A_534 : vector<200x128xi32>
    %add3A_536 = vector.broadcast %mul3A_3 : i32 to vector<200x128xi32>
    %add3A_537 = arith.addi %add3A_536, %mul3A_535 : vector<200x128xi32>
    %add3A_538 = arith.constant 400 : i32
    %add3A_539 = vector.broadcast %add3A_538 : i32 to vector<200x128xi32>
    %add3A_540 = arith.addi %iota3A_530, %add3A_539 : vector<200x128xi32>
    %add3A_541 = arith.addi %add3A_537, %add3A_540 : vector<200x128xi32>
    %get3A_542 = arith.constant 400 : index
    %get3A_543 = arith.constant 0 : index
    %get3A_544 = vector.load %arg1[%get3A_542, %get3A_543] : memref<1000x512xf32, #tpu.memory_space<vmem>>, vector<200x128xf32>
    %add3A_545 = arith.constant 42 : i32
    %add3A_546 = vector.broadcast %add3A_545 : i32 to vector<200x128xi32>
    %add3A_547 = arith.addi %add3A_541, %add3A_546 : vector<200x128xi32>
    %shift_left3A_548 = arith.constant 13 : i32
    %shift_left3A_549 = vector.broadcast %shift_left3A_548 : i32 to vector<200x128xi32>
    %shift_left3A_550 = arith.shli %add3A_547, %shift_left3A_549 : vector<200x128xi32>
    %shift_right_logical3A_551 = arith.constant 19 : i32
    %shift_right_logical3A_552 = vector.broadcast %shift_right_logical3A_551 : i32 to vector<200x128xi32>
    %shift_right_logical3A_553 = arith.shrui %add3A_547, %shift_right_logical3A_552 : vector<200x128xi32>
    %or3A_554 = arith.ori %shift_left3A_550, %shift_right_logical3A_553 : vector<200x128xi32>
    %xor3A_555 = arith.xori %add3A_547, %or3A_554 : vector<200x128xi32>
    %add3A_556 = arith.addi %add3A_547, %xor3A_555 : vector<200x128xi32>
    %shift_left3A_557 = arith.constant 15 : i32
    %shift_left3A_558 = vector.broadcast %shift_left3A_557 : i32 to vector<200x128xi32>
    %shift_left3A_559 = arith.shli %xor3A_555, %shift_left3A_558 : vector<200x128xi32>
    %shift_right_logical3A_560 = arith.constant 17 : i32
    %shift_right_logical3A_561 = vector.broadcast %shift_right_logical3A_560 : i32 to vector<200x128xi32>
    %shift_right_logical3A_562 = arith.shrui %xor3A_555, %shift_right_logical3A_561 : vector<200x128xi32>
    %or3A_563 = arith.ori %shift_left3A_559, %shift_right_logical3A_562 : vector<200x128xi32>
    %xor3A_564 = arith.xori %add3A_556, %or3A_563 : vector<200x128xi32>
    %add3A_565 = arith.addi %add3A_556, %xor3A_564 : vector<200x128xi32>
    %shift_left3A_566 = arith.constant 26 : i32
    %shift_left3A_567 = vector.broadcast %shift_left3A_566 : i32 to vector<200x128xi32>
    %shift_left3A_568 = arith.shli %xor3A_564, %shift_left3A_567 : vector<200x128xi32>
    %shift_right_logical3A_569 = arith.constant 6 : i32
    %shift_right_logical3A_570 = vector.broadcast %shift_right_logical3A_569 : i32 to vector<200x128xi32>
    %shift_right_logical3A_571 = arith.shrui %xor3A_564, %shift_right_logical3A_570 : vector<200x128xi32>
    %or3A_572 = arith.ori %shift_left3A_568, %shift_right_logical3A_571 : vector<200x128xi32>
    %xor3A_573 = arith.xori %add3A_565, %or3A_572 : vector<200x128xi32>
    %add3A_574 = arith.addi %add3A_565, %xor3A_573 : vector<200x128xi32>
    %shift_left3A_575 = arith.constant 6 : i32
    %shift_left3A_576 = vector.broadcast %shift_left3A_575 : i32 to vector<200x128xi32>
    %shift_left3A_577 = arith.shli %xor3A_573, %shift_left3A_576 : vector<200x128xi32>
    %shift_right_logical3A_578 = arith.constant 26 : i32
    %shift_right_logical3A_579 = vector.broadcast %shift_right_logical3A_578 : i32 to vector<200x128xi32>
    %shift_right_logical3A_580 = arith.shrui %xor3A_573, %shift_right_logical3A_579 : vector<200x128xi32>
    %or3A_581 = arith.ori %shift_left3A_577, %shift_right_logical3A_580 : vector<200x128xi32>
    %xor3A_582 = arith.xori %add3A_574, %or3A_581 : vector<200x128xi32>
    %add3A_583 = arith.constant 42 : i32
    %add3A_584 = vector.broadcast %add3A_583 : i32 to vector<200x128xi32>
    %add3A_585 = arith.addi %add3A_574, %add3A_584 : vector<200x128xi32>
    %add3A_586 = arith.constant 466689009 : i32
    %add3A_587 = vector.broadcast %add3A_586 : i32 to vector<200x128xi32>
    %add3A_588 = arith.addi %xor3A_582, %add3A_587 : vector<200x128xi32>
    %add3A_589 = arith.addi %add3A_585, %add3A_588 : vector<200x128xi32>
    %shift_left3A_590 = arith.constant 17 : i32
    %shift_left3A_591 = vector.broadcast %shift_left3A_590 : i32 to vector<200x128xi32>
    %shift_left3A_592 = arith.shli %add3A_588, %shift_left3A_591 : vector<200x128xi32>
    %shift_right_logical3A_593 = arith.constant 15 : i32
    %shift_right_logical3A_594 = vector.broadcast %shift_right_logical3A_593 : i32 to vector<200x128xi32>
    %shift_right_logical3A_595 = arith.shrui %add3A_588, %shift_right_logical3A_594 : vector<200x128xi32>
    %or3A_596 = arith.ori %shift_left3A_592, %shift_right_logical3A_595 : vector<200x128xi32>
    %xor3A_597 = arith.xori %add3A_589, %or3A_596 : vector<200x128xi32>
    %add3A_598 = arith.addi %add3A_589, %xor3A_597 : vector<200x128xi32>
    %shift_left3A_599 = arith.constant 29 : i32
    %shift_left3A_600 = vector.broadcast %shift_left3A_599 : i32 to vector<200x128xi32>
    %shift_left3A_601 = arith.shli %xor3A_597, %shift_left3A_600 : vector<200x128xi32>
    %shift_right_logical3A_602 = arith.constant 3 : i32
    %shift_right_logical3A_603 = vector.broadcast %shift_right_logical3A_602 : i32 to vector<200x128xi32>
    %shift_right_logical3A_604 = arith.shrui %xor3A_597, %shift_right_logical3A_603 : vector<200x128xi32>
    %or3A_605 = arith.ori %shift_left3A_601, %shift_right_logical3A_604 : vector<200x128xi32>
    %xor3A_606 = arith.xori %add3A_598, %or3A_605 : vector<200x128xi32>
    %add3A_607 = arith.addi %add3A_598, %xor3A_606 : vector<200x128xi32>
    %shift_left3A_608 = arith.constant 16 : i32
    %shift_left3A_609 = vector.broadcast %shift_left3A_608 : i32 to vector<200x128xi32>
    %shift_left3A_610 = arith.shli %xor3A_606, %shift_left3A_609 : vector<200x128xi32>
    %shift_right_logical3A_611 = arith.constant 16 : i32
    %shift_right_logical3A_612 = vector.broadcast %shift_right_logical3A_611 : i32 to vector<200x128xi32>
    %shift_right_logical3A_613 = arith.shrui %xor3A_606, %shift_right_logical3A_612 : vector<200x128xi32>
    %or3A_614 = arith.ori %shift_left3A_610, %shift_right_logical3A_613 : vector<200x128xi32>
    %xor3A_615 = arith.xori %add3A_607, %or3A_614 : vector<200x128xi32>
    %add3A_616 = arith.addi %add3A_607, %xor3A_615 : vector<200x128xi32>
    %shift_left3A_617 = arith.constant 24 : i32
    %shift_left3A_618 = vector.broadcast %shift_left3A_617 : i32 to vector<200x128xi32>
    %shift_left3A_619 = arith.shli %xor3A_615, %shift_left3A_618 : vector<200x128xi32>
    %shift_right_logical3A_620 = arith.constant 8 : i32
    %shift_right_logical3A_621 = vector.broadcast %shift_right_logical3A_620 : i32 to vector<200x128xi32>
    %shift_right_logical3A_622 = arith.shrui %xor3A_615, %shift_right_logical3A_621 : vector<200x128xi32>
    %or3A_623 = arith.ori %shift_left3A_619, %shift_right_logical3A_622 : vector<200x128xi32>
    %xor3A_624 = arith.xori %add3A_616, %or3A_623 : vector<200x128xi32>
    %add3A_625 = arith.constant 466689008 : i32
    %add3A_626 = vector.broadcast %add3A_625 : i32 to vector<200x128xi32>
    %add3A_627 = arith.addi %add3A_616, %add3A_626 : vector<200x128xi32>
    %add3A_628 = arith.constant 2 : i32
    %add3A_629 = vector.broadcast %add3A_628 : i32 to vector<200x128xi32>
    %add3A_630 = arith.addi %xor3A_624, %add3A_629 : vector<200x128xi32>
    %add3A_631 = arith.addi %add3A_627, %add3A_630 : vector<200x128xi32>
    %shift_left3A_632 = arith.constant 13 : i32
    %shift_left3A_633 = vector.broadcast %shift_left3A_632 : i32 to vector<200x128xi32>
    %shift_left3A_634 = arith.shli %add3A_630, %shift_left3A_633 : vector<200x128xi32>
    %shift_right_logical3A_635 = arith.constant 19 : i32
    %shift_right_logical3A_636 = vector.broadcast %shift_right_logical3A_635 : i32 to vector<200x128xi32>
    %shift_right_logical3A_637 = arith.shrui %add3A_630, %shift_right_logical3A_636 : vector<200x128xi32>
    %or3A_638 = arith.ori %shift_left3A_634, %shift_right_logical3A_637 : vector<200x128xi32>
    %xor3A_639 = arith.xori %add3A_631, %or3A_638 : vector<200x128xi32>
    %add3A_640 = arith.addi %add3A_631, %xor3A_639 : vector<200x128xi32>
    %shift_left3A_641 = arith.constant 15 : i32
    %shift_left3A_642 = vector.broadcast %shift_left3A_641 : i32 to vector<200x128xi32>
    %shift_left3A_643 = arith.shli %xor3A_639, %shift_left3A_642 : vector<200x128xi32>
    %shift_right_logical3A_644 = arith.constant 17 : i32
    %shift_right_logical3A_645 = vector.broadcast %shift_right_logical3A_644 : i32 to vector<200x128xi32>
    %shift_right_logical3A_646 = arith.shrui %xor3A_639, %shift_right_logical3A_645 : vector<200x128xi32>
    %or3A_647 = arith.ori %shift_left3A_643, %shift_right_logical3A_646 : vector<200x128xi32>
    %xor3A_648 = arith.xori %add3A_640, %or3A_647 : vector<200x128xi32>
    %add3A_649 = arith.addi %add3A_640, %xor3A_648 : vector<200x128xi32>
    %shift_left3A_650 = arith.constant 26 : i32
    %shift_left3A_651 = vector.broadcast %shift_left3A_650 : i32 to vector<200x128xi32>
    %shift_left3A_652 = arith.shli %xor3A_648, %shift_left3A_651 : vector<200x128xi32>
    %shift_right_logical3A_653 = arith.constant 6 : i32
    %shift_right_logical3A_654 = vector.broadcast %shift_right_logical3A_653 : i32 to vector<200x128xi32>
    %shift_right_logical3A_655 = arith.shrui %xor3A_648, %shift_right_logical3A_654 : vector<200x128xi32>
    %or3A_656 = arith.ori %shift_left3A_652, %shift_right_logical3A_655 : vector<200x128xi32>
    %xor3A_657 = arith.xori %add3A_649, %or3A_656 : vector<200x128xi32>
    %add3A_658 = arith.addi %add3A_649, %xor3A_657 : vector<200x128xi32>
    %shift_left3A_659 = arith.constant 6 : i32
    %shift_left3A_660 = vector.broadcast %shift_left3A_659 : i32 to vector<200x128xi32>
    %shift_left3A_661 = arith.shli %xor3A_657, %shift_left3A_660 : vector<200x128xi32>
    %shift_right_logical3A_662 = arith.constant 26 : i32
    %shift_right_logical3A_663 = vector.broadcast %shift_right_logical3A_662 : i32 to vector<200x128xi32>
    %shift_right_logical3A_664 = arith.shrui %xor3A_657, %shift_right_logical3A_663 : vector<200x128xi32>
    %or3A_665 = arith.ori %shift_left3A_661, %shift_right_logical3A_664 : vector<200x128xi32>
    %xor3A_666 = arith.xori %add3A_658, %or3A_665 : vector<200x128xi32>
    %add3A_667 = arith.constant 0 : i32
    %add3A_668 = vector.broadcast %add3A_667 : i32 to vector<200x128xi32>
    %add3A_669 = arith.addi %add3A_658, %add3A_668 : vector<200x128xi32>
    %add3A_670 = arith.constant 45 : i32
    %add3A_671 = vector.broadcast %add3A_670 : i32 to vector<200x128xi32>
    %add3A_672 = arith.addi %xor3A_666, %add3A_671 : vector<200x128xi32>
    %add3A_673 = arith.addi %add3A_669, %add3A_672 : vector<200x128xi32>
    %shift_left3A_674 = arith.constant 17 : i32
    %shift_left3A_675 = vector.broadcast %shift_left3A_674 : i32 to vector<200x128xi32>
    %shift_left3A_676 = arith.shli %add3A_672, %shift_left3A_675 : vector<200x128xi32>
    %shift_right_logical3A_677 = arith.constant 15 : i32
    %shift_right_logical3A_678 = vector.broadcast %shift_right_logical3A_677 : i32 to vector<200x128xi32>
    %shift_right_logical3A_679 = arith.shrui %add3A_672, %shift_right_logical3A_678 : vector<200x128xi32>
    %or3A_680 = arith.ori %shift_left3A_676, %shift_right_logical3A_679 : vector<200x128xi32>
    %xor3A_681 = arith.xori %add3A_673, %or3A_680 : vector<200x128xi32>
    %add3A_682 = arith.addi %add3A_673, %xor3A_681 : vector<200x128xi32>
    %shift_left3A_683 = arith.constant 29 : i32
    %shift_left3A_684 = vector.broadcast %shift_left3A_683 : i32 to vector<200x128xi32>
    %shift_left3A_685 = arith.shli %xor3A_681, %shift_left3A_684 : vector<200x128xi32>
    %shift_right_logical3A_686 = arith.constant 3 : i32
    %shift_right_logical3A_687 = vector.broadcast %shift_right_logical3A_686 : i32 to vector<200x128xi32>
    %shift_right_logical3A_688 = arith.shrui %xor3A_681, %shift_right_logical3A_687 : vector<200x128xi32>
    %or3A_689 = arith.ori %shift_left3A_685, %shift_right_logical3A_688 : vector<200x128xi32>
    %xor3A_690 = arith.xori %add3A_682, %or3A_689 : vector<200x128xi32>
    %add3A_691 = arith.addi %add3A_682, %xor3A_690 : vector<200x128xi32>
    %shift_left3A_692 = arith.constant 16 : i32
    %shift_left3A_693 = vector.broadcast %shift_left3A_692 : i32 to vector<200x128xi32>
    %shift_left3A_694 = arith.shli %xor3A_690, %shift_left3A_693 : vector<200x128xi32>
    %shift_right_logical3A_695 = arith.constant 16 : i32
    %shift_right_logical3A_696 = vector.broadcast %shift_right_logical3A_695 : i32 to vector<200x128xi32>
    %shift_right_logical3A_697 = arith.shrui %xor3A_690, %shift_right_logical3A_696 : vector<200x128xi32>
    %or3A_698 = arith.ori %shift_left3A_694, %shift_right_logical3A_697 : vector<200x128xi32>
    %xor3A_699 = arith.xori %add3A_691, %or3A_698 : vector<200x128xi32>
    %add3A_700 = arith.addi %add3A_691, %xor3A_699 : vector<200x128xi32>
    %shift_left3A_701 = arith.constant 24 : i32
    %shift_left3A_702 = vector.broadcast %shift_left3A_701 : i32 to vector<200x128xi32>
    %shift_left3A_703 = arith.shli %xor3A_699, %shift_left3A_702 : vector<200x128xi32>
    %shift_right_logical3A_704 = arith.constant 8 : i32
    %shift_right_logical3A_705 = vector.broadcast %shift_right_logical3A_704 : i32 to vector<200x128xi32>
    %shift_right_logical3A_706 = arith.shrui %xor3A_699, %shift_right_logical3A_705 : vector<200x128xi32>
    %or3A_707 = arith.ori %shift_left3A_703, %shift_right_logical3A_706 : vector<200x128xi32>
    %xor3A_708 = arith.xori %add3A_700, %or3A_707 : vector<200x128xi32>
    %add3A_709 = arith.constant 42 : i32
    %add3A_710 = vector.broadcast %add3A_709 : i32 to vector<200x128xi32>
    %add3A_711 = arith.addi %add3A_700, %add3A_710 : vector<200x128xi32>
    %add3A_712 = arith.constant 466689012 : i32
    %add3A_713 = vector.broadcast %add3A_712 : i32 to vector<200x128xi32>
    %add3A_714 = arith.addi %xor3A_708, %add3A_713 : vector<200x128xi32>
    %add3A_715 = arith.addi %add3A_711, %add3A_714 : vector<200x128xi32>
    %shift_left3A_716 = arith.constant 13 : i32
    %shift_left3A_717 = vector.broadcast %shift_left3A_716 : i32 to vector<200x128xi32>
    %shift_left3A_718 = arith.shli %add3A_714, %shift_left3A_717 : vector<200x128xi32>
    %shift_right_logical3A_719 = arith.constant 19 : i32
    %shift_right_logical3A_720 = vector.broadcast %shift_right_logical3A_719 : i32 to vector<200x128xi32>
    %shift_right_logical3A_721 = arith.shrui %add3A_714, %shift_right_logical3A_720 : vector<200x128xi32>
    %or3A_722 = arith.ori %shift_left3A_718, %shift_right_logical3A_721 : vector<200x128xi32>
    %xor3A_723 = arith.xori %add3A_715, %or3A_722 : vector<200x128xi32>
    %add3A_724 = arith.addi %add3A_715, %xor3A_723 : vector<200x128xi32>
    %shift_left3A_725 = arith.constant 15 : i32
    %shift_left3A_726 = vector.broadcast %shift_left3A_725 : i32 to vector<200x128xi32>
    %shift_left3A_727 = arith.shli %xor3A_723, %shift_left3A_726 : vector<200x128xi32>
    %shift_right_logical3A_728 = arith.constant 17 : i32
    %shift_right_logical3A_729 = vector.broadcast %shift_right_logical3A_728 : i32 to vector<200x128xi32>
    %shift_right_logical3A_730 = arith.shrui %xor3A_723, %shift_right_logical3A_729 : vector<200x128xi32>
    %or3A_731 = arith.ori %shift_left3A_727, %shift_right_logical3A_730 : vector<200x128xi32>
    %xor3A_732 = arith.xori %add3A_724, %or3A_731 : vector<200x128xi32>
    %add3A_733 = arith.addi %add3A_724, %xor3A_732 : vector<200x128xi32>
    %shift_left3A_734 = arith.constant 26 : i32
    %shift_left3A_735 = vector.broadcast %shift_left3A_734 : i32 to vector<200x128xi32>
    %shift_left3A_736 = arith.shli %xor3A_732, %shift_left3A_735 : vector<200x128xi32>
    %shift_right_logical3A_737 = arith.constant 6 : i32
    %shift_right_logical3A_738 = vector.broadcast %shift_right_logical3A_737 : i32 to vector<200x128xi32>
    %shift_right_logical3A_739 = arith.shrui %xor3A_732, %shift_right_logical3A_738 : vector<200x128xi32>
    %or3A_740 = arith.ori %shift_left3A_736, %shift_right_logical3A_739 : vector<200x128xi32>
    %xor3A_741 = arith.xori %add3A_733, %or3A_740 : vector<200x128xi32>
    %add3A_742 = arith.addi %add3A_733, %xor3A_741 : vector<200x128xi32>
    %shift_left3A_743 = arith.constant 6 : i32
    %shift_left3A_744 = vector.broadcast %shift_left3A_743 : i32 to vector<200x128xi32>
    %shift_left3A_745 = arith.shli %xor3A_741, %shift_left3A_744 : vector<200x128xi32>
    %shift_right_logical3A_746 = arith.constant 26 : i32
    %shift_right_logical3A_747 = vector.broadcast %shift_right_logical3A_746 : i32 to vector<200x128xi32>
    %shift_right_logical3A_748 = arith.shrui %xor3A_741, %shift_right_logical3A_747 : vector<200x128xi32>
    %or3A_749 = arith.ori %shift_left3A_745, %shift_right_logical3A_748 : vector<200x128xi32>
    %xor3A_750 = arith.xori %add3A_742, %or3A_749 : vector<200x128xi32>
    %add3A_751 = arith.constant 466689008 : i32
    %add3A_752 = vector.broadcast %add3A_751 : i32 to vector<200x128xi32>
    %add3A_753 = arith.addi %add3A_742, %add3A_752 : vector<200x128xi32>
    %add3A_754 = arith.constant 5 : i32
    %add3A_755 = vector.broadcast %add3A_754 : i32 to vector<200x128xi32>
    %add3A_756 = arith.addi %xor3A_750, %add3A_755 : vector<200x128xi32>
    %xor3A_757 = arith.xori %add3A_753, %add3A_756 : vector<200x128xi32>
    %shift_right_logical3A_758 = arith.constant 9 : i32
    %shift_right_logical3A_759 = vector.broadcast %shift_right_logical3A_758 : i32 to vector<200x128xi32>
    %shift_right_logical3A_760 = arith.shrui %xor3A_757, %shift_right_logical3A_759 : vector<200x128xi32>
    %or3A_761 = arith.constant 1065353216 : i32
    %or3A_762 = vector.broadcast %or3A_761 : i32 to vector<200x128xi32>
    %or3A_763 = arith.ori %shift_right_logical3A_760, %or3A_762 : vector<200x128xi32>
    %bitcast_convert_type3A_764 = tpu.bitcast %or3A_763 : vector<200x128xi32> -> vector<200x128xf32>
    %sub3A_765 = arith.constant 1.000000e+00 : f32
    %sub3A_766 = vector.broadcast %sub3A_765 : f32 to vector<200x128xf32>
    %sub3A_767 = arith.subf %bitcast_convert_type3A_764, %sub3A_766 : vector<200x128xf32>
    %add3A_768 = arith.constant 1.000000e-10 : f32
    %add3A_769 = vector.broadcast %add3A_768 : f32 to vector<200x128xf32>
    %add3A_770 = arith.addf %sub3A_767, %add3A_769 : vector<200x128xf32>
    %max3A_771 = arith.constant 1.000000e-10 : f32
    %max3A_772 = vector.broadcast %max3A_771 : f32 to vector<200x128xf32>
    %max3A_773 = arith.maximumf %max3A_772, %add3A_770 : vector<200x128xf32>
    %log3A_774 = math.log %max3A_773 : vector<200x128xf32>
    %neg3A_775 = arith.constant 0.000000e+00 : f32
    %neg3A_776 = vector.broadcast %neg3A_775 : f32 to vector<200x128xf32>
    %neg3A_777 = arith.subf %neg3A_776, %log3A_774 : vector<200x128xf32>
    %log3A_778 = math.log %neg3A_777 : vector<200x128xf32>
    %neg3A_779 = arith.constant 0.000000e+00 : f32
    %neg3A_780 = vector.broadcast %neg3A_779 : f32 to vector<200x128xf32>
    %neg3A_781 = arith.subf %neg3A_780, %log3A_778 : vector<200x128xf32>
    %add3A_782 = arith.addf %get3A_544, %neg3A_781 : vector<200x128xf32>
    %reduce_max3A_783 = arith.constant dense<0xFF800000> : vector<128xf32>
    %reduce_max3A_784 = vector.multi_reduction <maximumf>, %add3A_782, %reduce_max3A_783 [0] : vector<200x128xf32> to vector<128xf32>
    %broadcast_in_dim3A_785 = vector.shape_cast %reduce_max3A_784 : vector<128xf32> to vector<1x128xf32>
    %eq3A_786 = vector.broadcast %broadcast_in_dim3A_785 : vector<1x128xf32> to vector<200x128xf32>
    %eq3A_787 = arith.cmpf oeq, %add3A_782, %eq3A_786 : vector<200x128xf32>
    %jit3A_788 = arith.constant 1073741824 : i32
    %broadcast_in_dim3A_789 = vector.broadcast %jit3A_788 : i32 to vector<200x128xi32>
    %select_n3A_790 = arith.select %eq3A_787, %iota3A_532, %broadcast_in_dim3A_789 : vector<200x128xi1>, vector<200x128xi32>
    %reduce_min3A_791 = arith.constant dense<2147483647> : vector<128xi32>
    %reduce_min3A_792 = vector.multi_reduction <minsi>, %select_n3A_790, %reduce_min3A_791 [0] : vector<200x128xi32> to vector<128xi32>
    %broadcast_in_dim3A_793 = vector.shape_cast %reduce_min3A_792 : vector<128xi32> to vector<1x128xi32>
    %add3A_794 = arith.constant 400 : i32
    %add3A_795 = vector.broadcast %add3A_794 : i32 to vector<1x128xi32>
    %add3A_796 = arith.addi %broadcast_in_dim3A_793, %add3A_795 : vector<1x128xi32>
    %gt3A_797 = arith.cmpf ogt, %broadcast_in_dim3A_785, %select_n3A_528 : vector<1x128xf32>
    %select_n3A_798 = arith.select %gt3A_797, %broadcast_in_dim3A_785, %select_n3A_528 : vector<1x128xi1>, vector<1x128xf32>
    %select_n3A_799 = arith.select %gt3A_797, %add3A_796, %select_n3A_529 : vector<1x128xi1>, vector<1x128xi32>
    %iota3A_800 = tpu.iota {dimensions = array<i32: 0>} : vector<200x128xi32>
    %iota3A_801 = tpu.iota {dimensions = array<i32: 1>} : vector<200x128xi32>
    %iota3A_802 = tpu.iota {dimensions = array<i32: 0>} : vector<200x128xi32>
    %mul3A_803 = arith.constant 1000 : i32
    %mul3A_804 = vector.broadcast %mul3A_803 : i32 to vector<200x128xi32>
    %mul3A_805 = arith.muli %iota3A_801, %mul3A_804 : vector<200x128xi32>
    %add3A_806 = vector.broadcast %mul3A_3 : i32 to vector<200x128xi32>
    %add3A_807 = arith.addi %add3A_806, %mul3A_805 : vector<200x128xi32>
    %add3A_808 = arith.constant 600 : i32
    %add3A_809 = vector.broadcast %add3A_808 : i32 to vector<200x128xi32>
    %add3A_810 = arith.addi %iota3A_800, %add3A_809 : vector<200x128xi32>
    %add3A_811 = arith.addi %add3A_807, %add3A_810 : vector<200x128xi32>
    %get3A_812 = arith.constant 600 : index
    %get3A_813 = arith.constant 0 : index
    %get3A_814 = vector.load %arg1[%get3A_812, %get3A_813] : memref<1000x512xf32, #tpu.memory_space<vmem>>, vector<200x128xf32>
    %add3A_815 = arith.constant 42 : i32
    %add3A_816 = vector.broadcast %add3A_815 : i32 to vector<200x128xi32>
    %add3A_817 = arith.addi %add3A_811, %add3A_816 : vector<200x128xi32>
    %shift_left3A_818 = arith.constant 13 : i32
    %shift_left3A_819 = vector.broadcast %shift_left3A_818 : i32 to vector<200x128xi32>
    %shift_left3A_820 = arith.shli %add3A_817, %shift_left3A_819 : vector<200x128xi32>
    %shift_right_logical3A_821 = arith.constant 19 : i32
    %shift_right_logical3A_822 = vector.broadcast %shift_right_logical3A_821 : i32 to vector<200x128xi32>
    %shift_right_logical3A_823 = arith.shrui %add3A_817, %shift_right_logical3A_822 : vector<200x128xi32>
    %or3A_824 = arith.ori %shift_left3A_820, %shift_right_logical3A_823 : vector<200x128xi32>
    %xor3A_825 = arith.xori %add3A_817, %or3A_824 : vector<200x128xi32>
    %add3A_826 = arith.addi %add3A_817, %xor3A_825 : vector<200x128xi32>
    %shift_left3A_827 = arith.constant 15 : i32
    %shift_left3A_828 = vector.broadcast %shift_left3A_827 : i32 to vector<200x128xi32>
    %shift_left3A_829 = arith.shli %xor3A_825, %shift_left3A_828 : vector<200x128xi32>
    %shift_right_logical3A_830 = arith.constant 17 : i32
    %shift_right_logical3A_831 = vector.broadcast %shift_right_logical3A_830 : i32 to vector<200x128xi32>
    %shift_right_logical3A_832 = arith.shrui %xor3A_825, %shift_right_logical3A_831 : vector<200x128xi32>
    %or3A_833 = arith.ori %shift_left3A_829, %shift_right_logical3A_832 : vector<200x128xi32>
    %xor3A_834 = arith.xori %add3A_826, %or3A_833 : vector<200x128xi32>
    %add3A_835 = arith.addi %add3A_826, %xor3A_834 : vector<200x128xi32>
    %shift_left3A_836 = arith.constant 26 : i32
    %shift_left3A_837 = vector.broadcast %shift_left3A_836 : i32 to vector<200x128xi32>
    %shift_left3A_838 = arith.shli %xor3A_834, %shift_left3A_837 : vector<200x128xi32>
    %shift_right_logical3A_839 = arith.constant 6 : i32
    %shift_right_logical3A_840 = vector.broadcast %shift_right_logical3A_839 : i32 to vector<200x128xi32>
    %shift_right_logical3A_841 = arith.shrui %xor3A_834, %shift_right_logical3A_840 : vector<200x128xi32>
    %or3A_842 = arith.ori %shift_left3A_838, %shift_right_logical3A_841 : vector<200x128xi32>
    %xor3A_843 = arith.xori %add3A_835, %or3A_842 : vector<200x128xi32>
    %add3A_844 = arith.addi %add3A_835, %xor3A_843 : vector<200x128xi32>
    %shift_left3A_845 = arith.constant 6 : i32
    %shift_left3A_846 = vector.broadcast %shift_left3A_845 : i32 to vector<200x128xi32>
    %shift_left3A_847 = arith.shli %xor3A_843, %shift_left3A_846 : vector<200x128xi32>
    %shift_right_logical3A_848 = arith.constant 26 : i32
    %shift_right_logical3A_849 = vector.broadcast %shift_right_logical3A_848 : i32 to vector<200x128xi32>
    %shift_right_logical3A_850 = arith.shrui %xor3A_843, %shift_right_logical3A_849 : vector<200x128xi32>
    %or3A_851 = arith.ori %shift_left3A_847, %shift_right_logical3A_850 : vector<200x128xi32>
    %xor3A_852 = arith.xori %add3A_844, %or3A_851 : vector<200x128xi32>
    %add3A_853 = arith.constant 42 : i32
    %add3A_854 = vector.broadcast %add3A_853 : i32 to vector<200x128xi32>
    %add3A_855 = arith.addi %add3A_844, %add3A_854 : vector<200x128xi32>
    %add3A_856 = arith.constant 466689009 : i32
    %add3A_857 = vector.broadcast %add3A_856 : i32 to vector<200x128xi32>
    %add3A_858 = arith.addi %xor3A_852, %add3A_857 : vector<200x128xi32>
    %add3A_859 = arith.addi %add3A_855, %add3A_858 : vector<200x128xi32>
    %shift_left3A_860 = arith.constant 17 : i32
    %shift_left3A_861 = vector.broadcast %shift_left3A_860 : i32 to vector<200x128xi32>
    %shift_left3A_862 = arith.shli %add3A_858, %shift_left3A_861 : vector<200x128xi32>
    %shift_right_logical3A_863 = arith.constant 15 : i32
    %shift_right_logical3A_864 = vector.broadcast %shift_right_logical3A_863 : i32 to vector<200x128xi32>
    %shift_right_logical3A_865 = arith.shrui %add3A_858, %shift_right_logical3A_864 : vector<200x128xi32>
    %or3A_866 = arith.ori %shift_left3A_862, %shift_right_logical3A_865 : vector<200x128xi32>
    %xor3A_867 = arith.xori %add3A_859, %or3A_866 : vector<200x128xi32>
    %add3A_868 = arith.addi %add3A_859, %xor3A_867 : vector<200x128xi32>
    %shift_left3A_869 = arith.constant 29 : i32
    %shift_left3A_870 = vector.broadcast %shift_left3A_869 : i32 to vector<200x128xi32>
    %shift_left3A_871 = arith.shli %xor3A_867, %shift_left3A_870 : vector<200x128xi32>
    %shift_right_logical3A_872 = arith.constant 3 : i32
    %shift_right_logical3A_873 = vector.broadcast %shift_right_logical3A_872 : i32 to vector<200x128xi32>
    %shift_right_logical3A_874 = arith.shrui %xor3A_867, %shift_right_logical3A_873 : vector<200x128xi32>
    %or3A_875 = arith.ori %shift_left3A_871, %shift_right_logical3A_874 : vector<200x128xi32>
    %xor3A_876 = arith.xori %add3A_868, %or3A_875 : vector<200x128xi32>
    %add3A_877 = arith.addi %add3A_868, %xor3A_876 : vector<200x128xi32>
    %shift_left3A_878 = arith.constant 16 : i32
    %shift_left3A_879 = vector.broadcast %shift_left3A_878 : i32 to vector<200x128xi32>
    %shift_left3A_880 = arith.shli %xor3A_876, %shift_left3A_879 : vector<200x128xi32>
    %shift_right_logical3A_881 = arith.constant 16 : i32
    %shift_right_logical3A_882 = vector.broadcast %shift_right_logical3A_881 : i32 to vector<200x128xi32>
    %shift_right_logical3A_883 = arith.shrui %xor3A_876, %shift_right_logical3A_882 : vector<200x128xi32>
    %or3A_884 = arith.ori %shift_left3A_880, %shift_right_logical3A_883 : vector<200x128xi32>
    %xor3A_885 = arith.xori %add3A_877, %or3A_884 : vector<200x128xi32>
    %add3A_886 = arith.addi %add3A_877, %xor3A_885 : vector<200x128xi32>
    %shift_left3A_887 = arith.constant 24 : i32
    %shift_left3A_888 = vector.broadcast %shift_left3A_887 : i32 to vector<200x128xi32>
    %shift_left3A_889 = arith.shli %xor3A_885, %shift_left3A_888 : vector<200x128xi32>
    %shift_right_logical3A_890 = arith.constant 8 : i32
    %shift_right_logical3A_891 = vector.broadcast %shift_right_logical3A_890 : i32 to vector<200x128xi32>
    %shift_right_logical3A_892 = arith.shrui %xor3A_885, %shift_right_logical3A_891 : vector<200x128xi32>
    %or3A_893 = arith.ori %shift_left3A_889, %shift_right_logical3A_892 : vector<200x128xi32>
    %xor3A_894 = arith.xori %add3A_886, %or3A_893 : vector<200x128xi32>
    %add3A_895 = arith.constant 466689008 : i32
    %add3A_896 = vector.broadcast %add3A_895 : i32 to vector<200x128xi32>
    %add3A_897 = arith.addi %add3A_886, %add3A_896 : vector<200x128xi32>
    %add3A_898 = arith.constant 2 : i32
    %add3A_899 = vector.broadcast %add3A_898 : i32 to vector<200x128xi32>
    %add3A_900 = arith.addi %xor3A_894, %add3A_899 : vector<200x128xi32>
    %add3A_901 = arith.addi %add3A_897, %add3A_900 : vector<200x128xi32>
    %shift_left3A_902 = arith.constant 13 : i32
    %shift_left3A_903 = vector.broadcast %shift_left3A_902 : i32 to vector<200x128xi32>
    %shift_left3A_904 = arith.shli %add3A_900, %shift_left3A_903 : vector<200x128xi32>
    %shift_right_logical3A_905 = arith.constant 19 : i32
    %shift_right_logical3A_906 = vector.broadcast %shift_right_logical3A_905 : i32 to vector<200x128xi32>
    %shift_right_logical3A_907 = arith.shrui %add3A_900, %shift_right_logical3A_906 : vector<200x128xi32>
    %or3A_908 = arith.ori %shift_left3A_904, %shift_right_logical3A_907 : vector<200x128xi32>
    %xor3A_909 = arith.xori %add3A_901, %or3A_908 : vector<200x128xi32>
    %add3A_910 = arith.addi %add3A_901, %xor3A_909 : vector<200x128xi32>
    %shift_left3A_911 = arith.constant 15 : i32
    %shift_left3A_912 = vector.broadcast %shift_left3A_911 : i32 to vector<200x128xi32>
    %shift_left3A_913 = arith.shli %xor3A_909, %shift_left3A_912 : vector<200x128xi32>
    %shift_right_logical3A_914 = arith.constant 17 : i32
    %shift_right_logical3A_915 = vector.broadcast %shift_right_logical3A_914 : i32 to vector<200x128xi32>
    %shift_right_logical3A_916 = arith.shrui %xor3A_909, %shift_right_logical3A_915 : vector<200x128xi32>
    %or3A_917 = arith.ori %shift_left3A_913, %shift_right_logical3A_916 : vector<200x128xi32>
    %xor3A_918 = arith.xori %add3A_910, %or3A_917 : vector<200x128xi32>
    %add3A_919 = arith.addi %add3A_910, %xor3A_918 : vector<200x128xi32>
    %shift_left3A_920 = arith.constant 26 : i32
    %shift_left3A_921 = vector.broadcast %shift_left3A_920 : i32 to vector<200x128xi32>
    %shift_left3A_922 = arith.shli %xor3A_918, %shift_left3A_921 : vector<200x128xi32>
    %shift_right_logical3A_923 = arith.constant 6 : i32
    %shift_right_logical3A_924 = vector.broadcast %shift_right_logical3A_923 : i32 to vector<200x128xi32>
    %shift_right_logical3A_925 = arith.shrui %xor3A_918, %shift_right_logical3A_924 : vector<200x128xi32>
    %or3A_926 = arith.ori %shift_left3A_922, %shift_right_logical3A_925 : vector<200x128xi32>
    %xor3A_927 = arith.xori %add3A_919, %or3A_926 : vector<200x128xi32>
    %add3A_928 = arith.addi %add3A_919, %xor3A_927 : vector<200x128xi32>
    %shift_left3A_929 = arith.constant 6 : i32
    %shift_left3A_930 = vector.broadcast %shift_left3A_929 : i32 to vector<200x128xi32>
    %shift_left3A_931 = arith.shli %xor3A_927, %shift_left3A_930 : vector<200x128xi32>
    %shift_right_logical3A_932 = arith.constant 26 : i32
    %shift_right_logical3A_933 = vector.broadcast %shift_right_logical3A_932 : i32 to vector<200x128xi32>
    %shift_right_logical3A_934 = arith.shrui %xor3A_927, %shift_right_logical3A_933 : vector<200x128xi32>
    %or3A_935 = arith.ori %shift_left3A_931, %shift_right_logical3A_934 : vector<200x128xi32>
    %xor3A_936 = arith.xori %add3A_928, %or3A_935 : vector<200x128xi32>
    %add3A_937 = arith.constant 0 : i32
    %add3A_938 = vector.broadcast %add3A_937 : i32 to vector<200x128xi32>
    %add3A_939 = arith.addi %add3A_928, %add3A_938 : vector<200x128xi32>
    %add3A_940 = arith.constant 45 : i32
    %add3A_941 = vector.broadcast %add3A_940 : i32 to vector<200x128xi32>
    %add3A_942 = arith.addi %xor3A_936, %add3A_941 : vector<200x128xi32>
    %add3A_943 = arith.addi %add3A_939, %add3A_942 : vector<200x128xi32>
    %shift_left3A_944 = arith.constant 17 : i32
    %shift_left3A_945 = vector.broadcast %shift_left3A_944 : i32 to vector<200x128xi32>
    %shift_left3A_946 = arith.shli %add3A_942, %shift_left3A_945 : vector<200x128xi32>
    %shift_right_logical3A_947 = arith.constant 15 : i32
    %shift_right_logical3A_948 = vector.broadcast %shift_right_logical3A_947 : i32 to vector<200x128xi32>
    %shift_right_logical3A_949 = arith.shrui %add3A_942, %shift_right_logical3A_948 : vector<200x128xi32>
    %or3A_950 = arith.ori %shift_left3A_946, %shift_right_logical3A_949 : vector<200x128xi32>
    %xor3A_951 = arith.xori %add3A_943, %or3A_950 : vector<200x128xi32>
    %add3A_952 = arith.addi %add3A_943, %xor3A_951 : vector<200x128xi32>
    %shift_left3A_953 = arith.constant 29 : i32
    %shift_left3A_954 = vector.broadcast %shift_left3A_953 : i32 to vector<200x128xi32>
    %shift_left3A_955 = arith.shli %xor3A_951, %shift_left3A_954 : vector<200x128xi32>
    %shift_right_logical3A_956 = arith.constant 3 : i32
    %shift_right_logical3A_957 = vector.broadcast %shift_right_logical3A_956 : i32 to vector<200x128xi32>
    %shift_right_logical3A_958 = arith.shrui %xor3A_951, %shift_right_logical3A_957 : vector<200x128xi32>
    %or3A_959 = arith.ori %shift_left3A_955, %shift_right_logical3A_958 : vector<200x128xi32>
    %xor3A_960 = arith.xori %add3A_952, %or3A_959 : vector<200x128xi32>
    %add3A_961 = arith.addi %add3A_952, %xor3A_960 : vector<200x128xi32>
    %shift_left3A_962 = arith.constant 16 : i32
    %shift_left3A_963 = vector.broadcast %shift_left3A_962 : i32 to vector<200x128xi32>
    %shift_left3A_964 = arith.shli %xor3A_960, %shift_left3A_963 : vector<200x128xi32>
    %shift_right_logical3A_965 = arith.constant 16 : i32
    %shift_right_logical3A_966 = vector.broadcast %shift_right_logical3A_965 : i32 to vector<200x128xi32>
    %shift_right_logical3A_967 = arith.shrui %xor3A_960, %shift_right_logical3A_966 : vector<200x128xi32>
    %or3A_968 = arith.ori %shift_left3A_964, %shift_right_logical3A_967 : vector<200x128xi32>
    %xor3A_969 = arith.xori %add3A_961, %or3A_968 : vector<200x128xi32>
    %add3A_970 = arith.addi %add3A_961, %xor3A_969 : vector<200x128xi32>
    %shift_left3A_971 = arith.constant 24 : i32
    %shift_left3A_972 = vector.broadcast %shift_left3A_971 : i32 to vector<200x128xi32>
    %shift_left3A_973 = arith.shli %xor3A_969, %shift_left3A_972 : vector<200x128xi32>
    %shift_right_logical3A_974 = arith.constant 8 : i32
    %shift_right_logical3A_975 = vector.broadcast %shift_right_logical3A_974 : i32 to vector<200x128xi32>
    %shift_right_logical3A_976 = arith.shrui %xor3A_969, %shift_right_logical3A_975 : vector<200x128xi32>
    %or3A_977 = arith.ori %shift_left3A_973, %shift_right_logical3A_976 : vector<200x128xi32>
    %xor3A_978 = arith.xori %add3A_970, %or3A_977 : vector<200x128xi32>
    %add3A_979 = arith.constant 42 : i32
    %add3A_980 = vector.broadcast %add3A_979 : i32 to vector<200x128xi32>
    %add3A_981 = arith.addi %add3A_970, %add3A_980 : vector<200x128xi32>
    %add3A_982 = arith.constant 466689012 : i32
    %add3A_983 = vector.broadcast %add3A_982 : i32 to vector<200x128xi32>
    %add3A_984 = arith.addi %xor3A_978, %add3A_983 : vector<200x128xi32>
    %add3A_985 = arith.addi %add3A_981, %add3A_984 : vector<200x128xi32>
    %shift_left3A_986 = arith.constant 13 : i32
    %shift_left3A_987 = vector.broadcast %shift_left3A_986 : i32 to vector<200x128xi32>
    %shift_left3A_988 = arith.shli %add3A_984, %shift_left3A_987 : vector<200x128xi32>
    %shift_right_logical3A_989 = arith.constant 19 : i32
    %shift_right_logical3A_990 = vector.broadcast %shift_right_logical3A_989 : i32 to vector<200x128xi32>
    %shift_right_logical3A_991 = arith.shrui %add3A_984, %shift_right_logical3A_990 : vector<200x128xi32>
    %or3A_992 = arith.ori %shift_left3A_988, %shift_right_logical3A_991 : vector<200x128xi32>
    %xor3A_993 = arith.xori %add3A_985, %or3A_992 : vector<200x128xi32>
    %add3A_994 = arith.addi %add3A_985, %xor3A_993 : vector<200x128xi32>
    %shift_left3A_995 = arith.constant 15 : i32
    %shift_left3A_996 = vector.broadcast %shift_left3A_995 : i32 to vector<200x128xi32>
    %shift_left3A_997 = arith.shli %xor3A_993, %shift_left3A_996 : vector<200x128xi32>
    %shift_right_logical3A_998 = arith.constant 17 : i32
    %shift_right_logical3A_999 = vector.broadcast %shift_right_logical3A_998 : i32 to vector<200x128xi32>
    %shift_right_logical3A_1000 = arith.shrui %xor3A_993, %shift_right_logical3A_999 : vector<200x128xi32>
    %or3A_1001 = arith.ori %shift_left3A_997, %shift_right_logical3A_1000 : vector<200x128xi32>
    %xor3A_1002 = arith.xori %add3A_994, %or3A_1001 : vector<200x128xi32>
    %add3A_1003 = arith.addi %add3A_994, %xor3A_1002 : vector<200x128xi32>
    %shift_left3A_1004 = arith.constant 26 : i32
    %shift_left3A_1005 = vector.broadcast %shift_left3A_1004 : i32 to vector<200x128xi32>
    %shift_left3A_1006 = arith.shli %xor3A_1002, %shift_left3A_1005 : vector<200x128xi32>
    %shift_right_logical3A_1007 = arith.constant 6 : i32
    %shift_right_logical3A_1008 = vector.broadcast %shift_right_logical3A_1007 : i32 to vector<200x128xi32>
    %shift_right_logical3A_1009 = arith.shrui %xor3A_1002, %shift_right_logical3A_1008 : vector<200x128xi32>
    %or3A_1010 = arith.ori %shift_left3A_1006, %shift_right_logical3A_1009 : vector<200x128xi32>
    %xor3A_1011 = arith.xori %add3A_1003, %or3A_1010 : vector<200x128xi32>
    %add3A_1012 = arith.addi %add3A_1003, %xor3A_1011 : vector<200x128xi32>
    %shift_left3A_1013 = arith.constant 6 : i32
    %shift_left3A_1014 = vector.broadcast %shift_left3A_1013 : i32 to vector<200x128xi32>
    %shift_left3A_1015 = arith.shli %xor3A_1011, %shift_left3A_1014 : vector<200x128xi32>
    %shift_right_logical3A_1016 = arith.constant 26 : i32
    %shift_right_logical3A_1017 = vector.broadcast %shift_right_logical3A_1016 : i32 to vector<200x128xi32>
    %shift_right_logical3A_1018 = arith.shrui %xor3A_1011, %shift_right_logical3A_1017 : vector<200x128xi32>
    %or3A_1019 = arith.ori %shift_left3A_1015, %shift_right_logical3A_1018 : vector<200x128xi32>
    %xor3A_1020 = arith.xori %add3A_1012, %or3A_1019 : vector<200x128xi32>
    %add3A_1021 = arith.constant 466689008 : i32
    %add3A_1022 = vector.broadcast %add3A_1021 : i32 to vector<200x128xi32>
    %add3A_1023 = arith.addi %add3A_1012, %add3A_1022 : vector<200x128xi32>
    %add3A_1024 = arith.constant 5 : i32
    %add3A_1025 = vector.broadcast %add3A_1024 : i32 to vector<200x128xi32>
    %add3A_1026 = arith.addi %xor3A_1020, %add3A_1025 : vector<200x128xi32>
    %xor3A_1027 = arith.xori %add3A_1023, %add3A_1026 : vector<200x128xi32>
    %shift_right_logical3A_1028 = arith.constant 9 : i32
    %shift_right_logical3A_1029 = vector.broadcast %shift_right_logical3A_1028 : i32 to vector<200x128xi32>
    %shift_right_logical3A_1030 = arith.shrui %xor3A_1027, %shift_right_logical3A_1029 : vector<200x128xi32>
    %or3A_1031 = arith.constant 1065353216 : i32
    %or3A_1032 = vector.broadcast %or3A_1031 : i32 to vector<200x128xi32>
    %or3A_1033 = arith.ori %shift_right_logical3A_1030, %or3A_1032 : vector<200x128xi32>
    %bitcast_convert_type3A_1034 = tpu.bitcast %or3A_1033 : vector<200x128xi32> -> vector<200x128xf32>
    %sub3A_1035 = arith.constant 1.000000e+00 : f32
    %sub3A_1036 = vector.broadcast %sub3A_1035 : f32 to vector<200x128xf32>
    %sub3A_1037 = arith.subf %bitcast_convert_type3A_1034, %sub3A_1036 : vector<200x128xf32>
    %add3A_1038 = arith.constant 1.000000e-10 : f32
    %add3A_1039 = vector.broadcast %add3A_1038 : f32 to vector<200x128xf32>
    %add3A_1040 = arith.addf %sub3A_1037, %add3A_1039 : vector<200x128xf32>
    %max3A_1041 = arith.constant 1.000000e-10 : f32
    %max3A_1042 = vector.broadcast %max3A_1041 : f32 to vector<200x128xf32>
    %max3A_1043 = arith.maximumf %max3A_1042, %add3A_1040 : vector<200x128xf32>
    %log3A_1044 = math.log %max3A_1043 : vector<200x128xf32>
    %neg3A_1045 = arith.constant 0.000000e+00 : f32
    %neg3A_1046 = vector.broadcast %neg3A_1045 : f32 to vector<200x128xf32>
    %neg3A_1047 = arith.subf %neg3A_1046, %log3A_1044 : vector<200x128xf32>
    %log3A_1048 = math.log %neg3A_1047 : vector<200x128xf32>
    %neg3A_1049 = arith.constant 0.000000e+00 : f32
    %neg3A_1050 = vector.broadcast %neg3A_1049 : f32 to vector<200x128xf32>
    %neg3A_1051 = arith.subf %neg3A_1050, %log3A_1048 : vector<200x128xf32>
    %add3A_1052 = arith.addf %get3A_814, %neg3A_1051 : vector<200x128xf32>
    %reduce_max3A_1053 = arith.constant dense<0xFF800000> : vector<128xf32>
    %reduce_max3A_1054 = vector.multi_reduction <maximumf>, %add3A_1052, %reduce_max3A_1053 [0] : vector<200x128xf32> to vector<128xf32>
    %broadcast_in_dim3A_1055 = vector.shape_cast %reduce_max3A_1054 : vector<128xf32> to vector<1x128xf32>
    %eq3A_1056 = vector.broadcast %broadcast_in_dim3A_1055 : vector<1x128xf32> to vector<200x128xf32>
    %eq3A_1057 = arith.cmpf oeq, %add3A_1052, %eq3A_1056 : vector<200x128xf32>
    %jit3A_1058 = arith.constant 1073741824 : i32
    %broadcast_in_dim3A_1059 = vector.broadcast %jit3A_1058 : i32 to vector<200x128xi32>
    %select_n3A_1060 = arith.select %eq3A_1057, %iota3A_802, %broadcast_in_dim3A_1059 : vector<200x128xi1>, vector<200x128xi32>
    %reduce_min3A_1061 = arith.constant dense<2147483647> : vector<128xi32>
    %reduce_min3A_1062 = vector.multi_reduction <minsi>, %select_n3A_1060, %reduce_min3A_1061 [0] : vector<200x128xi32> to vector<128xi32>
    %broadcast_in_dim3A_1063 = vector.shape_cast %reduce_min3A_1062 : vector<128xi32> to vector<1x128xi32>
    %add3A_1064 = arith.constant 600 : i32
    %add3A_1065 = vector.broadcast %add3A_1064 : i32 to vector<1x128xi32>
    %add3A_1066 = arith.addi %broadcast_in_dim3A_1063, %add3A_1065 : vector<1x128xi32>
    %gt3A_1067 = arith.cmpf ogt, %broadcast_in_dim3A_1055, %select_n3A_798 : vector<1x128xf32>
    %select_n3A_1068 = arith.select %gt3A_1067, %broadcast_in_dim3A_1055, %select_n3A_798 : vector<1x128xi1>, vector<1x128xf32>
    %select_n3A_1069 = arith.select %gt3A_1067, %add3A_1066, %select_n3A_799 : vector<1x128xi1>, vector<1x128xi32>
    %iota3A_1070 = tpu.iota {dimensions = array<i32: 0>} : vector<200x128xi32>
    %iota3A_1071 = tpu.iota {dimensions = array<i32: 1>} : vector<200x128xi32>
    %iota3A_1072 = tpu.iota {dimensions = array<i32: 0>} : vector<200x128xi32>
    %mul3A_1073 = arith.constant 1000 : i32
    %mul3A_1074 = vector.broadcast %mul3A_1073 : i32 to vector<200x128xi32>
    %mul3A_1075 = arith.muli %iota3A_1071, %mul3A_1074 : vector<200x128xi32>
    %add3A_1076 = vector.broadcast %mul3A_3 : i32 to vector<200x128xi32>
    %add3A_1077 = arith.addi %add3A_1076, %mul3A_1075 : vector<200x128xi32>
    %add3A_1078 = arith.constant 800 : i32
    %add3A_1079 = vector.broadcast %add3A_1078 : i32 to vector<200x128xi32>
    %add3A_1080 = arith.addi %iota3A_1070, %add3A_1079 : vector<200x128xi32>
    %add3A_1081 = arith.addi %add3A_1077, %add3A_1080 : vector<200x128xi32>
    %get3A_1082 = arith.constant 800 : index
    %get3A_1083 = arith.constant 0 : index
    %get3A_1084 = vector.load %arg1[%get3A_1082, %get3A_1083] : memref<1000x512xf32, #tpu.memory_space<vmem>>, vector<200x128xf32>
    %add3A_1085 = arith.constant 42 : i32
    %add3A_1086 = vector.broadcast %add3A_1085 : i32 to vector<200x128xi32>
    %add3A_1087 = arith.addi %add3A_1081, %add3A_1086 : vector<200x128xi32>
    %shift_left3A_1088 = arith.constant 13 : i32
    %shift_left3A_1089 = vector.broadcast %shift_left3A_1088 : i32 to vector<200x128xi32>
    %shift_left3A_1090 = arith.shli %add3A_1087, %shift_left3A_1089 : vector<200x128xi32>
    %shift_right_logical3A_1091 = arith.constant 19 : i32
    %shift_right_logical3A_1092 = vector.broadcast %shift_right_logical3A_1091 : i32 to vector<200x128xi32>
    %shift_right_logical3A_1093 = arith.shrui %add3A_1087, %shift_right_logical3A_1092 : vector<200x128xi32>
    %or3A_1094 = arith.ori %shift_left3A_1090, %shift_right_logical3A_1093 : vector<200x128xi32>
    %xor3A_1095 = arith.xori %add3A_1087, %or3A_1094 : vector<200x128xi32>
    %add3A_1096 = arith.addi %add3A_1087, %xor3A_1095 : vector<200x128xi32>
    %shift_left3A_1097 = arith.constant 15 : i32
    %shift_left3A_1098 = vector.broadcast %shift_left3A_1097 : i32 to vector<200x128xi32>
    %shift_left3A_1099 = arith.shli %xor3A_1095, %shift_left3A_1098 : vector<200x128xi32>
    %shift_right_logical3A_1100 = arith.constant 17 : i32
    %shift_right_logical3A_1101 = vector.broadcast %shift_right_logical3A_1100 : i32 to vector<200x128xi32>
    %shift_right_logical3A_1102 = arith.shrui %xor3A_1095, %shift_right_logical3A_1101 : vector<200x128xi32>
    %or3A_1103 = arith.ori %shift_left3A_1099, %shift_right_logical3A_1102 : vector<200x128xi32>
    %xor3A_1104 = arith.xori %add3A_1096, %or3A_1103 : vector<200x128xi32>
    %add3A_1105 = arith.addi %add3A_1096, %xor3A_1104 : vector<200x128xi32>
    %shift_left3A_1106 = arith.constant 26 : i32
    %shift_left3A_1107 = vector.broadcast %shift_left3A_1106 : i32 to vector<200x128xi32>
    %shift_left3A_1108 = arith.shli %xor3A_1104, %shift_left3A_1107 : vector<200x128xi32>
    %shift_right_logical3A_1109 = arith.constant 6 : i32
    %shift_right_logical3A_1110 = vector.broadcast %shift_right_logical3A_1109 : i32 to vector<200x128xi32>
    %shift_right_logical3A_1111 = arith.shrui %xor3A_1104, %shift_right_logical3A_1110 : vector<200x128xi32>
    %or3A_1112 = arith.ori %shift_left3A_1108, %shift_right_logical3A_1111 : vector<200x128xi32>
    %xor3A_1113 = arith.xori %add3A_1105, %or3A_1112 : vector<200x128xi32>
    %add3A_1114 = arith.addi %add3A_1105, %xor3A_1113 : vector<200x128xi32>
    %shift_left3A_1115 = arith.constant 6 : i32
    %shift_left3A_1116 = vector.broadcast %shift_left3A_1115 : i32 to vector<200x128xi32>
    %shift_left3A_1117 = arith.shli %xor3A_1113, %shift_left3A_1116 : vector<200x128xi32>
    %shift_right_logical3A_1118 = arith.constant 26 : i32
    %shift_right_logical3A_1119 = vector.broadcast %shift_right_logical3A_1118 : i32 to vector<200x128xi32>
    %shift_right_logical3A_1120 = arith.shrui %xor3A_1113, %shift_right_logical3A_1119 : vector<200x128xi32>
    %or3A_1121 = arith.ori %shift_left3A_1117, %shift_right_logical3A_1120 : vector<200x128xi32>
    %xor3A_1122 = arith.xori %add3A_1114, %or3A_1121 : vector<200x128xi32>
    %add3A_1123 = arith.constant 42 : i32
    %add3A_1124 = vector.broadcast %add3A_1123 : i32 to vector<200x128xi32>
    %add3A_1125 = arith.addi %add3A_1114, %add3A_1124 : vector<200x128xi32>
    %add3A_1126 = arith.constant 466689009 : i32
    %add3A_1127 = vector.broadcast %add3A_1126 : i32 to vector<200x128xi32>
    %add3A_1128 = arith.addi %xor3A_1122, %add3A_1127 : vector<200x128xi32>
    %add3A_1129 = arith.addi %add3A_1125, %add3A_1128 : vector<200x128xi32>
    %shift_left3A_1130 = arith.constant 17 : i32
    %shift_left3A_1131 = vector.broadcast %shift_left3A_1130 : i32 to vector<200x128xi32>
    %shift_left3A_1132 = arith.shli %add3A_1128, %shift_left3A_1131 : vector<200x128xi32>
    %shift_right_logical3A_1133 = arith.constant 15 : i32
    %shift_right_logical3A_1134 = vector.broadcast %shift_right_logical3A_1133 : i32 to vector<200x128xi32>
    %shift_right_logical3A_1135 = arith.shrui %add3A_1128, %shift_right_logical3A_1134 : vector<200x128xi32>
    %or3A_1136 = arith.ori %shift_left3A_1132, %shift_right_logical3A_1135 : vector<200x128xi32>
    %xor3A_1137 = arith.xori %add3A_1129, %or3A_1136 : vector<200x128xi32>
    %add3A_1138 = arith.addi %add3A_1129, %xor3A_1137 : vector<200x128xi32>
    %shift_left3A_1139 = arith.constant 29 : i32
    %shift_left3A_1140 = vector.broadcast %shift_left3A_1139 : i32 to vector<200x128xi32>
    %shift_left3A_1141 = arith.shli %xor3A_1137, %shift_left3A_1140 : vector<200x128xi32>
    %shift_right_logical3A_1142 = arith.constant 3 : i32
    %shift_right_logical3A_1143 = vector.broadcast %shift_right_logical3A_1142 : i32 to vector<200x128xi32>
    %shift_right_logical3A_1144 = arith.shrui %xor3A_1137, %shift_right_logical3A_1143 : vector<200x128xi32>
    %or3A_1145 = arith.ori %shift_left3A_1141, %shift_right_logical3A_1144 : vector<200x128xi32>
    %xor3A_1146 = arith.xori %add3A_1138, %or3A_1145 : vector<200x128xi32>
    %add3A_1147 = arith.addi %add3A_1138, %xor3A_1146 : vector<200x128xi32>
    %shift_left3A_1148 = arith.constant 16 : i32
    %shift_left3A_1149 = vector.broadcast %shift_left3A_1148 : i32 to vector<200x128xi32>
    %shift_left3A_1150 = arith.shli %xor3A_1146, %shift_left3A_1149 : vector<200x128xi32>
    %shift_right_logical3A_1151 = arith.constant 16 : i32
    %shift_right_logical3A_1152 = vector.broadcast %shift_right_logical3A_1151 : i32 to vector<200x128xi32>
    %shift_right_logical3A_1153 = arith.shrui %xor3A_1146, %shift_right_logical3A_1152 : vector<200x128xi32>
    %or3A_1154 = arith.ori %shift_left3A_1150, %shift_right_logical3A_1153 : vector<200x128xi32>
    %xor3A_1155 = arith.xori %add3A_1147, %or3A_1154 : vector<200x128xi32>
    %add3A_1156 = arith.addi %add3A_1147, %xor3A_1155 : vector<200x128xi32>
    %shift_left3A_1157 = arith.constant 24 : i32
    %shift_left3A_1158 = vector.broadcast %shift_left3A_1157 : i32 to vector<200x128xi32>
    %shift_left3A_1159 = arith.shli %xor3A_1155, %shift_left3A_1158 : vector<200x128xi32>
    %shift_right_logical3A_1160 = arith.constant 8 : i32
    %shift_right_logical3A_1161 = vector.broadcast %shift_right_logical3A_1160 : i32 to vector<200x128xi32>
    %shift_right_logical3A_1162 = arith.shrui %xor3A_1155, %shift_right_logical3A_1161 : vector<200x128xi32>
    %or3A_1163 = arith.ori %shift_left3A_1159, %shift_right_logical3A_1162 : vector<200x128xi32>
    %xor3A_1164 = arith.xori %add3A_1156, %or3A_1163 : vector<200x128xi32>
    %add3A_1165 = arith.constant 466689008 : i32
    %add3A_1166 = vector.broadcast %add3A_1165 : i32 to vector<200x128xi32>
    %add3A_1167 = arith.addi %add3A_1156, %add3A_1166 : vector<200x128xi32>
    %add3A_1168 = arith.constant 2 : i32
    %add3A_1169 = vector.broadcast %add3A_1168 : i32 to vector<200x128xi32>
    %add3A_1170 = arith.addi %xor3A_1164, %add3A_1169 : vector<200x128xi32>
    %add3A_1171 = arith.addi %add3A_1167, %add3A_1170 : vector<200x128xi32>
    %shift_left3A_1172 = arith.constant 13 : i32
    %shift_left3A_1173 = vector.broadcast %shift_left3A_1172 : i32 to vector<200x128xi32>
    %shift_left3A_1174 = arith.shli %add3A_1170, %shift_left3A_1173 : vector<200x128xi32>
    %shift_right_logical3A_1175 = arith.constant 19 : i32
    %shift_right_logical3A_1176 = vector.broadcast %shift_right_logical3A_1175 : i32 to vector<200x128xi32>
    %shift_right_logical3A_1177 = arith.shrui %add3A_1170, %shift_right_logical3A_1176 : vector<200x128xi32>
    %or3A_1178 = arith.ori %shift_left3A_1174, %shift_right_logical3A_1177 : vector<200x128xi32>
    %xor3A_1179 = arith.xori %add3A_1171, %or3A_1178 : vector<200x128xi32>
    %add3A_1180 = arith.addi %add3A_1171, %xor3A_1179 : vector<200x128xi32>
    %shift_left3A_1181 = arith.constant 15 : i32
    %shift_left3A_1182 = vector.broadcast %shift_left3A_1181 : i32 to vector<200x128xi32>
    %shift_left3A_1183 = arith.shli %xor3A_1179, %shift_left3A_1182 : vector<200x128xi32>
    %shift_right_logical3A_1184 = arith.constant 17 : i32
    %shift_right_logical3A_1185 = vector.broadcast %shift_right_logical3A_1184 : i32 to vector<200x128xi32>
    %shift_right_logical3A_1186 = arith.shrui %xor3A_1179, %shift_right_logical3A_1185 : vector<200x128xi32>
    %or3A_1187 = arith.ori %shift_left3A_1183, %shift_right_logical3A_1186 : vector<200x128xi32>
    %xor3A_1188 = arith.xori %add3A_1180, %or3A_1187 : vector<200x128xi32>
    %add3A_1189 = arith.addi %add3A_1180, %xor3A_1188 : vector<200x128xi32>
    %shift_left3A_1190 = arith.constant 26 : i32
    %shift_left3A_1191 = vector.broadcast %shift_left3A_1190 : i32 to vector<200x128xi32>
    %shift_left3A_1192 = arith.shli %xor3A_1188, %shift_left3A_1191 : vector<200x128xi32>
    %shift_right_logical3A_1193 = arith.constant 6 : i32
    %shift_right_logical3A_1194 = vector.broadcast %shift_right_logical3A_1193 : i32 to vector<200x128xi32>
    %shift_right_logical3A_1195 = arith.shrui %xor3A_1188, %shift_right_logical3A_1194 : vector<200x128xi32>
    %or3A_1196 = arith.ori %shift_left3A_1192, %shift_right_logical3A_1195 : vector<200x128xi32>
    %xor3A_1197 = arith.xori %add3A_1189, %or3A_1196 : vector<200x128xi32>
    %add3A_1198 = arith.addi %add3A_1189, %xor3A_1197 : vector<200x128xi32>
    %shift_left3A_1199 = arith.constant 6 : i32
    %shift_left3A_1200 = vector.broadcast %shift_left3A_1199 : i32 to vector<200x128xi32>
    %shift_left3A_1201 = arith.shli %xor3A_1197, %shift_left3A_1200 : vector<200x128xi32>
    %shift_right_logical3A_1202 = arith.constant 26 : i32
    %shift_right_logical3A_1203 = vector.broadcast %shift_right_logical3A_1202 : i32 to vector<200x128xi32>
    %shift_right_logical3A_1204 = arith.shrui %xor3A_1197, %shift_right_logical3A_1203 : vector<200x128xi32>
    %or3A_1205 = arith.ori %shift_left3A_1201, %shift_right_logical3A_1204 : vector<200x128xi32>
    %xor3A_1206 = arith.xori %add3A_1198, %or3A_1205 : vector<200x128xi32>
    %add3A_1207 = arith.constant 0 : i32
    %add3A_1208 = vector.broadcast %add3A_1207 : i32 to vector<200x128xi32>
    %add3A_1209 = arith.addi %add3A_1198, %add3A_1208 : vector<200x128xi32>
    %add3A_1210 = arith.constant 45 : i32
    %add3A_1211 = vector.broadcast %add3A_1210 : i32 to vector<200x128xi32>
    %add3A_1212 = arith.addi %xor3A_1206, %add3A_1211 : vector<200x128xi32>
    %add3A_1213 = arith.addi %add3A_1209, %add3A_1212 : vector<200x128xi32>
    %shift_left3A_1214 = arith.constant 17 : i32
    %shift_left3A_1215 = vector.broadcast %shift_left3A_1214 : i32 to vector<200x128xi32>
    %shift_left3A_1216 = arith.shli %add3A_1212, %shift_left3A_1215 : vector<200x128xi32>
    %shift_right_logical3A_1217 = arith.constant 15 : i32
    %shift_right_logical3A_1218 = vector.broadcast %shift_right_logical3A_1217 : i32 to vector<200x128xi32>
    %shift_right_logical3A_1219 = arith.shrui %add3A_1212, %shift_right_logical3A_1218 : vector<200x128xi32>
    %or3A_1220 = arith.ori %shift_left3A_1216, %shift_right_logical3A_1219 : vector<200x128xi32>
    %xor3A_1221 = arith.xori %add3A_1213, %or3A_1220 : vector<200x128xi32>
    %add3A_1222 = arith.addi %add3A_1213, %xor3A_1221 : vector<200x128xi32>
    %shift_left3A_1223 = arith.constant 29 : i32
    %shift_left3A_1224 = vector.broadcast %shift_left3A_1223 : i32 to vector<200x128xi32>
    %shift_left3A_1225 = arith.shli %xor3A_1221, %shift_left3A_1224 : vector<200x128xi32>
    %shift_right_logical3A_1226 = arith.constant 3 : i32
    %shift_right_logical3A_1227 = vector.broadcast %shift_right_logical3A_1226 : i32 to vector<200x128xi32>
    %shift_right_logical3A_1228 = arith.shrui %xor3A_1221, %shift_right_logical3A_1227 : vector<200x128xi32>
    %or3A_1229 = arith.ori %shift_left3A_1225, %shift_right_logical3A_1228 : vector<200x128xi32>
    %xor3A_1230 = arith.xori %add3A_1222, %or3A_1229 : vector<200x128xi32>
    %add3A_1231 = arith.addi %add3A_1222, %xor3A_1230 : vector<200x128xi32>
    %shift_left3A_1232 = arith.constant 16 : i32
    %shift_left3A_1233 = vector.broadcast %shift_left3A_1232 : i32 to vector<200x128xi32>
    %shift_left3A_1234 = arith.shli %xor3A_1230, %shift_left3A_1233 : vector<200x128xi32>
    %shift_right_logical3A_1235 = arith.constant 16 : i32
    %shift_right_logical3A_1236 = vector.broadcast %shift_right_logical3A_1235 : i32 to vector<200x128xi32>
    %shift_right_logical3A_1237 = arith.shrui %xor3A_1230, %shift_right_logical3A_1236 : vector<200x128xi32>
    %or3A_1238 = arith.ori %shift_left3A_1234, %shift_right_logical3A_1237 : vector<200x128xi32>
    %xor3A_1239 = arith.xori %add3A_1231, %or3A_1238 : vector<200x128xi32>
    %add3A_1240 = arith.addi %add3A_1231, %xor3A_1239 : vector<200x128xi32>
    %shift_left3A_1241 = arith.constant 24 : i32
    %shift_left3A_1242 = vector.broadcast %shift_left3A_1241 : i32 to vector<200x128xi32>
    %shift_left3A_1243 = arith.shli %xor3A_1239, %shift_left3A_1242 : vector<200x128xi32>
    %shift_right_logical3A_1244 = arith.constant 8 : i32
    %shift_right_logical3A_1245 = vector.broadcast %shift_right_logical3A_1244 : i32 to vector<200x128xi32>
    %shift_right_logical3A_1246 = arith.shrui %xor3A_1239, %shift_right_logical3A_1245 : vector<200x128xi32>
    %or3A_1247 = arith.ori %shift_left3A_1243, %shift_right_logical3A_1246 : vector<200x128xi32>
    %xor3A_1248 = arith.xori %add3A_1240, %or3A_1247 : vector<200x128xi32>
    %add3A_1249 = arith.constant 42 : i32
    %add3A_1250 = vector.broadcast %add3A_1249 : i32 to vector<200x128xi32>
    %add3A_1251 = arith.addi %add3A_1240, %add3A_1250 : vector<200x128xi32>
    %add3A_1252 = arith.constant 466689012 : i32
    %add3A_1253 = vector.broadcast %add3A_1252 : i32 to vector<200x128xi32>
    %add3A_1254 = arith.addi %xor3A_1248, %add3A_1253 : vector<200x128xi32>
    %add3A_1255 = arith.addi %add3A_1251, %add3A_1254 : vector<200x128xi32>
    %shift_left3A_1256 = arith.constant 13 : i32
    %shift_left3A_1257 = vector.broadcast %shift_left3A_1256 : i32 to vector<200x128xi32>
    %shift_left3A_1258 = arith.shli %add3A_1254, %shift_left3A_1257 : vector<200x128xi32>
    %shift_right_logical3A_1259 = arith.constant 19 : i32
    %shift_right_logical3A_1260 = vector.broadcast %shift_right_logical3A_1259 : i32 to vector<200x128xi32>
    %shift_right_logical3A_1261 = arith.shrui %add3A_1254, %shift_right_logical3A_1260 : vector<200x128xi32>
    %or3A_1262 = arith.ori %shift_left3A_1258, %shift_right_logical3A_1261 : vector<200x128xi32>
    %xor3A_1263 = arith.xori %add3A_1255, %or3A_1262 : vector<200x128xi32>
    %add3A_1264 = arith.addi %add3A_1255, %xor3A_1263 : vector<200x128xi32>
    %shift_left3A_1265 = arith.constant 15 : i32
    %shift_left3A_1266 = vector.broadcast %shift_left3A_1265 : i32 to vector<200x128xi32>
    %shift_left3A_1267 = arith.shli %xor3A_1263, %shift_left3A_1266 : vector<200x128xi32>
    %shift_right_logical3A_1268 = arith.constant 17 : i32
    %shift_right_logical3A_1269 = vector.broadcast %shift_right_logical3A_1268 : i32 to vector<200x128xi32>
    %shift_right_logical3A_1270 = arith.shrui %xor3A_1263, %shift_right_logical3A_1269 : vector<200x128xi32>
    %or3A_1271 = arith.ori %shift_left3A_1267, %shift_right_logical3A_1270 : vector<200x128xi32>
    %xor3A_1272 = arith.xori %add3A_1264, %or3A_1271 : vector<200x128xi32>
    %add3A_1273 = arith.addi %add3A_1264, %xor3A_1272 : vector<200x128xi32>
    %shift_left3A_1274 = arith.constant 26 : i32
    %shift_left3A_1275 = vector.broadcast %shift_left3A_1274 : i32 to vector<200x128xi32>
    %shift_left3A_1276 = arith.shli %xor3A_1272, %shift_left3A_1275 : vector<200x128xi32>
    %shift_right_logical3A_1277 = arith.constant 6 : i32
    %shift_right_logical3A_1278 = vector.broadcast %shift_right_logical3A_1277 : i32 to vector<200x128xi32>
    %shift_right_logical3A_1279 = arith.shrui %xor3A_1272, %shift_right_logical3A_1278 : vector<200x128xi32>
    %or3A_1280 = arith.ori %shift_left3A_1276, %shift_right_logical3A_1279 : vector<200x128xi32>
    %xor3A_1281 = arith.xori %add3A_1273, %or3A_1280 : vector<200x128xi32>
    %add3A_1282 = arith.addi %add3A_1273, %xor3A_1281 : vector<200x128xi32>
    %shift_left3A_1283 = arith.constant 6 : i32
    %shift_left3A_1284 = vector.broadcast %shift_left3A_1283 : i32 to vector<200x128xi32>
    %shift_left3A_1285 = arith.shli %xor3A_1281, %shift_left3A_1284 : vector<200x128xi32>
    %shift_right_logical3A_1286 = arith.constant 26 : i32
    %shift_right_logical3A_1287 = vector.broadcast %shift_right_logical3A_1286 : i32 to vector<200x128xi32>
    %shift_right_logical3A_1288 = arith.shrui %xor3A_1281, %shift_right_logical3A_1287 : vector<200x128xi32>
    %or3A_1289 = arith.ori %shift_left3A_1285, %shift_right_logical3A_1288 : vector<200x128xi32>
    %xor3A_1290 = arith.xori %add3A_1282, %or3A_1289 : vector<200x128xi32>
    %add3A_1291 = arith.constant 466689008 : i32
    %add3A_1292 = vector.broadcast %add3A_1291 : i32 to vector<200x128xi32>
    %add3A_1293 = arith.addi %add3A_1282, %add3A_1292 : vector<200x128xi32>
    %add3A_1294 = arith.constant 5 : i32
    %add3A_1295 = vector.broadcast %add3A_1294 : i32 to vector<200x128xi32>
    %add3A_1296 = arith.addi %xor3A_1290, %add3A_1295 : vector<200x128xi32>
    %xor3A_1297 = arith.xori %add3A_1293, %add3A_1296 : vector<200x128xi32>
    %shift_right_logical3A_1298 = arith.constant 9 : i32
    %shift_right_logical3A_1299 = vector.broadcast %shift_right_logical3A_1298 : i32 to vector<200x128xi32>
    %shift_right_logical3A_1300 = arith.shrui %xor3A_1297, %shift_right_logical3A_1299 : vector<200x128xi32>
    %or3A_1301 = arith.constant 1065353216 : i32
    %or3A_1302 = vector.broadcast %or3A_1301 : i32 to vector<200x128xi32>
    %or3A_1303 = arith.ori %shift_right_logical3A_1300, %or3A_1302 : vector<200x128xi32>
    %bitcast_convert_type3A_1304 = tpu.bitcast %or3A_1303 : vector<200x128xi32> -> vector<200x128xf32>
    %sub3A_1305 = arith.constant 1.000000e+00 : f32
    %sub3A_1306 = vector.broadcast %sub3A_1305 : f32 to vector<200x128xf32>
    %sub3A_1307 = arith.subf %bitcast_convert_type3A_1304, %sub3A_1306 : vector<200x128xf32>
    %add3A_1308 = arith.constant 1.000000e-10 : f32
    %add3A_1309 = vector.broadcast %add3A_1308 : f32 to vector<200x128xf32>
    %add3A_1310 = arith.addf %sub3A_1307, %add3A_1309 : vector<200x128xf32>
    %max3A_1311 = arith.constant 1.000000e-10 : f32
    %max3A_1312 = vector.broadcast %max3A_1311 : f32 to vector<200x128xf32>
    %max3A_1313 = arith.maximumf %max3A_1312, %add3A_1310 : vector<200x128xf32>
    %log3A_1314 = math.log %max3A_1313 : vector<200x128xf32>
    %neg3A_1315 = arith.constant 0.000000e+00 : f32
    %neg3A_1316 = vector.broadcast %neg3A_1315 : f32 to vector<200x128xf32>
    %neg3A_1317 = arith.subf %neg3A_1316, %log3A_1314 : vector<200x128xf32>
    %log3A_1318 = math.log %neg3A_1317 : vector<200x128xf32>
    %neg3A_1319 = arith.constant 0.000000e+00 : f32
    %neg3A_1320 = vector.broadcast %neg3A_1319 : f32 to vector<200x128xf32>
    %neg3A_1321 = arith.subf %neg3A_1320, %log3A_1318 : vector<200x128xf32>
    %add3A_1322 = arith.addf %get3A_1084, %neg3A_1321 : vector<200x128xf32>
    %reduce_max3A_1323 = arith.constant dense<0xFF800000> : vector<128xf32>
    %reduce_max3A_1324 = vector.multi_reduction <maximumf>, %add3A_1322, %reduce_max3A_1323 [0] : vector<200x128xf32> to vector<128xf32>
    %broadcast_in_dim3A_1325 = vector.shape_cast %reduce_max3A_1324 : vector<128xf32> to vector<1x128xf32>
    %eq3A_1326 = vector.broadcast %broadcast_in_dim3A_1325 : vector<1x128xf32> to vector<200x128xf32>
    %eq3A_1327 = arith.cmpf oeq, %add3A_1322, %eq3A_1326 : vector<200x128xf32>
    %jit3A_1328 = arith.constant 1073741824 : i32
    %broadcast_in_dim3A_1329 = vector.broadcast %jit3A_1328 : i32 to vector<200x128xi32>
    %select_n3A_1330 = arith.select %eq3A_1327, %iota3A_1072, %broadcast_in_dim3A_1329 : vector<200x128xi1>, vector<200x128xi32>
    %reduce_min3A_1331 = arith.constant dense<2147483647> : vector<128xi32>
    %reduce_min3A_1332 = vector.multi_reduction <minsi>, %select_n3A_1330, %reduce_min3A_1331 [0] : vector<200x128xi32> to vector<128xi32>
    %broadcast_in_dim3A_1333 = vector.shape_cast %reduce_min3A_1332 : vector<128xi32> to vector<1x128xi32>
    %add3A_1334 = arith.constant 800 : i32
    %add3A_1335 = vector.broadcast %add3A_1334 : i32 to vector<1x128xi32>
    %add3A_1336 = arith.addi %broadcast_in_dim3A_1333, %add3A_1335 : vector<1x128xi32>
    %gt3A_1337 = arith.cmpf ogt, %broadcast_in_dim3A_1325, %select_n3A_1068 : vector<1x128xf32>
    %select_n3A_1338 = arith.select %gt3A_1337, %add3A_1336, %select_n3A_1069 : vector<1x128xi1>, vector<1x128xi32>
    %squeeze3A = vector.shape_cast %select_n3A_1338 : vector<1x128xi32> to vector<128xi32>
    %swap3A = arith.constant 0 : index
    %swap3A_1339 = arith.constant 0 : index
    %swap3A_1340 = arith.constant 0 : index
    %swap3A_1341 = vector.load %arg2[%swap3A, %swap3A_1339, %swap3A_1340] : memref<1x1x512xi32, #tpu.memory_space<vmem>>, vector<1x1x128xi32>
    %swap3A_1342 = vector.shape_cast %swap3A_1341 : vector<1x1x128xi32> to vector<128xi32>
    %swap3A_1343 = vector.shape_cast %squeeze3A : vector<128xi32> to vector<1x1x128xi32>
    tpu.vector_store %arg2[%swap3A, %swap3A_1339, %swap3A_1340], %swap3A_1343 {strides = array<i32>} : memref<1x1x512xi32, #tpu.memory_space<vmem>>, vector<1x1x128xi32>,
    %mul3A_1344 = arith.constant 512 : i32
    %mul3A_1345 = arith.muli %arg0, %mul3A_1344 : i32
    %add3A_1346 = arith.constant 128 : i32
    %add3A_1347 = arith.addi %mul3A_1345, %add3A_1346 : i32
    %mul3A_1348 = arith.constant 1000 : i32
    %mul3A_1349 = arith.muli %add3A_1347, %mul3A_1348 : i32
    %broadcast_in_dim3A_1350 = arith.constant 0xFF800000 : f32
    %broadcast_in_dim3A_1351 = vector.broadcast %broadcast_in_dim3A_1350 : f32 to vector<1x128xf32>
    %broadcast_in_dim3A_1352 = arith.constant 0 : i32
    %broadcast_in_dim3A_1353 = vector.broadcast %broadcast_in_dim3A_1352 : i32 to vector<1x128xi32>
    %iota3A_1354 = tpu.iota {dimensions = array<i32: 0>} : vector<200x128xi32>
    %iota3A_1355 = tpu.iota {dimensions = array<i32: 1>} : vector<200x128xi32>
    %iota3A_1356 = tpu.iota {dimensions = array<i32: 0>} : vector<200x128xi32>
    %mul3A_1357 = arith.constant 1000 : i32
    %mul3A_1358 = vector.broadcast %mul3A_1357 : i32 to vector<200x128xi32>
    %mul3A_1359 = arith.muli %iota3A_1355, %mul3A_1358 : vector<200x128xi32>
    %add3A_1360 = vector.broadcast %mul3A_1349 : i32 to vector<200x128xi32>
    %add3A_1361 = arith.addi %add3A_1360, %mul3A_1359 : vector<200x128xi32>
    %add3A_1362 = arith.constant 0 : i32
    %add3A_1363 = vector.broadcast %add3A_1362 : i32 to vector<200x128xi32>
    %add3A_1364 = arith.addi %iota3A_1354, %add3A_1363 : vector<200x128xi32>
    %add3A_1365 = arith.addi %add3A_1361, %add3A_1364 : vector<200x128xi32>
    %get3A_1366 = arith.constant 0 : index
    %get3A_1367 = arith.constant 128 : index
    %get3A_1368 = vector.load %arg1[%get3A_1366, %get3A_1367] : memref<1000x512xf32, #tpu.memory_space<vmem>>, vector<200x128xf32>
    %add3A_1369 = arith.constant 42 : i32
    %add3A_1370 = vector.broadcast %add3A_1369 : i32 to vector<200x128xi32>
    %add3A_1371 = arith.addi %add3A_1365, %add3A_1370 : vector<200x128xi32>
    %shift_left3A_1372 = arith.constant 13 : i32
    %shift_left3A_1373 = vector.broadcast %shift_left3A_1372 : i32 to vector<200x128xi32>
    %shift_left3A_1374 = arith.shli %add3A_1371, %shift_left3A_1373 : vector<200x128xi32>
    %shift_right_logical3A_1375 = arith.constant 19 : i32
    %shift_right_logical3A_1376 = vector.broadcast %shift_right_logical3A_1375 : i32 to vector<200x128xi32>
    %shift_right_logical3A_1377 = arith.shrui %add3A_1371, %shift_right_logical3A_1376 : vector<200x128xi32>
    %or3A_1378 = arith.ori %shift_left3A_1374, %shift_right_logical3A_1377 : vector<200x128xi32>
    %xor3A_1379 = arith.xori %add3A_1371, %or3A_1378 : vector<200x128xi32>
    %add3A_1380 = arith.addi %add3A_1371, %xor3A_1379 : vector<200x128xi32>
    %shift_left3A_1381 = arith.constant 15 : i32
    %shift_left3A_1382 = vector.broadcast %shift_left3A_1381 : i32 to vector<200x128xi32>
    %shift_left3A_1383 = arith.shli %xor3A_1379, %shift_left3A_1382 : vector<200x128xi32>
    %shift_right_logical3A_1384 = arith.constant 17 : i32
    %shift_right_logical3A_1385 = vector.broadcast %shift_right_logical3A_1384 : i32 to vector<200x128xi32>
    %shift_right_logical3A_1386 = arith.shrui %xor3A_1379, %shift_right_logical3A_1385 : vector<200x128xi32>
    %or3A_1387 = arith.ori %shift_left3A_1383, %shift_right_logical3A_1386 : vector<200x128xi32>
    %xor3A_1388 = arith.xori %add3A_1380, %or3A_1387 : vector<200x128xi32>
    %add3A_1389 = arith.addi %add3A_1380, %xor3A_1388 : vector<200x128xi32>
    %shift_left3A_1390 = arith.constant 26 : i32
    %shift_left3A_1391 = vector.broadcast %shift_left3A_1390 : i32 to vector<200x128xi32>
    %shift_left3A_1392 = arith.shli %xor3A_1388, %shift_left3A_1391 : vector<200x128xi32>
    %shift_right_logical3A_1393 = arith.constant 6 : i32
    %shift_right_logical3A_1394 = vector.broadcast %shift_right_logical3A_1393 : i32 to vector<200x128xi32>
    %shift_right_logical3A_1395 = arith.shrui %xor3A_1388, %shift_right_logical3A_1394 : vector<200x128xi32>
    %or3A_1396 = arith.ori %shift_left3A_1392, %shift_right_logical3A_1395 : vector<200x128xi32>
    %xor3A_1397 = arith.xori %add3A_1389, %or3A_1396 : vector<200x128xi32>
    %add3A_1398 = arith.addi %add3A_1389, %xor3A_1397 : vector<200x128xi32>
    %shift_left3A_1399 = arith.constant 6 : i32
    %shift_left3A_1400 = vector.broadcast %shift_left3A_1399 : i32 to vector<200x128xi32>
    %shift_left3A_1401 = arith.shli %xor3A_1397, %shift_left3A_1400 : vector<200x128xi32>
    %shift_right_logical3A_1402 = arith.constant 26 : i32
    %shift_right_logical3A_1403 = vector.broadcast %shift_right_logical3A_1402 : i32 to vector<200x128xi32>
    %shift_right_logical3A_1404 = arith.shrui %xor3A_1397, %shift_right_logical3A_1403 : vector<200x128xi32>
    %or3A_1405 = arith.ori %shift_left3A_1401, %shift_right_logical3A_1404 : vector<200x128xi32>
    %xor3A_1406 = arith.xori %add3A_1398, %or3A_1405 : vector<200x128xi32>
    %add3A_1407 = arith.constant 42 : i32
    %add3A_1408 = vector.broadcast %add3A_1407 : i32 to vector<200x128xi32>
    %add3A_1409 = arith.addi %add3A_1398, %add3A_1408 : vector<200x128xi32>
    %add3A_1410 = arith.constant 466689009 : i32
    %add3A_1411 = vector.broadcast %add3A_1410 : i32 to vector<200x128xi32>
    %add3A_1412 = arith.addi %xor3A_1406, %add3A_1411 : vector<200x128xi32>
    %add3A_1413 = arith.addi %add3A_1409, %add3A_1412 : vector<200x128xi32>
    %shift_left3A_1414 = arith.constant 17 : i32
    %shift_left3A_1415 = vector.broadcast %shift_left3A_1414 : i32 to vector<200x128xi32>
    %shift_left3A_1416 = arith.shli %add3A_1412, %shift_left3A_1415 : vector<200x128xi32>
    %shift_right_logical3A_1417 = arith.constant 15 : i32
    %shift_right_logical3A_1418 = vector.broadcast %shift_right_logical3A_1417 : i32 to vector<200x128xi32>
    %shift_right_logical3A_1419 = arith.shrui %add3A_1412, %shift_right_logical3A_1418 : vector<200x128xi32>
    %or3A_1420 = arith.ori %shift_left3A_1416, %shift_right_logical3A_1419 : vector<200x128xi32>
    %xor3A_1421 = arith.xori %add3A_1413, %or3A_1420 : vector<200x128xi32>
    %add3A_1422 = arith.addi %add3A_1413, %xor3A_1421 : vector<200x128xi32>
    %shift_left3A_1423 = arith.constant 29 : i32
    %shift_left3A_1424 = vector.broadcast %shift_left3A_1423 : i32 to vector<200x128xi32>
    %shift_left3A_1425 = arith.shli %xor3A_1421, %shift_left3A_1424 : vector<200x128xi32>
    %shift_right_logical3A_1426 = arith.constant 3 : i32
    %shift_right_logical3A_1427 = vector.broadcast %shift_right_logical3A_1426 : i32 to vector<200x128xi32>
    %shift_right_logical3A_1428 = arith.shrui %xor3A_1421, %shift_right_logical3A_1427 : vector<200x128xi32>
    %or3A_1429 = arith.ori %shift_left3A_1425, %shift_right_logical3A_1428 : vector<200x128xi32>
    %xor3A_1430 = arith.xori %add3A_1422, %or3A_1429 : vector<200x128xi32>
    %add3A_1431 = arith.addi %add3A_1422, %xor3A_1430 : vector<200x128xi32>
    %shift_left3A_1432 = arith.constant 16 : i32
    %shift_left3A_1433 = vector.broadcast %shift_left3A_1432 : i32 to vector<200x128xi32>
    %shift_left3A_1434 = arith.shli %xor3A_1430, %shift_left3A_1433 : vector<200x128xi32>
    %shift_right_logical3A_1435 = arith.constant 16 : i32
    %shift_right_logical3A_1436 = vector.broadcast %shift_right_logical3A_1435 : i32 to vector<200x128xi32>
    %shift_right_logical3A_1437 = arith.shrui %xor3A_1430, %shift_right_logical3A_1436 : vector<200x128xi32>
    %or3A_1438 = arith.ori %shift_left3A_1434, %shift_right_logical3A_1437 : vector<200x128xi32>
    %xor3A_1439 = arith.xori %add3A_1431, %or3A_1438 : vector<200x128xi32>
    %add3A_1440 = arith.addi %add3A_1431, %xor3A_1439 : vector<200x128xi32>
    %shift_left3A_1441 = arith.constant 24 : i32
    %shift_left3A_1442 = vector.broadcast %shift_left3A_1441 : i32 to vector<200x128xi32>
    %shift_left3A_1443 = arith.shli %xor3A_1439, %shift_left3A_1442 : vector<200x128xi32>
    %shift_right_logical3A_1444 = arith.constant 8 : i32
    %shift_right_logical3A_1445 = vector.broadcast %shift_right_logical3A_1444 : i32 to vector<200x128xi32>
    %shift_right_logical3A_1446 = arith.shrui %xor3A_1439, %shift_right_logical3A_1445 : vector<200x128xi32>
    %or3A_1447 = arith.ori %shift_left3A_1443, %shift_right_logical3A_1446 : vector<200x128xi32>
    %xor3A_1448 = arith.xori %add3A_1440, %or3A_1447 : vector<200x128xi32>
    %add3A_1449 = arith.constant 466689008 : i32
    %add3A_1450 = vector.broadcast %add3A_1449 : i32 to vector<200x128xi32>
    %add3A_1451 = arith.addi %add3A_1440, %add3A_1450 : vector<200x128xi32>
    %add3A_1452 = arith.constant 2 : i32
    %add3A_1453 = vector.broadcast %add3A_1452 : i32 to vector<200x128xi32>
    %add3A_1454 = arith.addi %xor3A_1448, %add3A_1453 : vector<200x128xi32>
    %add3A_1455 = arith.addi %add3A_1451, %add3A_1454 : vector<200x128xi32>
    %shift_left3A_1456 = arith.constant 13 : i32
    %shift_left3A_1457 = vector.broadcast %shift_left3A_1456 : i32 to vector<200x128xi32>
    %shift_left3A_1458 = arith.shli %add3A_1454, %shift_left3A_1457 : vector<200x128xi32>
    %shift_right_logical3A_1459 = arith.constant 19 : i32
    %shift_right_logical3A_1460 = vector.broadcast %shift_right_logical3A_1459 : i32 to vector<200x128xi32>
    %shift_right_logical3A_1461 = arith.shrui %add3A_1454, %shift_right_logical3A_1460 : vector<200x128xi32>
    %or3A_1462 = arith.ori %shift_left3A_1458, %shift_right_logical3A_1461 : vector<200x128xi32>
    %xor3A_1463 = arith.xori %add3A_1455, %or3A_1462 : vector<200x128xi32>
    %add3A_1464 = arith.addi %add3A_1455, %xor3A_1463 : vector<200x128xi32>
    %shift_left3A_1465 = arith.constant 15 : i32
    %shift_left3A_1466 = vector.broadcast %shift_left3A_1465 : i32 to vector<200x128xi32>
    %shift_left3A_1467 = arith.shli %xor3A_1463, %shift_left3A_1466 : vector<200x128xi32>
    %shift_right_logical3A_1468 = arith.constant 17 : i32
    %shift_right_logical3A_1469 = vector.broadcast %shift_right_logical3A_1468 : i32 to vector<200x128xi32>
    %shift_right_logical3A_1470 = arith.shrui %xor3A_1463, %shift_right_logical3A_1469 : vector<200x128xi32>
    %or3A_1471 = arith.ori %shift_left3A_1467, %shift_right_logical3A_1470 : vector<200x128xi32>
    %xor3A_1472 = arith.xori %add3A_1464, %or3A_1471 : vector<200x128xi32>
    %add3A_1473 = arith.addi %add3A_1464, %xor3A_1472 : vector<200x128xi32>
    %shift_left3A_1474 = arith.constant 26 : i32
    %shift_left3A_1475 = vector.broadcast %shift_left3A_1474 : i32 to vector<200x128xi32>
    %shift_left3A_1476 = arith.shli %xor3A_1472, %shift_left3A_1475 : vector<200x128xi32>
    %shift_right_logical3A_1477 = arith.constant 6 : i32
    %shift_right_logical3A_1478 = vector.broadcast %shift_right_logical3A_1477 : i32 to vector<200x128xi32>
    %shift_right_logical3A_1479 = arith.shrui %xor3A_1472, %shift_right_logical3A_1478 : vector<200x128xi32>
    %or3A_1480 = arith.ori %shift_left3A_1476, %shift_right_logical3A_1479 : vector<200x128xi32>
    %xor3A_1481 = arith.xori %add3A_1473, %or3A_1480 : vector<200x128xi32>
    %add3A_1482 = arith.addi %add3A_1473, %xor3A_1481 : vector<200x128xi32>
    %shift_left3A_1483 = arith.constant 6 : i32
    %shift_left3A_1484 = vector.broadcast %shift_left3A_1483 : i32 to vector<200x128xi32>
    %shift_left3A_1485 = arith.shli %xor3A_1481, %shift_left3A_1484 : vector<200x128xi32>
    %shift_right_logical3A_1486 = arith.constant 26 : i32
    %shift_right_logical3A_1487 = vector.broadcast %shift_right_logical3A_1486 : i32 to vector<200x128xi32>
    %shift_right_logical3A_1488 = arith.shrui %xor3A_1481, %shift_right_logical3A_1487 : vector<200x128xi32>
    %or3A_1489 = arith.ori %shift_left3A_1485, %shift_right_logical3A_1488 : vector<200x128xi32>
    %xor3A_1490 = arith.xori %add3A_1482, %or3A_1489 : vector<200x128xi32>
    %add3A_1491 = arith.constant 0 : i32
    %add3A_1492 = vector.broadcast %add3A_1491 : i32 to vector<200x128xi32>
    %add3A_1493 = arith.addi %add3A_1482, %add3A_1492 : vector<200x128xi32>
    %add3A_1494 = arith.constant 45 : i32
    %add3A_1495 = vector.broadcast %add3A_1494 : i32 to vector<200x128xi32>
    %add3A_1496 = arith.addi %xor3A_1490, %add3A_1495 : vector<200x128xi32>
    %add3A_1497 = arith.addi %add3A_1493, %add3A_1496 : vector<200x128xi32>
    %shift_left3A_1498 = arith.constant 17 : i32
    %shift_left3A_1499 = vector.broadcast %shift_left3A_1498 : i32 to vector<200x128xi32>
    %shift_left3A_1500 = arith.shli %add3A_1496, %shift_left3A_1499 : vector<200x128xi32>
    %shift_right_logical3A_1501 = arith.constant 15 : i32
    %shift_right_logical3A_1502 = vector.broadcast %shift_right_logical3A_1501 : i32 to vector<200x128xi32>
    %shift_right_logical3A_1503 = arith.shrui %add3A_1496, %shift_right_logical3A_1502 : vector<200x128xi32>
    %or3A_1504 = arith.ori %shift_left3A_1500, %shift_right_logical3A_1503 : vector<200x128xi32>
    %xor3A_1505 = arith.xori %add3A_1497, %or3A_1504 : vector<200x128xi32>
    %add3A_1506 = arith.addi %add3A_1497, %xor3A_1505 : vector<200x128xi32>
    %shift_left3A_1507 = arith.constant 29 : i32
    %shift_left3A_1508 = vector.broadcast %shift_left3A_1507 : i32 to vector<200x128xi32>
    %shift_left3A_1509 = arith.shli %xor3A_1505, %shift_left3A_1508 : vector<200x128xi32>
    %shift_right_logical3A_1510 = arith.constant 3 : i32
    %shift_right_logical3A_1511 = vector.broadcast %shift_right_logical3A_1510 : i32 to vector<200x128xi32>
    %shift_right_logical3A_1512 = arith.shrui %xor3A_1505, %shift_right_logical3A_1511 : vector<200x128xi32>
    %or3A_1513 = arith.ori %shift_left3A_1509, %shift_right_logical3A_1512 : vector<200x128xi32>
    %xor3A_1514 = arith.xori %add3A_1506, %or3A_1513 : vector<200x128xi32>
    %add3A_1515 = arith.addi %add3A_1506, %xor3A_1514 : vector<200x128xi32>
    %shift_left3A_1516 = arith.constant 16 : i32
    %shift_left3A_1517 = vector.broadcast %shift_left3A_1516 : i32 to vector<200x128xi32>
    %shift_left3A_1518 = arith.shli %xor3A_1514, %shift_left3A_1517 : vector<200x128xi32>
    %shift_right_logical3A_1519 = arith.constant 16 : i32
    %shift_right_logical3A_1520 = vector.broadcast %shift_right_logical3A_1519 : i32 to vector<200x128xi32>
    %shift_right_logical3A_1521 = arith.shrui %xor3A_1514, %shift_right_logical3A_1520 : vector<200x128xi32>
    %or3A_1522 = arith.ori %shift_left3A_1518, %shift_right_logical3A_1521 : vector<200x128xi32>
    %xor3A_1523 = arith.xori %add3A_1515, %or3A_1522 : vector<200x128xi32>
    %add3A_1524 = arith.addi %add3A_1515, %xor3A_1523 : vector<200x128xi32>
    %shift_left3A_1525 = arith.constant 24 : i32
    %shift_left3A_1526 = vector.broadcast %shift_left3A_1525 : i32 to vector<200x128xi32>
    %shift_left3A_1527 = arith.shli %xor3A_1523, %shift_left3A_1526 : vector<200x128xi32>
    %shift_right_logical3A_1528 = arith.constant 8 : i32
    %shift_right_logical3A_1529 = vector.broadcast %shift_right_logical3A_1528 : i32 to vector<200x128xi32>
    %shift_right_logical3A_1530 = arith.shrui %xor3A_1523, %shift_right_logical3A_1529 : vector<200x128xi32>
    %or3A_1531 = arith.ori %shift_left3A_1527, %shift_right_logical3A_1530 : vector<200x128xi32>
    %xor3A_1532 = arith.xori %add3A_1524, %or3A_1531 : vector<200x128xi32>
    %add3A_1533 = arith.constant 42 : i32
    %add3A_1534 = vector.broadcast %add3A_1533 : i32 to vector<200x128xi32>
    %add3A_1535 = arith.addi %add3A_1524, %add3A_1534 : vector<200x128xi32>
    %add3A_1536 = arith.constant 466689012 : i32
    %add3A_1537 = vector.broadcast %add3A_1536 : i32 to vector<200x128xi32>
    %add3A_1538 = arith.addi %xor3A_1532, %add3A_1537 : vector<200x128xi32>
    %add3A_1539 = arith.addi %add3A_1535, %add3A_1538 : vector<200x128xi32>
    %shift_left3A_1540 = arith.constant 13 : i32
    %shift_left3A_1541 = vector.broadcast %shift_left3A_1540 : i32 to vector<200x128xi32>
    %shift_left3A_1542 = arith.shli %add3A_1538, %shift_left3A_1541 : vector<200x128xi32>
    %shift_right_logical3A_1543 = arith.constant 19 : i32
    %shift_right_logical3A_1544 = vector.broadcast %shift_right_logical3A_1543 : i32 to vector<200x128xi32>
    %shift_right_logical3A_1545 = arith.shrui %add3A_1538, %shift_right_logical3A_1544 : vector<200x128xi32>
    %or3A_1546 = arith.ori %shift_left3A_1542, %shift_right_logical3A_1545 : vector<200x128xi32>
    %xor3A_1547 = arith.xori %add3A_1539, %or3A_1546 : vector<200x128xi32>
    %add3A_1548 = arith.addi %add3A_1539, %xor3A_1547 : vector<200x128xi32>
    %shift_left3A_1549 = arith.constant 15 : i32
    %shift_left3A_1550 = vector.broadcast %shift_left3A_1549 : i32 to vector<200x128xi32>
    %shift_left3A_1551 = arith.shli %xor3A_1547, %shift_left3A_1550 : vector<200x128xi32>
    %shift_right_logical3A_1552 = arith.constant 17 : i32
    %shift_right_logical3A_1553 = vector.broadcast %shift_right_logical3A_1552 : i32 to vector<200x128xi32>
    %shift_right_logical3A_1554 = arith.shrui %xor3A_1547, %shift_right_logical3A_1553 : vector<200x128xi32>
    %or3A_1555 = arith.ori %shift_left3A_1551, %shift_right_logical3A_1554 : vector<200x128xi32>
    %xor3A_1556 = arith.xori %add3A_1548, %or3A_1555 : vector<200x128xi32>
    %add3A_1557 = arith.addi %add3A_1548, %xor3A_1556 : vector<200x128xi32>
    %shift_left3A_1558 = arith.constant 26 : i32
    %shift_left3A_1559 = vector.broadcast %shift_left3A_1558 : i32 to vector<200x128xi32>
    %shift_left3A_1560 = arith.shli %xor3A_1556, %shift_left3A_1559 : vector<200x128xi32>
    %shift_right_logical3A_1561 = arith.constant 6 : i32
    %shift_right_logical3A_1562 = vector.broadcast %shift_right_logical3A_1561 : i32 to vector<200x128xi32>
    %shift_right_logical3A_1563 = arith.shrui %xor3A_1556, %shift_right_logical3A_1562 : vector<200x128xi32>
    %or3A_1564 = arith.ori %shift_left3A_1560, %shift_right_logical3A_1563 : vector<200x128xi32>
    %xor3A_1565 = arith.xori %add3A_1557, %or3A_1564 : vector<200x128xi32>
    %add3A_1566 = arith.addi %add3A_1557, %xor3A_1565 : vector<200x128xi32>
    %shift_left3A_1567 = arith.constant 6 : i32
    %shift_left3A_1568 = vector.broadcast %shift_left3A_1567 : i32 to vector<200x128xi32>
    %shift_left3A_1569 = arith.shli %xor3A_1565, %shift_left3A_1568 : vector<200x128xi32>
    %shift_right_logical3A_1570 = arith.constant 26 : i32
    %shift_right_logical3A_1571 = vector.broadcast %shift_right_logical3A_1570 : i32 to vector<200x128xi32>
    %shift_right_logical3A_1572 = arith.shrui %xor3A_1565, %shift_right_logical3A_1571 : vector<200x128xi32>
    %or3A_1573 = arith.ori %shift_left3A_1569, %shift_right_logical3A_1572 : vector<200x128xi32>
    %xor3A_1574 = arith.xori %add3A_1566, %or3A_1573 : vector<200x128xi32>
    %add3A_1575 = arith.constant 466689008 : i32
    %add3A_1576 = vector.broadcast %add3A_1575 : i32 to vector<200x128xi32>
    %add3A_1577 = arith.addi %add3A_1566, %add3A_1576 : vector<200x128xi32>
    %add3A_1578 = arith.constant 5 : i32
    %add3A_1579 = vector.broadcast %add3A_1578 : i32 to vector<200x128xi32>
    %add3A_1580 = arith.addi %xor3A_1574, %add3A_1579 : vector<200x128xi32>
    %xor3A_1581 = arith.xori %add3A_1577, %add3A_1580 : vector<200x128xi32>
    %shift_right_logical3A_1582 = arith.constant 9 : i32
    %shift_right_logical3A_1583 = vector.broadcast %shift_right_logical3A_1582 : i32 to vector<200x128xi32>
    %shift_right_logical3A_1584 = arith.shrui %xor3A_1581, %shift_right_logical3A_1583 : vector<200x128xi32>
    %or3A_1585 = arith.constant 1065353216 : i32
    %or3A_1586 = vector.broadcast %or3A_1585 : i32 to vector<200x128xi32>
    %or3A_1587 = arith.ori %shift_right_logical3A_1584, %or3A_1586 : vector<200x128xi32>
    %bitcast_convert_type3A_1588 = tpu.bitcast %or3A_1587 : vector<200x128xi32> -> vector<200x128xf32>
    %sub3A_1589 = arith.constant 1.000000e+00 : f32
    %sub3A_1590 = vector.broadcast %sub3A_1589 : f32 to vector<200x128xf32>
    %sub3A_1591 = arith.subf %bitcast_convert_type3A_1588, %sub3A_1590 : vector<200x128xf32>
    %add3A_1592 = arith.constant 1.000000e-10 : f32
    %add3A_1593 = vector.broadcast %add3A_1592 : f32 to vector<200x128xf32>
    %add3A_1594 = arith.addf %sub3A_1591, %add3A_1593 : vector<200x128xf32>
    %max3A_1595 = arith.constant 1.000000e-10 : f32
    %max3A_1596 = vector.broadcast %max3A_1595 : f32 to vector<200x128xf32>
    %max3A_1597 = arith.maximumf %max3A_1596, %add3A_1594 : vector<200x128xf32>
    %log3A_1598 = math.log %max3A_1597 : vector<200x128xf32>
    %neg3A_1599 = arith.constant 0.000000e+00 : f32
    %neg3A_1600 = vector.broadcast %neg3A_1599 : f32 to vector<200x128xf32>
    %neg3A_1601 = arith.subf %neg3A_1600, %log3A_1598 : vector<200x128xf32>
    %log3A_1602 = math.log %neg3A_1601 : vector<200x128xf32>
    %neg3A_1603 = arith.constant 0.000000e+00 : f32
    %neg3A_1604 = vector.broadcast %neg3A_1603 : f32 to vector<200x128xf32>
    %neg3A_1605 = arith.subf %neg3A_1604, %log3A_1602 : vector<200x128xf32>
    %add3A_1606 = arith.addf %get3A_1368, %neg3A_1605 : vector<200x128xf32>
    %reduce_max3A_1607 = arith.constant dense<0xFF800000> : vector<128xf32>
    %reduce_max3A_1608 = vector.multi_reduction <maximumf>, %add3A_1606, %reduce_max3A_1607 [0] : vector<200x128xf32> to vector<128xf32>
    %broadcast_in_dim3A_1609 = vector.shape_cast %reduce_max3A_1608 : vector<128xf32> to vector<1x128xf32>
    %eq3A_1610 = vector.broadcast %broadcast_in_dim3A_1609 : vector<1x128xf32> to vector<200x128xf32>
    %eq3A_1611 = arith.cmpf oeq, %add3A_1606, %eq3A_1610 : vector<200x128xf32>
    %jit3A_1612 = arith.constant 1073741824 : i32
    %broadcast_in_dim3A_1613 = vector.broadcast %jit3A_1612 : i32 to vector<200x128xi32>
    %select_n3A_1614 = arith.select %eq3A_1611, %iota3A_1356, %broadcast_in_dim3A_1613 : vector<200x128xi1>, vector<200x128xi32>
    %reduce_min3A_1615 = arith.constant dense<2147483647> : vector<128xi32>
    %reduce_min3A_1616 = vector.multi_reduction <minsi>, %select_n3A_1614, %reduce_min3A_1615 [0] : vector<200x128xi32> to vector<128xi32>
    %broadcast_in_dim3A_1617 = vector.shape_cast %reduce_min3A_1616 : vector<128xi32> to vector<1x128xi32>
    %add3A_1618 = arith.constant 0 : i32
    %add3A_1619 = vector.broadcast %add3A_1618 : i32 to vector<1x128xi32>
    %add3A_1620 = arith.addi %broadcast_in_dim3A_1617, %add3A_1619 : vector<1x128xi32>
    %gt3A_1621 = arith.cmpf ogt, %broadcast_in_dim3A_1609, %broadcast_in_dim3A_1351 : vector<1x128xf32>
    %select_n3A_1622 = arith.select %gt3A_1621, %broadcast_in_dim3A_1609, %broadcast_in_dim3A_1351 : vector<1x128xi1>, vector<1x128xf32>
    %select_n3A_1623 = arith.select %gt3A_1621, %add3A_1620, %broadcast_in_dim3A_1353 : vector<1x128xi1>, vector<1x128xi32>
    %iota3A_1624 = tpu.iota {dimensions = array<i32: 0>} : vector<200x128xi32>
    %iota3A_1625 = tpu.iota {dimensions = array<i32: 1>} : vector<200x128xi32>
    %iota3A_1626 = tpu.iota {dimensions = array<i32: 0>} : vector<200x128xi32>
    %mul3A_1627 = arith.constant 1000 : i32
    %mul3A_1628 = vector.broadcast %mul3A_1627 : i32 to vector<200x128xi32>
    %mul3A_1629 = arith.muli %iota3A_1625, %mul3A_1628 : vector<200x128xi32>
    %add3A_1630 = vector.broadcast %mul3A_1349 : i32 to vector<200x128xi32>
    %add3A_1631 = arith.addi %add3A_1630, %mul3A_1629 : vector<200x128xi32>
    %add3A_1632 = arith.constant 200 : i32
    %add3A_1633 = vector.broadcast %add3A_1632 : i32 to vector<200x128xi32>
    %add3A_1634 = arith.addi %iota3A_1624, %add3A_1633 : vector<200x128xi32>
    %add3A_1635 = arith.addi %add3A_1631, %add3A_1634 : vector<200x128xi32>
    %get3A_1636 = arith.constant 200 : index
    %get3A_1637 = arith.constant 128 : index
    %get3A_1638 = vector.load %arg1[%get3A_1636, %get3A_1637] : memref<1000x512xf32, #tpu.memory_space<vmem>>, vector<200x128xf32>
    %add3A_1639 = arith.constant 42 : i32
    %add3A_1640 = vector.broadcast %add3A_1639 : i32 to vector<200x128xi32>
    %add3A_1641 = arith.addi %add3A_1635, %add3A_1640 : vector<200x128xi32>
    %shift_left3A_1642 = arith.constant 13 : i32
    %shift_left3A_1643 = vector.broadcast %shift_left3A_1642 : i32 to vector<200x128xi32>
    %shift_left3A_1644 = arith.shli %add3A_1641, %shift_left3A_1643 : vector<200x128xi32>
    %shift_right_logical3A_1645 = arith.constant 19 : i32
    %shift_right_logical3A_1646 = vector.broadcast %shift_right_logical3A_1645 : i32 to vector<200x128xi32>
    %shift_right_logical3A_1647 = arith.shrui %add3A_1641, %shift_right_logical3A_1646 : vector<200x128xi32>
    %or3A_1648 = arith.ori %shift_left3A_1644, %shift_right_logical3A_1647 : vector<200x128xi32>
    %xor3A_1649 = arith.xori %add3A_1641, %or3A_1648 : vector<200x128xi32>
    %add3A_1650 = arith.addi %add3A_1641, %xor3A_1649 : vector<200x128xi32>
    %shift_left3A_1651 = arith.constant 15 : i32
    %shift_left3A_1652 = vector.broadcast %shift_left3A_1651 : i32 to vector<200x128xi32>
    %shift_left3A_1653 = arith.shli %xor3A_1649, %shift_left3A_1652 : vector<200x128xi32>
    %shift_right_logical3A_1654 = arith.constant 17 : i32
    %shift_right_logical3A_1655 = vector.broadcast %shift_right_logical3A_1654 : i32 to vector<200x128xi32>
    %shift_right_logical3A_1656 = arith.shrui %xor3A_1649, %shift_right_logical3A_1655 : vector<200x128xi32>
    %or3A_1657 = arith.ori %shift_left3A_1653, %shift_right_logical3A_1656 : vector<200x128xi32>
    %xor3A_1658 = arith.xori %add3A_1650, %or3A_1657 : vector<200x128xi32>
    %add3A_1659 = arith.addi %add3A_1650, %xor3A_1658 : vector<200x128xi32>
    %shift_left3A_1660 = arith.constant 26 : i32
    %shift_left3A_1661 = vector.broadcast %shift_left3A_1660 : i32 to vector<200x128xi32>
    %shift_left3A_1662 = arith.shli %xor3A_1658, %shift_left3A_1661 : vector<200x128xi32>
    %shift_right_logical3A_1663 = arith.constant 6 : i32
    %shift_right_logical3A_1664 = vector.broadcast %shift_right_logical3A_1663 : i32 to vector<200x128xi32>
    %shift_right_logical3A_1665 = arith.shrui %xor3A_1658, %shift_right_logical3A_1664 : vector<200x128xi32>
    %or3A_1666 = arith.ori %shift_left3A_1662, %shift_right_logical3A_1665 : vector<200x128xi32>
    %xor3A_1667 = arith.xori %add3A_1659, %or3A_1666 : vector<200x128xi32>
    %add3A_1668 = arith.addi %add3A_1659, %xor3A_1667 : vector<200x128xi32>
    %shift_left3A_1669 = arith.constant 6 : i32
    %shift_left3A_1670 = vector.broadcast %shift_left3A_1669 : i32 to vector<200x128xi32>
    %shift_left3A_1671 = arith.shli %xor3A_1667, %shift_left3A_1670 : vector<200x128xi32>
    %shift_right_logical3A_1672 = arith.constant 26 : i32
    %shift_right_logical3A_1673 = vector.broadcast %shift_right_logical3A_1672 : i32 to vector<200x128xi32>
    %shift_right_logical3A_1674 = arith.shrui %xor3A_1667, %shift_right_logical3A_1673 : vector<200x128xi32>
    %or3A_1675 = arith.ori %shift_left3A_1671, %shift_right_logical3A_1674 : vector<200x128xi32>
    %xor3A_1676 = arith.xori %add3A_1668, %or3A_1675 : vector<200x128xi32>
    %add3A_1677 = arith.constant 42 : i32
    %add3A_1678 = vector.broadcast %add3A_1677 : i32 to vector<200x128xi32>
    %add3A_1679 = arith.addi %add3A_1668, %add3A_1678 : vector<200x128xi32>
    %add3A_1680 = arith.constant 466689009 : i32
    %add3A_1681 = vector.broadcast %add3A_1680 : i32 to vector<200x128xi32>
    %add3A_1682 = arith.addi %xor3A_1676, %add3A_1681 : vector<200x128xi32>
    %add3A_1683 = arith.addi %add3A_1679, %add3A_1682 : vector<200x128xi32>
    %shift_left3A_1684 = arith.constant 17 : i32
    %shift_left3A_1685 = vector.broadcast %shift_left3A_1684 : i32 to vector<200x128xi32>
    %shift_left3A_1686 = arith.shli %add3A_1682, %shift_left3A_1685 : vector<200x128xi32>
    %shift_right_logical3A_1687 = arith.constant 15 : i32
    %shift_right_logical3A_1688 = vector.broadcast %shift_right_logical3A_1687 : i32 to vector<200x128xi32>
    %shift_right_logical3A_1689 = arith.shrui %add3A_1682, %shift_right_logical3A_1688 : vector<200x128xi32>
    %or3A_1690 = arith.ori %shift_left3A_1686, %shift_right_logical3A_1689 : vector<200x128xi32>
    %xor3A_1691 = arith.xori %add3A_1683, %or3A_1690 : vector<200x128xi32>
    %add3A_1692 = arith.addi %add3A_1683, %xor3A_1691 : vector<200x128xi32>
    %shift_left3A_1693 = arith.constant 29 : i32
    %shift_left3A_1694 = vector.broadcast %shift_left3A_1693 : i32 to vector<200x128xi32>
    %shift_left3A_1695 = arith.shli %xor3A_1691, %shift_left3A_1694 : vector<200x128xi32>
    %shift_right_logical3A_1696 = arith.constant 3 : i32
    %shift_right_logical3A_1697 = vector.broadcast %shift_right_logical3A_1696 : i32 to vector<200x128xi32>
    %shift_right_logical3A_1698 = arith.shrui %xor3A_1691, %shift_right_logical3A_1697 : vector<200x128xi32>
    %or3A_1699 = arith.ori %shift_left3A_1695, %shift_right_logical3A_1698 : vector<200x128xi32>
    %xor3A_1700 = arith.xori %add3A_1692, %or3A_1699 : vector<200x128xi32>
    %add3A_1701 = arith.addi %add3A_1692, %xor3A_1700 : vector<200x128xi32>
    %shift_left3A_1702 = arith.constant 16 : i32
    %shift_left3A_1703 = vector.broadcast %shift_left3A_1702 : i32 to vector<200x128xi32>
    %shift_left3A_1704 = arith.shli %xor3A_1700, %shift_left3A_1703 : vector<200x128xi32>
    %shift_right_logical3A_1705 = arith.constant 16 : i32
    %shift_right_logical3A_1706 = vector.broadcast %shift_right_logical3A_1705 : i32 to vector<200x128xi32>
    %shift_right_logical3A_1707 = arith.shrui %xor3A_1700, %shift_right_logical3A_1706 : vector<200x128xi32>
    %or3A_1708 = arith.ori %shift_left3A_1704, %shift_right_logical3A_1707 : vector<200x128xi32>
    %xor3A_1709 = arith.xori %add3A_1701, %or3A_1708 : vector<200x128xi32>
    %add3A_1710 = arith.addi %add3A_1701, %xor3A_1709 : vector<200x128xi32>
    %shift_left3A_1711 = arith.constant 24 : i32
    %shift_left3A_1712 = vector.broadcast %shift_left3A_1711 : i32 to vector<200x128xi32>
    %shift_left3A_1713 = arith.shli %xor3A_1709, %shift_left3A_1712 : vector<200x128xi32>
    %shift_right_logical3A_1714 = arith.constant 8 : i32
    %shift_right_logical3A_1715 = vector.broadcast %shift_right_logical3A_1714 : i32 to vector<200x128xi32>
    %shift_right_logical3A_1716 = arith.shrui %xor3A_1709, %shift_right_logical3A_1715 : vector<200x128xi32>
    %or3A_1717 = arith.ori %shift_left3A_1713, %shift_right_logical3A_1716 : vector<200x128xi32>
    %xor3A_1718 = arith.xori %add3A_1710, %or3A_1717 : vector<200x128xi32>
    %add3A_1719 = arith.constant 466689008 : i32
    %add3A_1720 = vector.broadcast %add3A_1719 : i32 to vector<200x128xi32>
    %add3A_1721 = arith.addi %add3A_1710, %add3A_1720 : vector<200x128xi32>
    %add3A_1722 = arith.constant 2 : i32
    %add3A_1723 = vector.broadcast %add3A_1722 : i32 to vector<200x128xi32>
    %add3A_1724 = arith.addi %xor3A_1718, %add3A_1723 : vector<200x128xi32>
    %add3A_1725 = arith.addi %add3A_1721, %add3A_1724 : vector<200x128xi32>
    %shift_left3A_1726 = arith.constant 13 : i32
    %shift_left3A_1727 = vector.broadcast %shift_left3A_1726 : i32 to vector<200x128xi32>
    %shift_left3A_1728 = arith.shli %add3A_1724, %shift_left3A_1727 : vector<200x128xi32>
    %shift_right_logical3A_1729 = arith.constant 19 : i32
    %shift_right_logical3A_1730 = vector.broadcast %shift_right_logical3A_1729 : i32 to vector<200x128xi32>
    %shift_right_logical3A_1731 = arith.shrui %add3A_1724, %shift_right_logical3A_1730 : vector<200x128xi32>
    %or3A_1732 = arith.ori %shift_left3A_1728, %shift_right_logical3A_1731 : vector<200x128xi32>
    %xor3A_1733 = arith.xori %add3A_1725, %or3A_1732 : vector<200x128xi32>
    %add3A_1734 = arith.addi %add3A_1725, %xor3A_1733 : vector<200x128xi32>
    %shift_left3A_1735 = arith.constant 15 : i32
    %shift_left3A_1736 = vector.broadcast %shift_left3A_1735 : i32 to vector<200x128xi32>
    %shift_left3A_1737 = arith.shli %xor3A_1733, %shift_left3A_1736 : vector<200x128xi32>
    %shift_right_logical3A_1738 = arith.constant 17 : i32
    %shift_right_logical3A_1739 = vector.broadcast %shift_right_logical3A_1738 : i32 to vector<200x128xi32>
    %shift_right_logical3A_1740 = arith.shrui %xor3A_1733, %shift_right_logical3A_1739 : vector<200x128xi32>
    %or3A_1741 = arith.ori %shift_left3A_1737, %shift_right_logical3A_1740 : vector<200x128xi32>
    %xor3A_1742 = arith.xori %add3A_1734, %or3A_1741 : vector<200x128xi32>
    %add3A_1743 = arith.addi %add3A_1734, %xor3A_1742 : vector<200x128xi32>
    %shift_left3A_1744 = arith.constant 26 : i32
    %shift_left3A_1745 = vector.broadcast %shift_left3A_1744 : i32 to vector<200x128xi32>
    %shift_left3A_1746 = arith.shli %xor3A_1742, %shift_left3A_1745 : vector<200x128xi32>
    %shift_right_logical3A_1747 = arith.constant 6 : i32
    %shift_right_logical3A_1748 = vector.broadcast %shift_right_logical3A_1747 : i32 to vector<200x128xi32>
    %shift_right_logical3A_1749 = arith.shrui %xor3A_1742, %shift_right_logical3A_1748 : vector<200x128xi32>
    %or3A_1750 = arith.ori %shift_left3A_1746, %shift_right_logical3A_1749 : vector<200x128xi32>
    %xor3A_1751 = arith.xori %add3A_1743, %or3A_1750 : vector<200x128xi32>
    %add3A_1752 = arith.addi %add3A_1743, %xor3A_1751 : vector<200x128xi32>
    %shift_left3A_1753 = arith.constant 6 : i32
    %shift_left3A_1754 = vector.broadcast %shift_left3A_1753 : i32 to vector<200x128xi32>
    %shift_left3A_1755 = arith.shli %xor3A_1751, %shift_left3A_1754 : vector<200x128xi32>
    %shift_right_logical3A_1756 = arith.constant 26 : i32
    %shift_right_logical3A_1757 = vector.broadcast %shift_right_logical3A_1756 : i32 to vector<200x128xi32>
    %shift_right_logical3A_1758 = arith.shrui %xor3A_1751, %shift_right_logical3A_1757 : vector<200x128xi32>
    %or3A_1759 = arith.ori %shift_left3A_1755, %shift_right_logical3A_1758 : vector<200x128xi32>
    %xor3A_1760 = arith.xori %add3A_1752, %or3A_1759 : vector<200x128xi32>
    %add3A_1761 = arith.constant 0 : i32
    %add3A_1762 = vector.broadcast %add3A_1761 : i32 to vector<200x128xi32>
    %add3A_1763 = arith.addi %add3A_1752, %add3A_1762 : vector<200x128xi32>
    %add3A_1764 = arith.constant 45 : i32
    %add3A_1765 = vector.broadcast %add3A_1764 : i32 to vector<200x128xi32>
    %add3A_1766 = arith.addi %xor3A_1760, %add3A_1765 : vector<200x128xi32>
    %add3A_1767 = arith.addi %add3A_1763, %add3A_1766 : vector<200x128xi32>
    %shift_left3A_1768 = arith.constant 17 : i32
    %shift_left3A_1769 = vector.broadcast %shift_left3A_1768 : i32 to vector<200x128xi32>
    %shift_left3A_1770 = arith.shli %add3A_1766, %shift_left3A_1769 : vector<200x128xi32>
    %shift_right_logical3A_1771 = arith.constant 15 : i32
    %shift_right_logical3A_1772 = vector.broadcast %shift_right_logical3A_1771 : i32 to vector<200x128xi32>
    %shift_right_logical3A_1773 = arith.shrui %add3A_1766, %shift_right_logical3A_1772 : vector<200x128xi32>
    %or3A_1774 = arith.ori %shift_left3A_1770, %shift_right_logical3A_1773 : vector<200x128xi32>
    %xor3A_1775 = arith.xori %add3A_1767, %or3A_1774 : vector<200x128xi32>
    %add3A_1776 = arith.addi %add3A_1767, %xor3A_1775 : vector<200x128xi32>
    %shift_left3A_1777 = arith.constant 29 : i32
    %shift_left3A_1778 = vector.broadcast %shift_left3A_1777 : i32 to vector<200x128xi32>
    %shift_left3A_1779 = arith.shli %xor3A_1775, %shift_left3A_1778 : vector<200x128xi32>
    %shift_right_logical3A_1780 = arith.constant 3 : i32
    %shift_right_logical3A_1781 = vector.broadcast %shift_right_logical3A_1780 : i32 to vector<200x128xi32>
    %shift_right_logical3A_1782 = arith.shrui %xor3A_1775, %shift_right_logical3A_1781 : vector<200x128xi32>
    %or3A_1783 = arith.ori %shift_left3A_1779, %shift_right_logical3A_1782 : vector<200x128xi32>
    %xor3A_1784 = arith.xori %add3A_1776, %or3A_1783 : vector<200x128xi32>
    %add3A_1785 = arith.addi %add3A_1776, %xor3A_1784 : vector<200x128xi32>
    %shift_left3A_1786 = arith.constant 16 : i32
    %shift_left3A_1787 = vector.broadcast %shift_left3A_1786 : i32 to vector<200x128xi32>
    %shift_left3A_1788 = arith.shli %xor3A_1784, %shift_left3A_1787 : vector<200x128xi32>
    %shift_right_logical3A_1789 = arith.constant 16 : i32
    %shift_right_logical3A_1790 = vector.broadcast %shift_right_logical3A_1789 : i32 to vector<200x128xi32>
    %shift_right_logical3A_1791 = arith.shrui %xor3A_1784, %shift_right_logical3A_1790 : vector<200x128xi32>
    %or3A_1792 = arith.ori %shift_left3A_1788, %shift_right_logical3A_1791 : vector<200x128xi32>
    %xor3A_1793 = arith.xori %add3A_1785, %or3A_1792 : vector<200x128xi32>
    %add3A_1794 = arith.addi %add3A_1785, %xor3A_1793 : vector<200x128xi32>
    %shift_left3A_1795 = arith.constant 24 : i32
    %shift_left3A_1796 = vector.broadcast %shift_left3A_1795 : i32 to vector<200x128xi32>
    %shift_left3A_1797 = arith.shli %xor3A_1793, %shift_left3A_1796 : vector<200x128xi32>
    %shift_right_logical3A_1798 = arith.constant 8 : i32
    %shift_right_logical3A_1799 = vector.broadcast %shift_right_logical3A_1798 : i32 to vector<200x128xi32>
    %shift_right_logical3A_1800 = arith.shrui %xor3A_1793, %shift_right_logical3A_1799 : vector<200x128xi32>
    %or3A_1801 = arith.ori %shift_left3A_1797, %shift_right_logical3A_1800 : vector<200x128xi32>
    %xor3A_1802 = arith.xori %add3A_1794, %or3A_1801 : vector<200x128xi32>
    %add3A_1803 = arith.constant 42 : i32
    %add3A_1804 = vector.broadcast %add3A_1803 : i32 to vector<200x128xi32>
    %add3A_1805 = arith.addi %add3A_1794, %add3A_1804 : vector<200x128xi32>
    %add3A_1806 = arith.constant 466689012 : i32
    %add3A_1807 = vector.broadcast %add3A_1806 : i32 to vector<200x128xi32>
    %add3A_1808 = arith.addi %xor3A_1802, %add3A_1807 : vector<200x128xi32>
    %add3A_1809 = arith.addi %add3A_1805, %add3A_1808 : vector<200x128xi32>
    %shift_left3A_1810 = arith.constant 13 : i32
    %shift_left3A_1811 = vector.broadcast %shift_left3A_1810 : i32 to vector<200x128xi32>
    %shift_left3A_1812 = arith.shli %add3A_1808, %shift_left3A_1811 : vector<200x128xi32>
    %shift_right_logical3A_1813 = arith.constant 19 : i32
    %shift_right_logical3A_1814 = vector.broadcast %shift_right_logical3A_1813 : i32 to vector<200x128xi32>
    %shift_right_logical3A_1815 = arith.shrui %add3A_1808, %shift_right_logical3A_1814 : vector<200x128xi32>
    %or3A_1816 = arith.ori %shift_left3A_1812, %shift_right_logical3A_1815 : vector<200x128xi32>
    %xor3A_1817 = arith.xori %add3A_1809, %or3A_1816 : vector<200x128xi32>
    %add3A_1818 = arith.addi %add3A_1809, %xor3A_1817 : vector<200x128xi32>
    %shift_left3A_1819 = arith.constant 15 : i32
    %shift_left3A_1820 = vector.broadcast %shift_left3A_1819 : i32 to vector<200x128xi32>
    %shift_left3A_1821 = arith.shli %xor3A_1817, %shift_left3A_1820 : vector<200x128xi32>
    %shift_right_logical3A_1822 = arith.constant 17 : i32
    %shift_right_logical3A_1823 = vector.broadcast %shift_right_logical3A_1822 : i32 to vector<200x128xi32>
    %shift_right_logical3A_1824 = arith.shrui %xor3A_1817, %shift_right_logical3A_1823 : vector<200x128xi32>
    %or3A_1825 = arith.ori %shift_left3A_1821, %shift_right_logical3A_1824 : vector<200x128xi32>
    %xor3A_1826 = arith.xori %add3A_1818, %or3A_1825 : vector<200x128xi32>
    %add3A_1827 = arith.addi %add3A_1818, %xor3A_1826 : vector<200x128xi32>
    %shift_left3A_1828 = arith.constant 26 : i32
    %shift_left3A_1829 = vector.broadcast %shift_left3A_1828 : i32 to vector<200x128xi32>
    %shift_left3A_1830 = arith.shli %xor3A_1826, %shift_left3A_1829 : vector<200x128xi32>
    %shift_right_logical3A_1831 = arith.constant 6 : i32
    %shift_right_logical3A_1832 = vector.broadcast %shift_right_logical3A_1831 : i32 to vector<200x128xi32>
    %shift_right_logical3A_1833 = arith.shrui %xor3A_1826, %shift_right_logical3A_1832 : vector<200x128xi32>
    %or3A_1834 = arith.ori %shift_left3A_1830, %shift_right_logical3A_1833 : vector<200x128xi32>
    %xor3A_1835 = arith.xori %add3A_1827, %or3A_1834 : vector<200x128xi32>
    %add3A_1836 = arith.addi %add3A_1827, %xor3A_1835 : vector<200x128xi32>
    %shift_left3A_1837 = arith.constant 6 : i32
    %shift_left3A_1838 = vector.broadcast %shift_left3A_1837 : i32 to vector<200x128xi32>
    %shift_left3A_1839 = arith.shli %xor3A_1835, %shift_left3A_1838 : vector<200x128xi32>
    %shift_right_logical3A_1840 = arith.constant 26 : i32
    %shift_right_logical3A_1841 = vector.broadcast %shift_right_logical3A_1840 : i32 to vector<200x128xi32>
    %shift_right_logical3A_1842 = arith.shrui %xor3A_1835, %shift_right_logical3A_1841 : vector<200x128xi32>
    %or3A_1843 = arith.ori %shift_left3A_1839, %shift_right_logical3A_1842 : vector<200x128xi32>
    %xor3A_1844 = arith.xori %add3A_1836, %or3A_1843 : vector<200x128xi32>
    %add3A_1845 = arith.constant 466689008 : i32
    %add3A_1846 = vector.broadcast %add3A_1845 : i32 to vector<200x128xi32>
    %add3A_1847 = arith.addi %add3A_1836, %add3A_1846 : vector<200x128xi32>
    %add3A_1848 = arith.constant 5 : i32
    %add3A_1849 = vector.broadcast %add3A_1848 : i32 to vector<200x128xi32>
    %add3A_1850 = arith.addi %xor3A_1844, %add3A_1849 : vector<200x128xi32>
    %xor3A_1851 = arith.xori %add3A_1847, %add3A_1850 : vector<200x128xi32>
    %shift_right_logical3A_1852 = arith.constant 9 : i32
    %shift_right_logical3A_1853 = vector.broadcast %shift_right_logical3A_1852 : i32 to vector<200x128xi32>
    %shift_right_logical3A_1854 = arith.shrui %xor3A_1851, %shift_right_logical3A_1853 : vector<200x128xi32>
    %or3A_1855 = arith.constant 1065353216 : i32
    %or3A_1856 = vector.broadcast %or3A_1855 : i32 to vector<200x128xi32>
    %or3A_1857 = arith.ori %shift_right_logical3A_1854, %or3A_1856 : vector<200x128xi32>
    %bitcast_convert_type3A_1858 = tpu.bitcast %or3A_1857 : vector<200x128xi32> -> vector<200x128xf32>
    %sub3A_1859 = arith.constant 1.000000e+00 : f32
    %sub3A_1860 = vector.broadcast %sub3A_1859 : f32 to vector<200x128xf32>
    %sub3A_1861 = arith.subf %bitcast_convert_type3A_1858, %sub3A_1860 : vector<200x128xf32>
    %add3A_1862 = arith.constant 1.000000e-10 : f32
    %add3A_1863 = vector.broadcast %add3A_1862 : f32 to vector<200x128xf32>
    %add3A_1864 = arith.addf %sub3A_1861, %add3A_1863 : vector<200x128xf32>
    %max3A_1865 = arith.constant 1.000000e-10 : f32
    %max3A_1866 = vector.broadcast %max3A_1865 : f32 to vector<200x128xf32>
    %max3A_1867 = arith.maximumf %max3A_1866, %add3A_1864 : vector<200x128xf32>
    %log3A_1868 = math.log %max3A_1867 : vector<200x128xf32>
    %neg3A_1869 = arith.constant 0.000000e+00 : f32
    %neg3A_1870 = vector.broadcast %neg3A_1869 : f32 to vector<200x128xf32>
    %neg3A_1871 = arith.subf %neg3A_1870, %log3A_1868 : vector<200x128xf32>
    %log3A_1872 = math.log %neg3A_1871 : vector<200x128xf32>
    %neg3A_1873 = arith.constant 0.000000e+00 : f32
    %neg3A_1874 = vector.broadcast %neg3A_1873 : f32 to vector<200x128xf32>
    %neg3A_1875 = arith.subf %neg3A_1874, %log3A_1872 : vector<200x128xf32>
    %add3A_1876 = arith.addf %get3A_1638, %neg3A_1875 : vector<200x128xf32>
    %reduce_max3A_1877 = arith.constant dense<0xFF800000> : vector<128xf32>
    %reduce_max3A_1878 = vector.multi_reduction <maximumf>, %add3A_1876, %reduce_max3A_1877 [0] : vector<200x128xf32> to vector<128xf32>
    %broadcast_in_dim3A_1879 = vector.shape_cast %reduce_max3A_1878 : vector<128xf32> to vector<1x128xf32>
    %eq3A_1880 = vector.broadcast %broadcast_in_dim3A_1879 : vector<1x128xf32> to vector<200x128xf32>
    %eq3A_1881 = arith.cmpf oeq, %add3A_1876, %eq3A_1880 : vector<200x128xf32>
    %jit3A_1882 = arith.constant 1073741824 : i32
    %broadcast_in_dim3A_1883 = vector.broadcast %jit3A_1882 : i32 to vector<200x128xi32>
    %select_n3A_1884 = arith.select %eq3A_1881, %iota3A_1626, %broadcast_in_dim3A_1883 : vector<200x128xi1>, vector<200x128xi32>
    %reduce_min3A_1885 = arith.constant dense<2147483647> : vector<128xi32>
    %reduce_min3A_1886 = vector.multi_reduction <minsi>, %select_n3A_1884, %reduce_min3A_1885 [0] : vector<200x128xi32> to vector<128xi32>
    %broadcast_in_dim3A_1887 = vector.shape_cast %reduce_min3A_1886 : vector<128xi32> to vector<1x128xi32>
    %add3A_1888 = arith.constant 200 : i32
    %add3A_1889 = vector.broadcast %add3A_1888 : i32 to vector<1x128xi32>
    %add3A_1890 = arith.addi %broadcast_in_dim3A_1887, %add3A_1889 : vector<1x128xi32>
    %gt3A_1891 = arith.cmpf ogt, %broadcast_in_dim3A_1879, %select_n3A_1622 : vector<1x128xf32>
    %select_n3A_1892 = arith.select %gt3A_1891, %broadcast_in_dim3A_1879, %select_n3A_1622 : vector<1x128xi1>, vector<1x128xf32>
    %select_n3A_1893 = arith.select %gt3A_1891, %add3A_1890, %select_n3A_1623 : vector<1x128xi1>, vector<1x128xi32>
    %iota3A_1894 = tpu.iota {dimensions = array<i32: 0>} : vector<200x128xi32>
    %iota3A_1895 = tpu.iota {dimensions = array<i32: 1>} : vector<200x128xi32>
    %iota3A_1896 = tpu.iota {dimensions = array<i32: 0>} : vector<200x128xi32>
    %mul3A_1897 = arith.constant 1000 : i32
    %mul3A_1898 = vector.broadcast %mul3A_1897 : i32 to vector<200x128xi32>
    %mul3A_1899 = arith.muli %iota3A_1895, %mul3A_1898 : vector<200x128xi32>
    %add3A_1900 = vector.broadcast %mul3A_1349 : i32 to vector<200x128xi32>
    %add3A_1901 = arith.addi %add3A_1900, %mul3A_1899 : vector<200x128xi32>
    %add3A_1902 = arith.constant 400 : i32
    %add3A_1903 = vector.broadcast %add3A_1902 : i32 to vector<200x128xi32>
    %add3A_1904 = arith.addi %iota3A_1894, %add3A_1903 : vector<200x128xi32>
    %add3A_1905 = arith.addi %add3A_1901, %add3A_1904 : vector<200x128xi32>
    %get3A_1906 = arith.constant 400 : index
    %get3A_1907 = arith.constant 128 : index
    %get3A_1908 = vector.load %arg1[%get3A_1906, %get3A_1907] : memref<1000x512xf32, #tpu.memory_space<vmem>>, vector<200x128xf32>
    %add3A_1909 = arith.constant 42 : i32
    %add3A_1910 = vector.broadcast %add3A_1909 : i32 to vector<200x128xi32>
    %add3A_1911 = arith.addi %add3A_1905, %add3A_1910 : vector<200x128xi32>
    %shift_left3A_1912 = arith.constant 13 : i32
    %shift_left3A_1913 = vector.broadcast %shift_left3A_1912 : i32 to vector<200x128xi32>
    %shift_left3A_1914 = arith.shli %add3A_1911, %shift_left3A_1913 : vector<200x128xi32>
    %shift_right_logical3A_1915 = arith.constant 19 : i32
    %shift_right_logical3A_1916 = vector.broadcast %shift_right_logical3A_1915 : i32 to vector<200x128xi32>
    %shift_right_logical3A_1917 = arith.shrui %add3A_1911, %shift_right_logical3A_1916 : vector<200x128xi32>
    %or3A_1918 = arith.ori %shift_left3A_1914, %shift_right_logical3A_1917 : vector<200x128xi32>
    %xor3A_1919 = arith.xori %add3A_1911, %or3A_1918 : vector<200x128xi32>
    %add3A_1920 = arith.addi %add3A_1911, %xor3A_1919 : vector<200x128xi32>
    %shift_left3A_1921 = arith.constant 15 : i32
    %shift_left3A_1922 = vector.broadcast %shift_left3A_1921 : i32 to vector<200x128xi32>
    %shift_left3A_1923 = arith.shli %xor3A_1919, %shift_left3A_1922 : vector<200x128xi32>
    %shift_right_logical3A_1924 = arith.constant 17 : i32
    %shift_right_logical3A_1925 = vector.broadcast %shift_right_logical3A_1924 : i32 to vector<200x128xi32>
    %shift_right_logical3A_1926 = arith.shrui %xor3A_1919, %shift_right_logical3A_1925 : vector<200x128xi32>
    %or3A_1927 = arith.ori %shift_left3A_1923, %shift_right_logical3A_1926 : vector<200x128xi32>
    %xor3A_1928 = arith.xori %add3A_1920, %or3A_1927 : vector<200x128xi32>
    %add3A_1929 = arith.addi %add3A_1920, %xor3A_1928 : vector<200x128xi32>
    %shift_left3A_1930 = arith.constant 26 : i32
    %shift_left3A_1931 = vector.broadcast %shift_left3A_1930 : i32 to vector<200x128xi32>
    %shift_left3A_1932 = arith.shli %xor3A_1928, %shift_left3A_1931 : vector<200x128xi32>
    %shift_right_logical3A_1933 = arith.constant 6 : i32
    %shift_right_logical3A_1934 = vector.broadcast %shift_right_logical3A_1933 : i32 to vector<200x128xi32>
    %shift_right_logical3A_1935 = arith.shrui %xor3A_1928, %shift_right_logical3A_1934 : vector<200x128xi32>
    %or3A_1936 = arith.ori %shift_left3A_1932, %shift_right_logical3A_1935 : vector<200x128xi32>
    %xor3A_1937 = arith.xori %add3A_1929, %or3A_1936 : vector<200x128xi32>
    %add3A_1938 = arith.addi %add3A_1929, %xor3A_1937 : vector<200x128xi32>
    %shift_left3A_1939 = arith.constant 6 : i32
    %shift_left3A_1940 = vector.broadcast %shift_left3A_1939 : i32 to vector<200x128xi32>
    %shift_left3A_1941 = arith.shli %xor3A_1937, %shift_left3A_1940 : vector<200x128xi32>
    %shift_right_logical3A_1942 = arith.constant 26 : i32
    %shift_right_logical3A_1943 = vector.broadcast %shift_right_logical3A_1942 : i32 to vector<200x128xi32>
    %shift_right_logical3A_1944 = arith.shrui %xor3A_1937, %shift_right_logical3A_1943 : vector<200x128xi32>
    %or3A_1945 = arith.ori %shift_left3A_1941, %shift_right_logical3A_1944 : vector<200x128xi32>
    %xor3A_1946 = arith.xori %add3A_1938, %or3A_1945 : vector<200x128xi32>
    %add3A_1947 = arith.constant 42 : i32
    %add3A_1948 = vector.broadcast %add3A_1947 : i32 to vector<200x128xi32>
    %add3A_1949 = arith.addi %add3A_1938, %add3A_1948 : vector<200x128xi32>
    %add3A_1950 = arith.constant 466689009 : i32
    %add3A_1951 = vector.broadcast %add3A_1950 : i32 to vector<200x128xi32>
    %add3A_1952 = arith.addi %xor3A_1946, %add3A_1951 : vector<200x128xi32>
    %add3A_1953 = arith.addi %add3A_1949, %add3A_1952 : vector<200x128xi32>
    %shift_left3A_1954 = arith.constant 17 : i32
    %shift_left3A_1955 = vector.broadcast %shift_left3A_1954 : i32 to vector<200x128xi32>
    %shift_left3A_1956 = arith.shli %add3A_1952, %shift_left3A_1955 : vector<200x128xi32>
    %shift_right_logical3A_1957 = arith.constant 15 : i32
    %shift_right_logical3A_1958 = vector.broadcast %shift_right_logical3A_1957 : i32 to vector<200x128xi32>
    %shift_right_logical3A_1959 = arith.shrui %add3A_1952, %shift_right_logical3A_1958 : vector<200x128xi32>
    %or3A_1960 = arith.ori %shift_left3A_1956, %shift_right_logical3A_1959 : vector<200x128xi32>
    %xor3A_1961 = arith.xori %add3A_1953, %or3A_1960 : vector<200x128xi32>
    %add3A_1962 = arith.addi %add3A_1953, %xor3A_1961 : vector<200x128xi32>
    %shift_left3A_1963 = arith.constant 29 : i32
    %shift_left3A_1964 = vector.broadcast %shift_left3A_1963 : i32 to vector<200x128xi32>
    %shift_left3A_1965 = arith.shli %xor3A_1961, %shift_left3A_1964 : vector<200x128xi32>
    %shift_right_logical3A_1966 = arith.constant 3 : i32
    %shift_right_logical3A_1967 = vector.broadcast %shift_right_logical3A_1966 : i32 to vector<200x128xi32>
    %shift_right_logical3A_1968 = arith.shrui %xor3A_1961, %shift_right_logical3A_1967 : vector<200x128xi32>
    %or3A_1969 = arith.ori %shift_left3A_1965, %shift_right_logical3A_1968 : vector<200x128xi32>
    %xor3A_1970 = arith.xori %add3A_1962, %or3A_1969 : vector<200x128xi32>
    %add3A_1971 = arith.addi %add3A_1962, %xor3A_1970 : vector<200x128xi32>
    %shift_left3A_1972 = arith.constant 16 : i32
    %shift_left3A_1973 = vector.broadcast %shift_left3A_1972 : i32 to vector<200x128xi32>
    %shift_left3A_1974 = arith.shli %xor3A_1970, %shift_left3A_1973 : vector<200x128xi32>
    %shift_right_logical3A_1975 = arith.constant 16 : i32
    %shift_right_logical3A_1976 = vector.broadcast %shift_right_logical3A_1975 : i32 to vector<200x128xi32>
    %shift_right_logical3A_1977 = arith.shrui %xor3A_1970, %shift_right_logical3A_1976 : vector<200x128xi32>
    %or3A_1978 = arith.ori %shift_left3A_1974, %shift_right_logical3A_1977 : vector<200x128xi32>
    %xor3A_1979 = arith.xori %add3A_1971, %or3A_1978 : vector<200x128xi32>
    %add3A_1980 = arith.addi %add3A_1971, %xor3A_1979 : vector<200x128xi32>
    %shift_left3A_1981 = arith.constant 24 : i32
    %shift_left3A_1982 = vector.broadcast %shift_left3A_1981 : i32 to vector<200x128xi32>
    %shift_left3A_1983 = arith.shli %xor3A_1979, %shift_left3A_1982 : vector<200x128xi32>
    %shift_right_logical3A_1984 = arith.constant 8 : i32
    %shift_right_logical3A_1985 = vector.broadcast %shift_right_logical3A_1984 : i32 to vector<200x128xi32>
    %shift_right_logical3A_1986 = arith.shrui %xor3A_1979, %shift_right_logical3A_1985 : vector<200x128xi32>
    %or3A_1987 = arith.ori %shift_left3A_1983, %shift_right_logical3A_1986 : vector<200x128xi32>
    %xor3A_1988 = arith.xori %add3A_1980, %or3A_1987 : vector<200x128xi32>
    %add3A_1989 = arith.constant 466689008 : i32
    %add3A_1990 = vector.broadcast %add3A_1989 : i32 to vector<200x128xi32>
    %add3A_1991 = arith.addi %add3A_1980, %add3A_1990 : vector<200x128xi32>
    %add3A_1992 = arith.constant 2 : i32
    %add3A_1993 = vector.broadcast %add3A_1992 : i32 to vector<200x128xi32>
    %add3A_1994 = arith.addi %xor3A_1988, %add3A_1993 : vector<200x128xi32>
    %add3A_1995 = arith.addi %add3A_1991, %add3A_1994 : vector<200x128xi32>
    %shift_left3A_1996 = arith.constant 13 : i32
    %shift_left3A_1997 = vector.broadcast %shift_left3A_1996 : i32 to vector<200x128xi32>
    %shift_left3A_1998 = arith.shli %add3A_1994, %shift_left3A_1997 : vector<200x128xi32>
    %shift_right_logical3A_1999 = arith.constant 19 : i32
    %shift_right_logical3A_2000 = vector.broadcast %shift_right_logical3A_1999 : i32 to vector<200x128xi32>
    %shift_right_logical3A_2001 = arith.shrui %add3A_1994, %shift_right_logical3A_2000 : vector<200x128xi32>
    %or3A_2002 = arith.ori %shift_left3A_1998, %shift_right_logical3A_2001 : vector<200x128xi32>
    %xor3A_2003 = arith.xori %add3A_1995, %or3A_2002 : vector<200x128xi32>
    %add3A_2004 = arith.addi %add3A_1995, %xor3A_2003 : vector<200x128xi32>
    %shift_left3A_2005 = arith.constant 15 : i32
    %shift_left3A_2006 = vector.broadcast %shift_left3A_2005 : i32 to vector<200x128xi32>
    %shift_left3A_2007 = arith.shli %xor3A_2003, %shift_left3A_2006 : vector<200x128xi32>
    %shift_right_logical3A_2008 = arith.constant 17 : i32
    %shift_right_logical3A_2009 = vector.broadcast %shift_right_logical3A_2008 : i32 to vector<200x128xi32>
    %shift_right_logical3A_2010 = arith.shrui %xor3A_2003, %shift_right_logical3A_2009 : vector<200x128xi32>
    %or3A_2011 = arith.ori %shift_left3A_2007, %shift_right_logical3A_2010 : vector<200x128xi32>
    %xor3A_2012 = arith.xori %add3A_2004, %or3A_2011 : vector<200x128xi32>
    %add3A_2013 = arith.addi %add3A_2004, %xor3A_2012 : vector<200x128xi32>
    %shift_left3A_2014 = arith.constant 26 : i32
    %shift_left3A_2015 = vector.broadcast %shift_left3A_2014 : i32 to vector<200x128xi32>
    %shift_left3A_2016 = arith.shli %xor3A_2012, %shift_left3A_2015 : vector<200x128xi32>
    %shift_right_logical3A_2017 = arith.constant 6 : i32
    %shift_right_logical3A_2018 = vector.broadcast %shift_right_logical3A_2017 : i32 to vector<200x128xi32>
    %shift_right_logical3A_2019 = arith.shrui %xor3A_2012, %shift_right_logical3A_2018 : vector<200x128xi32>
    %or3A_2020 = arith.ori %shift_left3A_2016, %shift_right_logical3A_2019 : vector<200x128xi32>
    %xor3A_2021 = arith.xori %add3A_2013, %or3A_2020 : vector<200x128xi32>
    %add3A_2022 = arith.addi %add3A_2013, %xor3A_2021 : vector<200x128xi32>
    %shift_left3A_2023 = arith.constant 6 : i32
    %shift_left3A_2024 = vector.broadcast %shift_left3A_2023 : i32 to vector<200x128xi32>
    %shift_left3A_2025 = arith.shli %xor3A_2021, %shift_left3A_2024 : vector<200x128xi32>
    %shift_right_logical3A_2026 = arith.constant 26 : i32
    %shift_right_logical3A_2027 = vector.broadcast %shift_right_logical3A_2026 : i32 to vector<200x128xi32>
    %shift_right_logical3A_2028 = arith.shrui %xor3A_2021, %shift_right_logical3A_2027 : vector<200x128xi32>
    %or3A_2029 = arith.ori %shift_left3A_2025, %shift_right_logical3A_2028 : vector<200x128xi32>
    %xor3A_2030 = arith.xori %add3A_2022, %or3A_2029 : vector<200x128xi32>
    %add3A_2031 = arith.constant 0 : i32
    %add3A_2032 = vector.broadcast %add3A_2031 : i32 to vector<200x128xi32>
    %add3A_2033 = arith.addi %add3A_2022, %add3A_2032 : vector<200x128xi32>
    %add3A_2034 = arith.constant 45 : i32
    %add3A_2035 = vector.broadcast %add3A_2034 : i32 to vector<200x128xi32>
    %add3A_2036 = arith.addi %xor3A_2030, %add3A_2035 : vector<200x128xi32>
    %add3A_2037 = arith.addi %add3A_2033, %add3A_2036 : vector<200x128xi32>
    %shift_left3A_2038 = arith.constant 17 : i32
    %shift_left3A_2039 = vector.broadcast %shift_left3A_2038 : i32 to vector<200x128xi32>
    %shift_left3A_2040 = arith.shli %add3A_2036, %shift_left3A_2039 : vector<200x128xi32>
    %shift_right_logical3A_2041 = arith.constant 15 : i32
    %shift_right_logical3A_2042 = vector.broadcast %shift_right_logical3A_2041 : i32 to vector<200x128xi32>
    %shift_right_logical3A_2043 = arith.shrui %add3A_2036, %shift_right_logical3A_2042 : vector<200x128xi32>
    %or3A_2044 = arith.ori %shift_left3A_2040, %shift_right_logical3A_2043 : vector<200x128xi32>
    %xor3A_2045 = arith.xori %add3A_2037, %or3A_2044 : vector<200x128xi32>
    %add3A_2046 = arith.addi %add3A_2037, %xor3A_2045 : vector<200x128xi32>
    %shift_left3A_2047 = arith.constant 29 : i32
    %shift_left3A_2048 = vector.broadcast %shift_left3A_2047 : i32 to vector<200x128xi32>
    %shift_left3A_2049 = arith.shli %xor3A_2045, %shift_left3A_2048 : vector<200x128xi32>
    %shift_right_logical3A_2050 = arith.constant 3 : i32
    %shift_right_logical3A_2051 = vector.broadcast %shift_right_logical3A_2050 : i32 to vector<200x128xi32>
    %shift_right_logical3A_2052 = arith.shrui %xor3A_2045, %shift_right_logical3A_2051 : vector<200x128xi32>
    %or3A_2053 = arith.ori %shift_left3A_2049, %shift_right_logical3A_2052 : vector<200x128xi32>
    %xor3A_2054 = arith.xori %add3A_2046, %or3A_2053 : vector<200x128xi32>
    %add3A_2055 = arith.addi %add3A_2046, %xor3A_2054 : vector<200x128xi32>
    %shift_left3A_2056 = arith.constant 16 : i32
    %shift_left3A_2057 = vector.broadcast %shift_left3A_2056 : i32 to vector<200x128xi32>
    %shift_left3A_2058 = arith.shli %xor3A_2054, %shift_left3A_2057 : vector<200x128xi32>
    %shift_right_logical3A_2059 = arith.constant 16 : i32
    %shift_right_logical3A_2060 = vector.broadcast %shift_right_logical3A_2059 : i32 to vector<200x128xi32>
    %shift_right_logical3A_2061 = arith.shrui %xor3A_2054, %shift_right_logical3A_2060 : vector<200x128xi32>
    %or3A_2062 = arith.ori %shift_left3A_2058, %shift_right_logical3A_2061 : vector<200x128xi32>
    %xor3A_2063 = arith.xori %add3A_2055, %or3A_2062 : vector<200x128xi32>
    %add3A_2064 = arith.addi %add3A_2055, %xor3A_2063 : vector<200x128xi32>
    %shift_left3A_2065 = arith.constant 24 : i32
    %shift_left3A_2066 = vector.broadcast %shift_left3A_2065 : i32 to vector<200x128xi32>
    %shift_left3A_2067 = arith.shli %xor3A_2063, %shift_left3A_2066 : vector<200x128xi32>
    %shift_right_logical3A_2068 = arith.constant 8 : i32
    %shift_right_logical3A_2069 = vector.broadcast %shift_right_logical3A_2068 : i32 to vector<200x128xi32>
    %shift_right_logical3A_2070 = arith.shrui %xor3A_2063, %shift_right_logical3A_2069 : vector<200x128xi32>
    %or3A_2071 = arith.ori %shift_left3A_2067, %shift_right_logical3A_2070 : vector<200x128xi32>
    %xor3A_2072 = arith.xori %add3A_2064, %or3A_2071 : vector<200x128xi32>
    %add3A_2073 = arith.constant 42 : i32
    %add3A_2074 = vector.broadcast %add3A_2073 : i32 to vector<200x128xi32>
    %add3A_2075 = arith.addi %add3A_2064, %add3A_2074 : vector<200x128xi32>
    %add3A_2076 = arith.constant 466689012 : i32
    %add3A_2077 = vector.broadcast %add3A_2076 : i32 to vector<200x128xi32>
    %add3A_2078 = arith.addi %xor3A_2072, %add3A_2077 : vector<200x128xi32>
    %add3A_2079 = arith.addi %add3A_2075, %add3A_2078 : vector<200x128xi32>
    %shift_left3A_2080 = arith.constant 13 : i32
    %shift_left3A_2081 = vector.broadcast %shift_left3A_2080 : i32 to vector<200x128xi32>
    %shift_left3A_2082 = arith.shli %add3A_2078, %shift_left3A_2081 : vector<200x128xi32>
    %shift_right_logical3A_2083 = arith.constant 19 : i32
    %shift_right_logical3A_2084 = vector.broadcast %shift_right_logical3A_2083 : i32 to vector<200x128xi32>
    %shift_right_logical3A_2085 = arith.shrui %add3A_2078, %shift_right_logical3A_2084 : vector<200x128xi32>
    %or3A_2086 = arith.ori %shift_left3A_2082, %shift_right_logical3A_2085 : vector<200x128xi32>
    %xor3A_2087 = arith.xori %add3A_2079, %or3A_2086 : vector<200x128xi32>
    %add3A_2088 = arith.addi %add3A_2079, %xor3A_2087 : vector<200x128xi32>
    %shift_left3A_2089 = arith.constant 15 : i32
    %shift_left3A_2090 = vector.broadcast %shift_left3A_2089 : i32 to vector<200x128xi32>
    %shift_left3A_2091 = arith.shli %xor3A_2087, %shift_left3A_2090 : vector<200x128xi32>
    %shift_right_logical3A_2092 = arith.constant 17 : i32
    %shift_right_logical3A_2093 = vector.broadcast %shift_right_logical3A_2092 : i32 to vector<200x128xi32>
    %shift_right_logical3A_2094 = arith.shrui %xor3A_2087, %shift_right_logical3A_2093 : vector<200x128xi32>
    %or3A_2095 = arith.ori %shift_left3A_2091, %shift_right_logical3A_2094 : vector<200x128xi32>
    %xor3A_2096 = arith.xori %add3A_2088, %or3A_2095 : vector<200x128xi32>
    %add3A_2097 = arith.addi %add3A_2088, %xor3A_2096 : vector<200x128xi32>
    %shift_left3A_2098 = arith.constant 26 : i32
    %shift_left3A_2099 = vector.broadcast %shift_left3A_2098 : i32 to vector<200x128xi32>
    %shift_left3A_2100 = arith.shli %xor3A_2096, %shift_left3A_2099 : vector<200x128xi32>
    %shift_right_logical3A_2101 = arith.constant 6 : i32
    %shift_right_logical3A_2102 = vector.broadcast %shift_right_logical3A_2101 : i32 to vector<200x128xi32>
    %shift_right_logical3A_2103 = arith.shrui %xor3A_2096, %shift_right_logical3A_2102 : vector<200x128xi32>
    %or3A_2104 = arith.ori %shift_left3A_2100, %shift_right_logical3A_2103 : vector<200x128xi32>
    %xor3A_2105 = arith.xori %add3A_2097, %or3A_2104 : vector<200x128xi32>
    %add3A_2106 = arith.addi %add3A_2097, %xor3A_2105 : vector<200x128xi32>
    %shift_left3A_2107 = arith.constant 6 : i32
    %shift_left3A_2108 = vector.broadcast %shift_left3A_2107 : i32 to vector<200x128xi32>
    %shift_left3A_2109 = arith.shli %xor3A_2105, %shift_left3A_2108 : vector<200x128xi32>
    %shift_right_logical3A_2110 = arith.constant 26 : i32
    %shift_right_logical3A_2111 = vector.broadcast %shift_right_logical3A_2110 : i32 to vector<200x128xi32>
    %shift_right_logical3A_2112 = arith.shrui %xor3A_2105, %shift_right_logical3A_2111 : vector<200x128xi32>
    %or3A_2113 = arith.ori %shift_left3A_2109, %shift_right_logical3A_2112 : vector<200x128xi32>
    %xor3A_2114 = arith.xori %add3A_2106, %or3A_2113 : vector<200x128xi32>
    %add3A_2115 = arith.constant 466689008 : i32
    %add3A_2116 = vector.broadcast %add3A_2115 : i32 to vector<200x128xi32>
    %add3A_2117 = arith.addi %add3A_2106, %add3A_2116 : vector<200x128xi32>
    %add3A_2118 = arith.constant 5 : i32
    %add3A_2119 = vector.broadcast %add3A_2118 : i32 to vector<200x128xi32>
    %add3A_2120 = arith.addi %xor3A_2114, %add3A_2119 : vector<200x128xi32>
    %xor3A_2121 = arith.xori %add3A_2117, %add3A_2120 : vector<200x128xi32>
    %shift_right_logical3A_2122 = arith.constant 9 : i32
    %shift_right_logical3A_2123 = vector.broadcast %shift_right_logical3A_2122 : i32 to vector<200x128xi32>
    %shift_right_logical3A_2124 = arith.shrui %xor3A_2121, %shift_right_logical3A_2123 : vector<200x128xi32>
    %or3A_2125 = arith.constant 1065353216 : i32
    %or3A_2126 = vector.broadcast %or3A_2125 : i32 to vector<200x128xi32>
    %or3A_2127 = arith.ori %shift_right_logical3A_2124, %or3A_2126 : vector<200x128xi32>
    %bitcast_convert_type3A_2128 = tpu.bitcast %or3A_2127 : vector<200x128xi32> -> vector<200x128xf32>
    %sub3A_2129 = arith.constant 1.000000e+00 : f32
    %sub3A_2130 = vector.broadcast %sub3A_2129 : f32 to vector<200x128xf32>
    %sub3A_2131 = arith.subf %bitcast_convert_type3A_2128, %sub3A_2130 : vector<200x128xf32>
    %add3A_2132 = arith.constant 1.000000e-10 : f32
    %add3A_2133 = vector.broadcast %add3A_2132 : f32 to vector<200x128xf32>
    %add3A_2134 = arith.addf %sub3A_2131, %add3A_2133 : vector<200x128xf32>
    %max3A_2135 = arith.constant 1.000000e-10 : f32
    %max3A_2136 = vector.broadcast %max3A_2135 : f32 to vector<200x128xf32>
    %max3A_2137 = arith.maximumf %max3A_2136, %add3A_2134 : vector<200x128xf32>
    %log3A_2138 = math.log %max3A_2137 : vector<200x128xf32>
    %neg3A_2139 = arith.constant 0.000000e+00 : f32
    %neg3A_2140 = vector.broadcast %neg3A_2139 : f32 to vector<200x128xf32>
    %neg3A_2141 = arith.subf %neg3A_2140, %log3A_2138 : vector<200x128xf32>
    %log3A_2142 = math.log %neg3A_2141 : vector<200x128xf32>
    %neg3A_2143 = arith.constant 0.000000e+00 : f32
    %neg3A_2144 = vector.broadcast %neg3A_2143 : f32 to vector<200x128xf32>
    %neg3A_2145 = arith.subf %neg3A_2144, %log3A_2142 : vector<200x128xf32>
    %add3A_2146 = arith.addf %get3A_1908, %neg3A_2145 : vector<200x128xf32>
    %reduce_max3A_2147 = arith.constant dense<0xFF800000> : vector<128xf32>
    %reduce_max3A_2148 = vector.multi_reduction <maximumf>, %add3A_2146, %reduce_max3A_2147 [0] : vector<200x128xf32> to vector<128xf32>
    %broadcast_in_dim3A_2149 = vector.shape_cast %reduce_max3A_2148 : vector<128xf32> to vector<1x128xf32>
    %eq3A_2150 = vector.broadcast %broadcast_in_dim3A_2149 : vector<1x128xf32> to vector<200x128xf32>
    %eq3A_2151 = arith.cmpf oeq, %add3A_2146, %eq3A_2150 : vector<200x128xf32>
    %jit3A_2152 = arith.constant 1073741824 : i32
    %broadcast_in_dim3A_2153 = vector.broadcast %jit3A_2152 : i32 to vector<200x128xi32>
    %select_n3A_2154 = arith.select %eq3A_2151, %iota3A_1896, %broadcast_in_dim3A_2153 : vector<200x128xi1>, vector<200x128xi32>
    %reduce_min3A_2155 = arith.constant dense<2147483647> : vector<128xi32>
    %reduce_min3A_2156 = vector.multi_reduction <minsi>, %select_n3A_2154, %reduce_min3A_2155 [0] : vector<200x128xi32> to vector<128xi32>
    %broadcast_in_dim3A_2157 = vector.shape_cast %reduce_min3A_2156 : vector<128xi32> to vector<1x128xi32>
    %add3A_2158 = arith.constant 400 : i32
    %add3A_2159 = vector.broadcast %add3A_2158 : i32 to vector<1x128xi32>
    %add3A_2160 = arith.addi %broadcast_in_dim3A_2157, %add3A_2159 : vector<1x128xi32>
    %gt3A_2161 = arith.cmpf ogt, %broadcast_in_dim3A_2149, %select_n3A_1892 : vector<1x128xf32>
    %select_n3A_2162 = arith.select %gt3A_2161, %broadcast_in_dim3A_2149, %select_n3A_1892 : vector<1x128xi1>, vector<1x128xf32>
    %select_n3A_2163 = arith.select %gt3A_2161, %add3A_2160, %select_n3A_1893 : vector<1x128xi1>, vector<1x128xi32>
    %iota3A_2164 = tpu.iota {dimensions = array<i32: 0>} : vector<200x128xi32>
    %iota3A_2165 = tpu.iota {dimensions = array<i32: 1>} : vector<200x128xi32>
    %iota3A_2166 = tpu.iota {dimensions = array<i32: 0>} : vector<200x128xi32>
    %mul3A_2167 = arith.constant 1000 : i32
    %mul3A_2168 = vector.broadcast %mul3A_2167 : i32 to vector<200x128xi32>
    %mul3A_2169 = arith.muli %iota3A_2165, %mul3A_2168 : vector<200x128xi32>
    %add3A_2170 = vector.broadcast %mul3A_1349 : i32 to vector<200x128xi32>
    %add3A_2171 = arith.addi %add3A_2170, %mul3A_2169 : vector<200x128xi32>
    %add3A_2172 = arith.constant 600 : i32
    %add3A_2173 = vector.broadcast %add3A_2172 : i32 to vector<200x128xi32>
    %add3A_2174 = arith.addi %iota3A_2164, %add3A_2173 : vector<200x128xi32>
    %add3A_2175 = arith.addi %add3A_2171, %add3A_2174 : vector<200x128xi32>
    %get3A_2176 = arith.constant 600 : index
    %get3A_2177 = arith.constant 128 : index
    %get3A_2178 = vector.load %arg1[%get3A_2176, %get3A_2177] : memref<1000x512xf32, #tpu.memory_space<vmem>>, vector<200x128xf32>
    %add3A_2179 = arith.constant 42 : i32
    %add3A_2180 = vector.broadcast %add3A_2179 : i32 to vector<200x128xi32>
    %add3A_2181 = arith.addi %add3A_2175, %add3A_2180 : vector<200x128xi32>
    %shift_left3A_2182 = arith.constant 13 : i32
    %shift_left3A_2183 = vector.broadcast %shift_left3A_2182 : i32 to vector<200x128xi32>
    %shift_left3A_2184 = arith.shli %add3A_2181, %shift_left3A_2183 : vector<200x128xi32>
    %shift_right_logical3A_2185 = arith.constant 19 : i32
    %shift_right_logical3A_2186 = vector.broadcast %shift_right_logical3A_2185 : i32 to vector<200x128xi32>
    %shift_right_logical3A_2187 = arith.shrui %add3A_2181, %shift_right_logical3A_2186 : vector<200x128xi32>
    %or3A_2188 = arith.ori %shift_left3A_2184, %shift_right_logical3A_2187 : vector<200x128xi32>
    %xor3A_2189 = arith.xori %add3A_2181, %or3A_2188 : vector<200x128xi32>
    %add3A_2190 = arith.addi %add3A_2181, %xor3A_2189 : vector<200x128xi32>
    %shift_left3A_2191 = arith.constant 15 : i32
    %shift_left3A_2192 = vector.broadcast %shift_left3A_2191 : i32 to vector<200x128xi32>
    %shift_left3A_2193 = arith.shli %xor3A_2189, %shift_left3A_2192 : vector<200x128xi32>
    %shift_right_logical3A_2194 = arith.constant 17 : i32
    %shift_right_logical3A_2195 = vector.broadcast %shift_right_logical3A_2194 : i32 to vector<200x128xi32>
    %shift_right_logical3A_2196 = arith.shrui %xor3A_2189, %shift_right_logical3A_2195 : vector<200x128xi32>
    %or3A_2197 = arith.ori %shift_left3A_2193, %shift_right_logical3A_2196 : vector<200x128xi32>
    %xor3A_2198 = arith.xori %add3A_2190, %or3A_2197 : vector<200x128xi32>
    %add3A_2199 = arith.addi %add3A_2190, %xor3A_2198 : vector<200x128xi32>
    %shift_left3A_2200 = arith.constant 26 : i32
    %shift_left3A_2201 = vector.broadcast %shift_left3A_2200 : i32 to vector<200x128xi32>
    %shift_left3A_2202 = arith.shli %xor3A_2198, %shift_left3A_2201 : vector<200x128xi32>
    %shift_right_logical3A_2203 = arith.constant 6 : i32
    %shift_right_logical3A_2204 = vector.broadcast %shift_right_logical3A_2203 : i32 to vector<200x128xi32>
    %shift_right_logical3A_2205 = arith.shrui %xor3A_2198, %shift_right_logical3A_2204 : vector<200x128xi32>
    %or3A_2206 = arith.ori %shift_left3A_2202, %shift_right_logical3A_2205 : vector<200x128xi32>
    %xor3A_2207 = arith.xori %add3A_2199, %or3A_2206 : vector<200x128xi32>
    %add3A_2208 = arith.addi %add3A_2199, %xor3A_2207 : vector<200x128xi32>
    %shift_left3A_2209 = arith.constant 6 : i32
    %shift_left3A_2210 = vector.broadcast %shift_left3A_2209 : i32 to vector<200x128xi32>
    %shift_left3A_2211 = arith.shli %xor3A_2207, %shift_left3A_2210 : vector<200x128xi32>
    %shift_right_logical3A_2212 = arith.constant 26 : i32
    %shift_right_logical3A_2213 = vector.broadcast %shift_right_logical3A_2212 : i32 to vector<200x128xi32>
    %shift_right_logical3A_2214 = arith.shrui %xor3A_2207, %shift_right_logical3A_2213 : vector<200x128xi32>
    %or3A_2215 = arith.ori %shift_left3A_2211, %shift_right_logical3A_2214 : vector<200x128xi32>
    %xor3A_2216 = arith.xori %add3A_2208, %or3A_2215 : vector<200x128xi32>
    %add3A_2217 = arith.constant 42 : i32
    %add3A_2218 = vector.broadcast %add3A_2217 : i32 to vector<200x128xi32>
    %add3A_2219 = arith.addi %add3A_2208, %add3A_2218 : vector<200x128xi32>
    %add3A_2220 = arith.constant 466689009 : i32
    %add3A_2221 = vector.broadcast %add3A_2220 : i32 to vector<200x128xi32>
    %add3A_2222 = arith.addi %xor3A_2216, %add3A_2221 : vector<200x128xi32>
    %add3A_2223 = arith.addi %add3A_2219, %add3A_2222 : vector<200x128xi32>
    %shift_left3A_2224 = arith.constant 17 : i32
    %shift_left3A_2225 = vector.broadcast %shift_left3A_2224 : i32 to vector<200x128xi32>
    %shift_left3A_2226 = arith.shli %add3A_2222, %shift_left3A_2225 : vector<200x128xi32>
    %shift_right_logical3A_2227 = arith.constant 15 : i32
    %shift_right_logical3A_2228 = vector.broadcast %shift_right_logical3A_2227 : i32 to vector<200x128xi32>
    %shift_right_logical3A_2229 = arith.shrui %add3A_2222, %shift_right_logical3A_2228 : vector<200x128xi32>
    %or3A_2230 = arith.ori %shift_left3A_2226, %shift_right_logical3A_2229 : vector<200x128xi32>
    %xor3A_2231 = arith.xori %add3A_2223, %or3A_2230 : vector<200x128xi32>
    %add3A_2232 = arith.addi %add3A_2223, %xor3A_2231 : vector<200x128xi32>
    %shift_left3A_2233 = arith.constant 29 : i32
    %shift_left3A_2234 = vector.broadcast %shift_left3A_2233 : i32 to vector<200x128xi32>
    %shift_left3A_2235 = arith.shli %xor3A_2231, %shift_left3A_2234 : vector<200x128xi32>
    %shift_right_logical3A_2236 = arith.constant 3 : i32
    %shift_right_logical3A_2237 = vector.broadcast %shift_right_logical3A_2236 : i32 to vector<200x128xi32>
    %shift_right_logical3A_2238 = arith.shrui %xor3A_2231, %shift_right_logical3A_2237 : vector<200x128xi32>
    %or3A_2239 = arith.ori %shift_left3A_2235, %shift_right_logical3A_2238 : vector<200x128xi32>
    %xor3A_2240 = arith.xori %add3A_2232, %or3A_2239 : vector<200x128xi32>
    %add3A_2241 = arith.addi %add3A_2232, %xor3A_2240 : vector<200x128xi32>
    %shift_left3A_2242 = arith.constant 16 : i32
    %shift_left3A_2243 = vector.broadcast %shift_left3A_2242 : i32 to vector<200x128xi32>
    %shift_left3A_2244 = arith.shli %xor3A_2240, %shift_left3A_2243 : vector<200x128xi32>
    %shift_right_logical3A_2245 = arith.constant 16 : i32
    %shift_right_logical3A_2246 = vector.broadcast %shift_right_logical3A_2245 : i32 to vector<200x128xi32>
    %shift_right_logical3A_2247 = arith.shrui %xor3A_2240, %shift_right_logical3A_2246 : vector<200x128xi32>
    %or3A_2248 = arith.ori %shift_left3A_2244, %shift_right_logical3A_2247 : vector<200x128xi32>
    %xor3A_2249 = arith.xori %add3A_2241, %or3A_2248 : vector<200x128xi32>
    %add3A_2250 = arith.addi %add3A_2241, %xor3A_2249 : vector<200x128xi32>
    %shift_left3A_2251 = arith.constant 24 : i32
    %shift_left3A_2252 = vector.broadcast %shift_left3A_2251 : i32 to vector<200x128xi32>
    %shift_left3A_2253 = arith.shli %xor3A_2249, %shift_left3A_2252 : vector<200x128xi32>
    %shift_right_logical3A_2254 = arith.constant 8 : i32
    %shift_right_logical3A_2255 = vector.broadcast %shift_right_logical3A_2254 : i32 to vector<200x128xi32>
    %shift_right_logical3A_2256 = arith.shrui %xor3A_2249, %shift_right_logical3A_2255 : vector<200x128xi32>
    %or3A_2257 = arith.ori %shift_left3A_2253, %shift_right_logical3A_2256 : vector<200x128xi32>
    %xor3A_2258 = arith.xori %add3A_2250, %or3A_2257 : vector<200x128xi32>
    %add3A_2259 = arith.constant 466689008 : i32
    %add3A_2260 = vector.broadcast %add3A_2259 : i32 to vector<200x128xi32>
    %add3A_2261 = arith.addi %add3A_2250, %add3A_2260 : vector<200x128xi32>
    %add3A_2262 = arith.constant 2 : i32
    %add3A_2263 = vector.broadcast %add3A_2262 : i32 to vector<200x128xi32>
    %add3A_2264 = arith.addi %xor3A_2258, %add3A_2263 : vector<200x128xi32>
    %add3A_2265 = arith.addi %add3A_2261, %add3A_2264 : vector<200x128xi32>
    %shift_left3A_2266 = arith.constant 13 : i32
    %shift_left3A_2267 = vector.broadcast %shift_left3A_2266 : i32 to vector<200x128xi32>
    %shift_left3A_2268 = arith.shli %add3A_2264, %shift_left3A_2267 : vector<200x128xi32>
    %shift_right_logical3A_2269 = arith.constant 19 : i32
    %shift_right_logical3A_2270 = vector.broadcast %shift_right_logical3A_2269 : i32 to vector<200x128xi32>
    %shift_right_logical3A_2271 = arith.shrui %add3A_2264, %shift_right_logical3A_2270 : vector<200x128xi32>
    %or3A_2272 = arith.ori %shift_left3A_2268, %shift_right_logical3A_2271 : vector<200x128xi32>
    %xor3A_2273 = arith.xori %add3A_2265, %or3A_2272 : vector<200x128xi32>
    %add3A_2274 = arith.addi %add3A_2265, %xor3A_2273 : vector<200x128xi32>
    %shift_left3A_2275 = arith.constant 15 : i32
    %shift_left3A_2276 = vector.broadcast %shift_left3A_2275 : i32 to vector<200x128xi32>
    %shift_left3A_2277 = arith.shli %xor3A_2273, %shift_left3A_2276 : vector<200x128xi32>
    %shift_right_logical3A_2278 = arith.constant 17 : i32
    %shift_right_logical3A_2279 = vector.broadcast %shift_right_logical3A_2278 : i32 to vector<200x128xi32>
    %shift_right_logical3A_2280 = arith.shrui %xor3A_2273, %shift_right_logical3A_2279 : vector<200x128xi32>
    %or3A_2281 = arith.ori %shift_left3A_2277, %shift_right_logical3A_2280 : vector<200x128xi32>
    %xor3A_2282 = arith.xori %add3A_2274, %or3A_2281 : vector<200x128xi32>
    %add3A_2283 = arith.addi %add3A_2274, %xor3A_2282 : vector<200x128xi32>
    %shift_left3A_2284 = arith.constant 26 : i32
    %shift_left3A_2285 = vector.broadcast %shift_left3A_2284 : i32 to vector<200x128xi32>
    %shift_left3A_2286 = arith.shli %xor3A_2282, %shift_left3A_2285 : vector<200x128xi32>
    %shift_right_logical3A_2287 = arith.constant 6 : i32
    %shift_right_logical3A_2288 = vector.broadcast %shift_right_logical3A_2287 : i32 to vector<200x128xi32>
    %shift_right_logical3A_2289 = arith.shrui %xor3A_2282, %shift_right_logical3A_2288 : vector<200x128xi32>
    %or3A_2290 = arith.ori %shift_left3A_2286, %shift_right_logical3A_2289 : vector<200x128xi32>
    %xor3A_2291 = arith.xori %add3A_2283, %or3A_2290 : vector<200x128xi32>
    %add3A_2292 = arith.addi %add3A_2283, %xor3A_2291 : vector<200x128xi32>
    %shift_left3A_2293 = arith.constant 6 : i32
    %shift_left3A_2294 = vector.broadcast %shift_left3A_2293 : i32 to vector<200x128xi32>
    %shift_left3A_2295 = arith.shli %xor3A_2291, %shift_left3A_2294 : vector<200x128xi32>
    %shift_right_logical3A_2296 = arith.constant 26 : i32
    %shift_right_logical3A_2297 = vector.broadcast %shift_right_logical3A_2296 : i32 to vector<200x128xi32>
    %shift_right_logical3A_2298 = arith.shrui %xor3A_2291, %shift_right_logical3A_2297 : vector<200x128xi32>
    %or3A_2299 = arith.ori %shift_left3A_2295, %shift_right_logical3A_2298 : vector<200x128xi32>
    %xor3A_2300 = arith.xori %add3A_2292, %or3A_2299 : vector<200x128xi32>
    %add3A_2301 = arith.constant 0 : i32
    %add3A_2302 = vector.broadcast %add3A_2301 : i32 to vector<200x128xi32>
    %add3A_2303 = arith.addi %add3A_2292, %add3A_2302 : vector<200x128xi32>
    %add3A_2304 = arith.constant 45 : i32
    %add3A_2305 = vector.broadcast %add3A_2304 : i32 to vector<200x128xi32>
    %add3A_2306 = arith.addi %xor3A_2300, %add3A_2305 : vector<200x128xi32>
    %add3A_2307 = arith.addi %add3A_2303, %add3A_2306 : vector<200x128xi32>
    %shift_left3A_2308 = arith.constant 17 : i32
    %shift_left3A_2309 = vector.broadcast %shift_left3A_2308 : i32 to vector<200x128xi32>
    %shift_left3A_2310 = arith.shli %add3A_2306, %shift_left3A_2309 : vector<200x128xi32>
    %shift_right_logical3A_2311 = arith.constant 15 : i32
    %shift_right_logical3A_2312 = vector.broadcast %shift_right_logical3A_2311 : i32 to vector<200x128xi32>
    %shift_right_logical3A_2313 = arith.shrui %add3A_2306, %shift_right_logical3A_2312 : vector<200x128xi32>
    %or3A_2314 = arith.ori %shift_left3A_2310, %shift_right_logical3A_2313 : vector<200x128xi32>
    %xor3A_2315 = arith.xori %add3A_2307, %or3A_2314 : vector<200x128xi32>
    %add3A_2316 = arith.addi %add3A_2307, %xor3A_2315 : vector<200x128xi32>
    %shift_left3A_2317 = arith.constant 29 : i32
    %shift_left3A_2318 = vector.broadcast %shift_left3A_2317 : i32 to vector<200x128xi32>
    %shift_left3A_2319 = arith.shli %xor3A_2315, %shift_left3A_2318 : vector<200x128xi32>
    %shift_right_logical3A_2320 = arith.constant 3 : i32
    %shift_right_logical3A_2321 = vector.broadcast %shift_right_logical3A_2320 : i32 to vector<200x128xi32>
    %shift_right_logical3A_2322 = arith.shrui %xor3A_2315, %shift_right_logical3A_2321 : vector<200x128xi32>
    %or3A_2323 = arith.ori %shift_left3A_2319, %shift_right_logical3A_2322 : vector<200x128xi32>
    %xor3A_2324 = arith.xori %add3A_2316, %or3A_2323 : vector<200x128xi32>
    %add3A_2325 = arith.addi %add3A_2316, %xor3A_2324 : vector<200x128xi32>
    %shift_left3A_2326 = arith.constant 16 : i32
    %shift_left3A_2327 = vector.broadcast %shift_left3A_2326 : i32 to vector<200x128xi32>
    %shift_left3A_2328 = arith.shli %xor3A_2324, %shift_left3A_2327 : vector<200x128xi32>
    %shift_right_logical3A_2329 = arith.constant 16 : i32
    %shift_right_logical3A_2330 = vector.broadcast %shift_right_logical3A_2329 : i32 to vector<200x128xi32>
    %shift_right_logical3A_2331 = arith.shrui %xor3A_2324, %shift_right_logical3A_2330 : vector<200x128xi32>
    %or3A_2332 = arith.ori %shift_left3A_2328, %shift_right_logical3A_2331 : vector<200x128xi32>
    %xor3A_2333 = arith.xori %add3A_2325, %or3A_2332 : vector<200x128xi32>
    %add3A_2334 = arith.addi %add3A_2325, %xor3A_2333 : vector<200x128xi32>
    %shift_left3A_2335 = arith.constant 24 : i32
    %shift_left3A_2336 = vector.broadcast %shift_left3A_2335 : i32 to vector<200x128xi32>
    %shift_left3A_2337 = arith.shli %xor3A_2333, %shift_left3A_2336 : vector<200x128xi32>
    %shift_right_logical3A_2338 = arith.constant 8 : i32
    %shift_right_logical3A_2339 = vector.broadcast %shift_right_logical3A_2338 : i32 to vector<200x128xi32>
    %shift_right_logical3A_2340 = arith.shrui %xor3A_2333, %shift_right_logical3A_2339 : vector<200x128xi32>
    %or3A_2341 = arith.ori %shift_left3A_2337, %shift_right_logical3A_2340 : vector<200x128xi32>
    %xor3A_2342 = arith.xori %add3A_2334, %or3A_2341 : vector<200x128xi32>
    %add3A_2343 = arith.constant 42 : i32
    %add3A_2344 = vector.broadcast %add3A_2343 : i32 to vector<200x128xi32>
    %add3A_2345 = arith.addi %add3A_2334, %add3A_2344 : vector<200x128xi32>
    %add3A_2346 = arith.constant 466689012 : i32
    %add3A_2347 = vector.broadcast %add3A_2346 : i32 to vector<200x128xi32>
    %add3A_2348 = arith.addi %xor3A_2342, %add3A_2347 : vector<200x128xi32>
    %add3A_2349 = arith.addi %add3A_2345, %add3A_2348 : vector<200x128xi32>
    %shift_left3A_2350 = arith.constant 13 : i32
    %shift_left3A_2351 = vector.broadcast %shift_left3A_2350 : i32 to vector<200x128xi32>
    %shift_left3A_2352 = arith.shli %add3A_2348, %shift_left3A_2351 : vector<200x128xi32>
    %shift_right_logical3A_2353 = arith.constant 19 : i32
    %shift_right_logical3A_2354 = vector.broadcast %shift_right_logical3A_2353 : i32 to vector<200x128xi32>
    %shift_right_logical3A_2355 = arith.shrui %add3A_2348, %shift_right_logical3A_2354 : vector<200x128xi32>
    %or3A_2356 = arith.ori %shift_left3A_2352, %shift_right_logical3A_2355 : vector<200x128xi32>
    %xor3A_2357 = arith.xori %add3A_2349, %or3A_2356 : vector<200x128xi32>
    %add3A_2358 = arith.addi %add3A_2349, %xor3A_2357 : vector<200x128xi32>
    %shift_left3A_2359 = arith.constant 15 : i32
    %shift_left3A_2360 = vector.broadcast %shift_left3A_2359 : i32 to vector<200x128xi32>
    %shift_left3A_2361 = arith.shli %xor3A_2357, %shift_left3A_2360 : vector<200x128xi32>
    %shift_right_logical3A_2362 = arith.constant 17 : i32
    %shift_right_logical3A_2363 = vector.broadcast %shift_right_logical3A_2362 : i32 to vector<200x128xi32>
    %shift_right_logical3A_2364 = arith.shrui %xor3A_2357, %shift_right_logical3A_2363 : vector<200x128xi32>
    %or3A_2365 = arith.ori %shift_left3A_2361, %shift_right_logical3A_2364 : vector<200x128xi32>
    %xor3A_2366 = arith.xori %add3A_2358, %or3A_2365 : vector<200x128xi32>
    %add3A_2367 = arith.addi %add3A_2358, %xor3A_2366 : vector<200x128xi32>
    %shift_left3A_2368 = arith.constant 26 : i32
    %shift_left3A_2369 = vector.broadcast %shift_left3A_2368 : i32 to vector<200x128xi32>
    %shift_left3A_2370 = arith.shli %xor3A_2366, %shift_left3A_2369 : vector<200x128xi32>
    %shift_right_logical3A_2371 = arith.constant 6 : i32
    %shift_right_logical3A_2372 = vector.broadcast %shift_right_logical3A_2371 : i32 to vector<200x128xi32>
    %shift_right_logical3A_2373 = arith.shrui %xor3A_2366, %shift_right_logical3A_2372 : vector<200x128xi32>
    %or3A_2374 = arith.ori %shift_left3A_2370, %shift_right_logical3A_2373 : vector<200x128xi32>
    %xor3A_2375 = arith.xori %add3A_2367, %or3A_2374 : vector<200x128xi32>
    %add3A_2376 = arith.addi %add3A_2367, %xor3A_2375 : vector<200x128xi32>
    %shift_left3A_2377 = arith.constant 6 : i32
    %shift_left3A_2378 = vector.broadcast %shift_left3A_2377 : i32 to vector<200x128xi32>
    %shift_left3A_2379 = arith.shli %xor3A_2375, %shift_left3A_2378 : vector<200x128xi32>
    %shift_right_logical3A_2380 = arith.constant 26 : i32
    %shift_right_logical3A_2381 = vector.broadcast %shift_right_logical3A_2380 : i32 to vector<200x128xi32>
    %shift_right_logical3A_2382 = arith.shrui %xor3A_2375, %shift_right_logical3A_2381 : vector<200x128xi32>
    %or3A_2383 = arith.ori %shift_left3A_2379, %shift_right_logical3A_2382 : vector<200x128xi32>
    %xor3A_2384 = arith.xori %add3A_2376, %or3A_2383 : vector<200x128xi32>
    %add3A_2385 = arith.constant 466689008 : i32
    %add3A_2386 = vector.broadcast %add3A_2385 : i32 to vector<200x128xi32>
    %add3A_2387 = arith.addi %add3A_2376, %add3A_2386 : vector<200x128xi32>
    %add3A_2388 = arith.constant 5 : i32
    %add3A_2389 = vector.broadcast %add3A_2388 : i32 to vector<200x128xi32>
    %add3A_2390 = arith.addi %xor3A_2384, %add3A_2389 : vector<200x128xi32>
    %xor3A_2391 = arith.xori %add3A_2387, %add3A_2390 : vector<200x128xi32>
    %shift_right_logical3A_2392 = arith.constant 9 : i32
    %shift_right_logical3A_2393 = vector.broadcast %shift_right_logical3A_2392 : i32 to vector<200x128xi32>
    %shift_right_logical3A_2394 = arith.shrui %xor3A_2391, %shift_right_logical3A_2393 : vector<200x128xi32>
    %or3A_2395 = arith.constant 1065353216 : i32
    %or3A_2396 = vector.broadcast %or3A_2395 : i32 to vector<200x128xi32>
    %or3A_2397 = arith.ori %shift_right_logical3A_2394, %or3A_2396 : vector<200x128xi32>
    %bitcast_convert_type3A_2398 = tpu.bitcast %or3A_2397 : vector<200x128xi32> -> vector<200x128xf32>
    %sub3A_2399 = arith.constant 1.000000e+00 : f32
    %sub3A_2400 = vector.broadcast %sub3A_2399 : f32 to vector<200x128xf32>
    %sub3A_2401 = arith.subf %bitcast_convert_type3A_2398, %sub3A_2400 : vector<200x128xf32>
    %add3A_2402 = arith.constant 1.000000e-10 : f32
    %add3A_2403 = vector.broadcast %add3A_2402 : f32 to vector<200x128xf32>
    %add3A_2404 = arith.addf %sub3A_2401, %add3A_2403 : vector<200x128xf32>
    %max3A_2405 = arith.constant 1.000000e-10 : f32
    %max3A_2406 = vector.broadcast %max3A_2405 : f32 to vector<200x128xf32>
    %max3A_2407 = arith.maximumf %max3A_2406, %add3A_2404 : vector<200x128xf32>
    %log3A_2408 = math.log %max3A_2407 : vector<200x128xf32>
    %neg3A_2409 = arith.constant 0.000000e+00 : f32
    %neg3A_2410 = vector.broadcast %neg3A_2409 : f32 to vector<200x128xf32>
    %neg3A_2411 = arith.subf %neg3A_2410, %log3A_2408 : vector<200x128xf32>
    %log3A_2412 = math.log %neg3A_2411 : vector<200x128xf32>
    %neg3A_2413 = arith.constant 0.000000e+00 : f32
    %neg3A_2414 = vector.broadcast %neg3A_2413 : f32 to vector<200x128xf32>
    %neg3A_2415 = arith.subf %neg3A_2414, %log3A_2412 : vector<200x128xf32>
    %add3A_2416 = arith.addf %get3A_2178, %neg3A_2415 : vector<200x128xf32>
    %reduce_max3A_2417 = arith.constant dense<0xFF800000> : vector<128xf32>
    %reduce_max3A_2418 = vector.multi_reduction <maximumf>, %add3A_2416, %reduce_max3A_2417 [0] : vector<200x128xf32> to vector<128xf32>
    %broadcast_in_dim3A_2419 = vector.shape_cast %reduce_max3A_2418 : vector<128xf32> to vector<1x128xf32>
    %eq3A_2420 = vector.broadcast %broadcast_in_dim3A_2419 : vector<1x128xf32> to vector<200x128xf32>
    %eq3A_2421 = arith.cmpf oeq, %add3A_2416, %eq3A_2420 : vector<200x128xf32>
    %jit3A_2422 = arith.constant 1073741824 : i32
    %broadcast_in_dim3A_2423 = vector.broadcast %jit3A_2422 : i32 to vector<200x128xi32>
    %select_n3A_2424 = arith.select %eq3A_2421, %iota3A_2166, %broadcast_in_dim3A_2423 : vector<200x128xi1>, vector<200x128xi32>
    %reduce_min3A_2425 = arith.constant dense<2147483647> : vector<128xi32>
    %reduce_min3A_2426 = vector.multi_reduction <minsi>, %select_n3A_2424, %reduce_min3A_2425 [0] : vector<200x128xi32> to vector<128xi32>
    %broadcast_in_dim3A_2427 = vector.shape_cast %reduce_min3A_2426 : vector<128xi32> to vector<1x128xi32>
    %add3A_2428 = arith.constant 600 : i32
    %add3A_2429 = vector.broadcast %add3A_2428 : i32 to vector<1x128xi32>
    %add3A_2430 = arith.addi %broadcast_in_dim3A_2427, %add3A_2429 : vector<1x128xi32>
    %gt3A_2431 = arith.cmpf ogt, %broadcast_in_dim3A_2419, %select_n3A_2162 : vector<1x128xf32>
    %select_n3A_2432 = arith.select %gt3A_2431, %broadcast_in_dim3A_2419, %select_n3A_2162 : vector<1x128xi1>, vector<1x128xf32>
    %select_n3A_2433 = arith.select %gt3A_2431, %add3A_2430, %select_n3A_2163 : vector<1x128xi1>, vector<1x128xi32>
    %iota3A_2434 = tpu.iota {dimensions = array<i32: 0>} : vector<200x128xi32>
    %iota3A_2435 = tpu.iota {dimensions = array<i32: 1>} : vector<200x128xi32>
    %iota3A_2436 = tpu.iota {dimensions = array<i32: 0>} : vector<200x128xi32>
    %mul3A_2437 = arith.constant 1000 : i32
    %mul3A_2438 = vector.broadcast %mul3A_2437 : i32 to vector<200x128xi32>
    %mul3A_2439 = arith.muli %iota3A_2435, %mul3A_2438 : vector<200x128xi32>
    %add3A_2440 = vector.broadcast %mul3A_1349 : i32 to vector<200x128xi32>
    %add3A_2441 = arith.addi %add3A_2440, %mul3A_2439 : vector<200x128xi32>
    %add3A_2442 = arith.constant 800 : i32
    %add3A_2443 = vector.broadcast %add3A_2442 : i32 to vector<200x128xi32>
    %add3A_2444 = arith.addi %iota3A_2434, %add3A_2443 : vector<200x128xi32>
    %add3A_2445 = arith.addi %add3A_2441, %add3A_2444 : vector<200x128xi32>
    %get3A_2446 = arith.constant 800 : index
    %get3A_2447 = arith.constant 128 : index
    %get3A_2448 = vector.load %arg1[%get3A_2446, %get3A_2447] : memref<1000x512xf32, #tpu.memory_space<vmem>>, vector<200x128xf32>
    %add3A_2449 = arith.constant 42 : i32
    %add3A_2450 = vector.broadcast %add3A_2449 : i32 to vector<200x128xi32>
    %add3A_2451 = arith.addi %add3A_2445, %add3A_2450 : vector<200x128xi32>
    %shift_left3A_2452 = arith.constant 13 : i32
    %shift_left3A_2453 = vector.broadcast %shift_left3A_2452 : i32 to vector<200x128xi32>
    %shift_left3A_2454 = arith.shli %add3A_2451, %shift_left3A_2453 : vector<200x128xi32>
    %shift_right_logical3A_2455 = arith.constant 19 : i32
    %shift_right_logical3A_2456 = vector.broadcast %shift_right_logical3A_2455 : i32 to vector<200x128xi32>
    %shift_right_logical3A_2457 = arith.shrui %add3A_2451, %shift_right_logical3A_2456 : vector<200x128xi32>
    %or3A_2458 = arith.ori %shift_left3A_2454, %shift_right_logical3A_2457 : vector<200x128xi32>
    %xor3A_2459 = arith.xori %add3A_2451, %or3A_2458 : vector<200x128xi32>
    %add3A_2460 = arith.addi %add3A_2451, %xor3A_2459 : vector<200x128xi32>
    %shift_left3A_2461 = arith.constant 15 : i32
    %shift_left3A_2462 = vector.broadcast %shift_left3A_2461 : i32 to vector<200x128xi32>
    %shift_left3A_2463 = arith.shli %xor3A_2459, %shift_left3A_2462 : vector<200x128xi32>
    %shift_right_logical3A_2464 = arith.constant 17 : i32
    %shift_right_logical3A_2465 = vector.broadcast %shift_right_logical3A_2464 : i32 to vector<200x128xi32>
    %shift_right_logical3A_2466 = arith.shrui %xor3A_2459, %shift_right_logical3A_2465 : vector<200x128xi32>
    %or3A_2467 = arith.ori %shift_left3A_2463, %shift_right_logical3A_2466 : vector<200x128xi32>
    %xor3A_2468 = arith.xori %add3A_2460, %or3A_2467 : vector<200x128xi32>
    %add3A_2469 = arith.addi %add3A_2460, %xor3A_2468 : vector<200x128xi32>
    %shift_left3A_2470 = arith.constant 26 : i32
    %shift_left3A_2471 = vector.broadcast %shift_left3A_2470 : i32 to vector<200x128xi32>
    %shift_left3A_2472 = arith.shli %xor3A_2468, %shift_left3A_2471 : vector<200x128xi32>
    %shift_right_logical3A_2473 = arith.constant 6 : i32
    %shift_right_logical3A_2474 = vector.broadcast %shift_right_logical3A_2473 : i32 to vector<200x128xi32>
    %shift_right_logical3A_2475 = arith.shrui %xor3A_2468, %shift_right_logical3A_2474 : vector<200x128xi32>
    %or3A_2476 = arith.ori %shift_left3A_2472, %shift_right_logical3A_2475 : vector<200x128xi32>
    %xor3A_2477 = arith.xori %add3A_2469, %or3A_2476 : vector<200x128xi32>
    %add3A_2478 = arith.addi %add3A_2469, %xor3A_2477 : vector<200x128xi32>
    %shift_left3A_2479 = arith.constant 6 : i32
    %shift_left3A_2480 = vector.broadcast %shift_left3A_2479 : i32 to vector<200x128xi32>
    %shift_left3A_2481 = arith.shli %xor3A_2477, %shift_left3A_2480 : vector<200x128xi32>
    %shift_right_logical3A_2482 = arith.constant 26 : i32
    %shift_right_logical3A_2483 = vector.broadcast %shift_right_logical3A_2482 : i32 to vector<200x128xi32>
    %shift_right_logical3A_2484 = arith.shrui %xor3A_2477, %shift_right_logical3A_2483 : vector<200x128xi32>
    %or3A_2485 = arith.ori %shift_left3A_2481, %shift_right_logical3A_2484 : vector<200x128xi32>
    %xor3A_2486 = arith.xori %add3A_2478, %or3A_2485 : vector<200x128xi32>
    %add3A_2487 = arith.constant 42 : i32
    %add3A_2488 = vector.broadcast %add3A_2487 : i32 to vector<200x128xi32>
    %add3A_2489 = arith.addi %add3A_2478, %add3A_2488 : vector<200x128xi32>
    %add3A_2490 = arith.constant 466689009 : i32
    %add3A_2491 = vector.broadcast %add3A_2490 : i32 to vector<200x128xi32>
    %add3A_2492 = arith.addi %xor3A_2486, %add3A_2491 : vector<200x128xi32>
    %add3A_2493 = arith.addi %add3A_2489, %add3A_2492 : vector<200x128xi32>
    %shift_left3A_2494 = arith.constant 17 : i32
    %shift_left3A_2495 = vector.broadcast %shift_left3A_2494 : i32 to vector<200x128xi32>
    %shift_left3A_2496 = arith.shli %add3A_2492, %shift_left3A_2495 : vector<200x128xi32>
    %shift_right_logical3A_2497 = arith.constant 15 : i32
    %shift_right_logical3A_2498 = vector.broadcast %shift_right_logical3A_2497 : i32 to vector<200x128xi32>
    %shift_right_logical3A_2499 = arith.shrui %add3A_2492, %shift_right_logical3A_2498 : vector<200x128xi32>
    %or3A_2500 = arith.ori %shift_left3A_2496, %shift_right_logical3A_2499 : vector<200x128xi32>
    %xor3A_2501 = arith.xori %add3A_2493, %or3A_2500 : vector<200x128xi32>
    %add3A_2502 = arith.addi %add3A_2493, %xor3A_2501 : vector<200x128xi32>
    %shift_left3A_2503 = arith.constant 29 : i32
    %shift_left3A_2504 = vector.broadcast %shift_left3A_2503 : i32 to vector<200x128xi32>
    %shift_left3A_2505 = arith.shli %xor3A_2501, %shift_left3A_2504 : vector<200x128xi32>
    %shift_right_logical3A_2506 = arith.constant 3 : i32
    %shift_right_logical3A_2507 = vector.broadcast %shift_right_logical3A_2506 : i32 to vector<200x128xi32>
    %shift_right_logical3A_2508 = arith.shrui %xor3A_2501, %shift_right_logical3A_2507 : vector<200x128xi32>
    %or3A_2509 = arith.ori %shift_left3A_2505, %shift_right_logical3A_2508 : vector<200x128xi32>
    %xor3A_2510 = arith.xori %add3A_2502, %or3A_2509 : vector<200x128xi32>
    %add3A_2511 = arith.addi %add3A_2502, %xor3A_2510 : vector<200x128xi32>
    %shift_left3A_2512 = arith.constant 16 : i32
    %shift_left3A_2513 = vector.broadcast %shift_left3A_2512 : i32 to vector<200x128xi32>
    %shift_left3A_2514 = arith.shli %xor3A_2510, %shift_left3A_2513 : vector<200x128xi32>
    %shift_right_logical3A_2515 = arith.constant 16 : i32
    %shift_right_logical3A_2516 = vector.broadcast %shift_right_logical3A_2515 : i32 to vector<200x128xi32>
    %shift_right_logical3A_2517 = arith.shrui %xor3A_2510, %shift_right_logical3A_2516 : vector<200x128xi32>
    %or3A_2518 = arith.ori %shift_left3A_2514, %shift_right_logical3A_2517 : vector<200x128xi32>
    %xor3A_2519 = arith.xori %add3A_2511, %or3A_2518 : vector<200x128xi32>
    %add3A_2520 = arith.addi %add3A_2511, %xor3A_2519 : vector<200x128xi32>
    %shift_left3A_2521 = arith.constant 24 : i32
    %shift_left3A_2522 = vector.broadcast %shift_left3A_2521 : i32 to vector<200x128xi32>
    %shift_left3A_2523 = arith.shli %xor3A_2519, %shift_left3A_2522 : vector<200x128xi32>
    %shift_right_logical3A_2524 = arith.constant 8 : i32
    %shift_right_logical3A_2525 = vector.broadcast %shift_right_logical3A_2524 : i32 to vector<200x128xi32>
    %shift_right_logical3A_2526 = arith.shrui %xor3A_2519, %shift_right_logical3A_2525 : vector<200x128xi32>
    %or3A_2527 = arith.ori %shift_left3A_2523, %shift_right_logical3A_2526 : vector<200x128xi32>
    %xor3A_2528 = arith.xori %add3A_2520, %or3A_2527 : vector<200x128xi32>
    %add3A_2529 = arith.constant 466689008 : i32
    %add3A_2530 = vector.broadcast %add3A_2529 : i32 to vector<200x128xi32>
    %add3A_2531 = arith.addi %add3A_2520, %add3A_2530 : vector<200x128xi32>
    %add3A_2532 = arith.constant 2 : i32
    %add3A_2533 = vector.broadcast %add3A_2532 : i32 to vector<200x128xi32>
    %add3A_2534 = arith.addi %xor3A_2528, %add3A_2533 : vector<200x128xi32>
    %add3A_2535 = arith.addi %add3A_2531, %add3A_2534 : vector<200x128xi32>
    %shift_left3A_2536 = arith.constant 13 : i32
    %shift_left3A_2537 = vector.broadcast %shift_left3A_2536 : i32 to vector<200x128xi32>
    %shift_left3A_2538 = arith.shli %add3A_2534, %shift_left3A_2537 : vector<200x128xi32>
    %shift_right_logical3A_2539 = arith.constant 19 : i32
    %shift_right_logical3A_2540 = vector.broadcast %shift_right_logical3A_2539 : i32 to vector<200x128xi32>
    %shift_right_logical3A_2541 = arith.shrui %add3A_2534, %shift_right_logical3A_2540 : vector<200x128xi32>
    %or3A_2542 = arith.ori %shift_left3A_2538, %shift_right_logical3A_2541 : vector<200x128xi32>
    %xor3A_2543 = arith.xori %add3A_2535, %or3A_2542 : vector<200x128xi32>
    %add3A_2544 = arith.addi %add3A_2535, %xor3A_2543 : vector<200x128xi32>
    %shift_left3A_2545 = arith.constant 15 : i32
    %shift_left3A_2546 = vector.broadcast %shift_left3A_2545 : i32 to vector<200x128xi32>
    %shift_left3A_2547 = arith.shli %xor3A_2543, %shift_left3A_2546 : vector<200x128xi32>
    %shift_right_logical3A_2548 = arith.constant 17 : i32
    %shift_right_logical3A_2549 = vector.broadcast %shift_right_logical3A_2548 : i32 to vector<200x128xi32>
    %shift_right_logical3A_2550 = arith.shrui %xor3A_2543, %shift_right_logical3A_2549 : vector<200x128xi32>
    %or3A_2551 = arith.ori %shift_left3A_2547, %shift_right_logical3A_2550 : vector<200x128xi32>
    %xor3A_2552 = arith.xori %add3A_2544, %or3A_2551 : vector<200x128xi32>
    %add3A_2553 = arith.addi %add3A_2544, %xor3A_2552 : vector<200x128xi32>
    %shift_left3A_2554 = arith.constant 26 : i32
    %shift_left3A_2555 = vector.broadcast %shift_left3A_2554 : i32 to vector<200x128xi32>
    %shift_left3A_2556 = arith.shli %xor3A_2552, %shift_left3A_2555 : vector<200x128xi32>
    %shift_right_logical3A_2557 = arith.constant 6 : i32
    %shift_right_logical3A_2558 = vector.broadcast %shift_right_logical3A_2557 : i32 to vector<200x128xi32>
    %shift_right_logical3A_2559 = arith.shrui %xor3A_2552, %shift_right_logical3A_2558 : vector<200x128xi32>
    %or3A_2560 = arith.ori %shift_left3A_2556, %shift_right_logical3A_2559 : vector<200x128xi32>
    %xor3A_2561 = arith.xori %add3A_2553, %or3A_2560 : vector<200x128xi32>
    %add3A_2562 = arith.addi %add3A_2553, %xor3A_2561 : vector<200x128xi32>
    %shift_left3A_2563 = arith.constant 6 : i32
    %shift_left3A_2564 = vector.broadcast %shift_left3A_2563 : i32 to vector<200x128xi32>
    %shift_left3A_2565 = arith.shli %xor3A_2561, %shift_left3A_2564 : vector<200x128xi32>
    %shift_right_logical3A_2566 = arith.constant 26 : i32
    %shift_right_logical3A_2567 = vector.broadcast %shift_right_logical3A_2566 : i32 to vector<200x128xi32>
    %shift_right_logical3A_2568 = arith.shrui %xor3A_2561, %shift_right_logical3A_2567 : vector<200x128xi32>
    %or3A_2569 = arith.ori %shift_left3A_2565, %shift_right_logical3A_2568 : vector<200x128xi32>
    %xor3A_2570 = arith.xori %add3A_2562, %or3A_2569 : vector<200x128xi32>
    %add3A_2571 = arith.constant 0 : i32
    %add3A_2572 = vector.broadcast %add3A_2571 : i32 to vector<200x128xi32>
    %add3A_2573 = arith.addi %add3A_2562, %add3A_2572 : vector<200x128xi32>
    %add3A_2574 = arith.constant 45 : i32
    %add3A_2575 = vector.broadcast %add3A_2574 : i32 to vector<200x128xi32>
    %add3A_2576 = arith.addi %xor3A_2570, %add3A_2575 : vector<200x128xi32>
    %add3A_2577 = arith.addi %add3A_2573, %add3A_2576 : vector<200x128xi32>
    %shift_left3A_2578 = arith.constant 17 : i32
    %shift_left3A_2579 = vector.broadcast %shift_left3A_2578 : i32 to vector<200x128xi32>
    %shift_left3A_2580 = arith.shli %add3A_2576, %shift_left3A_2579 : vector<200x128xi32>
    %shift_right_logical3A_2581 = arith.constant 15 : i32
    %shift_right_logical3A_2582 = vector.broadcast %shift_right_logical3A_2581 : i32 to vector<200x128xi32>
    %shift_right_logical3A_2583 = arith.shrui %add3A_2576, %shift_right_logical3A_2582 : vector<200x128xi32>
    %or3A_2584 = arith.ori %shift_left3A_2580, %shift_right_logical3A_2583 : vector<200x128xi32>
    %xor3A_2585 = arith.xori %add3A_2577, %or3A_2584 : vector<200x128xi32>
    %add3A_2586 = arith.addi %add3A_2577, %xor3A_2585 : vector<200x128xi32>
    %shift_left3A_2587 = arith.constant 29 : i32
    %shift_left3A_2588 = vector.broadcast %shift_left3A_2587 : i32 to vector<200x128xi32>
    %shift_left3A_2589 = arith.shli %xor3A_2585, %shift_left3A_2588 : vector<200x128xi32>
    %shift_right_logical3A_2590 = arith.constant 3 : i32
    %shift_right_logical3A_2591 = vector.broadcast %shift_right_logical3A_2590 : i32 to vector<200x128xi32>
    %shift_right_logical3A_2592 = arith.shrui %xor3A_2585, %shift_right_logical3A_2591 : vector<200x128xi32>
    %or3A_2593 = arith.ori %shift_left3A_2589, %shift_right_logical3A_2592 : vector<200x128xi32>
    %xor3A_2594 = arith.xori %add3A_2586, %or3A_2593 : vector<200x128xi32>
    %add3A_2595 = arith.addi %add3A_2586, %xor3A_2594 : vector<200x128xi32>
    %shift_left3A_2596 = arith.constant 16 : i32
    %shift_left3A_2597 = vector.broadcast %shift_left3A_2596 : i32 to vector<200x128xi32>
    %shift_left3A_2598 = arith.shli %xor3A_2594, %shift_left3A_2597 : vector<200x128xi32>
    %shift_right_logical3A_2599 = arith.constant 16 : i32
    %shift_right_logical3A_2600 = vector.broadcast %shift_right_logical3A_2599 : i32 to vector<200x128xi32>
    %shift_right_logical3A_2601 = arith.shrui %xor3A_2594, %shift_right_logical3A_2600 : vector<200x128xi32>
    %or3A_2602 = arith.ori %shift_left3A_2598, %shift_right_logical3A_2601 : vector<200x128xi32>
    %xor3A_2603 = arith.xori %add3A_2595, %or3A_2602 : vector<200x128xi32>
    %add3A_2604 = arith.addi %add3A_2595, %xor3A_2603 : vector<200x128xi32>
    %shift_left3A_2605 = arith.constant 24 : i32
    %shift_left3A_2606 = vector.broadcast %shift_left3A_2605 : i32 to vector<200x128xi32>
    %shift_left3A_2607 = arith.shli %xor3A_2603, %shift_left3A_2606 : vector<200x128xi32>
    %shift_right_logical3A_2608 = arith.constant 8 : i32
    %shift_right_logical3A_2609 = vector.broadcast %shift_right_logical3A_2608 : i32 to vector<200x128xi32>
    %shift_right_logical3A_2610 = arith.shrui %xor3A_2603, %shift_right_logical3A_2609 : vector<200x128xi32>
    %or3A_2611 = arith.ori %shift_left3A_2607, %shift_right_logical3A_2610 : vector<200x128xi32>
    %xor3A_2612 = arith.xori %add3A_2604, %or3A_2611 : vector<200x128xi32>
    %add3A_2613 = arith.constant 42 : i32
    %add3A_2614 = vector.broadcast %add3A_2613 : i32 to vector<200x128xi32>
    %add3A_2615 = arith.addi %add3A_2604, %add3A_2614 : vector<200x128xi32>
    %add3A_2616 = arith.constant 466689012 : i32
    %add3A_2617 = vector.broadcast %add3A_2616 : i32 to vector<200x128xi32>
    %add3A_2618 = arith.addi %xor3A_2612, %add3A_2617 : vector<200x128xi32>
    %add3A_2619 = arith.addi %add3A_2615, %add3A_2618 : vector<200x128xi32>
    %shift_left3A_2620 = arith.constant 13 : i32
    %shift_left3A_2621 = vector.broadcast %shift_left3A_2620 : i32 to vector<200x128xi32>
    %shift_left3A_2622 = arith.shli %add3A_2618, %shift_left3A_2621 : vector<200x128xi32>
    %shift_right_logical3A_2623 = arith.constant 19 : i32
    %shift_right_logical3A_2624 = vector.broadcast %shift_right_logical3A_2623 : i32 to vector<200x128xi32>
    %shift_right_logical3A_2625 = arith.shrui %add3A_2618, %shift_right_logical3A_2624 : vector<200x128xi32>
    %or3A_2626 = arith.ori %shift_left3A_2622, %shift_right_logical3A_2625 : vector<200x128xi32>
    %xor3A_2627 = arith.xori %add3A_2619, %or3A_2626 : vector<200x128xi32>
    %add3A_2628 = arith.addi %add3A_2619, %xor3A_2627 : vector<200x128xi32>
    %shift_left3A_2629 = arith.constant 15 : i32
    %shift_left3A_2630 = vector.broadcast %shift_left3A_2629 : i32 to vector<200x128xi32>
    %shift_left3A_2631 = arith.shli %xor3A_2627, %shift_left3A_2630 : vector<200x128xi32>
    %shift_right_logical3A_2632 = arith.constant 17 : i32
    %shift_right_logical3A_2633 = vector.broadcast %shift_right_logical3A_2632 : i32 to vector<200x128xi32>
    %shift_right_logical3A_2634 = arith.shrui %xor3A_2627, %shift_right_logical3A_2633 : vector<200x128xi32>
    %or3A_2635 = arith.ori %shift_left3A_2631, %shift_right_logical3A_2634 : vector<200x128xi32>
    %xor3A_2636 = arith.xori %add3A_2628, %or3A_2635 : vector<200x128xi32>
    %add3A_2637 = arith.addi %add3A_2628, %xor3A_2636 : vector<200x128xi32>
    %shift_left3A_2638 = arith.constant 26 : i32
    %shift_left3A_2639 = vector.broadcast %shift_left3A_2638 : i32 to vector<200x128xi32>
    %shift_left3A_2640 = arith.shli %xor3A_2636, %shift_left3A_2639 : vector<200x128xi32>
    %shift_right_logical3A_2641 = arith.constant 6 : i32
    %shift_right_logical3A_2642 = vector.broadcast %shift_right_logical3A_2641 : i32 to vector<200x128xi32>
    %shift_right_logical3A_2643 = arith.shrui %xor3A_2636, %shift_right_logical3A_2642 : vector<200x128xi32>
    %or3A_2644 = arith.ori %shift_left3A_2640, %shift_right_logical3A_2643 : vector<200x128xi32>
    %xor3A_2645 = arith.xori %add3A_2637, %or3A_2644 : vector<200x128xi32>
    %add3A_2646 = arith.addi %add3A_2637, %xor3A_2645 : vector<200x128xi32>
    %shift_left3A_2647 = arith.constant 6 : i32
    %shift_left3A_2648 = vector.broadcast %shift_left3A_2647 : i32 to vector<200x128xi32>
    %shift_left3A_2649 = arith.shli %xor3A_2645, %shift_left3A_2648 : vector<200x128xi32>
    %shift_right_logical3A_2650 = arith.constant 26 : i32
    %shift_right_logical3A_2651 = vector.broadcast %shift_right_logical3A_2650 : i32 to vector<200x128xi32>
    %shift_right_logical3A_2652 = arith.shrui %xor3A_2645, %shift_right_logical3A_2651 : vector<200x128xi32>
    %or3A_2653 = arith.ori %shift_left3A_2649, %shift_right_logical3A_2652 : vector<200x128xi32>
    %xor3A_2654 = arith.xori %add3A_2646, %or3A_2653 : vector<200x128xi32>
    %add3A_2655 = arith.constant 466689008 : i32
    %add3A_2656 = vector.broadcast %add3A_2655 : i32 to vector<200x128xi32>
    %add3A_2657 = arith.addi %add3A_2646, %add3A_2656 : vector<200x128xi32>
    %add3A_2658 = arith.constant 5 : i32
    %add3A_2659 = vector.broadcast %add3A_2658 : i32 to vector<200x128xi32>
    %add3A_2660 = arith.addi %xor3A_2654, %add3A_2659 : vector<200x128xi32>
    %xor3A_2661 = arith.xori %add3A_2657, %add3A_2660 : vector<200x128xi32>
    %shift_right_logical3A_2662 = arith.constant 9 : i32
    %shift_right_logical3A_2663 = vector.broadcast %shift_right_logical3A_2662 : i32 to vector<200x128xi32>
    %shift_right_logical3A_2664 = arith.shrui %xor3A_2661, %shift_right_logical3A_2663 : vector<200x128xi32>
    %or3A_2665 = arith.constant 1065353216 : i32
    %or3A_2666 = vector.broadcast %or3A_2665 : i32 to vector<200x128xi32>
    %or3A_2667 = arith.ori %shift_right_logical3A_2664, %or3A_2666 : vector<200x128xi32>
    %bitcast_convert_type3A_2668 = tpu.bitcast %or3A_2667 : vector<200x128xi32> -> vector<200x128xf32>
    %sub3A_2669 = arith.constant 1.000000e+00 : f32
    %sub3A_2670 = vector.broadcast %sub3A_2669 : f32 to vector<200x128xf32>
    %sub3A_2671 = arith.subf %bitcast_convert_type3A_2668, %sub3A_2670 : vector<200x128xf32>
    %add3A_2672 = arith.constant 1.000000e-10 : f32
    %add3A_2673 = vector.broadcast %add3A_2672 : f32 to vector<200x128xf32>
    %add3A_2674 = arith.addf %sub3A_2671, %add3A_2673 : vector<200x128xf32>
    %max3A_2675 = arith.constant 1.000000e-10 : f32
    %max3A_2676 = vector.broadcast %max3A_2675 : f32 to vector<200x128xf32>
    %max3A_2677 = arith.maximumf %max3A_2676, %add3A_2674 : vector<200x128xf32>
    %log3A_2678 = math.log %max3A_2677 : vector<200x128xf32>
    %neg3A_2679 = arith.constant 0.000000e+00 : f32
    %neg3A_2680 = vector.broadcast %neg3A_2679 : f32 to vector<200x128xf32>
    %neg3A_2681 = arith.subf %neg3A_2680, %log3A_2678 : vector<200x128xf32>
    %log3A_2682 = math.log %neg3A_2681 : vector<200x128xf32>
    %neg3A_2683 = arith.constant 0.000000e+00 : f32
    %neg3A_2684 = vector.broadcast %neg3A_2683 : f32 to vector<200x128xf32>
    %neg3A_2685 = arith.subf %neg3A_2684, %log3A_2682 : vector<200x128xf32>
    %add3A_2686 = arith.addf %get3A_2448, %neg3A_2685 : vector<200x128xf32>
    %reduce_max3A_2687 = arith.constant dense<0xFF800000> : vector<128xf32>
    %reduce_max3A_2688 = vector.multi_reduction <maximumf>, %add3A_2686, %reduce_max3A_2687 [0] : vector<200x128xf32> to vector<128xf32>
    %broadcast_in_dim3A_2689 = vector.shape_cast %reduce_max3A_2688 : vector<128xf32> to vector<1x128xf32>
    %eq3A_2690 = vector.broadcast %broadcast_in_dim3A_2689 : vector<1x128xf32> to vector<200x128xf32>
    %eq3A_2691 = arith.cmpf oeq, %add3A_2686, %eq3A_2690 : vector<200x128xf32>
    %jit3A_2692 = arith.constant 1073741824 : i32
    %broadcast_in_dim3A_2693 = vector.broadcast %jit3A_2692 : i32 to vector<200x128xi32>
    %select_n3A_2694 = arith.select %eq3A_2691, %iota3A_2436, %broadcast_in_dim3A_2693 : vector<200x128xi1>, vector<200x128xi32>
    %reduce_min3A_2695 = arith.constant dense<2147483647> : vector<128xi32>
    %reduce_min3A_2696 = vector.multi_reduction <minsi>, %select_n3A_2694, %reduce_min3A_2695 [0] : vector<200x128xi32> to vector<128xi32>
    %broadcast_in_dim3A_2697 = vector.shape_cast %reduce_min3A_2696 : vector<128xi32> to vector<1x128xi32>
    %add3A_2698 = arith.constant 800 : i32
    %add3A_2699 = vector.broadcast %add3A_2698 : i32 to vector<1x128xi32>
    %add3A_2700 = arith.addi %broadcast_in_dim3A_2697, %add3A_2699 : vector<1x128xi32>
    %gt3A_2701 = arith.cmpf ogt, %broadcast_in_dim3A_2689, %select_n3A_2432 : vector<1x128xf32>
    %select_n3A_2702 = arith.select %gt3A_2701, %add3A_2700, %select_n3A_2433 : vector<1x128xi1>, vector<1x128xi32>
    %squeeze3A_2703 = vector.shape_cast %select_n3A_2702 : vector<1x128xi32> to vector<128xi32>
    %swap3A_2704 = arith.constant 0 : index
    %swap3A_2705 = arith.constant 0 : index
    %swap3A_2706 = arith.constant 128 : index
    %swap3A_2707 = vector.load %arg2[%swap3A_2704, %swap3A_2705, %swap3A_2706] : memref<1x1x512xi32, #tpu.memory_space<vmem>>, vector<1x1x128xi32>
    %swap3A_2708 = vector.shape_cast %swap3A_2707 : vector<1x1x128xi32> to vector<128xi32>
    %swap3A_2709 = vector.shape_cast %squeeze3A_2703 : vector<128xi32> to vector<1x1x128xi32>
    tpu.vector_store %arg2[%swap3A_2704, %swap3A_2705, %swap3A_2706], %swap3A_2709 {strides = array<i32>} : memref<1x1x512xi32, #tpu.memory_space<vmem>>, vector<1x1x128xi32>,
    %mul3A_2710 = arith.constant 512 : i32
    %mul3A_2711 = arith.muli %arg0, %mul3A_2710 : i32
    %add3A_2712 = arith.constant 256 : i32
    %add3A_2713 = arith.addi %mul3A_2711, %add3A_2712 : i32
    %mul3A_2714 = arith.constant 1000 : i32
    %mul3A_2715 = arith.muli %add3A_2713, %mul3A_2714 : i32
    %broadcast_in_dim3A_2716 = arith.constant 0xFF800000 : f32
    %broadcast_in_dim3A_2717 = vector.broadcast %broadcast_in_dim3A_2716 : f32 to vector<1x128xf32>
    %broadcast_in_dim3A_2718 = arith.constant 0 : i32
    %broadcast_in_dim3A_2719 = vector.broadcast %broadcast_in_dim3A_2718 : i32 to vector<1x128xi32>
    %iota3A_2720 = tpu.iota {dimensions = array<i32: 0>} : vector<200x128xi32>
    %iota3A_2721 = tpu.iota {dimensions = array<i32: 1>} : vector<200x128xi32>
    %iota3A_2722 = tpu.iota {dimensions = array<i32: 0>} : vector<200x128xi32>
    %mul3A_2723 = arith.constant 1000 : i32
    %mul3A_2724 = vector.broadcast %mul3A_2723 : i32 to vector<200x128xi32>
    %mul3A_2725 = arith.muli %iota3A_2721, %mul3A_2724 : vector<200x128xi32>
    %add3A_2726 = vector.broadcast %mul3A_2715 : i32 to vector<200x128xi32>
    %add3A_2727 = arith.addi %add3A_2726, %mul3A_2725 : vector<200x128xi32>
    %add3A_2728 = arith.constant 0 : i32
    %add3A_2729 = vector.broadcast %add3A_2728 : i32 to vector<200x128xi32>
    %add3A_2730 = arith.addi %iota3A_2720, %add3A_2729 : vector<200x128xi32>
    %add3A_2731 = arith.addi %add3A_2727, %add3A_2730 : vector<200x128xi32>
    %get3A_2732 = arith.constant 0 : index
    %get3A_2733 = arith.constant 256 : index
    %get3A_2734 = vector.load %arg1[%get3A_2732, %get3A_2733] : memref<1000x512xf32, #tpu.memory_space<vmem>>, vector<200x128xf32>
    %add3A_2735 = arith.constant 42 : i32
    %add3A_2736 = vector.broadcast %add3A_2735 : i32 to vector<200x128xi32>
    %add3A_2737 = arith.addi %add3A_2731, %add3A_2736 : vector<200x128xi32>
    %shift_left3A_2738 = arith.constant 13 : i32
    %shift_left3A_2739 = vector.broadcast %shift_left3A_2738 : i32 to vector<200x128xi32>
    %shift_left3A_2740 = arith.shli %add3A_2737, %shift_left3A_2739 : vector<200x128xi32>
    %shift_right_logical3A_2741 = arith.constant 19 : i32
    %shift_right_logical3A_2742 = vector.broadcast %shift_right_logical3A_2741 : i32 to vector<200x128xi32>
    %shift_right_logical3A_2743 = arith.shrui %add3A_2737, %shift_right_logical3A_2742 : vector<200x128xi32>
    %or3A_2744 = arith.ori %shift_left3A_2740, %shift_right_logical3A_2743 : vector<200x128xi32>
    %xor3A_2745 = arith.xori %add3A_2737, %or3A_2744 : vector<200x128xi32>
    %add3A_2746 = arith.addi %add3A_2737, %xor3A_2745 : vector<200x128xi32>
    %shift_left3A_2747 = arith.constant 15 : i32
    %shift_left3A_2748 = vector.broadcast %shift_left3A_2747 : i32 to vector<200x128xi32>
    %shift_left3A_2749 = arith.shli %xor3A_2745, %shift_left3A_2748 : vector<200x128xi32>
    %shift_right_logical3A_2750 = arith.constant 17 : i32
    %shift_right_logical3A_2751 = vector.broadcast %shift_right_logical3A_2750 : i32 to vector<200x128xi32>
    %shift_right_logical3A_2752 = arith.shrui %xor3A_2745, %shift_right_logical3A_2751 : vector<200x128xi32>
    %or3A_2753 = arith.ori %shift_left3A_2749, %shift_right_logical3A_2752 : vector<200x128xi32>
    %xor3A_2754 = arith.xori %add3A_2746, %or3A_2753 : vector<200x128xi32>
    %add3A_2755 = arith.addi %add3A_2746, %xor3A_2754 : vector<200x128xi32>
    %shift_left3A_2756 = arith.constant 26 : i32
    %shift_left3A_2757 = vector.broadcast %shift_left3A_2756 : i32 to vector<200x128xi32>
    %shift_left3A_2758 = arith.shli %xor3A_2754, %shift_left3A_2757 : vector<200x128xi32>
    %shift_right_logical3A_2759 = arith.constant 6 : i32
    %shift_right_logical3A_2760 = vector.broadcast %shift_right_logical3A_2759 : i32 to vector<200x128xi32>
    %shift_right_logical3A_2761 = arith.shrui %xor3A_2754, %shift_right_logical3A_2760 : vector<200x128xi32>
    %or3A_2762 = arith.ori %shift_left3A_2758, %shift_right_logical3A_2761 : vector<200x128xi32>
    %xor3A_2763 = arith.xori %add3A_2755, %or3A_2762 : vector<200x128xi32>
    %add3A_2764 = arith.addi %add3A_2755, %xor3A_2763 : vector<200x128xi32>
    %shift_left3A_2765 = arith.constant 6 : i32
    %shift_left3A_2766 = vector.broadcast %shift_left3A_2765 : i32 to vector<200x128xi32>
    %shift_left3A_2767 = arith.shli %xor3A_2763, %shift_left3A_2766 : vector<200x128xi32>
    %shift_right_logical3A_2768 = arith.constant 26 : i32
    %shift_right_logical3A_2769 = vector.broadcast %shift_right_logical3A_2768 : i32 to vector<200x128xi32>
    %shift_right_logical3A_2770 = arith.shrui %xor3A_2763, %shift_right_logical3A_2769 : vector<200x128xi32>
    %or3A_2771 = arith.ori %shift_left3A_2767, %shift_right_logical3A_2770 : vector<200x128xi32>
    %xor3A_2772 = arith.xori %add3A_2764, %or3A_2771 : vector<200x128xi32>
    %add3A_2773 = arith.constant 42 : i32
    %add3A_2774 = vector.broadcast %add3A_2773 : i32 to vector<200x128xi32>
    %add3A_2775 = arith.addi %add3A_2764, %add3A_2774 : vector<200x128xi32>
    %add3A_2776 = arith.constant 466689009 : i32
    %add3A_2777 = vector.broadcast %add3A_2776 : i32 to vector<200x128xi32>
    %add3A_2778 = arith.addi %xor3A_2772, %add3A_2777 : vector<200x128xi32>
    %add3A_2779 = arith.addi %add3A_2775, %add3A_2778 : vector<200x128xi32>
    %shift_left3A_2780 = arith.constant 17 : i32
    %shift_left3A_2781 = vector.broadcast %shift_left3A_2780 : i32 to vector<200x128xi32>
    %shift_left3A_2782 = arith.shli %add3A_2778, %shift_left3A_2781 : vector<200x128xi32>
    %shift_right_logical3A_2783 = arith.constant 15 : i32
    %shift_right_logical3A_2784 = vector.broadcast %shift_right_logical3A_2783 : i32 to vector<200x128xi32>
    %shift_right_logical3A_2785 = arith.shrui %add3A_2778, %shift_right_logical3A_2784 : vector<200x128xi32>
    %or3A_2786 = arith.ori %shift_left3A_2782, %shift_right_logical3A_2785 : vector<200x128xi32>
    %xor3A_2787 = arith.xori %add3A_2779, %or3A_2786 : vector<200x128xi32>
    %add3A_2788 = arith.addi %add3A_2779, %xor3A_2787 : vector<200x128xi32>
    %shift_left3A_2789 = arith.constant 29 : i32
    %shift_left3A_2790 = vector.broadcast %shift_left3A_2789 : i32 to vector<200x128xi32>
    %shift_left3A_2791 = arith.shli %xor3A_2787, %shift_left3A_2790 : vector<200x128xi32>
    %shift_right_logical3A_2792 = arith.constant 3 : i32
    %shift_right_logical3A_2793 = vector.broadcast %shift_right_logical3A_2792 : i32 to vector<200x128xi32>
    %shift_right_logical3A_2794 = arith.shrui %xor3A_2787, %shift_right_logical3A_2793 : vector<200x128xi32>
    %or3A_2795 = arith.ori %shift_left3A_2791, %shift_right_logical3A_2794 : vector<200x128xi32>
    %xor3A_2796 = arith.xori %add3A_2788, %or3A_2795 : vector<200x128xi32>
    %add3A_2797 = arith.addi %add3A_2788, %xor3A_2796 : vector<200x128xi32>
    %shift_left3A_2798 = arith.constant 16 : i32
    %shift_left3A_2799 = vector.broadcast %shift_left3A_2798 : i32 to vector<200x128xi32>
    %shift_left3A_2800 = arith.shli %xor3A_2796, %shift_left3A_2799 : vector<200x128xi32>
    %shift_right_logical3A_2801 = arith.constant 16 : i32
    %shift_right_logical3A_2802 = vector.broadcast %shift_right_logical3A_2801 : i32 to vector<200x128xi32>
    %shift_right_logical3A_2803 = arith.shrui %xor3A_2796, %shift_right_logical3A_2802 : vector<200x128xi32>
    %or3A_2804 = arith.ori %shift_left3A_2800, %shift_right_logical3A_2803 : vector<200x128xi32>
    %xor3A_2805 = arith.xori %add3A_2797, %or3A_2804 : vector<200x128xi32>
    %add3A_2806 = arith.addi %add3A_2797, %xor3A_2805 : vector<200x128xi32>
    %shift_left3A_2807 = arith.constant 24 : i32
    %shift_left3A_2808 = vector.broadcast %shift_left3A_2807 : i32 to vector<200x128xi32>
    %shift_left3A_2809 = arith.shli %xor3A_2805, %shift_left3A_2808 : vector<200x128xi32>
    %shift_right_logical3A_2810 = arith.constant 8 : i32
    %shift_right_logical3A_2811 = vector.broadcast %shift_right_logical3A_2810 : i32 to vector<200x128xi32>
    %shift_right_logical3A_2812 = arith.shrui %xor3A_2805, %shift_right_logical3A_2811 : vector<200x128xi32>
    %or3A_2813 = arith.ori %shift_left3A_2809, %shift_right_logical3A_2812 : vector<200x128xi32>
    %xor3A_2814 = arith.xori %add3A_2806, %or3A_2813 : vector<200x128xi32>
    %add3A_2815 = arith.constant 466689008 : i32
    %add3A_2816 = vector.broadcast %add3A_2815 : i32 to vector<200x128xi32>
    %add3A_2817 = arith.addi %add3A_2806, %add3A_2816 : vector<200x128xi32>
    %add3A_2818 = arith.constant 2 : i32
    %add3A_2819 = vector.broadcast %add3A_2818 : i32 to vector<200x128xi32>
    %add3A_2820 = arith.addi %xor3A_2814, %add3A_2819 : vector<200x128xi32>
    %add3A_2821 = arith.addi %add3A_2817, %add3A_2820 : vector<200x128xi32>
    %shift_left3A_2822 = arith.constant 13 : i32
    %shift_left3A_2823 = vector.broadcast %shift_left3A_2822 : i32 to vector<200x128xi32>
    %shift_left3A_2824 = arith.shli %add3A_2820, %shift_left3A_2823 : vector<200x128xi32>
    %shift_right_logical3A_2825 = arith.constant 19 : i32
    %shift_right_logical3A_2826 = vector.broadcast %shift_right_logical3A_2825 : i32 to vector<200x128xi32>
    %shift_right_logical3A_2827 = arith.shrui %add3A_2820, %shift_right_logical3A_2826 : vector<200x128xi32>
    %or3A_2828 = arith.ori %shift_left3A_2824, %shift_right_logical3A_2827 : vector<200x128xi32>
    %xor3A_2829 = arith.xori %add3A_2821, %or3A_2828 : vector<200x128xi32>
    %add3A_2830 = arith.addi %add3A_2821, %xor3A_2829 : vector<200x128xi32>
    %shift_left3A_2831 = arith.constant 15 : i32
    %shift_left3A_2832 = vector.broadcast %shift_left3A_2831 : i32 to vector<200x128xi32>
    %shift_left3A_2833 = arith.shli %xor3A_2829, %shift_left3A_2832 : vector<200x128xi32>
    %shift_right_logical3A_2834 = arith.constant 17 : i32
    %shift_right_logical3A_2835 = vector.broadcast %shift_right_logical3A_2834 : i32 to vector<200x128xi32>
    %shift_right_logical3A_2836 = arith.shrui %xor3A_2829, %shift_right_logical3A_2835 : vector<200x128xi32>
    %or3A_2837 = arith.ori %shift_left3A_2833, %shift_right_logical3A_2836 : vector<200x128xi32>
    %xor3A_2838 = arith.xori %add3A_2830, %or3A_2837 : vector<200x128xi32>
    %add3A_2839 = arith.addi %add3A_2830, %xor3A_2838 : vector<200x128xi32>
    %shift_left3A_2840 = arith.constant 26 : i32
    %shift_left3A_2841 = vector.broadcast %shift_left3A_2840 : i32 to vector<200x128xi32>
    %shift_left3A_2842 = arith.shli %xor3A_2838, %shift_left3A_2841 : vector<200x128xi32>
    %shift_right_logical3A_2843 = arith.constant 6 : i32
    %shift_right_logical3A_2844 = vector.broadcast %shift_right_logical3A_2843 : i32 to vector<200x128xi32>
    %shift_right_logical3A_2845 = arith.shrui %xor3A_2838, %shift_right_logical3A_2844 : vector<200x128xi32>
    %or3A_2846 = arith.ori %shift_left3A_2842, %shift_right_logical3A_2845 : vector<200x128xi32>
    %xor3A_2847 = arith.xori %add3A_2839, %or3A_2846 : vector<200x128xi32>
    %add3A_2848 = arith.addi %add3A_2839, %xor3A_2847 : vector<200x128xi32>
    %shift_left3A_2849 = arith.constant 6 : i32
    %shift_left3A_2850 = vector.broadcast %shift_left3A_2849 : i32 to vector<200x128xi32>
    %shift_left3A_2851 = arith.shli %xor3A_2847, %shift_left3A_2850 : vector<200x128xi32>
    %shift_right_logical3A_2852 = arith.constant 26 : i32
    %shift_right_logical3A_2853 = vector.broadcast %shift_right_logical3A_2852 : i32 to vector<200x128xi32>
    %shift_right_logical3A_2854 = arith.shrui %xor3A_2847, %shift_right_logical3A_2853 : vector<200x128xi32>
    %or3A_2855 = arith.ori %shift_left3A_2851, %shift_right_logical3A_2854 : vector<200x128xi32>
    %xor3A_2856 = arith.xori %add3A_2848, %or3A_2855 : vector<200x128xi32>
    %add3A_2857 = arith.constant 0 : i32
    %add3A_2858 = vector.broadcast %add3A_2857 : i32 to vector<200x128xi32>
    %add3A_2859 = arith.addi %add3A_2848, %add3A_2858 : vector<200x128xi32>
    %add3A_2860 = arith.constant 45 : i32
    %add3A_2861 = vector.broadcast %add3A_2860 : i32 to vector<200x128xi32>
    %add3A_2862 = arith.addi %xor3A_2856, %add3A_2861 : vector<200x128xi32>
    %add3A_2863 = arith.addi %add3A_2859, %add3A_2862 : vector<200x128xi32>
    %shift_left3A_2864 = arith.constant 17 : i32
    %shift_left3A_2865 = vector.broadcast %shift_left3A_2864 : i32 to vector<200x128xi32>
    %shift_left3A_2866 = arith.shli %add3A_2862, %shift_left3A_2865 : vector<200x128xi32>
    %shift_right_logical3A_2867 = arith.constant 15 : i32
    %shift_right_logical3A_2868 = vector.broadcast %shift_right_logical3A_2867 : i32 to vector<200x128xi32>
    %shift_right_logical3A_2869 = arith.shrui %add3A_2862, %shift_right_logical3A_2868 : vector<200x128xi32>
    %or3A_2870 = arith.ori %shift_left3A_2866, %shift_right_logical3A_2869 : vector<200x128xi32>
    %xor3A_2871 = arith.xori %add3A_2863, %or3A_2870 : vector<200x128xi32>
    %add3A_2872 = arith.addi %add3A_2863, %xor3A_2871 : vector<200x128xi32>
    %shift_left3A_2873 = arith.constant 29 : i32
    %shift_left3A_2874 = vector.broadcast %shift_left3A_2873 : i32 to vector<200x128xi32>
    %shift_left3A_2875 = arith.shli %xor3A_2871, %shift_left3A_2874 : vector<200x128xi32>
    %shift_right_logical3A_2876 = arith.constant 3 : i32
    %shift_right_logical3A_2877 = vector.broadcast %shift_right_logical3A_2876 : i32 to vector<200x128xi32>
    %shift_right_logical3A_2878 = arith.shrui %xor3A_2871, %shift_right_logical3A_2877 : vector<200x128xi32>
    %or3A_2879 = arith.ori %shift_left3A_2875, %shift_right_logical3A_2878 : vector<200x128xi32>
    %xor3A_2880 = arith.xori %add3A_2872, %or3A_2879 : vector<200x128xi32>
    %add3A_2881 = arith.addi %add3A_2872, %xor3A_2880 : vector<200x128xi32>
    %shift_left3A_2882 = arith.constant 16 : i32
    %shift_left3A_2883 = vector.broadcast %shift_left3A_2882 : i32 to vector<200x128xi32>
    %shift_left3A_2884 = arith.shli %xor3A_2880, %shift_left3A_2883 : vector<200x128xi32>
    %shift_right_logical3A_2885 = arith.constant 16 : i32
    %shift_right_logical3A_2886 = vector.broadcast %shift_right_logical3A_2885 : i32 to vector<200x128xi32>
    %shift_right_logical3A_2887 = arith.shrui %xor3A_2880, %shift_right_logical3A_2886 : vector<200x128xi32>
    %or3A_2888 = arith.ori %shift_left3A_2884, %shift_right_logical3A_2887 : vector<200x128xi32>
    %xor3A_2889 = arith.xori %add3A_2881, %or3A_2888 : vector<200x128xi32>
    %add3A_2890 = arith.addi %add3A_2881, %xor3A_2889 : vector<200x128xi32>
    %shift_left3A_2891 = arith.constant 24 : i32
    %shift_left3A_2892 = vector.broadcast %shift_left3A_2891 : i32 to vector<200x128xi32>
    %shift_left3A_2893 = arith.shli %xor3A_2889, %shift_left3A_2892 : vector<200x128xi32>
    %shift_right_logical3A_2894 = arith.constant 8 : i32
    %shift_right_logical3A_2895 = vector.broadcast %shift_right_logical3A_2894 : i32 to vector<200x128xi32>
    %shift_right_logical3A_2896 = arith.shrui %xor3A_2889, %shift_right_logical3A_2895 : vector<200x128xi32>
    %or3A_2897 = arith.ori %shift_left3A_2893, %shift_right_logical3A_2896 : vector<200x128xi32>
    %xor3A_2898 = arith.xori %add3A_2890, %or3A_2897 : vector<200x128xi32>
    %add3A_2899 = arith.constant 42 : i32
    %add3A_2900 = vector.broadcast %add3A_2899 : i32 to vector<200x128xi32>
    %add3A_2901 = arith.addi %add3A_2890, %add3A_2900 : vector<200x128xi32>
    %add3A_2902 = arith.constant 466689012 : i32
    %add3A_2903 = vector.broadcast %add3A_2902 : i32 to vector<200x128xi32>
    %add3A_2904 = arith.addi %xor3A_2898, %add3A_2903 : vector<200x128xi32>
    %add3A_2905 = arith.addi %add3A_2901, %add3A_2904 : vector<200x128xi32>
    %shift_left3A_2906 = arith.constant 13 : i32
    %shift_left3A_2907 = vector.broadcast %shift_left3A_2906 : i32 to vector<200x128xi32>
    %shift_left3A_2908 = arith.shli %add3A_2904, %shift_left3A_2907 : vector<200x128xi32>
    %shift_right_logical3A_2909 = arith.constant 19 : i32
    %shift_right_logical3A_2910 = vector.broadcast %shift_right_logical3A_2909 : i32 to vector<200x128xi32>
    %shift_right_logical3A_2911 = arith.shrui %add3A_2904, %shift_right_logical3A_2910 : vector<200x128xi32>
    %or3A_2912 = arith.ori %shift_left3A_2908, %shift_right_logical3A_2911 : vector<200x128xi32>
    %xor3A_2913 = arith.xori %add3A_2905, %or3A_2912 : vector<200x128xi32>
    %add3A_2914 = arith.addi %add3A_2905, %xor3A_2913 : vector<200x128xi32>
    %shift_left3A_2915 = arith.constant 15 : i32
    %shift_left3A_2916 = vector.broadcast %shift_left3A_2915 : i32 to vector<200x128xi32>
    %shift_left3A_2917 = arith.shli %xor3A_2913, %shift_left3A_2916 : vector<200x128xi32>
    %shift_right_logical3A_2918 = arith.constant 17 : i32
    %shift_right_logical3A_2919 = vector.broadcast %shift_right_logical3A_2918 : i32 to vector<200x128xi32>
    %shift_right_logical3A_2920 = arith.shrui %xor3A_2913, %shift_right_logical3A_2919 : vector<200x128xi32>
    %or3A_2921 = arith.ori %shift_left3A_2917, %shift_right_logical3A_2920 : vector<200x128xi32>
    %xor3A_2922 = arith.xori %add3A_2914, %or3A_2921 : vector<200x128xi32>
    %add3A_2923 = arith.addi %add3A_2914, %xor3A_2922 : vector<200x128xi32>
    %shift_left3A_2924 = arith.constant 26 : i32
    %shift_left3A_2925 = vector.broadcast %shift_left3A_2924 : i32 to vector<200x128xi32>
    %shift_left3A_2926 = arith.shli %xor3A_2922, %shift_left3A_2925 : vector<200x128xi32>
    %shift_right_logical3A_2927 = arith.constant 6 : i32
    %shift_right_logical3A_2928 = vector.broadcast %shift_right_logical3A_2927 : i32 to vector<200x128xi32>
    %shift_right_logical3A_2929 = arith.shrui %xor3A_2922, %shift_right_logical3A_2928 : vector<200x128xi32>
    %or3A_2930 = arith.ori %shift_left3A_2926, %shift_right_logical3A_2929 : vector<200x128xi32>
    %xor3A_2931 = arith.xori %add3A_2923, %or3A_2930 : vector<200x128xi32>
    %add3A_2932 = arith.addi %add3A_2923, %xor3A_2931 : vector<200x128xi32>
    %shift_left3A_2933 = arith.constant 6 : i32
    %shift_left3A_2934 = vector.broadcast %shift_left3A_2933 : i32 to vector<200x128xi32>
    %shift_left3A_2935 = arith.shli %xor3A_2931, %shift_left3A_2934 : vector<200x128xi32>
    %shift_right_logical3A_2936 = arith.constant 26 : i32
    %shift_right_logical3A_2937 = vector.broadcast %shift_right_logical3A_2936 : i32 to vector<200x128xi32>
    %shift_right_logical3A_2938 = arith.shrui %xor3A_2931, %shift_right_logical3A_2937 : vector<200x128xi32>
    %or3A_2939 = arith.ori %shift_left3A_2935, %shift_right_logical3A_2938 : vector<200x128xi32>
    %xor3A_2940 = arith.xori %add3A_2932, %or3A_2939 : vector<200x128xi32>
    %add3A_2941 = arith.constant 466689008 : i32
    %add3A_2942 = vector.broadcast %add3A_2941 : i32 to vector<200x128xi32>
    %add3A_2943 = arith.addi %add3A_2932, %add3A_2942 : vector<200x128xi32>
    %add3A_2944 = arith.constant 5 : i32
    %add3A_2945 = vector.broadcast %add3A_2944 : i32 to vector<200x128xi32>
    %add3A_2946 = arith.addi %xor3A_2940, %add3A_2945 : vector<200x128xi32>
    %xor3A_2947 = arith.xori %add3A_2943, %add3A_2946 : vector<200x128xi32>
    %shift_right_logical3A_2948 = arith.constant 9 : i32
    %shift_right_logical3A_2949 = vector.broadcast %shift_right_logical3A_2948 : i32 to vector<200x128xi32>
    %shift_right_logical3A_2950 = arith.shrui %xor3A_2947, %shift_right_logical3A_2949 : vector<200x128xi32>
    %or3A_2951 = arith.constant 1065353216 : i32
    %or3A_2952 = vector.broadcast %or3A_2951 : i32 to vector<200x128xi32>
    %or3A_2953 = arith.ori %shift_right_logical3A_2950, %or3A_2952 : vector<200x128xi32>
    %bitcast_convert_type3A_2954 = tpu.bitcast %or3A_2953 : vector<200x128xi32> -> vector<200x128xf32>
    %sub3A_2955 = arith.constant 1.000000e+00 : f32
    %sub3A_2956 = vector.broadcast %sub3A_2955 : f32 to vector<200x128xf32>
    %sub3A_2957 = arith.subf %bitcast_convert_type3A_2954, %sub3A_2956 : vector<200x128xf32>
    %add3A_2958 = arith.constant 1.000000e-10 : f32
    %add3A_2959 = vector.broadcast %add3A_2958 : f32 to vector<200x128xf32>
    %add3A_2960 = arith.addf %sub3A_2957, %add3A_2959 : vector<200x128xf32>
    %max3A_2961 = arith.constant 1.000000e-10 : f32
    %max3A_2962 = vector.broadcast %max3A_2961 : f32 to vector<200x128xf32>
    %max3A_2963 = arith.maximumf %max3A_2962, %add3A_2960 : vector<200x128xf32>
    %log3A_2964 = math.log %max3A_2963 : vector<200x128xf32>
    %neg3A_2965 = arith.constant 0.000000e+00 : f32
    %neg3A_2966 = vector.broadcast %neg3A_2965 : f32 to vector<200x128xf32>
    %neg3A_2967 = arith.subf %neg3A_2966, %log3A_2964 : vector<200x128xf32>
    %log3A_2968 = math.log %neg3A_2967 : vector<200x128xf32>
    %neg3A_2969 = arith.constant 0.000000e+00 : f32
    %neg3A_2970 = vector.broadcast %neg3A_2969 : f32 to vector<200x128xf32>
    %neg3A_2971 = arith.subf %neg3A_2970, %log3A_2968 : vector<200x128xf32>
    %add3A_2972 = arith.addf %get3A_2734, %neg3A_2971 : vector<200x128xf32>
    %reduce_max3A_2973 = arith.constant dense<0xFF800000> : vector<128xf32>
    %reduce_max3A_2974 = vector.multi_reduction <maximumf>, %add3A_2972, %reduce_max3A_2973 [0] : vector<200x128xf32> to vector<128xf32>
    %broadcast_in_dim3A_2975 = vector.shape_cast %reduce_max3A_2974 : vector<128xf32> to vector<1x128xf32>
    %eq3A_2976 = vector.broadcast %broadcast_in_dim3A_2975 : vector<1x128xf32> to vector<200x128xf32>
    %eq3A_2977 = arith.cmpf oeq, %add3A_2972, %eq3A_2976 : vector<200x128xf32>
    %jit3A_2978 = arith.constant 1073741824 : i32
    %broadcast_in_dim3A_2979 = vector.broadcast %jit3A_2978 : i32 to vector<200x128xi32>
    %select_n3A_2980 = arith.select %eq3A_2977, %iota3A_2722, %broadcast_in_dim3A_2979 : vector<200x128xi1>, vector<200x128xi32>
    %reduce_min3A_2981 = arith.constant dense<2147483647> : vector<128xi32>
    %reduce_min3A_2982 = vector.multi_reduction <minsi>, %select_n3A_2980, %reduce_min3A_2981 [0] : vector<200x128xi32> to vector<128xi32>
    %broadcast_in_dim3A_2983 = vector.shape_cast %reduce_min3A_2982 : vector<128xi32> to vector<1x128xi32>
    %add3A_2984 = arith.constant 0 : i32
    %add3A_2985 = vector.broadcast %add3A_2984 : i32 to vector<1x128xi32>
    %add3A_2986 = arith.addi %broadcast_in_dim3A_2983, %add3A_2985 : vector<1x128xi32>
    %gt3A_2987 = arith.cmpf ogt, %broadcast_in_dim3A_2975, %broadcast_in_dim3A_2717 : vector<1x128xf32>
    %select_n3A_2988 = arith.select %gt3A_2987, %broadcast_in_dim3A_2975, %broadcast_in_dim3A_2717 : vector<1x128xi1>, vector<1x128xf32>
    %select_n3A_2989 = arith.select %gt3A_2987, %add3A_2986, %broadcast_in_dim3A_2719 : vector<1x128xi1>, vector<1x128xi32>
    %iota3A_2990 = tpu.iota {dimensions = array<i32: 0>} : vector<200x128xi32>
    %iota3A_2991 = tpu.iota {dimensions = array<i32: 1>} : vector<200x128xi32>
    %iota3A_2992 = tpu.iota {dimensions = array<i32: 0>} : vector<200x128xi32>
    %mul3A_2993 = arith.constant 1000 : i32
    %mul3A_2994 = vector.broadcast %mul3A_2993 : i32 to vector<200x128xi32>
    %mul3A_2995 = arith.muli %iota3A_2991, %mul3A_2994 : vector<200x128xi32>
    %add3A_2996 = vector.broadcast %mul3A_2715 : i32 to vector<200x128xi32>
    %add3A_2997 = arith.addi %add3A_2996, %mul3A_2995 : vector<200x128xi32>
    %add3A_2998 = arith.constant 200 : i32
    %add3A_2999 = vector.broadcast %add3A_2998 : i32 to vector<200x128xi32>
    %add3A_3000 = arith.addi %iota3A_2990, %add3A_2999 : vector<200x128xi32>
    %add3A_3001 = arith.addi %add3A_2997, %add3A_3000 : vector<200x128xi32>
    %get3A_3002 = arith.constant 200 : index
    %get3A_3003 = arith.constant 256 : index
    %get3A_3004 = vector.load %arg1[%get3A_3002, %get3A_3003] : memref<1000x512xf32, #tpu.memory_space<vmem>>, vector<200x128xf32>
    %add3A_3005 = arith.constant 42 : i32
    %add3A_3006 = vector.broadcast %add3A_3005 : i32 to vector<200x128xi32>
    %add3A_3007 = arith.addi %add3A_3001, %add3A_3006 : vector<200x128xi32>
    %shift_left3A_3008 = arith.constant 13 : i32
    %shift_left3A_3009 = vector.broadcast %shift_left3A_3008 : i32 to vector<200x128xi32>
    %shift_left3A_3010 = arith.shli %add3A_3007, %shift_left3A_3009 : vector<200x128xi32>
    %shift_right_logical3A_3011 = arith.constant 19 : i32
    %shift_right_logical3A_3012 = vector.broadcast %shift_right_logical3A_3011 : i32 to vector<200x128xi32>
    %shift_right_logical3A_3013 = arith.shrui %add3A_3007, %shift_right_logical3A_3012 : vector<200x128xi32>
    %or3A_3014 = arith.ori %shift_left3A_3010, %shift_right_logical3A_3013 : vector<200x128xi32>
    %xor3A_3015 = arith.xori %add3A_3007, %or3A_3014 : vector<200x128xi32>
    %add3A_3016 = arith.addi %add3A_3007, %xor3A_3015 : vector<200x128xi32>
    %shift_left3A_3017 = arith.constant 15 : i32
    %shift_left3A_3018 = vector.broadcast %shift_left3A_3017 : i32 to vector<200x128xi32>
    %shift_left3A_3019 = arith.shli %xor3A_3015, %shift_left3A_3018 : vector<200x128xi32>
    %shift_right_logical3A_3020 = arith.constant 17 : i32
    %shift_right_logical3A_3021 = vector.broadcast %shift_right_logical3A_3020 : i32 to vector<200x128xi32>
    %shift_right_logical3A_3022 = arith.shrui %xor3A_3015, %shift_right_logical3A_3021 : vector<200x128xi32>
    %or3A_3023 = arith.ori %shift_left3A_3019, %shift_right_logical3A_3022 : vector<200x128xi32>
    %xor3A_3024 = arith.xori %add3A_3016, %or3A_3023 : vector<200x128xi32>
    %add3A_3025 = arith.addi %add3A_3016, %xor3A_3024 : vector<200x128xi32>
    %shift_left3A_3026 = arith.constant 26 : i32
    %shift_left3A_3027 = vector.broadcast %shift_left3A_3026 : i32 to vector<200x128xi32>
    %shift_left3A_3028 = arith.shli %xor3A_3024, %shift_left3A_3027 : vector<200x128xi32>
    %shift_right_logical3A_3029 = arith.constant 6 : i32
    %shift_right_logical3A_3030 = vector.broadcast %shift_right_logical3A_3029 : i32 to vector<200x128xi32>
    %shift_right_logical3A_3031 = arith.shrui %xor3A_3024, %shift_right_logical3A_3030 : vector<200x128xi32>
    %or3A_3032 = arith.ori %shift_left3A_3028, %shift_right_logical3A_3031 : vector<200x128xi32>
    %xor3A_3033 = arith.xori %add3A_3025, %or3A_3032 : vector<200x128xi32>
    %add3A_3034 = arith.addi %add3A_3025, %xor3A_3033 : vector<200x128xi32>
    %shift_left3A_3035 = arith.constant 6 : i32
    %shift_left3A_3036 = vector.broadcast %shift_left3A_3035 : i32 to vector<200x128xi32>
    %shift_left3A_3037 = arith.shli %xor3A_3033, %shift_left3A_3036 : vector<200x128xi32>
    %shift_right_logical3A_3038 = arith.constant 26 : i32
    %shift_right_logical3A_3039 = vector.broadcast %shift_right_logical3A_3038 : i32 to vector<200x128xi32>
    %shift_right_logical3A_3040 = arith.shrui %xor3A_3033, %shift_right_logical3A_3039 : vector<200x128xi32>
    %or3A_3041 = arith.ori %shift_left3A_3037, %shift_right_logical3A_3040 : vector<200x128xi32>
    %xor3A_3042 = arith.xori %add3A_3034, %or3A_3041 : vector<200x128xi32>
    %add3A_3043 = arith.constant 42 : i32
    %add3A_3044 = vector.broadcast %add3A_3043 : i32 to vector<200x128xi32>
    %add3A_3045 = arith.addi %add3A_3034, %add3A_3044 : vector<200x128xi32>
    %add3A_3046 = arith.constant 466689009 : i32
    %add3A_3047 = vector.broadcast %add3A_3046 : i32 to vector<200x128xi32>
    %add3A_3048 = arith.addi %xor3A_3042, %add3A_3047 : vector<200x128xi32>
    %add3A_3049 = arith.addi %add3A_3045, %add3A_3048 : vector<200x128xi32>
    %shift_left3A_3050 = arith.constant 17 : i32
    %shift_left3A_3051 = vector.broadcast %shift_left3A_3050 : i32 to vector<200x128xi32>
    %shift_left3A_3052 = arith.shli %add3A_3048, %shift_left3A_3051 : vector<200x128xi32>
    %shift_right_logical3A_3053 = arith.constant 15 : i32
    %shift_right_logical3A_3054 = vector.broadcast %shift_right_logical3A_3053 : i32 to vector<200x128xi32>
    %shift_right_logical3A_3055 = arith.shrui %add3A_3048, %shift_right_logical3A_3054 : vector<200x128xi32>
    %or3A_3056 = arith.ori %shift_left3A_3052, %shift_right_logical3A_3055 : vector<200x128xi32>
    %xor3A_3057 = arith.xori %add3A_3049, %or3A_3056 : vector<200x128xi32>
    %add3A_3058 = arith.addi %add3A_3049, %xor3A_3057 : vector<200x128xi32>
    %shift_left3A_3059 = arith.constant 29 : i32
    %shift_left3A_3060 = vector.broadcast %shift_left3A_3059 : i32 to vector<200x128xi32>
    %shift_left3A_3061 = arith.shli %xor3A_3057, %shift_left3A_3060 : vector<200x128xi32>
    %shift_right_logical3A_3062 = arith.constant 3 : i32
    %shift_right_logical3A_3063 = vector.broadcast %shift_right_logical3A_3062 : i32 to vector<200x128xi32>
    %shift_right_logical3A_3064 = arith.shrui %xor3A_3057, %shift_right_logical3A_3063 : vector<200x128xi32>
    %or3A_3065 = arith.ori %shift_left3A_3061, %shift_right_logical3A_3064 : vector<200x128xi32>
    %xor3A_3066 = arith.xori %add3A_3058, %or3A_3065 : vector<200x128xi32>
    %add3A_3067 = arith.addi %add3A_3058, %xor3A_3066 : vector<200x128xi32>
    %shift_left3A_3068 = arith.constant 16 : i32
    %shift_left3A_3069 = vector.broadcast %shift_left3A_3068 : i32 to vector<200x128xi32>
    %shift_left3A_3070 = arith.shli %xor3A_3066, %shift_left3A_3069 : vector<200x128xi32>
    %shift_right_logical3A_3071 = arith.constant 16 : i32
    %shift_right_logical3A_3072 = vector.broadcast %shift_right_logical3A_3071 : i32 to vector<200x128xi32>
    %shift_right_logical3A_3073 = arith.shrui %xor3A_3066, %shift_right_logical3A_3072 : vector<200x128xi32>
    %or3A_3074 = arith.ori %shift_left3A_3070, %shift_right_logical3A_3073 : vector<200x128xi32>
    %xor3A_3075 = arith.xori %add3A_3067, %or3A_3074 : vector<200x128xi32>
    %add3A_3076 = arith.addi %add3A_3067, %xor3A_3075 : vector<200x128xi32>
    %shift_left3A_3077 = arith.constant 24 : i32
    %shift_left3A_3078 = vector.broadcast %shift_left3A_3077 : i32 to vector<200x128xi32>
    %shift_left3A_3079 = arith.shli %xor3A_3075, %shift_left3A_3078 : vector<200x128xi32>
    %shift_right_logical3A_3080 = arith.constant 8 : i32
    %shift_right_logical3A_3081 = vector.broadcast %shift_right_logical3A_3080 : i32 to vector<200x128xi32>
    %shift_right_logical3A_3082 = arith.shrui %xor3A_3075, %shift_right_logical3A_3081 : vector<200x128xi32>
    %or3A_3083 = arith.ori %shift_left3A_3079, %shift_right_logical3A_3082 : vector<200x128xi32>
    %xor3A_3084 = arith.xori %add3A_3076, %or3A_3083 : vector<200x128xi32>
    %add3A_3085 = arith.constant 466689008 : i32
    %add3A_3086 = vector.broadcast %add3A_3085 : i32 to vector<200x128xi32>
    %add3A_3087 = arith.addi %add3A_3076, %add3A_3086 : vector<200x128xi32>
    %add3A_3088 = arith.constant 2 : i32
    %add3A_3089 = vector.broadcast %add3A_3088 : i32 to vector<200x128xi32>
    %add3A_3090 = arith.addi %xor3A_3084, %add3A_3089 : vector<200x128xi32>
    %add3A_3091 = arith.addi %add3A_3087, %add3A_3090 : vector<200x128xi32>
    %shift_left3A_3092 = arith.constant 13 : i32
    %shift_left3A_3093 = vector.broadcast %shift_left3A_3092 : i32 to vector<200x128xi32>
    %shift_left3A_3094 = arith.shli %add3A_3090, %shift_left3A_3093 : vector<200x128xi32>
    %shift_right_logical3A_3095 = arith.constant 19 : i32
    %shift_right_logical3A_3096 = vector.broadcast %shift_right_logical3A_3095 : i32 to vector<200x128xi32>
    %shift_right_logical3A_3097 = arith.shrui %add3A_3090, %shift_right_logical3A_3096 : vector<200x128xi32>
    %or3A_3098 = arith.ori %shift_left3A_3094, %shift_right_logical3A_3097 : vector<200x128xi32>
    %xor3A_3099 = arith.xori %add3A_3091, %or3A_3098 : vector<200x128xi32>
    %add3A_3100 = arith.addi %add3A_3091, %xor3A_3099 : vector<200x128xi32>
    %shift_left3A_3101 = arith.constant 15 : i32
    %shift_left3A_3102 = vector.broadcast %shift_left3A_3101 : i32 to vector<200x128xi32>
    %shift_left3A_3103 = arith.shli %xor3A_3099, %shift_left3A_3102 : vector<200x128xi32>
    %shift_right_logical3A_3104 = arith.constant 17 : i32
    %shift_right_logical3A_3105 = vector.broadcast %shift_right_logical3A_3104 : i32 to vector<200x128xi32>
    %shift_right_logical3A_3106 = arith.shrui %xor3A_3099, %shift_right_logical3A_3105 : vector<200x128xi32>
    %or3A_3107 = arith.ori %shift_left3A_3103, %shift_right_logical3A_3106 : vector<200x128xi32>
    %xor3A_3108 = arith.xori %add3A_3100, %or3A_3107 : vector<200x128xi32>
    %add3A_3109 = arith.addi %add3A_3100, %xor3A_3108 : vector<200x128xi32>
    %shift_left3A_3110 = arith.constant 26 : i32
    %shift_left3A_3111 = vector.broadcast %shift_left3A_3110 : i32 to vector<200x128xi32>
    %shift_left3A_3112 = arith.shli %xor3A_3108, %shift_left3A_3111 : vector<200x128xi32>
    %shift_right_logical3A_3113 = arith.constant 6 : i32
    %shift_right_logical3A_3114 = vector.broadcast %shift_right_logical3A_3113 : i32 to vector<200x128xi32>
    %shift_right_logical3A_3115 = arith.shrui %xor3A_3108, %shift_right_logical3A_3114 : vector<200x128xi32>
    %or3A_3116 = arith.ori %shift_left3A_3112, %shift_right_logical3A_3115 : vector<200x128xi32>
    %xor3A_3117 = arith.xori %add3A_3109, %or3A_3116 : vector<200x128xi32>
    %add3A_3118 = arith.addi %add3A_3109, %xor3A_3117 : vector<200x128xi32>
    %shift_left3A_3119 = arith.constant 6 : i32
    %shift_left3A_3120 = vector.broadcast %shift_left3A_3119 : i32 to vector<200x128xi32>
    %shift_left3A_3121 = arith.shli %xor3A_3117, %shift_left3A_3120 : vector<200x128xi32>
    %shift_right_logical3A_3122 = arith.constant 26 : i32
    %shift_right_logical3A_3123 = vector.broadcast %shift_right_logical3A_3122 : i32 to vector<200x128xi32>
    %shift_right_logical3A_3124 = arith.shrui %xor3A_3117, %shift_right_logical3A_3123 : vector<200x128xi32>
    %or3A_3125 = arith.ori %shift_left3A_3121, %shift_right_logical3A_3124 : vector<200x128xi32>
    %xor3A_3126 = arith.xori %add3A_3118, %or3A_3125 : vector<200x128xi32>
    %add3A_3127 = arith.constant 0 : i32
    %add3A_3128 = vector.broadcast %add3A_3127 : i32 to vector<200x128xi32>
    %add3A_3129 = arith.addi %add3A_3118, %add3A_3128 : vector<200x128xi32>
    %add3A_3130 = arith.constant 45 : i32
    %add3A_3131 = vector.broadcast %add3A_3130 : i32 to vector<200x128xi32>
    %add3A_3132 = arith.addi %xor3A_3126, %add3A_3131 : vector<200x128xi32>
    %add3A_3133 = arith.addi %add3A_3129, %add3A_3132 : vector<200x128xi32>
    %shift_left3A_3134 = arith.constant 17 : i32
    %shift_left3A_3135 = vector.broadcast %shift_left3A_3134 : i32 to vector<200x128xi32>
    %shift_left3A_3136 = arith.shli %add3A_3132, %shift_left3A_3135 : vector<200x128xi32>
    %shift_right_logical3A_3137 = arith.constant 15 : i32
    %shift_right_logical3A_3138 = vector.broadcast %shift_right_logical3A_3137 : i32 to vector<200x128xi32>
    %shift_right_logical3A_3139 = arith.shrui %add3A_3132, %shift_right_logical3A_3138 : vector<200x128xi32>
    %or3A_3140 = arith.ori %shift_left3A_3136, %shift_right_logical3A_3139 : vector<200x128xi32>
    %xor3A_3141 = arith.xori %add3A_3133, %or3A_3140 : vector<200x128xi32>
    %add3A_3142 = arith.addi %add3A_3133, %xor3A_3141 : vector<200x128xi32>
    %shift_left3A_3143 = arith.constant 29 : i32
    %shift_left3A_3144 = vector.broadcast %shift_left3A_3143 : i32 to vector<200x128xi32>
    %shift_left3A_3145 = arith.shli %xor3A_3141, %shift_left3A_3144 : vector<200x128xi32>
    %shift_right_logical3A_3146 = arith.constant 3 : i32
    %shift_right_logical3A_3147 = vector.broadcast %shift_right_logical3A_3146 : i32 to vector<200x128xi32>
    %shift_right_logical3A_3148 = arith.shrui %xor3A_3141, %shift_right_logical3A_3147 : vector<200x128xi32>
    %or3A_3149 = arith.ori %shift_left3A_3145, %shift_right_logical3A_3148 : vector<200x128xi32>
    %xor3A_3150 = arith.xori %add3A_3142, %or3A_3149 : vector<200x128xi32>
    %add3A_3151 = arith.addi %add3A_3142, %xor3A_3150 : vector<200x128xi32>
    %shift_left3A_3152 = arith.constant 16 : i32
    %shift_left3A_3153 = vector.broadcast %shift_left3A_3152 : i32 to vector<200x128xi32>
    %shift_left3A_3154 = arith.shli %xor3A_3150, %shift_left3A_3153 : vector<200x128xi32>
    %shift_right_logical3A_3155 = arith.constant 16 : i32
    %shift_right_logical3A_3156 = vector.broadcast %shift_right_logical3A_3155 : i32 to vector<200x128xi32>
    %shift_right_logical3A_3157 = arith.shrui %xor3A_3150, %shift_right_logical3A_3156 : vector<200x128xi32>
    %or3A_3158 = arith.ori %shift_left3A_3154, %shift_right_logical3A_3157 : vector<200x128xi32>
    %xor3A_3159 = arith.xori %add3A_3151, %or3A_3158 : vector<200x128xi32>
    %add3A_3160 = arith.addi %add3A_3151, %xor3A_3159 : vector<200x128xi32>
    %shift_left3A_3161 = arith.constant 24 : i32
    %shift_left3A_3162 = vector.broadcast %shift_left3A_3161 : i32 to vector<200x128xi32>
    %shift_left3A_3163 = arith.shli %xor3A_3159, %shift_left3A_3162 : vector<200x128xi32>
    %shift_right_logical3A_3164 = arith.constant 8 : i32
    %shift_right_logical3A_3165 = vector.broadcast %shift_right_logical3A_3164 : i32 to vector<200x128xi32>
    %shift_right_logical3A_3166 = arith.shrui %xor3A_3159, %shift_right_logical3A_3165 : vector<200x128xi32>
    %or3A_3167 = arith.ori %shift_left3A_3163, %shift_right_logical3A_3166 : vector<200x128xi32>
    %xor3A_3168 = arith.xori %add3A_3160, %or3A_3167 : vector<200x128xi32>
    %add3A_3169 = arith.constant 42 : i32
    %add3A_3170 = vector.broadcast %add3A_3169 : i32 to vector<200x128xi32>
    %add3A_3171 = arith.addi %add3A_3160, %add3A_3170 : vector<200x128xi32>
    %add3A_3172 = arith.constant 466689012 : i32
    %add3A_3173 = vector.broadcast %add3A_3172 : i32 to vector<200x128xi32>
    %add3A_3174 = arith.addi %xor3A_3168, %add3A_3173 : vector<200x128xi32>
    %add3A_3175 = arith.addi %add3A_3171, %add3A_3174 : vector<200x128xi32>
    %shift_left3A_3176 = arith.constant 13 : i32
    %shift_left3A_3177 = vector.broadcast %shift_left3A_3176 : i32 to vector<200x128xi32>
    %shift_left3A_3178 = arith.shli %add3A_3174, %shift_left3A_3177 : vector<200x128xi32>
    %shift_right_logical3A_3179 = arith.constant 19 : i32
    %shift_right_logical3A_3180 = vector.broadcast %shift_right_logical3A_3179 : i32 to vector<200x128xi32>
    %shift_right_logical3A_3181 = arith.shrui %add3A_3174, %shift_right_logical3A_3180 : vector<200x128xi32>
    %or3A_3182 = arith.ori %shift_left3A_3178, %shift_right_logical3A_3181 : vector<200x128xi32>
    %xor3A_3183 = arith.xori %add3A_3175, %or3A_3182 : vector<200x128xi32>
    %add3A_3184 = arith.addi %add3A_3175, %xor3A_3183 : vector<200x128xi32>
    %shift_left3A_3185 = arith.constant 15 : i32
    %shift_left3A_3186 = vector.broadcast %shift_left3A_3185 : i32 to vector<200x128xi32>
    %shift_left3A_3187 = arith.shli %xor3A_3183, %shift_left3A_3186 : vector<200x128xi32>
    %shift_right_logical3A_3188 = arith.constant 17 : i32
    %shift_right_logical3A_3189 = vector.broadcast %shift_right_logical3A_3188 : i32 to vector<200x128xi32>
    %shift_right_logical3A_3190 = arith.shrui %xor3A_3183, %shift_right_logical3A_3189 : vector<200x128xi32>
    %or3A_3191 = arith.ori %shift_left3A_3187, %shift_right_logical3A_3190 : vector<200x128xi32>
    %xor3A_3192 = arith.xori %add3A_3184, %or3A_3191 : vector<200x128xi32>
    %add3A_3193 = arith.addi %add3A_3184, %xor3A_3192 : vector<200x128xi32>
    %shift_left3A_3194 = arith.constant 26 : i32
    %shift_left3A_3195 = vector.broadcast %shift_left3A_3194 : i32 to vector<200x128xi32>
    %shift_left3A_3196 = arith.shli %xor3A_3192, %shift_left3A_3195 : vector<200x128xi32>
    %shift_right_logical3A_3197 = arith.constant 6 : i32
    %shift_right_logical3A_3198 = vector.broadcast %shift_right_logical3A_3197 : i32 to vector<200x128xi32>
    %shift_right_logical3A_3199 = arith.shrui %xor3A_3192, %shift_right_logical3A_3198 : vector<200x128xi32>
    %or3A_3200 = arith.ori %shift_left3A_3196, %shift_right_logical3A_3199 : vector<200x128xi32>
    %xor3A_3201 = arith.xori %add3A_3193, %or3A_3200 : vector<200x128xi32>
    %add3A_3202 = arith.addi %add3A_3193, %xor3A_3201 : vector<200x128xi32>
    %shift_left3A_3203 = arith.constant 6 : i32
    %shift_left3A_3204 = vector.broadcast %shift_left3A_3203 : i32 to vector<200x128xi32>
    %shift_left3A_3205 = arith.shli %xor3A_3201, %shift_left3A_3204 : vector<200x128xi32>
    %shift_right_logical3A_3206 = arith.constant 26 : i32
    %shift_right_logical3A_3207 = vector.broadcast %shift_right_logical3A_3206 : i32 to vector<200x128xi32>
    %shift_right_logical3A_3208 = arith.shrui %xor3A_3201, %shift_right_logical3A_3207 : vector<200x128xi32>
    %or3A_3209 = arith.ori %shift_left3A_3205, %shift_right_logical3A_3208 : vector<200x128xi32>
    %xor3A_3210 = arith.xori %add3A_3202, %or3A_3209 : vector<200x128xi32>
    %add3A_3211 = arith.constant 466689008 : i32
    %add3A_3212 = vector.broadcast %add3A_3211 : i32 to vector<200x128xi32>
    %add3A_3213 = arith.addi %add3A_3202, %add3A_3212 : vector<200x128xi32>
    %add3A_3214 = arith.constant 5 : i32
    %add3A_3215 = vector.broadcast %add3A_3214 : i32 to vector<200x128xi32>
    %add3A_3216 = arith.addi %xor3A_3210, %add3A_3215 : vector<200x128xi32>
    %xor3A_3217 = arith.xori %add3A_3213, %add3A_3216 : vector<200x128xi32>
    %shift_right_logical3A_3218 = arith.constant 9 : i32
    %shift_right_logical3A_3219 = vector.broadcast %shift_right_logical3A_3218 : i32 to vector<200x128xi32>
    %shift_right_logical3A_3220 = arith.shrui %xor3A_3217, %shift_right_logical3A_3219 : vector<200x128xi32>
    %or3A_3221 = arith.constant 1065353216 : i32
    %or3A_3222 = vector.broadcast %or3A_3221 : i32 to vector<200x128xi32>
    %or3A_3223 = arith.ori %shift_right_logical3A_3220, %or3A_3222 : vector<200x128xi32>
    %bitcast_convert_type3A_3224 = tpu.bitcast %or3A_3223 : vector<200x128xi32> -> vector<200x128xf32>
    %sub3A_3225 = arith.constant 1.000000e+00 : f32
    %sub3A_3226 = vector.broadcast %sub3A_3225 : f32 to vector<200x128xf32>
    %sub3A_3227 = arith.subf %bitcast_convert_type3A_3224, %sub3A_3226 : vector<200x128xf32>
    %add3A_3228 = arith.constant 1.000000e-10 : f32
    %add3A_3229 = vector.broadcast %add3A_3228 : f32 to vector<200x128xf32>
    %add3A_3230 = arith.addf %sub3A_3227, %add3A_3229 : vector<200x128xf32>
    %max3A_3231 = arith.constant 1.000000e-10 : f32
    %max3A_3232 = vector.broadcast %max3A_3231 : f32 to vector<200x128xf32>
    %max3A_3233 = arith.maximumf %max3A_3232, %add3A_3230 : vector<200x128xf32>
    %log3A_3234 = math.log %max3A_3233 : vector<200x128xf32>
    %neg3A_3235 = arith.constant 0.000000e+00 : f32
    %neg3A_3236 = vector.broadcast %neg3A_3235 : f32 to vector<200x128xf32>
    %neg3A_3237 = arith.subf %neg3A_3236, %log3A_3234 : vector<200x128xf32>
    %log3A_3238 = math.log %neg3A_3237 : vector<200x128xf32>
    %neg3A_3239 = arith.constant 0.000000e+00 : f32
    %neg3A_3240 = vector.broadcast %neg3A_3239 : f32 to vector<200x128xf32>
    %neg3A_3241 = arith.subf %neg3A_3240, %log3A_3238 : vector<200x128xf32>
    %add3A_3242 = arith.addf %get3A_3004, %neg3A_3241 : vector<200x128xf32>
    %reduce_max3A_3243 = arith.constant dense<0xFF800000> : vector<128xf32>
    %reduce_max3A_3244 = vector.multi_reduction <maximumf>, %add3A_3242, %reduce_max3A_3243 [0] : vector<200x128xf32> to vector<128xf32>
    %broadcast_in_dim3A_3245 = vector.shape_cast %reduce_max3A_3244 : vector<128xf32> to vector<1x128xf32>
    %eq3A_3246 = vector.broadcast %broadcast_in_dim3A_3245 : vector<1x128xf32> to vector<200x128xf32>
    %eq3A_3247 = arith.cmpf oeq, %add3A_3242, %eq3A_3246 : vector<200x128xf32>
    %jit3A_3248 = arith.constant 1073741824 : i32
    %broadcast_in_dim3A_3249 = vector.broadcast %jit3A_3248 : i32 to vector<200x128xi32>
    %select_n3A_3250 = arith.select %eq3A_3247, %iota3A_2992, %broadcast_in_dim3A_3249 : vector<200x128xi1>, vector<200x128xi32>
    %reduce_min3A_3251 = arith.constant dense<2147483647> : vector<128xi32>
    %reduce_min3A_3252 = vector.multi_reduction <minsi>, %select_n3A_3250, %reduce_min3A_3251 [0] : vector<200x128xi32> to vector<128xi32>
    %broadcast_in_dim3A_3253 = vector.shape_cast %reduce_min3A_3252 : vector<128xi32> to vector<1x128xi32>
    %add3A_3254 = arith.constant 200 : i32
    %add3A_3255 = vector.broadcast %add3A_3254 : i32 to vector<1x128xi32>
    %add3A_3256 = arith.addi %broadcast_in_dim3A_3253, %add3A_3255 : vector<1x128xi32>
    %gt3A_3257 = arith.cmpf ogt, %broadcast_in_dim3A_3245, %select_n3A_2988 : vector<1x128xf32>
    %select_n3A_3258 = arith.select %gt3A_3257, %broadcast_in_dim3A_3245, %select_n3A_2988 : vector<1x128xi1>, vector<1x128xf32>
    %select_n3A_3259 = arith.select %gt3A_3257, %add3A_3256, %select_n3A_2989 : vector<1x128xi1>, vector<1x128xi32>
    %iota3A_3260 = tpu.iota {dimensions = array<i32: 0>} : vector<200x128xi32>
    %iota3A_3261 = tpu.iota {dimensions = array<i32: 1>} : vector<200x128xi32>
    %iota3A_3262 = tpu.iota {dimensions = array<i32: 0>} : vector<200x128xi32>
    %mul3A_3263 = arith.constant 1000 : i32
    %mul3A_3264 = vector.broadcast %mul3A_3263 : i32 to vector<200x128xi32>
    %mul3A_3265 = arith.muli %iota3A_3261, %mul3A_3264 : vector<200x128xi32>
    %add3A_3266 = vector.broadcast %mul3A_2715 : i32 to vector<200x128xi32>
    %add3A_3267 = arith.addi %add3A_3266, %mul3A_3265 : vector<200x128xi32>
    %add3A_3268 = arith.constant 400 : i32
    %add3A_3269 = vector.broadcast %add3A_3268 : i32 to vector<200x128xi32>
    %add3A_3270 = arith.addi %iota3A_3260, %add3A_3269 : vector<200x128xi32>
    %add3A_3271 = arith.addi %add3A_3267, %add3A_3270 : vector<200x128xi32>
    %get3A_3272 = arith.constant 400 : index
    %get3A_3273 = arith.constant 256 : index
    %get3A_3274 = vector.load %arg1[%get3A_3272, %get3A_3273] : memref<1000x512xf32, #tpu.memory_space<vmem>>, vector<200x128xf32>
    %add3A_3275 = arith.constant 42 : i32
    %add3A_3276 = vector.broadcast %add3A_3275 : i32 to vector<200x128xi32>
    %add3A_3277 = arith.addi %add3A_3271, %add3A_3276 : vector<200x128xi32>
    %shift_left3A_3278 = arith.constant 13 : i32
    %shift_left3A_3279 = vector.broadcast %shift_left3A_3278 : i32 to vector<200x128xi32>
    %shift_left3A_3280 = arith.shli %add3A_3277, %shift_left3A_3279 : vector<200x128xi32>
    %shift_right_logical3A_3281 = arith.constant 19 : i32
    %shift_right_logical3A_3282 = vector.broadcast %shift_right_logical3A_3281 : i32 to vector<200x128xi32>
    %shift_right_logical3A_3283 = arith.shrui %add3A_3277, %shift_right_logical3A_3282 : vector<200x128xi32>
    %or3A_3284 = arith.ori %shift_left3A_3280, %shift_right_logical3A_3283 : vector<200x128xi32>
    %xor3A_3285 = arith.xori %add3A_3277, %or3A_3284 : vector<200x128xi32>
    %add3A_3286 = arith.addi %add3A_3277, %xor3A_3285 : vector<200x128xi32>
    %shift_left3A_3287 = arith.constant 15 : i32
    %shift_left3A_3288 = vector.broadcast %shift_left3A_3287 : i32 to vector<200x128xi32>
    %shift_left3A_3289 = arith.shli %xor3A_3285, %shift_left3A_3288 : vector<200x128xi32>
    %shift_right_logical3A_3290 = arith.constant 17 : i32
    %shift_right_logical3A_3291 = vector.broadcast %shift_right_logical3A_3290 : i32 to vector<200x128xi32>
    %shift_right_logical3A_3292 = arith.shrui %xor3A_3285, %shift_right_logical3A_3291 : vector<200x128xi32>
    %or3A_3293 = arith.ori %shift_left3A_3289, %shift_right_logical3A_3292 : vector<200x128xi32>
    %xor3A_3294 = arith.xori %add3A_3286, %or3A_3293 : vector<200x128xi32>
    %add3A_3295 = arith.addi %add3A_3286, %xor3A_3294 : vector<200x128xi32>
    %shift_left3A_3296 = arith.constant 26 : i32
    %shift_left3A_3297 = vector.broadcast %shift_left3A_3296 : i32 to vector<200x128xi32>
    %shift_left3A_3298 = arith.shli %xor3A_3294, %shift_left3A_3297 : vector<200x128xi32>
    %shift_right_logical3A_3299 = arith.constant 6 : i32
    %shift_right_logical3A_3300 = vector.broadcast %shift_right_logical3A_3299 : i32 to vector<200x128xi32>
    %shift_right_logical3A_3301 = arith.shrui %xor3A_3294, %shift_right_logical3A_3300 : vector<200x128xi32>
    %or3A_3302 = arith.ori %shift_left3A_3298, %shift_right_logical3A_3301 : vector<200x128xi32>
    %xor3A_3303 = arith.xori %add3A_3295, %or3A_3302 : vector<200x128xi32>
    %add3A_3304 = arith.addi %add3A_3295, %xor3A_3303 : vector<200x128xi32>
    %shift_left3A_3305 = arith.constant 6 : i32
    %shift_left3A_3306 = vector.broadcast %shift_left3A_3305 : i32 to vector<200x128xi32>
    %shift_left3A_3307 = arith.shli %xor3A_3303, %shift_left3A_3306 : vector<200x128xi32>
    %shift_right_logical3A_3308 = arith.constant 26 : i32
    %shift_right_logical3A_3309 = vector.broadcast %shift_right_logical3A_3308 : i32 to vector<200x128xi32>
    %shift_right_logical3A_3310 = arith.shrui %xor3A_3303, %shift_right_logical3A_3309 : vector<200x128xi32>
    %or3A_3311 = arith.ori %shift_left3A_3307, %shift_right_logical3A_3310 : vector<200x128xi32>
    %xor3A_3312 = arith.xori %add3A_3304, %or3A_3311 : vector<200x128xi32>
    %add3A_3313 = arith.constant 42 : i32
    %add3A_3314 = vector.broadcast %add3A_3313 : i32 to vector<200x128xi32>
    %add3A_3315 = arith.addi %add3A_3304, %add3A_3314 : vector<200x128xi32>
    %add3A_3316 = arith.constant 466689009 : i32
    %add3A_3317 = vector.broadcast %add3A_3316 : i32 to vector<200x128xi32>
    %add3A_3318 = arith.addi %xor3A_3312, %add3A_3317 : vector<200x128xi32>
    %add3A_3319 = arith.addi %add3A_3315, %add3A_3318 : vector<200x128xi32>
    %shift_left3A_3320 = arith.constant 17 : i32
    %shift_left3A_3321 = vector.broadcast %shift_left3A_3320 : i32 to vector<200x128xi32>
    %shift_left3A_3322 = arith.shli %add3A_3318, %shift_left3A_3321 : vector<200x128xi32>
    %shift_right_logical3A_3323 = arith.constant 15 : i32
    %shift_right_logical3A_3324 = vector.broadcast %shift_right_logical3A_3323 : i32 to vector<200x128xi32>
    %shift_right_logical3A_3325 = arith.shrui %add3A_3318, %shift_right_logical3A_3324 : vector<200x128xi32>
    %or3A_3326 = arith.ori %shift_left3A_3322, %shift_right_logical3A_3325 : vector<200x128xi32>
    %xor3A_3327 = arith.xori %add3A_3319, %or3A_3326 : vector<200x128xi32>
    %add3A_3328 = arith.addi %add3A_3319, %xor3A_3327 : vector<200x128xi32>
    %shift_left3A_3329 = arith.constant 29 : i32
    %shift_left3A_3330 = vector.broadcast %shift_left3A_3329 : i32 to vector<200x128xi32>
    %shift_left3A_3331 = arith.shli %xor3A_3327, %shift_left3A_3330 : vector<200x128xi32>
    %shift_right_logical3A_3332 = arith.constant 3 : i32
    %shift_right_logical3A_3333 = vector.broadcast %shift_right_logical3A_3332 : i32 to vector<200x128xi32>
    %shift_right_logical3A_3334 = arith.shrui %xor3A_3327, %shift_right_logical3A_3333 : vector<200x128xi32>
    %or3A_3335 = arith.ori %shift_left3A_3331, %shift_right_logical3A_3334 : vector<200x128xi32>
    %xor3A_3336 = arith.xori %add3A_3328, %or3A_3335 : vector<200x128xi32>
    %add3A_3337 = arith.addi %add3A_3328, %xor3A_3336 : vector<200x128xi32>
    %shift_left3A_3338 = arith.constant 16 : i32
    %shift_left3A_3339 = vector.broadcast %shift_left3A_3338 : i32 to vector<200x128xi32>
    %shift_left3A_3340 = arith.shli %xor3A_3336, %shift_left3A_3339 : vector<200x128xi32>
    %shift_right_logical3A_3341 = arith.constant 16 : i32
    %shift_right_logical3A_3342 = vector.broadcast %shift_right_logical3A_3341 : i32 to vector<200x128xi32>
    %shift_right_logical3A_3343 = arith.shrui %xor3A_3336, %shift_right_logical3A_3342 : vector<200x128xi32>
    %or3A_3344 = arith.ori %shift_left3A_3340, %shift_right_logical3A_3343 : vector<200x128xi32>
    %xor3A_3345 = arith.xori %add3A_3337, %or3A_3344 : vector<200x128xi32>
    %add3A_3346 = arith.addi %add3A_3337, %xor3A_3345 : vector<200x128xi32>
    %shift_left3A_3347 = arith.constant 24 : i32
    %shift_left3A_3348 = vector.broadcast %shift_left3A_3347 : i32 to vector<200x128xi32>
    %shift_left3A_3349 = arith.shli %xor3A_3345, %shift_left3A_3348 : vector<200x128xi32>
    %shift_right_logical3A_3350 = arith.constant 8 : i32
    %shift_right_logical3A_3351 = vector.broadcast %shift_right_logical3A_3350 : i32 to vector<200x128xi32>
    %shift_right_logical3A_3352 = arith.shrui %xor3A_3345, %shift_right_logical3A_3351 : vector<200x128xi32>
    %or3A_3353 = arith.ori %shift_left3A_3349, %shift_right_logical3A_3352 : vector<200x128xi32>
    %xor3A_3354 = arith.xori %add3A_3346, %or3A_3353 : vector<200x128xi32>
    %add3A_3355 = arith.constant 466689008 : i32
    %add3A_3356 = vector.broadcast %add3A_3355 : i32 to vector<200x128xi32>
    %add3A_3357 = arith.addi %add3A_3346, %add3A_3356 : vector<200x128xi32>
    %add3A_3358 = arith.constant 2 : i32
    %add3A_3359 = vector.broadcast %add3A_3358 : i32 to vector<200x128xi32>
    %add3A_3360 = arith.addi %xor3A_3354, %add3A_3359 : vector<200x128xi32>
    %add3A_3361 = arith.addi %add3A_3357, %add3A_3360 : vector<200x128xi32>
    %shift_left3A_3362 = arith.constant 13 : i32
    %shift_left3A_3363 = vector.broadcast %shift_left3A_3362 : i32 to vector<200x128xi32>
    %shift_left3A_3364 = arith.shli %add3A_3360, %shift_left3A_3363 : vector<200x128xi32>
    %shift_right_logical3A_3365 = arith.constant 19 : i32
    %shift_right_logical3A_3366 = vector.broadcast %shift_right_logical3A_3365 : i32 to vector<200x128xi32>
    %shift_right_logical3A_3367 = arith.shrui %add3A_3360, %shift_right_logical3A_3366 : vector<200x128xi32>
    %or3A_3368 = arith.ori %shift_left3A_3364, %shift_right_logical3A_3367 : vector<200x128xi32>
    %xor3A_3369 = arith.xori %add3A_3361, %or3A_3368 : vector<200x128xi32>
    %add3A_3370 = arith.addi %add3A_3361, %xor3A_3369 : vector<200x128xi32>
    %shift_left3A_3371 = arith.constant 15 : i32
    %shift_left3A_3372 = vector.broadcast %shift_left3A_3371 : i32 to vector<200x128xi32>
    %shift_left3A_3373 = arith.shli %xor3A_3369, %shift_left3A_3372 : vector<200x128xi32>
    %shift_right_logical3A_3374 = arith.constant 17 : i32
    %shift_right_logical3A_3375 = vector.broadcast %shift_right_logical3A_3374 : i32 to vector<200x128xi32>
    %shift_right_logical3A_3376 = arith.shrui %xor3A_3369, %shift_right_logical3A_3375 : vector<200x128xi32>
    %or3A_3377 = arith.ori %shift_left3A_3373, %shift_right_logical3A_3376 : vector<200x128xi32>
    %xor3A_3378 = arith.xori %add3A_3370, %or3A_3377 : vector<200x128xi32>
    %add3A_3379 = arith.addi %add3A_3370, %xor3A_3378 : vector<200x128xi32>
    %shift_left3A_3380 = arith.constant 26 : i32
    %shift_left3A_3381 = vector.broadcast %shift_left3A_3380 : i32 to vector<200x128xi32>
    %shift_left3A_3382 = arith.shli %xor3A_3378, %shift_left3A_3381 : vector<200x128xi32>
    %shift_right_logical3A_3383 = arith.constant 6 : i32
    %shift_right_logical3A_3384 = vector.broadcast %shift_right_logical3A_3383 : i32 to vector<200x128xi32>
    %shift_right_logical3A_3385 = arith.shrui %xor3A_3378, %shift_right_logical3A_3384 : vector<200x128xi32>
    %or3A_3386 = arith.ori %shift_left3A_3382, %shift_right_logical3A_3385 : vector<200x128xi32>
    %xor3A_3387 = arith.xori %add3A_3379, %or3A_3386 : vector<200x128xi32>
    %add3A_3388 = arith.addi %add3A_3379, %xor3A_3387 : vector<200x128xi32>
    %shift_left3A_3389 = arith.constant 6 : i32
    %shift_left3A_3390 = vector.broadcast %shift_left3A_3389 : i32 to vector<200x128xi32>
    %shift_left3A_3391 = arith.shli %xor3A_3387, %shift_left3A_3390 : vector<200x128xi32>
    %shift_right_logical3A_3392 = arith.constant 26 : i32
    %shift_right_logical3A_3393 = vector.broadcast %shift_right_logical3A_3392 : i32 to vector<200x128xi32>
    %shift_right_logical3A_3394 = arith.shrui %xor3A_3387, %shift_right_logical3A_3393 : vector<200x128xi32>
    %or3A_3395 = arith.ori %shift_left3A_3391, %shift_right_logical3A_3394 : vector<200x128xi32>
    %xor3A_3396 = arith.xori %add3A_3388, %or3A_3395 : vector<200x128xi32>
    %add3A_3397 = arith.constant 0 : i32
    %add3A_3398 = vector.broadcast %add3A_3397 : i32 to vector<200x128xi32>
    %add3A_3399 = arith.addi %add3A_3388, %add3A_3398 : vector<200x128xi32>
    %add3A_3400 = arith.constant 45 : i32
    %add3A_3401 = vector.broadcast %add3A_3400 : i32 to vector<200x128xi32>
    %add3A_3402 = arith.addi %xor3A_3396, %add3A_3401 : vector<200x128xi32>
    %add3A_3403 = arith.addi %add3A_3399, %add3A_3402 : vector<200x128xi32>
    %shift_left3A_3404 = arith.constant 17 : i32
    %shift_left3A_3405 = vector.broadcast %shift_left3A_3404 : i32 to vector<200x128xi32>
    %shift_left3A_3406 = arith.shli %add3A_3402, %shift_left3A_3405 : vector<200x128xi32>
    %shift_right_logical3A_3407 = arith.constant 15 : i32
    %shift_right_logical3A_3408 = vector.broadcast %shift_right_logical3A_3407 : i32 to vector<200x128xi32>
    %shift_right_logical3A_3409 = arith.shrui %add3A_3402, %shift_right_logical3A_3408 : vector<200x128xi32>
    %or3A_3410 = arith.ori %shift_left3A_3406, %shift_right_logical3A_3409 : vector<200x128xi32>
    %xor3A_3411 = arith.xori %add3A_3403, %or3A_3410 : vector<200x128xi32>
    %add3A_3412 = arith.addi %add3A_3403, %xor3A_3411 : vector<200x128xi32>
    %shift_left3A_3413 = arith.constant 29 : i32
    %shift_left3A_3414 = vector.broadcast %shift_left3A_3413 : i32 to vector<200x128xi32>
    %shift_left3A_3415 = arith.shli %xor3A_3411, %shift_left3A_3414 : vector<200x128xi32>
    %shift_right_logical3A_3416 = arith.constant 3 : i32
    %shift_right_logical3A_3417 = vector.broadcast %shift_right_logical3A_3416 : i32 to vector<200x128xi32>
    %shift_right_logical3A_3418 = arith.shrui %xor3A_3411, %shift_right_logical3A_3417 : vector<200x128xi32>
    %or3A_3419 = arith.ori %shift_left3A_3415, %shift_right_logical3A_3418 : vector<200x128xi32>
    %xor3A_3420 = arith.xori %add3A_3412, %or3A_3419 : vector<200x128xi32>
    %add3A_3421 = arith.addi %add3A_3412, %xor3A_3420 : vector<200x128xi32>
    %shift_left3A_3422 = arith.constant 16 : i32
    %shift_left3A_3423 = vector.broadcast %shift_left3A_3422 : i32 to vector<200x128xi32>
    %shift_left3A_3424 = arith.shli %xor3A_3420, %shift_left3A_3423 : vector<200x128xi32>
    %shift_right_logical3A_3425 = arith.constant 16 : i32
    %shift_right_logical3A_3426 = vector.broadcast %shift_right_logical3A_3425 : i32 to vector<200x128xi32>
    %shift_right_logical3A_3427 = arith.shrui %xor3A_3420, %shift_right_logical3A_3426 : vector<200x128xi32>
    %or3A_3428 = arith.ori %shift_left3A_3424, %shift_right_logical3A_3427 : vector<200x128xi32>
    %xor3A_3429 = arith.xori %add3A_3421, %or3A_3428 : vector<200x128xi32>
    %add3A_3430 = arith.addi %add3A_3421, %xor3A_3429 : vector<200x128xi32>
    %shift_left3A_3431 = arith.constant 24 : i32
    %shift_left3A_3432 = vector.broadcast %shift_left3A_3431 : i32 to vector<200x128xi32>
    %shift_left3A_3433 = arith.shli %xor3A_3429, %shift_left3A_3432 : vector<200x128xi32>
    %shift_right_logical3A_3434 = arith.constant 8 : i32
    %shift_right_logical3A_3435 = vector.broadcast %shift_right_logical3A_3434 : i32 to vector<200x128xi32>
    %shift_right_logical3A_3436 = arith.shrui %xor3A_3429, %shift_right_logical3A_3435 : vector<200x128xi32>
    %or3A_3437 = arith.ori %shift_left3A_3433, %shift_right_logical3A_3436 : vector<200x128xi32>
    %xor3A_3438 = arith.xori %add3A_3430, %or3A_3437 : vector<200x128xi32>
    %add3A_3439 = arith.constant 42 : i32
    %add3A_3440 = vector.broadcast %add3A_3439 : i32 to vector<200x128xi32>
    %add3A_3441 = arith.addi %add3A_3430, %add3A_3440 : vector<200x128xi32>
    %add3A_3442 = arith.constant 466689012 : i32
    %add3A_3443 = vector.broadcast %add3A_3442 : i32 to vector<200x128xi32>
    %add3A_3444 = arith.addi %xor3A_3438, %add3A_3443 : vector<200x128xi32>
    %add3A_3445 = arith.addi %add3A_3441, %add3A_3444 : vector<200x128xi32>
    %shift_left3A_3446 = arith.constant 13 : i32
    %shift_left3A_3447 = vector.broadcast %shift_left3A_3446 : i32 to vector<200x128xi32>
    %shift_left3A_3448 = arith.shli %add3A_3444, %shift_left3A_3447 : vector<200x128xi32>
    %shift_right_logical3A_3449 = arith.constant 19 : i32
    %shift_right_logical3A_3450 = vector.broadcast %shift_right_logical3A_3449 : i32 to vector<200x128xi32>
    %shift_right_logical3A_3451 = arith.shrui %add3A_3444, %shift_right_logical3A_3450 : vector<200x128xi32>
    %or3A_3452 = arith.ori %shift_left3A_3448, %shift_right_logical3A_3451 : vector<200x128xi32>
    %xor3A_3453 = arith.xori %add3A_3445, %or3A_3452 : vector<200x128xi32>
    %add3A_3454 = arith.addi %add3A_3445, %xor3A_3453 : vector<200x128xi32>
    %shift_left3A_3455 = arith.constant 15 : i32
    %shift_left3A_3456 = vector.broadcast %shift_left3A_3455 : i32 to vector<200x128xi32>
    %shift_left3A_3457 = arith.shli %xor3A_3453, %shift_left3A_3456 : vector<200x128xi32>
    %shift_right_logical3A_3458 = arith.constant 17 : i32
    %shift_right_logical3A_3459 = vector.broadcast %shift_right_logical3A_3458 : i32 to vector<200x128xi32>
    %shift_right_logical3A_3460 = arith.shrui %xor3A_3453, %shift_right_logical3A_3459 : vector<200x128xi32>
    %or3A_3461 = arith.ori %shift_left3A_3457, %shift_right_logical3A_3460 : vector<200x128xi32>
    %xor3A_3462 = arith.xori %add3A_3454, %or3A_3461 : vector<200x128xi32>
    %add3A_3463 = arith.addi %add3A_3454, %xor3A_3462 : vector<200x128xi32>
    %shift_left3A_3464 = arith.constant 26 : i32
    %shift_left3A_3465 = vector.broadcast %shift_left3A_3464 : i32 to vector<200x128xi32>
    %shift_left3A_3466 = arith.shli %xor3A_3462, %shift_left3A_3465 : vector<200x128xi32>
    %shift_right_logical3A_3467 = arith.constant 6 : i32
    %shift_right_logical3A_3468 = vector.broadcast %shift_right_logical3A_3467 : i32 to vector<200x128xi32>
    %shift_right_logical3A_3469 = arith.shrui %xor3A_3462, %shift_right_logical3A_3468 : vector<200x128xi32>
    %or3A_3470 = arith.ori %shift_left3A_3466, %shift_right_logical3A_3469 : vector<200x128xi32>
    %xor3A_3471 = arith.xori %add3A_3463, %or3A_3470 : vector<200x128xi32>
    %add3A_3472 = arith.addi %add3A_3463, %xor3A_3471 : vector<200x128xi32>
    %shift_left3A_3473 = arith.constant 6 : i32
    %shift_left3A_3474 = vector.broadcast %shift_left3A_3473 : i32 to vector<200x128xi32>
    %shift_left3A_3475 = arith.shli %xor3A_3471, %shift_left3A_3474 : vector<200x128xi32>
    %shift_right_logical3A_3476 = arith.constant 26 : i32
    %shift_right_logical3A_3477 = vector.broadcast %shift_right_logical3A_3476 : i32 to vector<200x128xi32>
    %shift_right_logical3A_3478 = arith.shrui %xor3A_3471, %shift_right_logical3A_3477 : vector<200x128xi32>
    %or3A_3479 = arith.ori %shift_left3A_3475, %shift_right_logical3A_3478 : vector<200x128xi32>
    %xor3A_3480 = arith.xori %add3A_3472, %or3A_3479 : vector<200x128xi32>
    %add3A_3481 = arith.constant 466689008 : i32
    %add3A_3482 = vector.broadcast %add3A_3481 : i32 to vector<200x128xi32>
    %add3A_3483 = arith.addi %add3A_3472, %add3A_3482 : vector<200x128xi32>
    %add3A_3484 = arith.constant 5 : i32
    %add3A_3485 = vector.broadcast %add3A_3484 : i32 to vector<200x128xi32>
    %add3A_3486 = arith.addi %xor3A_3480, %add3A_3485 : vector<200x128xi32>
    %xor3A_3487 = arith.xori %add3A_3483, %add3A_3486 : vector<200x128xi32>
    %shift_right_logical3A_3488 = arith.constant 9 : i32
    %shift_right_logical3A_3489 = vector.broadcast %shift_right_logical3A_3488 : i32 to vector<200x128xi32>
    %shift_right_logical3A_3490 = arith.shrui %xor3A_3487, %shift_right_logical3A_3489 : vector<200x128xi32>
    %or3A_3491 = arith.constant 1065353216 : i32
    %or3A_3492 = vector.broadcast %or3A_3491 : i32 to vector<200x128xi32>
    %or3A_3493 = arith.ori %shift_right_logical3A_3490, %or3A_3492 : vector<200x128xi32>
    %bitcast_convert_type3A_3494 = tpu.bitcast %or3A_3493 : vector<200x128xi32> -> vector<200x128xf32>
    %sub3A_3495 = arith.constant 1.000000e+00 : f32
    %sub3A_3496 = vector.broadcast %sub3A_3495 : f32 to vector<200x128xf32>
    %sub3A_3497 = arith.subf %bitcast_convert_type3A_3494, %sub3A_3496 : vector<200x128xf32>
    %add3A_3498 = arith.constant 1.000000e-10 : f32
    %add3A_3499 = vector.broadcast %add3A_3498 : f32 to vector<200x128xf32>
    %add3A_3500 = arith.addf %sub3A_3497, %add3A_3499 : vector<200x128xf32>
    %max3A_3501 = arith.constant 1.000000e-10 : f32
    %max3A_3502 = vector.broadcast %max3A_3501 : f32 to vector<200x128xf32>
    %max3A_3503 = arith.maximumf %max3A_3502, %add3A_3500 : vector<200x128xf32>
    %log3A_3504 = math.log %max3A_3503 : vector<200x128xf32>
    %neg3A_3505 = arith.constant 0.000000e+00 : f32
    %neg3A_3506 = vector.broadcast %neg3A_3505 : f32 to vector<200x128xf32>
    %neg3A_3507 = arith.subf %neg3A_3506, %log3A_3504 : vector<200x128xf32>
    %log3A_3508 = math.log %neg3A_3507 : vector<200x128xf32>
    %neg3A_3509 = arith.constant 0.000000e+00 : f32
    %neg3A_3510 = vector.broadcast %neg3A_3509 : f32 to vector<200x128xf32>
    %neg3A_3511 = arith.subf %neg3A_3510, %log3A_3508 : vector<200x128xf32>
    %add3A_3512 = arith.addf %get3A_3274, %neg3A_3511 : vector<200x128xf32>
    %reduce_max3A_3513 = arith.constant dense<0xFF800000> : vector<128xf32>
    %reduce_max3A_3514 = vector.multi_reduction <maximumf>, %add3A_3512, %reduce_max3A_3513 [0] : vector<200x128xf32> to vector<128xf32>
    %broadcast_in_dim3A_3515 = vector.shape_cast %reduce_max3A_3514 : vector<128xf32> to vector<1x128xf32>
    %eq3A_3516 = vector.broadcast %broadcast_in_dim3A_3515 : vector<1x128xf32> to vector<200x128xf32>
    %eq3A_3517 = arith.cmpf oeq, %add3A_3512, %eq3A_3516 : vector<200x128xf32>
    %jit3A_3518 = arith.constant 1073741824 : i32
    %broadcast_in_dim3A_3519 = vector.broadcast %jit3A_3518 : i32 to vector<200x128xi32>
    %select_n3A_3520 = arith.select %eq3A_3517, %iota3A_3262, %broadcast_in_dim3A_3519 : vector<200x128xi1>, vector<200x128xi32>
    %reduce_min3A_3521 = arith.constant dense<2147483647> : vector<128xi32>
    %reduce_min3A_3522 = vector.multi_reduction <minsi>, %select_n3A_3520, %reduce_min3A_3521 [0] : vector<200x128xi32> to vector<128xi32>
    %broadcast_in_dim3A_3523 = vector.shape_cast %reduce_min3A_3522 : vector<128xi32> to vector<1x128xi32>
    %add3A_3524 = arith.constant 400 : i32
    %add3A_3525 = vector.broadcast %add3A_3524 : i32 to vector<1x128xi32>
    %add3A_3526 = arith.addi %broadcast_in_dim3A_3523, %add3A_3525 : vector<1x128xi32>
    %gt3A_3527 = arith.cmpf ogt, %broadcast_in_dim3A_3515, %select_n3A_3258 : vector<1x128xf32>
    %select_n3A_3528 = arith.select %gt3A_3527, %broadcast_in_dim3A_3515, %select_n3A_3258 : vector<1x128xi1>, vector<1x128xf32>
    %select_n3A_3529 = arith.select %gt3A_3527, %add3A_3526, %select_n3A_3259 : vector<1x128xi1>, vector<1x128xi32>
    %iota3A_3530 = tpu.iota {dimensions = array<i32: 0>} : vector<200x128xi32>
    %iota3A_3531 = tpu.iota {dimensions = array<i32: 1>} : vector<200x128xi32>
    %iota3A_3532 = tpu.iota {dimensions = array<i32: 0>} : vector<200x128xi32>
    %mul3A_3533 = arith.constant 1000 : i32
    %mul3A_3534 = vector.broadcast %mul3A_3533 : i32 to vector<200x128xi32>
    %mul3A_3535 = arith.muli %iota3A_3531, %mul3A_3534 : vector<200x128xi32>
    %add3A_3536 = vector.broadcast %mul3A_2715 : i32 to vector<200x128xi32>
    %add3A_3537 = arith.addi %add3A_3536, %mul3A_3535 : vector<200x128xi32>
    %add3A_3538 = arith.constant 600 : i32
    %add3A_3539 = vector.broadcast %add3A_3538 : i32 to vector<200x128xi32>
    %add3A_3540 = arith.addi %iota3A_3530, %add3A_3539 : vector<200x128xi32>
    %add3A_3541 = arith.addi %add3A_3537, %add3A_3540 : vector<200x128xi32>
    %get3A_3542 = arith.constant 600 : index
    %get3A_3543 = arith.constant 256 : index
    %get3A_3544 = vector.load %arg1[%get3A_3542, %get3A_3543] : memref<1000x512xf32, #tpu.memory_space<vmem>>, vector<200x128xf32>
    %add3A_3545 = arith.constant 42 : i32
    %add3A_3546 = vector.broadcast %add3A_3545 : i32 to vector<200x128xi32>
    %add3A_3547 = arith.addi %add3A_3541, %add3A_3546 : vector<200x128xi32>
    %shift_left3A_3548 = arith.constant 13 : i32
    %shift_left3A_3549 = vector.broadcast %shift_left3A_3548 : i32 to vector<200x128xi32>
    %shift_left3A_3550 = arith.shli %add3A_3547, %shift_left3A_3549 : vector<200x128xi32>
    %shift_right_logical3A_3551 = arith.constant 19 : i32
    %shift_right_logical3A_3552 = vector.broadcast %shift_right_logical3A_3551 : i32 to vector<200x128xi32>
    %shift_right_logical3A_3553 = arith.shrui %add3A_3547, %shift_right_logical3A_3552 : vector<200x128xi32>
    %or3A_3554 = arith.ori %shift_left3A_3550, %shift_right_logical3A_3553 : vector<200x128xi32>
    %xor3A_3555 = arith.xori %add3A_3547, %or3A_3554 : vector<200x128xi32>
    %add3A_3556 = arith.addi %add3A_3547, %xor3A_3555 : vector<200x128xi32>
    %shift_left3A_3557 = arith.constant 15 : i32
    %shift_left3A_3558 = vector.broadcast %shift_left3A_3557 : i32 to vector<200x128xi32>
    %shift_left3A_3559 = arith.shli %xor3A_3555, %shift_left3A_3558 : vector<200x128xi32>
    %shift_right_logical3A_3560 = arith.constant 17 : i32
    %shift_right_logical3A_3561 = vector.broadcast %shift_right_logical3A_3560 : i32 to vector<200x128xi32>
    %shift_right_logical3A_3562 = arith.shrui %xor3A_3555, %shift_right_logical3A_3561 : vector<200x128xi32>
    %or3A_3563 = arith.ori %shift_left3A_3559, %shift_right_logical3A_3562 : vector<200x128xi32>
    %xor3A_3564 = arith.xori %add3A_3556, %or3A_3563 : vector<200x128xi32>
    %add3A_3565 = arith.addi %add3A_3556, %xor3A_3564 : vector<200x128xi32>
    %shift_left3A_3566 = arith.constant 26 : i32
    %shift_left3A_3567 = vector.broadcast %shift_left3A_3566 : i32 to vector<200x128xi32>
    %shift_left3A_3568 = arith.shli %xor3A_3564, %shift_left3A_3567 : vector<200x128xi32>
    %shift_right_logical3A_3569 = arith.constant 6 : i32
    %shift_right_logical3A_3570 = vector.broadcast %shift_right_logical3A_3569 : i32 to vector<200x128xi32>
    %shift_right_logical3A_3571 = arith.shrui %xor3A_3564, %shift_right_logical3A_3570 : vector<200x128xi32>
    %or3A_3572 = arith.ori %shift_left3A_3568, %shift_right_logical3A_3571 : vector<200x128xi32>
    %xor3A_3573 = arith.xori %add3A_3565, %or3A_3572 : vector<200x128xi32>
    %add3A_3574 = arith.addi %add3A_3565, %xor3A_3573 : vector<200x128xi32>
    %shift_left3A_3575 = arith.constant 6 : i32
    %shift_left3A_3576 = vector.broadcast %shift_left3A_3575 : i32 to vector<200x128xi32>
    %shift_left3A_3577 = arith.shli %xor3A_3573, %shift_left3A_3576 : vector<200x128xi32>
    %shift_right_logical3A_3578 = arith.constant 26 : i32
    %shift_right_logical3A_3579 = vector.broadcast %shift_right_logical3A_3578 : i32 to vector<200x128xi32>
    %shift_right_logical3A_3580 = arith.shrui %xor3A_3573, %shift_right_logical3A_3579 : vector<200x128xi32>
    %or3A_3581 = arith.ori %shift_left3A_3577, %shift_right_logical3A_3580 : vector<200x128xi32>
    %xor3A_3582 = arith.xori %add3A_3574, %or3A_3581 : vector<200x128xi32>
    %add3A_3583 = arith.constant 42 : i32
    %add3A_3584 = vector.broadcast %add3A_3583 : i32 to vector<200x128xi32>
    %add3A_3585 = arith.addi %add3A_3574, %add3A_3584 : vector<200x128xi32>
    %add3A_3586 = arith.constant 466689009 : i32
    %add3A_3587 = vector.broadcast %add3A_3586 : i32 to vector<200x128xi32>
    %add3A_3588 = arith.addi %xor3A_3582, %add3A_3587 : vector<200x128xi32>
    %add3A_3589 = arith.addi %add3A_3585, %add3A_3588 : vector<200x128xi32>
    %shift_left3A_3590 = arith.constant 17 : i32
    %shift_left3A_3591 = vector.broadcast %shift_left3A_3590 : i32 to vector<200x128xi32>
    %shift_left3A_3592 = arith.shli %add3A_3588, %shift_left3A_3591 : vector<200x128xi32>
    %shift_right_logical3A_3593 = arith.constant 15 : i32
    %shift_right_logical3A_3594 = vector.broadcast %shift_right_logical3A_3593 : i32 to vector<200x128xi32>
    %shift_right_logical3A_3595 = arith.shrui %add3A_3588, %shift_right_logical3A_3594 : vector<200x128xi32>
    %or3A_3596 = arith.ori %shift_left3A_3592, %shift_right_logical3A_3595 : vector<200x128xi32>
    %xor3A_3597 = arith.xori %add3A_3589, %or3A_3596 : vector<200x128xi32>
    %add3A_3598 = arith.addi %add3A_3589, %xor3A_3597 : vector<200x128xi32>
    %shift_left3A_3599 = arith.constant 29 : i32
    %shift_left3A_3600 = vector.broadcast %shift_left3A_3599 : i32 to vector<200x128xi32>
    %shift_left3A_3601 = arith.shli %xor3A_3597, %shift_left3A_3600 : vector<200x128xi32>
    %shift_right_logical3A_3602 = arith.constant 3 : i32
    %shift_right_logical3A_3603 = vector.broadcast %shift_right_logical3A_3602 : i32 to vector<200x128xi32>
    %shift_right_logical3A_3604 = arith.shrui %xor3A_3597, %shift_right_logical3A_3603 : vector<200x128xi32>
    %or3A_3605 = arith.ori %shift_left3A_3601, %shift_right_logical3A_3604 : vector<200x128xi32>
    %xor3A_3606 = arith.xori %add3A_3598, %or3A_3605 : vector<200x128xi32>
    %add3A_3607 = arith.addi %add3A_3598, %xor3A_3606 : vector<200x128xi32>
    %shift_left3A_3608 = arith.constant 16 : i32
    %shift_left3A_3609 = vector.broadcast %shift_left3A_3608 : i32 to vector<200x128xi32>
    %shift_left3A_3610 = arith.shli %xor3A_3606, %shift_left3A_3609 : vector<200x128xi32>
    %shift_right_logical3A_3611 = arith.constant 16 : i32
    %shift_right_logical3A_3612 = vector.broadcast %shift_right_logical3A_3611 : i32 to vector<200x128xi32>
    %shift_right_logical3A_3613 = arith.shrui %xor3A_3606, %shift_right_logical3A_3612 : vector<200x128xi32>
    %or3A_3614 = arith.ori %shift_left3A_3610, %shift_right_logical3A_3613 : vector<200x128xi32>
    %xor3A_3615 = arith.xori %add3A_3607, %or3A_3614 : vector<200x128xi32>
    %add3A_3616 = arith.addi %add3A_3607, %xor3A_3615 : vector<200x128xi32>
    %shift_left3A_3617 = arith.constant 24 : i32
    %shift_left3A_3618 = vector.broadcast %shift_left3A_3617 : i32 to vector<200x128xi32>
    %shift_left3A_3619 = arith.shli %xor3A_3615, %shift_left3A_3618 : vector<200x128xi32>
    %shift_right_logical3A_3620 = arith.constant 8 : i32
    %shift_right_logical3A_3621 = vector.broadcast %shift_right_logical3A_3620 : i32 to vector<200x128xi32>
    %shift_right_logical3A_3622 = arith.shrui %xor3A_3615, %shift_right_logical3A_3621 : vector<200x128xi32>
    %or3A_3623 = arith.ori %shift_left3A_3619, %shift_right_logical3A_3622 : vector<200x128xi32>
    %xor3A_3624 = arith.xori %add3A_3616, %or3A_3623 : vector<200x128xi32>
    %add3A_3625 = arith.constant 466689008 : i32
    %add3A_3626 = vector.broadcast %add3A_3625 : i32 to vector<200x128xi32>
    %add3A_3627 = arith.addi %add3A_3616, %add3A_3626 : vector<200x128xi32>
    %add3A_3628 = arith.constant 2 : i32
    %add3A_3629 = vector.broadcast %add3A_3628 : i32 to vector<200x128xi32>
    %add3A_3630 = arith.addi %xor3A_3624, %add3A_3629 : vector<200x128xi32>
    %add3A_3631 = arith.addi %add3A_3627, %add3A_3630 : vector<200x128xi32>
    %shift_left3A_3632 = arith.constant 13 : i32
    %shift_left3A_3633 = vector.broadcast %shift_left3A_3632 : i32 to vector<200x128xi32>
    %shift_left3A_3634 = arith.shli %add3A_3630, %shift_left3A_3633 : vector<200x128xi32>
    %shift_right_logical3A_3635 = arith.constant 19 : i32
    %shift_right_logical3A_3636 = vector.broadcast %shift_right_logical3A_3635 : i32 to vector<200x128xi32>
    %shift_right_logical3A_3637 = arith.shrui %add3A_3630, %shift_right_logical3A_3636 : vector<200x128xi32>
    %or3A_3638 = arith.ori %shift_left3A_3634, %shift_right_logical3A_3637 : vector<200x128xi32>
    %xor3A_3639 = arith.xori %add3A_3631, %or3A_3638 : vector<200x128xi32>
    %add3A_3640 = arith.addi %add3A_3631, %xor3A_3639 : vector<200x128xi32>
    %shift_left3A_3641 = arith.constant 15 : i32
    %shift_left3A_3642 = vector.broadcast %shift_left3A_3641 : i32 to vector<200x128xi32>
    %shift_left3A_3643 = arith.shli %xor3A_3639, %shift_left3A_3642 : vector<200x128xi32>
    %shift_right_logical3A_3644 = arith.constant 17 : i32
    %shift_right_logical3A_3645 = vector.broadcast %shift_right_logical3A_3644 : i32 to vector<200x128xi32>
    %shift_right_logical3A_3646 = arith.shrui %xor3A_3639, %shift_right_logical3A_3645 : vector<200x128xi32>
    %or3A_3647 = arith.ori %shift_left3A_3643, %shift_right_logical3A_3646 : vector<200x128xi32>
    %xor3A_3648 = arith.xori %add3A_3640, %or3A_3647 : vector<200x128xi32>
    %add3A_3649 = arith.addi %add3A_3640, %xor3A_3648 : vector<200x128xi32>
    %shift_left3A_3650 = arith.constant 26 : i32
    %shift_left3A_3651 = vector.broadcast %shift_left3A_3650 : i32 to vector<200x128xi32>
    %shift_left3A_3652 = arith.shli %xor3A_3648, %shift_left3A_3651 : vector<200x128xi32>
    %shift_right_logical3A_3653 = arith.constant 6 : i32
    %shift_right_logical3A_3654 = vector.broadcast %shift_right_logical3A_3653 : i32 to vector<200x128xi32>
    %shift_right_logical3A_3655 = arith.shrui %xor3A_3648, %shift_right_logical3A_3654 : vector<200x128xi32>
    %or3A_3656 = arith.ori %shift_left3A_3652, %shift_right_logical3A_3655 : vector<200x128xi32>
    %xor3A_3657 = arith.xori %add3A_3649, %or3A_3656 : vector<200x128xi32>
    %add3A_3658 = arith.addi %add3A_3649, %xor3A_3657 : vector<200x128xi32>
    %shift_left3A_3659 = arith.constant 6 : i32
    %shift_left3A_3660 = vector.broadcast %shift_left3A_3659 : i32 to vector<200x128xi32>
    %shift_left3A_3661 = arith.shli %xor3A_3657, %shift_left3A_3660 : vector<200x128xi32>
    %shift_right_logical3A_3662 = arith.constant 26 : i32
    %shift_right_logical3A_3663 = vector.broadcast %shift_right_logical3A_3662 : i32 to vector<200x128xi32>
    %shift_right_logical3A_3664 = arith.shrui %xor3A_3657, %shift_right_logical3A_3663 : vector<200x128xi32>
    %or3A_3665 = arith.ori %shift_left3A_3661, %shift_right_logical3A_3664 : vector<200x128xi32>
    %xor3A_3666 = arith.xori %add3A_3658, %or3A_3665 : vector<200x128xi32>
    %add3A_3667 = arith.constant 0 : i32
    %add3A_3668 = vector.broadcast %add3A_3667 : i32 to vector<200x128xi32>
    %add3A_3669 = arith.addi %add3A_3658, %add3A_3668 : vector<200x128xi32>
    %add3A_3670 = arith.constant 45 : i32
    %add3A_3671 = vector.broadcast %add3A_3670 : i32 to vector<200x128xi32>
    %add3A_3672 = arith.addi %xor3A_3666, %add3A_3671 : vector<200x128xi32>
    %add3A_3673 = arith.addi %add3A_3669, %add3A_3672 : vector<200x128xi32>
    %shift_left3A_3674 = arith.constant 17 : i32
    %shift_left3A_3675 = vector.broadcast %shift_left3A_3674 : i32 to vector<200x128xi32>
    %shift_left3A_3676 = arith.shli %add3A_3672, %shift_left3A_3675 : vector<200x128xi32>
    %shift_right_logical3A_3677 = arith.constant 15 : i32
    %shift_right_logical3A_3678 = vector.broadcast %shift_right_logical3A_3677 : i32 to vector<200x128xi32>
    %shift_right_logical3A_3679 = arith.shrui %add3A_3672, %shift_right_logical3A_3678 : vector<200x128xi32>
    %or3A_3680 = arith.ori %shift_left3A_3676, %shift_right_logical3A_3679 : vector<200x128xi32>
    %xor3A_3681 = arith.xori %add3A_3673, %or3A_3680 : vector<200x128xi32>
    %add3A_3682 = arith.addi %add3A_3673, %xor3A_3681 : vector<200x128xi32>
    %shift_left3A_3683 = arith.constant 29 : i32
    %shift_left3A_3684 = vector.broadcast %shift_left3A_3683 : i32 to vector<200x128xi32>
    %shift_left3A_3685 = arith.shli %xor3A_3681, %shift_left3A_3684 : vector<200x128xi32>
    %shift_right_logical3A_3686 = arith.constant 3 : i32
    %shift_right_logical3A_3687 = vector.broadcast %shift_right_logical3A_3686 : i32 to vector<200x128xi32>
    %shift_right_logical3A_3688 = arith.shrui %xor3A_3681, %shift_right_logical3A_3687 : vector<200x128xi32>
    %or3A_3689 = arith.ori %shift_left3A_3685, %shift_right_logical3A_3688 : vector<200x128xi32>
    %xor3A_3690 = arith.xori %add3A_3682, %or3A_3689 : vector<200x128xi32>
    %add3A_3691 = arith.addi %add3A_3682, %xor3A_3690 : vector<200x128xi32>
    %shift_left3A_3692 = arith.constant 16 : i32
    %shift_left3A_3693 = vector.broadcast %shift_left3A_3692 : i32 to vector<200x128xi32>
    %shift_left3A_3694 = arith.shli %xor3A_3690, %shift_left3A_3693 : vector<200x128xi32>
    %shift_right_logical3A_3695 = arith.constant 16 : i32
    %shift_right_logical3A_3696 = vector.broadcast %shift_right_logical3A_3695 : i32 to vector<200x128xi32>
    %shift_right_logical3A_3697 = arith.shrui %xor3A_3690, %shift_right_logical3A_3696 : vector<200x128xi32>
    %or3A_3698 = arith.ori %shift_left3A_3694, %shift_right_logical3A_3697 : vector<200x128xi32>
    %xor3A_3699 = arith.xori %add3A_3691, %or3A_3698 : vector<200x128xi32>
    %add3A_3700 = arith.addi %add3A_3691, %xor3A_3699 : vector<200x128xi32>
    %shift_left3A_3701 = arith.constant 24 : i32
    %shift_left3A_3702 = vector.broadcast %shift_left3A_3701 : i32 to vector<200x128xi32>
    %shift_left3A_3703 = arith.shli %xor3A_3699, %shift_left3A_3702 : vector<200x128xi32>
    %shift_right_logical3A_3704 = arith.constant 8 : i32
    %shift_right_logical3A_3705 = vector.broadcast %shift_right_logical3A_3704 : i32 to vector<200x128xi32>
    %shift_right_logical3A_3706 = arith.shrui %xor3A_3699, %shift_right_logical3A_3705 : vector<200x128xi32>
    %or3A_3707 = arith.ori %shift_left3A_3703, %shift_right_logical3A_3706 : vector<200x128xi32>
    %xor3A_3708 = arith.xori %add3A_3700, %or3A_3707 : vector<200x128xi32>
    %add3A_3709 = arith.constant 42 : i32
    %add3A_3710 = vector.broadcast %add3A_3709 : i32 to vector<200x128xi32>
    %add3A_3711 = arith.addi %add3A_3700, %add3A_3710 : vector<200x128xi32>
    %add3A_3712 = arith.constant 466689012 : i32
    %add3A_3713 = vector.broadcast %add3A_3712 : i32 to vector<200x128xi32>
    %add3A_3714 = arith.addi %xor3A_3708, %add3A_3713 : vector<200x128xi32>
    %add3A_3715 = arith.addi %add3A_3711, %add3A_3714 : vector<200x128xi32>
    %shift_left3A_3716 = arith.constant 13 : i32
    %shift_left3A_3717 = vector.broadcast %shift_left3A_3716 : i32 to vector<200x128xi32>
    %shift_left3A_3718 = arith.shli %add3A_3714, %shift_left3A_3717 : vector<200x128xi32>
    %shift_right_logical3A_3719 = arith.constant 19 : i32
    %shift_right_logical3A_3720 = vector.broadcast %shift_right_logical3A_3719 : i32 to vector<200x128xi32>
    %shift_right_logical3A_3721 = arith.shrui %add3A_3714, %shift_right_logical3A_3720 : vector<200x128xi32>
    %or3A_3722 = arith.ori %shift_left3A_3718, %shift_right_logical3A_3721 : vector<200x128xi32>
    %xor3A_3723 = arith.xori %add3A_3715, %or3A_3722 : vector<200x128xi32>
    %add3A_3724 = arith.addi %add3A_3715, %xor3A_3723 : vector<200x128xi32>
    %shift_left3A_3725 = arith.constant 15 : i32
    %shift_left3A_3726 = vector.broadcast %shift_left3A_3725 : i32 to vector<200x128xi32>
    %shift_left3A_3727 = arith.shli %xor3A_3723, %shift_left3A_3726 : vector<200x128xi32>
    %shift_right_logical3A_3728 = arith.constant 17 : i32
    %shift_right_logical3A_3729 = vector.broadcast %shift_right_logical3A_3728 : i32 to vector<200x128xi32>
    %shift_right_logical3A_3730 = arith.shrui %xor3A_3723, %shift_right_logical3A_3729 : vector<200x128xi32>
    %or3A_3731 = arith.ori %shift_left3A_3727, %shift_right_logical3A_3730 : vector<200x128xi32>
    %xor3A_3732 = arith.xori %add3A_3724, %or3A_3731 : vector<200x128xi32>
    %add3A_3733 = arith.addi %add3A_3724, %xor3A_3732 : vector<200x128xi32>
    %shift_left3A_3734 = arith.constant 26 : i32
    %shift_left3A_3735 = vector.broadcast %shift_left3A_3734 : i32 to vector<200x128xi32>
    %shift_left3A_3736 = arith.shli %xor3A_3732, %shift_left3A_3735 : vector<200x128xi32>
    %shift_right_logical3A_3737 = arith.constant 6 : i32
    %shift_right_logical3A_3738 = vector.broadcast %shift_right_logical3A_3737 : i32 to vector<200x128xi32>
    %shift_right_logical3A_3739 = arith.shrui %xor3A_3732, %shift_right_logical3A_3738 : vector<200x128xi32>
    %or3A_3740 = arith.ori %shift_left3A_3736, %shift_right_logical3A_3739 : vector<200x128xi32>
    %xor3A_3741 = arith.xori %add3A_3733, %or3A_3740 : vector<200x128xi32>
    %add3A_3742 = arith.addi %add3A_3733, %xor3A_3741 : vector<200x128xi32>
    %shift_left3A_3743 = arith.constant 6 : i32
    %shift_left3A_3744 = vector.broadcast %shift_left3A_3743 : i32 to vector<200x128xi32>
    %shift_left3A_3745 = arith.shli %xor3A_3741, %shift_left3A_3744 : vector<200x128xi32>
    %shift_right_logical3A_3746 = arith.constant 26 : i32
    %shift_right_logical3A_3747 = vector.broadcast %shift_right_logical3A_3746 : i32 to vector<200x128xi32>
    %shift_right_logical3A_3748 = arith.shrui %xor3A_3741, %shift_right_logical3A_3747 : vector<200x128xi32>
    %or3A_3749 = arith.ori %shift_left3A_3745, %shift_right_logical3A_3748 : vector<200x128xi32>
    %xor3A_3750 = arith.xori %add3A_3742, %or3A_3749 : vector<200x128xi32>
    %add3A_3751 = arith.constant 466689008 : i32
    %add3A_3752 = vector.broadcast %add3A_3751 : i32 to vector<200x128xi32>
    %add3A_3753 = arith.addi %add3A_3742, %add3A_3752 : vector<200x128xi32>
    %add3A_3754 = arith.constant 5 : i32
    %add3A_3755 = vector.broadcast %add3A_3754 : i32 to vector<200x128xi32>
    %add3A_3756 = arith.addi %xor3A_3750, %add3A_3755 : vector<200x128xi32>
    %xor3A_3757 = arith.xori %add3A_3753, %add3A_3756 : vector<200x128xi32>
    %shift_right_logical3A_3758 = arith.constant 9 : i32
    %shift_right_logical3A_3759 = vector.broadcast %shift_right_logical3A_3758 : i32 to vector<200x128xi32>
    %shift_right_logical3A_3760 = arith.shrui %xor3A_3757, %shift_right_logical3A_3759 : vector<200x128xi32>
    %or3A_3761 = arith.constant 1065353216 : i32
    %or3A_3762 = vector.broadcast %or3A_3761 : i32 to vector<200x128xi32>
    %or3A_3763 = arith.ori %shift_right_logical3A_3760, %or3A_3762 : vector<200x128xi32>
    %bitcast_convert_type3A_3764 = tpu.bitcast %or3A_3763 : vector<200x128xi32> -> vector<200x128xf32>
    %sub3A_3765 = arith.constant 1.000000e+00 : f32
    %sub3A_3766 = vector.broadcast %sub3A_3765 : f32 to vector<200x128xf32>
    %sub3A_3767 = arith.subf %bitcast_convert_type3A_3764, %sub3A_3766 : vector<200x128xf32>
    %add3A_3768 = arith.constant 1.000000e-10 : f32
    %add3A_3769 = vector.broadcast %add3A_3768 : f32 to vector<200x128xf32>
    %add3A_3770 = arith.addf %sub3A_3767, %add3A_3769 : vector<200x128xf32>
    %max3A_3771 = arith.constant 1.000000e-10 : f32
    %max3A_3772 = vector.broadcast %max3A_3771 : f32 to vector<200x128xf32>
    %max3A_3773 = arith.maximumf %max3A_3772, %add3A_3770 : vector<200x128xf32>
    %log3A_3774 = math.log %max3A_3773 : vector<200x128xf32>
    %neg3A_3775 = arith.constant 0.000000e+00 : f32
    %neg3A_3776 = vector.broadcast %neg3A_3775 : f32 to vector<200x128xf32>
    %neg3A_3777 = arith.subf %neg3A_3776, %log3A_3774 : vector<200x128xf32>
    %log3A_3778 = math.log %neg3A_3777 : vector<200x128xf32>
    %neg3A_3779 = arith.constant 0.000000e+00 : f32
    %neg3A_3780 = vector.broadcast %neg3A_3779 : f32 to vector<200x128xf32>
    %neg3A_3781 = arith.subf %neg3A_3780, %log3A_3778 : vector<200x128xf32>
    %add3A_3782 = arith.addf %get3A_3544, %neg3A_3781 : vector<200x128xf32>
    %reduce_max3A_3783 = arith.constant dense<0xFF800000> : vector<128xf32>
    %reduce_max3A_3784 = vector.multi_reduction <maximumf>, %add3A_3782, %reduce_max3A_3783 [0] : vector<200x128xf32> to vector<128xf32>
    %broadcast_in_dim3A_3785 = vector.shape_cast %reduce_max3A_3784 : vector<128xf32> to vector<1x128xf32>
    %eq3A_3786 = vector.broadcast %broadcast_in_dim3A_3785 : vector<1x128xf32> to vector<200x128xf32>
    %eq3A_3787 = arith.cmpf oeq, %add3A_3782, %eq3A_3786 : vector<200x128xf32>
    %jit3A_3788 = arith.constant 1073741824 : i32
    %broadcast_in_dim3A_3789 = vector.broadcast %jit3A_3788 : i32 to vector<200x128xi32>
    %select_n3A_3790 = arith.select %eq3A_3787, %iota3A_3532, %broadcast_in_dim3A_3789 : vector<200x128xi1>, vector<200x128xi32>
    %reduce_min3A_3791 = arith.constant dense<2147483647> : vector<128xi32>
    %reduce_min3A_3792 = vector.multi_reduction <minsi>, %select_n3A_3790, %reduce_min3A_3791 [0] : vector<200x128xi32> to vector<128xi32>
    %broadcast_in_dim3A_3793 = vector.shape_cast %reduce_min3A_3792 : vector<128xi32> to vector<1x128xi32>
    %add3A_3794 = arith.constant 600 : i32
    %add3A_3795 = vector.broadcast %add3A_3794 : i32 to vector<1x128xi32>
    %add3A_3796 = arith.addi %broadcast_in_dim3A_3793, %add3A_3795 : vector<1x128xi32>
    %gt3A_3797 = arith.cmpf ogt, %broadcast_in_dim3A_3785, %select_n3A_3528 : vector<1x128xf32>
    %select_n3A_3798 = arith.select %gt3A_3797, %broadcast_in_dim3A_3785, %select_n3A_3528 : vector<1x128xi1>, vector<1x128xf32>
    %select_n3A_3799 = arith.select %gt3A_3797, %add3A_3796, %select_n3A_3529 : vector<1x128xi1>, vector<1x128xi32>
    %iota3A_3800 = tpu.iota {dimensions = array<i32: 0>} : vector<200x128xi32>
    %iota3A_3801 = tpu.iota {dimensions = array<i32: 1>} : vector<200x128xi32>
    %iota3A_3802 = tpu.iota {dimensions = array<i32: 0>} : vector<200x128xi32>
    %mul3A_3803 = arith.constant 1000 : i32
    %mul3A_3804 = vector.broadcast %mul3A_3803 : i32 to vector<200x128xi32>
    %mul3A_3805 = arith.muli %iota3A_3801, %mul3A_3804 : vector<200x128xi32>
    %add3A_3806 = vector.broadcast %mul3A_2715 : i32 to vector<200x128xi32>
    %add3A_3807 = arith.addi %add3A_3806, %mul3A_3805 : vector<200x128xi32>
    %add3A_3808 = arith.constant 800 : i32
    %add3A_3809 = vector.broadcast %add3A_3808 : i32 to vector<200x128xi32>
    %add3A_3810 = arith.addi %iota3A_3800, %add3A_3809 : vector<200x128xi32>
    %add3A_3811 = arith.addi %add3A_3807, %add3A_3810 : vector<200x128xi32>
    %get3A_3812 = arith.constant 800 : index
    %get3A_3813 = arith.constant 256 : index
    %get3A_3814 = vector.load %arg1[%get3A_3812, %get3A_3813] : memref<1000x512xf32, #tpu.memory_space<vmem>>, vector<200x128xf32>
    %add3A_3815 = arith.constant 42 : i32
    %add3A_3816 = vector.broadcast %add3A_3815 : i32 to vector<200x128xi32>
    %add3A_3817 = arith.addi %add3A_3811, %add3A_3816 : vector<200x128xi32>
    %shift_left3A_3818 = arith.constant 13 : i32
    %shift_left3A_3819 = vector.broadcast %shift_left3A_3818 : i32 to vector<200x128xi32>
    %shift_left3A_3820 = arith.shli %add3A_3817, %shift_left3A_3819 : vector<200x128xi32>
    %shift_right_logical3A_3821 = arith.constant 19 : i32
    %shift_right_logical3A_3822 = vector.broadcast %shift_right_logical3A_3821 : i32 to vector<200x128xi32>
    %shift_right_logical3A_3823 = arith.shrui %add3A_3817, %shift_right_logical3A_3822 : vector<200x128xi32>
    %or3A_3824 = arith.ori %shift_left3A_3820, %shift_right_logical3A_3823 : vector<200x128xi32>
    %xor3A_3825 = arith.xori %add3A_3817, %or3A_3824 : vector<200x128xi32>
    %add3A_3826 = arith.addi %add3A_3817, %xor3A_3825 : vector<200x128xi32>
    %shift_left3A_3827 = arith.constant 15 : i32
    %shift_left3A_3828 = vector.broadcast %shift_left3A_3827 : i32 to vector<200x128xi32>
    %shift_left3A_3829 = arith.shli %xor3A_3825, %shift_left3A_3828 : vector<200x128xi32>
    %shift_right_logical3A_3830 = arith.constant 17 : i32
    %shift_right_logical3A_3831 = vector.broadcast %shift_right_logical3A_3830 : i32 to vector<200x128xi32>
    %shift_right_logical3A_3832 = arith.shrui %xor3A_3825, %shift_right_logical3A_3831 : vector<200x128xi32>
    %or3A_3833 = arith.ori %shift_left3A_3829, %shift_right_logical3A_3832 : vector<200x128xi32>
    %xor3A_3834 = arith.xori %add3A_3826, %or3A_3833 : vector<200x128xi32>
    %add3A_3835 = arith.addi %add3A_3826, %xor3A_3834 : vector<200x128xi32>
    %shift_left3A_3836 = arith.constant 26 : i32
    %shift_left3A_3837 = vector.broadcast %shift_left3A_3836 : i32 to vector<200x128xi32>
    %shift_left3A_3838 = arith.shli %xor3A_3834, %shift_left3A_3837 : vector<200x128xi32>
    %shift_right_logical3A_3839 = arith.constant 6 : i32
    %shift_right_logical3A_3840 = vector.broadcast %shift_right_logical3A_3839 : i32 to vector<200x128xi32>
    %shift_right_logical3A_3841 = arith.shrui %xor3A_3834, %shift_right_logical3A_3840 : vector<200x128xi32>
    %or3A_3842 = arith.ori %shift_left3A_3838, %shift_right_logical3A_3841 : vector<200x128xi32>
    %xor3A_3843 = arith.xori %add3A_3835, %or3A_3842 : vector<200x128xi32>
    %add3A_3844 = arith.addi %add3A_3835, %xor3A_3843 : vector<200x128xi32>
    %shift_left3A_3845 = arith.constant 6 : i32
    %shift_left3A_3846 = vector.broadcast %shift_left3A_3845 : i32 to vector<200x128xi32>
    %shift_left3A_3847 = arith.shli %xor3A_3843, %shift_left3A_3846 : vector<200x128xi32>
    %shift_right_logical3A_3848 = arith.constant 26 : i32
    %shift_right_logical3A_3849 = vector.broadcast %shift_right_logical3A_3848 : i32 to vector<200x128xi32>
    %shift_right_logical3A_3850 = arith.shrui %xor3A_3843, %shift_right_logical3A_3849 : vector<200x128xi32>
    %or3A_3851 = arith.ori %shift_left3A_3847, %shift_right_logical3A_3850 : vector<200x128xi32>
    %xor3A_3852 = arith.xori %add3A_3844, %or3A_3851 : vector<200x128xi32>
    %add3A_3853 = arith.constant 42 : i32
    %add3A_3854 = vector.broadcast %add3A_3853 : i32 to vector<200x128xi32>
    %add3A_3855 = arith.addi %add3A_3844, %add3A_3854 : vector<200x128xi32>
    %add3A_3856 = arith.constant 466689009 : i32
    %add3A_3857 = vector.broadcast %add3A_3856 : i32 to vector<200x128xi32>
    %add3A_3858 = arith.addi %xor3A_3852, %add3A_3857 : vector<200x128xi32>
    %add3A_3859 = arith.addi %add3A_3855, %add3A_3858 : vector<200x128xi32>
    %shift_left3A_3860 = arith.constant 17 : i32
    %shift_left3A_3861 = vector.broadcast %shift_left3A_3860 : i32 to vector<200x128xi32>
    %shift_left3A_3862 = arith.shli %add3A_3858, %shift_left3A_3861 : vector<200x128xi32>
    %shift_right_logical3A_3863 = arith.constant 15 : i32
    %shift_right_logical3A_3864 = vector.broadcast %shift_right_logical3A_3863 : i32 to vector<200x128xi32>
    %shift_right_logical3A_3865 = arith.shrui %add3A_3858, %shift_right_logical3A_3864 : vector<200x128xi32>
    %or3A_3866 = arith.ori %shift_left3A_3862, %shift_right_logical3A_3865 : vector<200x128xi32>
    %xor3A_3867 = arith.xori %add3A_3859, %or3A_3866 : vector<200x128xi32>
    %add3A_3868 = arith.addi %add3A_3859, %xor3A_3867 : vector<200x128xi32>
    %shift_left3A_3869 = arith.constant 29 : i32
    %shift_left3A_3870 = vector.broadcast %shift_left3A_3869 : i32 to vector<200x128xi32>
    %shift_left3A_3871 = arith.shli %xor3A_3867, %shift_left3A_3870 : vector<200x128xi32>
    %shift_right_logical3A_3872 = arith.constant 3 : i32
    %shift_right_logical3A_3873 = vector.broadcast %shift_right_logical3A_3872 : i32 to vector<200x128xi32>
    %shift_right_logical3A_3874 = arith.shrui %xor3A_3867, %shift_right_logical3A_3873 : vector<200x128xi32>
    %or3A_3875 = arith.ori %shift_left3A_3871, %shift_right_logical3A_3874 : vector<200x128xi32>
    %xor3A_3876 = arith.xori %add3A_3868, %or3A_3875 : vector<200x128xi32>
    %add3A_3877 = arith.addi %add3A_3868, %xor3A_3876 : vector<200x128xi32>
    %shift_left3A_3878 = arith.constant 16 : i32
    %shift_left3A_3879 = vector.broadcast %shift_left3A_3878 : i32 to vector<200x128xi32>
    %shift_left3A_3880 = arith.shli %xor3A_3876, %shift_left3A_3879 : vector<200x128xi32>
    %shift_right_logical3A_3881 = arith.constant 16 : i32
    %shift_right_logical3A_3882 = vector.broadcast %shift_right_logical3A_3881 : i32 to vector<200x128xi32>
    %shift_right_logical3A_3883 = arith.shrui %xor3A_3876, %shift_right_logical3A_3882 : vector<200x128xi32>
    %or3A_3884 = arith.ori %shift_left3A_3880, %shift_right_logical3A_3883 : vector<200x128xi32>
    %xor3A_3885 = arith.xori %add3A_3877, %or3A_3884 : vector<200x128xi32>
    %add3A_3886 = arith.addi %add3A_3877, %xor3A_3885 : vector<200x128xi32>
    %shift_left3A_3887 = arith.constant 24 : i32
    %shift_left3A_3888 = vector.broadcast %shift_left3A_3887 : i32 to vector<200x128xi32>
    %shift_left3A_3889 = arith.shli %xor3A_3885, %shift_left3A_3888 : vector<200x128xi32>
    %shift_right_logical3A_3890 = arith.constant 8 : i32
    %shift_right_logical3A_3891 = vector.broadcast %shift_right_logical3A_3890 : i32 to vector<200x128xi32>
    %shift_right_logical3A_3892 = arith.shrui %xor3A_3885, %shift_right_logical3A_3891 : vector<200x128xi32>
    %or3A_3893 = arith.ori %shift_left3A_3889, %shift_right_logical3A_3892 : vector<200x128xi32>
    %xor3A_3894 = arith.xori %add3A_3886, %or3A_3893 : vector<200x128xi32>
    %add3A_3895 = arith.constant 466689008 : i32
    %add3A_3896 = vector.broadcast %add3A_3895 : i32 to vector<200x128xi32>
    %add3A_3897 = arith.addi %add3A_3886, %add3A_3896 : vector<200x128xi32>
    %add3A_3898 = arith.constant 2 : i32
    %add3A_3899 = vector.broadcast %add3A_3898 : i32 to vector<200x128xi32>
    %add3A_3900 = arith.addi %xor3A_3894, %add3A_3899 : vector<200x128xi32>
    %add3A_3901 = arith.addi %add3A_3897, %add3A_3900 : vector<200x128xi32>
    %shift_left3A_3902 = arith.constant 13 : i32
    %shift_left3A_3903 = vector.broadcast %shift_left3A_3902 : i32 to vector<200x128xi32>
    %shift_left3A_3904 = arith.shli %add3A_3900, %shift_left3A_3903 : vector<200x128xi32>
    %shift_right_logical3A_3905 = arith.constant 19 : i32
    %shift_right_logical3A_3906 = vector.broadcast %shift_right_logical3A_3905 : i32 to vector<200x128xi32>
    %shift_right_logical3A_3907 = arith.shrui %add3A_3900, %shift_right_logical3A_3906 : vector<200x128xi32>
    %or3A_3908 = arith.ori %shift_left3A_3904, %shift_right_logical3A_3907 : vector<200x128xi32>
    %xor3A_3909 = arith.xori %add3A_3901, %or3A_3908 : vector<200x128xi32>
    %add3A_3910 = arith.addi %add3A_3901, %xor3A_3909 : vector<200x128xi32>
    %shift_left3A_3911 = arith.constant 15 : i32
    %shift_left3A_3912 = vector.broadcast %shift_left3A_3911 : i32 to vector<200x128xi32>
    %shift_left3A_3913 = arith.shli %xor3A_3909, %shift_left3A_3912 : vector<200x128xi32>
    %shift_right_logical3A_3914 = arith.constant 17 : i32
    %shift_right_logical3A_3915 = vector.broadcast %shift_right_logical3A_3914 : i32 to vector<200x128xi32>
    %shift_right_logical3A_3916 = arith.shrui %xor3A_3909, %shift_right_logical3A_3915 : vector<200x128xi32>
    %or3A_3917 = arith.ori %shift_left3A_3913, %shift_right_logical3A_3916 : vector<200x128xi32>
    %xor3A_3918 = arith.xori %add3A_3910, %or3A_3917 : vector<200x128xi32>
    %add3A_3919 = arith.addi %add3A_3910, %xor3A_3918 : vector<200x128xi32>
    %shift_left3A_3920 = arith.constant 26 : i32
    %shift_left3A_3921 = vector.broadcast %shift_left3A_3920 : i32 to vector<200x128xi32>
    %shift_left3A_3922 = arith.shli %xor3A_3918, %shift_left3A_3921 : vector<200x128xi32>
    %shift_right_logical3A_3923 = arith.constant 6 : i32
    %shift_right_logical3A_3924 = vector.broadcast %shift_right_logical3A_3923 : i32 to vector<200x128xi32>
    %shift_right_logical3A_3925 = arith.shrui %xor3A_3918, %shift_right_logical3A_3924 : vector<200x128xi32>
    %or3A_3926 = arith.ori %shift_left3A_3922, %shift_right_logical3A_3925 : vector<200x128xi32>
    %xor3A_3927 = arith.xori %add3A_3919, %or3A_3926 : vector<200x128xi32>
    %add3A_3928 = arith.addi %add3A_3919, %xor3A_3927 : vector<200x128xi32>
    %shift_left3A_3929 = arith.constant 6 : i32
    %shift_left3A_3930 = vector.broadcast %shift_left3A_3929 : i32 to vector<200x128xi32>
    %shift_left3A_3931 = arith.shli %xor3A_3927, %shift_left3A_3930 : vector<200x128xi32>
    %shift_right_logical3A_3932 = arith.constant 26 : i32
    %shift_right_logical3A_3933 = vector.broadcast %shift_right_logical3A_3932 : i32 to vector<200x128xi32>
    %shift_right_logical3A_3934 = arith.shrui %xor3A_3927, %shift_right_logical3A_3933 : vector<200x128xi32>
    %or3A_3935 = arith.ori %shift_left3A_3931, %shift_right_logical3A_3934 : vector<200x128xi32>
    %xor3A_3936 = arith.xori %add3A_3928, %or3A_3935 : vector<200x128xi32>
    %add3A_3937 = arith.constant 0 : i32
    %add3A_3938 = vector.broadcast %add3A_3937 : i32 to vector<200x128xi32>
    %add3A_3939 = arith.addi %add3A_3928, %add3A_3938 : vector<200x128xi32>
    %add3A_3940 = arith.constant 45 : i32
    %add3A_3941 = vector.broadcast %add3A_3940 : i32 to vector<200x128xi32>
    %add3A_3942 = arith.addi %xor3A_3936, %add3A_3941 : vector<200x128xi32>
    %add3A_3943 = arith.addi %add3A_3939, %add3A_3942 : vector<200x128xi32>
    %shift_left3A_3944 = arith.constant 17 : i32
    %shift_left3A_3945 = vector.broadcast %shift_left3A_3944 : i32 to vector<200x128xi32>
    %shift_left3A_3946 = arith.shli %add3A_3942, %shift_left3A_3945 : vector<200x128xi32>
    %shift_right_logical3A_3947 = arith.constant 15 : i32
    %shift_right_logical3A_3948 = vector.broadcast %shift_right_logical3A_3947 : i32 to vector<200x128xi32>
    %shift_right_logical3A_3949 = arith.shrui %add3A_3942, %shift_right_logical3A_3948 : vector<200x128xi32>
    %or3A_3950 = arith.ori %shift_left3A_3946, %shift_right_logical3A_3949 : vector<200x128xi32>
    %xor3A_3951 = arith.xori %add3A_3943, %or3A_3950 : vector<200x128xi32>
    %add3A_3952 = arith.addi %add3A_3943, %xor3A_3951 : vector<200x128xi32>
    %shift_left3A_3953 = arith.constant 29 : i32
    %shift_left3A_3954 = vector.broadcast %shift_left3A_3953 : i32 to vector<200x128xi32>
    %shift_left3A_3955 = arith.shli %xor3A_3951, %shift_left3A_3954 : vector<200x128xi32>
    %shift_right_logical3A_3956 = arith.constant 3 : i32
    %shift_right_logical3A_3957 = vector.broadcast %shift_right_logical3A_3956 : i32 to vector<200x128xi32>
    %shift_right_logical3A_3958 = arith.shrui %xor3A_3951, %shift_right_logical3A_3957 : vector<200x128xi32>
    %or3A_3959 = arith.ori %shift_left3A_3955, %shift_right_logical3A_3958 : vector<200x128xi32>
    %xor3A_3960 = arith.xori %add3A_3952, %or3A_3959 : vector<200x128xi32>
    %add3A_3961 = arith.addi %add3A_3952, %xor3A_3960 : vector<200x128xi32>
    %shift_left3A_3962 = arith.constant 16 : i32
    %shift_left3A_3963 = vector.broadcast %shift_left3A_3962 : i32 to vector<200x128xi32>
    %shift_left3A_3964 = arith.shli %xor3A_3960, %shift_left3A_3963 : vector<200x128xi32>
    %shift_right_logical3A_3965 = arith.constant 16 : i32
    %shift_right_logical3A_3966 = vector.broadcast %shift_right_logical3A_3965 : i32 to vector<200x128xi32>
    %shift_right_logical3A_3967 = arith.shrui %xor3A_3960, %shift_right_logical3A_3966 : vector<200x128xi32>
    %or3A_3968 = arith.ori %shift_left3A_3964, %shift_right_logical3A_3967 : vector<200x128xi32>
    %xor3A_3969 = arith.xori %add3A_3961, %or3A_3968 : vector<200x128xi32>
    %add3A_3970 = arith.addi %add3A_3961, %xor3A_3969 : vector<200x128xi32>
    %shift_left3A_3971 = arith.constant 24 : i32
    %shift_left3A_3972 = vector.broadcast %shift_left3A_3971 : i32 to vector<200x128xi32>
    %shift_left3A_3973 = arith.shli %xor3A_3969, %shift_left3A_3972 : vector<200x128xi32>
    %shift_right_logical3A_3974 = arith.constant 8 : i32
    %shift_right_logical3A_3975 = vector.broadcast %shift_right_logical3A_3974 : i32 to vector<200x128xi32>
    %shift_right_logical3A_3976 = arith.shrui %xor3A_3969, %shift_right_logical3A_3975 : vector<200x128xi32>
    %or3A_3977 = arith.ori %shift_left3A_3973, %shift_right_logical3A_3976 : vector<200x128xi32>
    %xor3A_3978 = arith.xori %add3A_3970, %or3A_3977 : vector<200x128xi32>
    %add3A_3979 = arith.constant 42 : i32
    %add3A_3980 = vector.broadcast %add3A_3979 : i32 to vector<200x128xi32>
    %add3A_3981 = arith.addi %add3A_3970, %add3A_3980 : vector<200x128xi32>
    %add3A_3982 = arith.constant 466689012 : i32
    %add3A_3983 = vector.broadcast %add3A_3982 : i32 to vector<200x128xi32>
    %add3A_3984 = arith.addi %xor3A_3978, %add3A_3983 : vector<200x128xi32>
    %add3A_3985 = arith.addi %add3A_3981, %add3A_3984 : vector<200x128xi32>
    %shift_left3A_3986 = arith.constant 13 : i32
    %shift_left3A_3987 = vector.broadcast %shift_left3A_3986 : i32 to vector<200x128xi32>
    %shift_left3A_3988 = arith.shli %add3A_3984, %shift_left3A_3987 : vector<200x128xi32>
    %shift_right_logical3A_3989 = arith.constant 19 : i32
    %shift_right_logical3A_3990 = vector.broadcast %shift_right_logical3A_3989 : i32 to vector<200x128xi32>
    %shift_right_logical3A_3991 = arith.shrui %add3A_3984, %shift_right_logical3A_3990 : vector<200x128xi32>
    %or3A_3992 = arith.ori %shift_left3A_3988, %shift_right_logical3A_3991 : vector<200x128xi32>
    %xor3A_3993 = arith.xori %add3A_3985, %or3A_3992 : vector<200x128xi32>
    %add3A_3994 = arith.addi %add3A_3985, %xor3A_3993 : vector<200x128xi32>
    %shift_left3A_3995 = arith.constant 15 : i32
    %shift_left3A_3996 = vector.broadcast %shift_left3A_3995 : i32 to vector<200x128xi32>
    %shift_left3A_3997 = arith.shli %xor3A_3993, %shift_left3A_3996 : vector<200x128xi32>
    %shift_right_logical3A_3998 = arith.constant 17 : i32
    %shift_right_logical3A_3999 = vector.broadcast %shift_right_logical3A_3998 : i32 to vector<200x128xi32>
    %shift_right_logical3A_4000 = arith.shrui %xor3A_3993, %shift_right_logical3A_3999 : vector<200x128xi32>
    %or3A_4001 = arith.ori %shift_left3A_3997, %shift_right_logical3A_4000 : vector<200x128xi32>
    %xor3A_4002 = arith.xori %add3A_3994, %or3A_4001 : vector<200x128xi32>
    %add3A_4003 = arith.addi %add3A_3994, %xor3A_4002 : vector<200x128xi32>
    %shift_left3A_4004 = arith.constant 26 : i32
    %shift_left3A_4005 = vector.broadcast %shift_left3A_4004 : i32 to vector<200x128xi32>
    %shift_left3A_4006 = arith.shli %xor3A_4002, %shift_left3A_4005 : vector<200x128xi32>
    %shift_right_logical3A_4007 = arith.constant 6 : i32
    %shift_right_logical3A_4008 = vector.broadcast %shift_right_logical3A_4007 : i32 to vector<200x128xi32>
    %shift_right_logical3A_4009 = arith.shrui %xor3A_4002, %shift_right_logical3A_4008 : vector<200x128xi32>
    %or3A_4010 = arith.ori %shift_left3A_4006, %shift_right_logical3A_4009 : vector<200x128xi32>
    %xor3A_4011 = arith.xori %add3A_4003, %or3A_4010 : vector<200x128xi32>
    %add3A_4012 = arith.addi %add3A_4003, %xor3A_4011 : vector<200x128xi32>
    %shift_left3A_4013 = arith.constant 6 : i32
    %shift_left3A_4014 = vector.broadcast %shift_left3A_4013 : i32 to vector<200x128xi32>
    %shift_left3A_4015 = arith.shli %xor3A_4011, %shift_left3A_4014 : vector<200x128xi32>
    %shift_right_logical3A_4016 = arith.constant 26 : i32
    %shift_right_logical3A_4017 = vector.broadcast %shift_right_logical3A_4016 : i32 to vector<200x128xi32>
    %shift_right_logical3A_4018 = arith.shrui %xor3A_4011, %shift_right_logical3A_4017 : vector<200x128xi32>
    %or3A_4019 = arith.ori %shift_left3A_4015, %shift_right_logical3A_4018 : vector<200x128xi32>
    %xor3A_4020 = arith.xori %add3A_4012, %or3A_4019 : vector<200x128xi32>
    %add3A_4021 = arith.constant 466689008 : i32
    %add3A_4022 = vector.broadcast %add3A_4021 : i32 to vector<200x128xi32>
    %add3A_4023 = arith.addi %add3A_4012, %add3A_4022 : vector<200x128xi32>
    %add3A_4024 = arith.constant 5 : i32
    %add3A_4025 = vector.broadcast %add3A_4024 : i32 to vector<200x128xi32>
    %add3A_4026 = arith.addi %xor3A_4020, %add3A_4025 : vector<200x128xi32>
    %xor3A_4027 = arith.xori %add3A_4023, %add3A_4026 : vector<200x128xi32>
    %shift_right_logical3A_4028 = arith.constant 9 : i32
    %shift_right_logical3A_4029 = vector.broadcast %shift_right_logical3A_4028 : i32 to vector<200x128xi32>
    %shift_right_logical3A_4030 = arith.shrui %xor3A_4027, %shift_right_logical3A_4029 : vector<200x128xi32>
    %or3A_4031 = arith.constant 1065353216 : i32
    %or3A_4032 = vector.broadcast %or3A_4031 : i32 to vector<200x128xi32>
    %or3A_4033 = arith.ori %shift_right_logical3A_4030, %or3A_4032 : vector<200x128xi32>
    %bitcast_convert_type3A_4034 = tpu.bitcast %or3A_4033 : vector<200x128xi32> -> vector<200x128xf32>
    %sub3A_4035 = arith.constant 1.000000e+00 : f32
    %sub3A_4036 = vector.broadcast %sub3A_4035 : f32 to vector<200x128xf32>
    %sub3A_4037 = arith.subf %bitcast_convert_type3A_4034, %sub3A_4036 : vector<200x128xf32>
    %add3A_4038 = arith.constant 1.000000e-10 : f32
    %add3A_4039 = vector.broadcast %add3A_4038 : f32 to vector<200x128xf32>
    %add3A_4040 = arith.addf %sub3A_4037, %add3A_4039 : vector<200x128xf32>
    %max3A_4041 = arith.constant 1.000000e-10 : f32
    %max3A_4042 = vector.broadcast %max3A_4041 : f32 to vector<200x128xf32>
    %max3A_4043 = arith.maximumf %max3A_4042, %add3A_4040 : vector<200x128xf32>
    %log3A_4044 = math.log %max3A_4043 : vector<200x128xf32>
    %neg3A_4045 = arith.constant 0.000000e+00 : f32
    %neg3A_4046 = vector.broadcast %neg3A_4045 : f32 to vector<200x128xf32>
    %neg3A_4047 = arith.subf %neg3A_4046, %log3A_4044 : vector<200x128xf32>
    %log3A_4048 = math.log %neg3A_4047 : vector<200x128xf32>
    %neg3A_4049 = arith.constant 0.000000e+00 : f32
    %neg3A_4050 = vector.broadcast %neg3A_4049 : f32 to vector<200x128xf32>
    %neg3A_4051 = arith.subf %neg3A_4050, %log3A_4048 : vector<200x128xf32>
    %add3A_4052 = arith.addf %get3A_3814, %neg3A_4051 : vector<200x128xf32>
    %reduce_max3A_4053 = arith.constant dense<0xFF800000> : vector<128xf32>
    %reduce_max3A_4054 = vector.multi_reduction <maximumf>, %add3A_4052, %reduce_max3A_4053 [0] : vector<200x128xf32> to vector<128xf32>
    %broadcast_in_dim3A_4055 = vector.shape_cast %reduce_max3A_4054 : vector<128xf32> to vector<1x128xf32>
    %eq3A_4056 = vector.broadcast %broadcast_in_dim3A_4055 : vector<1x128xf32> to vector<200x128xf32>
    %eq3A_4057 = arith.cmpf oeq, %add3A_4052, %eq3A_4056 : vector<200x128xf32>
    %jit3A_4058 = arith.constant 1073741824 : i32
    %broadcast_in_dim3A_4059 = vector.broadcast %jit3A_4058 : i32 to vector<200x128xi32>
    %select_n3A_4060 = arith.select %eq3A_4057, %iota3A_3802, %broadcast_in_dim3A_4059 : vector<200x128xi1>, vector<200x128xi32>
    %reduce_min3A_4061 = arith.constant dense<2147483647> : vector<128xi32>
    %reduce_min3A_4062 = vector.multi_reduction <minsi>, %select_n3A_4060, %reduce_min3A_4061 [0] : vector<200x128xi32> to vector<128xi32>
    %broadcast_in_dim3A_4063 = vector.shape_cast %reduce_min3A_4062 : vector<128xi32> to vector<1x128xi32>
    %add3A_4064 = arith.constant 800 : i32
    %add3A_4065 = vector.broadcast %add3A_4064 : i32 to vector<1x128xi32>
    %add3A_4066 = arith.addi %broadcast_in_dim3A_4063, %add3A_4065 : vector<1x128xi32>
    %gt3A_4067 = arith.cmpf ogt, %broadcast_in_dim3A_4055, %select_n3A_3798 : vector<1x128xf32>
    %select_n3A_4068 = arith.select %gt3A_4067, %add3A_4066, %select_n3A_3799 : vector<1x128xi1>, vector<1x128xi32>
    %squeeze3A_4069 = vector.shape_cast %select_n3A_4068 : vector<1x128xi32> to vector<128xi32>
    %swap3A_4070 = arith.constant 0 : index
    %swap3A_4071 = arith.constant 0 : index
    %swap3A_4072 = arith.constant 256 : index
    %swap3A_4073 = vector.load %arg2[%swap3A_4070, %swap3A_4071, %swap3A_4072] : memref<1x1x512xi32, #tpu.memory_space<vmem>>, vector<1x1x128xi32>
    %swap3A_4074 = vector.shape_cast %swap3A_4073 : vector<1x1x128xi32> to vector<128xi32>
    %swap3A_4075 = vector.shape_cast %squeeze3A_4069 : vector<128xi32> to vector<1x1x128xi32>
    tpu.vector_store %arg2[%swap3A_4070, %swap3A_4071, %swap3A_4072], %swap3A_4075 {strides = array<i32>} : memref<1x1x512xi32, #tpu.memory_space<vmem>>, vector<1x1x128xi32>,
    %mul3A_4076 = arith.constant 512 : i32
    %mul3A_4077 = arith.muli %arg0, %mul3A_4076 : i32
    %add3A_4078 = arith.constant 384 : i32
    %add3A_4079 = arith.addi %mul3A_4077, %add3A_4078 : i32
    %mul3A_4080 = arith.constant 1000 : i32
    %mul3A_4081 = arith.muli %add3A_4079, %mul3A_4080 : i32
    %broadcast_in_dim3A_4082 = arith.constant 0xFF800000 : f32
    %broadcast_in_dim3A_4083 = vector.broadcast %broadcast_in_dim3A_4082 : f32 to vector<1x128xf32>
    %broadcast_in_dim3A_4084 = arith.constant 0 : i32
    %broadcast_in_dim3A_4085 = vector.broadcast %broadcast_in_dim3A_4084 : i32 to vector<1x128xi32>
    %iota3A_4086 = tpu.iota {dimensions = array<i32: 0>} : vector<200x128xi32>
    %iota3A_4087 = tpu.iota {dimensions = array<i32: 1>} : vector<200x128xi32>
    %iota3A_4088 = tpu.iota {dimensions = array<i32: 0>} : vector<200x128xi32>
    %mul3A_4089 = arith.constant 1000 : i32
    %mul3A_4090 = vector.broadcast %mul3A_4089 : i32 to vector<200x128xi32>
    %mul3A_4091 = arith.muli %iota3A_4087, %mul3A_4090 : vector<200x128xi32>
    %add3A_4092 = vector.broadcast %mul3A_4081 : i32 to vector<200x128xi32>
    %add3A_4093 = arith.addi %add3A_4092, %mul3A_4091 : vector<200x128xi32>
    %add3A_4094 = arith.constant 0 : i32
    %add3A_4095 = vector.broadcast %add3A_4094 : i32 to vector<200x128xi32>
    %add3A_4096 = arith.addi %iota3A_4086, %add3A_4095 : vector<200x128xi32>
    %add3A_4097 = arith.addi %add3A_4093, %add3A_4096 : vector<200x128xi32>
    %get3A_4098 = arith.constant 0 : index
    %get3A_4099 = arith.constant 384 : index
    %get3A_4100 = vector.load %arg1[%get3A_4098, %get3A_4099] : memref<1000x512xf32, #tpu.memory_space<vmem>>, vector<200x128xf32>
    %add3A_4101 = arith.constant 42 : i32
    %add3A_4102 = vector.broadcast %add3A_4101 : i32 to vector<200x128xi32>
    %add3A_4103 = arith.addi %add3A_4097, %add3A_4102 : vector<200x128xi32>
    %shift_left3A_4104 = arith.constant 13 : i32
    %shift_left3A_4105 = vector.broadcast %shift_left3A_4104 : i32 to vector<200x128xi32>
    %shift_left3A_4106 = arith.shli %add3A_4103, %shift_left3A_4105 : vector<200x128xi32>
    %shift_right_logical3A_4107 = arith.constant 19 : i32
    %shift_right_logical3A_4108 = vector.broadcast %shift_right_logical3A_4107 : i32 to vector<200x128xi32>
    %shift_right_logical3A_4109 = arith.shrui %add3A_4103, %shift_right_logical3A_4108 : vector<200x128xi32>
    %or3A_4110 = arith.ori %shift_left3A_4106, %shift_right_logical3A_4109 : vector<200x128xi32>
    %xor3A_4111 = arith.xori %add3A_4103, %or3A_4110 : vector<200x128xi32>
    %add3A_4112 = arith.addi %add3A_4103, %xor3A_4111 : vector<200x128xi32>
    %shift_left3A_4113 = arith.constant 15 : i32
    %shift_left3A_4114 = vector.broadcast %shift_left3A_4113 : i32 to vector<200x128xi32>
    %shift_left3A_4115 = arith.shli %xor3A_4111, %shift_left3A_4114 : vector<200x128xi32>
    %shift_right_logical3A_4116 = arith.constant 17 : i32
    %shift_right_logical3A_4117 = vector.broadcast %shift_right_logical3A_4116 : i32 to vector<200x128xi32>
    %shift_right_logical3A_4118 = arith.shrui %xor3A_4111, %shift_right_logical3A_4117 : vector<200x128xi32>
    %or3A_4119 = arith.ori %shift_left3A_4115, %shift_right_logical3A_4118 : vector<200x128xi32>
    %xor3A_4120 = arith.xori %add3A_4112, %or3A_4119 : vector<200x128xi32>
    %add3A_4121 = arith.addi %add3A_4112, %xor3A_4120 : vector<200x128xi32>
    %shift_left3A_4122 = arith.constant 26 : i32
    %shift_left3A_4123 = vector.broadcast %shift_left3A_4122 : i32 to vector<200x128xi32>
    %shift_left3A_4124 = arith.shli %xor3A_4120, %shift_left3A_4123 : vector<200x128xi32>
    %shift_right_logical3A_4125 = arith.constant 6 : i32
    %shift_right_logical3A_4126 = vector.broadcast %shift_right_logical3A_4125 : i32 to vector<200x128xi32>
    %shift_right_logical3A_4127 = arith.shrui %xor3A_4120, %shift_right_logical3A_4126 : vector<200x128xi32>
    %or3A_4128 = arith.ori %shift_left3A_4124, %shift_right_logical3A_4127 : vector<200x128xi32>
    %xor3A_4129 = arith.xori %add3A_4121, %or3A_4128 : vector<200x128xi32>
    %add3A_4130 = arith.addi %add3A_4121, %xor3A_4129 : vector<200x128xi32>
    %shift_left3A_4131 = arith.constant 6 : i32
    %shift_left3A_4132 = vector.broadcast %shift_left3A_4131 : i32 to vector<200x128xi32>
    %shift_left3A_4133 = arith.shli %xor3A_4129, %shift_left3A_4132 : vector<200x128xi32>
    %shift_right_logical3A_4134 = arith.constant 26 : i32
    %shift_right_logical3A_4135 = vector.broadcast %shift_right_logical3A_4134 : i32 to vector<200x128xi32>
    %shift_right_logical3A_4136 = arith.shrui %xor3A_4129, %shift_right_logical3A_4135 : vector<200x128xi32>
    %or3A_4137 = arith.ori %shift_left3A_4133, %shift_right_logical3A_4136 : vector<200x128xi32>
    %xor3A_4138 = arith.xori %add3A_4130, %or3A_4137 : vector<200x128xi32>
    %add3A_4139 = arith.constant 42 : i32
    %add3A_4140 = vector.broadcast %add3A_4139 : i32 to vector<200x128xi32>
    %add3A_4141 = arith.addi %add3A_4130, %add3A_4140 : vector<200x128xi32>
    %add3A_4142 = arith.constant 466689009 : i32
    %add3A_4143 = vector.broadcast %add3A_4142 : i32 to vector<200x128xi32>
    %add3A_4144 = arith.addi %xor3A_4138, %add3A_4143 : vector<200x128xi32>
    %add3A_4145 = arith.addi %add3A_4141, %add3A_4144 : vector<200x128xi32>
    %shift_left3A_4146 = arith.constant 17 : i32
    %shift_left3A_4147 = vector.broadcast %shift_left3A_4146 : i32 to vector<200x128xi32>
    %shift_left3A_4148 = arith.shli %add3A_4144, %shift_left3A_4147 : vector<200x128xi32>
    %shift_right_logical3A_4149 = arith.constant 15 : i32
    %shift_right_logical3A_4150 = vector.broadcast %shift_right_logical3A_4149 : i32 to vector<200x128xi32>
    %shift_right_logical3A_4151 = arith.shrui %add3A_4144, %shift_right_logical3A_4150 : vector<200x128xi32>
    %or3A_4152 = arith.ori %shift_left3A_4148, %shift_right_logical3A_4151 : vector<200x128xi32>
    %xor3A_4153 = arith.xori %add3A_4145, %or3A_4152 : vector<200x128xi32>
    %add3A_4154 = arith.addi %add3A_4145, %xor3A_4153 : vector<200x128xi32>
    %shift_left3A_4155 = arith.constant 29 : i32
    %shift_left3A_4156 = vector.broadcast %shift_left3A_4155 : i32 to vector<200x128xi32>
    %shift_left3A_4157 = arith.shli %xor3A_4153, %shift_left3A_4156 : vector<200x128xi32>
    %shift_right_logical3A_4158 = arith.constant 3 : i32
    %shift_right_logical3A_4159 = vector.broadcast %shift_right_logical3A_4158 : i32 to vector<200x128xi32>
    %shift_right_logical3A_4160 = arith.shrui %xor3A_4153, %shift_right_logical3A_4159 : vector<200x128xi32>
    %or3A_4161 = arith.ori %shift_left3A_4157, %shift_right_logical3A_4160 : vector<200x128xi32>
    %xor3A_4162 = arith.xori %add3A_4154, %or3A_4161 : vector<200x128xi32>
    %add3A_4163 = arith.addi %add3A_4154, %xor3A_4162 : vector<200x128xi32>
    %shift_left3A_4164 = arith.constant 16 : i32
    %shift_left3A_4165 = vector.broadcast %shift_left3A_4164 : i32 to vector<200x128xi32>
    %shift_left3A_4166 = arith.shli %xor3A_4162, %shift_left3A_4165 : vector<200x128xi32>
    %shift_right_logical3A_4167 = arith.constant 16 : i32
    %shift_right_logical3A_4168 = vector.broadcast %shift_right_logical3A_4167 : i32 to vector<200x128xi32>
    %shift_right_logical3A_4169 = arith.shrui %xor3A_4162, %shift_right_logical3A_4168 : vector<200x128xi32>
    %or3A_4170 = arith.ori %shift_left3A_4166, %shift_right_logical3A_4169 : vector<200x128xi32>
    %xor3A_4171 = arith.xori %add3A_4163, %or3A_4170 : vector<200x128xi32>
    %add3A_4172 = arith.addi %add3A_4163, %xor3A_4171 : vector<200x128xi32>
    %shift_left3A_4173 = arith.constant 24 : i32
    %shift_left3A_4174 = vector.broadcast %shift_left3A_4173 : i32 to vector<200x128xi32>
    %shift_left3A_4175 = arith.shli %xor3A_4171, %shift_left3A_4174 : vector<200x128xi32>
    %shift_right_logical3A_4176 = arith.constant 8 : i32
    %shift_right_logical3A_4177 = vector.broadcast %shift_right_logical3A_4176 : i32 to vector<200x128xi32>
    %shift_right_logical3A_4178 = arith.shrui %xor3A_4171, %shift_right_logical3A_4177 : vector<200x128xi32>
    %or3A_4179 = arith.ori %shift_left3A_4175, %shift_right_logical3A_4178 : vector<200x128xi32>
    %xor3A_4180 = arith.xori %add3A_4172, %or3A_4179 : vector<200x128xi32>
    %add3A_4181 = arith.constant 466689008 : i32
    %add3A_4182 = vector.broadcast %add3A_4181 : i32 to vector<200x128xi32>
    %add3A_4183 = arith.addi %add3A_4172, %add3A_4182 : vector<200x128xi32>
    %add3A_4184 = arith.constant 2 : i32
    %add3A_4185 = vector.broadcast %add3A_4184 : i32 to vector<200x128xi32>
    %add3A_4186 = arith.addi %xor3A_4180, %add3A_4185 : vector<200x128xi32>
    %add3A_4187 = arith.addi %add3A_4183, %add3A_4186 : vector<200x128xi32>
    %shift_left3A_4188 = arith.constant 13 : i32
    %shift_left3A_4189 = vector.broadcast %shift_left3A_4188 : i32 to vector<200x128xi32>
    %shift_left3A_4190 = arith.shli %add3A_4186, %shift_left3A_4189 : vector<200x128xi32>
    %shift_right_logical3A_4191 = arith.constant 19 : i32
    %shift_right_logical3A_4192 = vector.broadcast %shift_right_logical3A_4191 : i32 to vector<200x128xi32>
    %shift_right_logical3A_4193 = arith.shrui %add3A_4186, %shift_right_logical3A_4192 : vector<200x128xi32>
    %or3A_4194 = arith.ori %shift_left3A_4190, %shift_right_logical3A_4193 : vector<200x128xi32>
    %xor3A_4195 = arith.xori %add3A_4187, %or3A_4194 : vector<200x128xi32>
    %add3A_4196 = arith.addi %add3A_4187, %xor3A_4195 : vector<200x128xi32>
    %shift_left3A_4197 = arith.constant 15 : i32
    %shift_left3A_4198 = vector.broadcast %shift_left3A_4197 : i32 to vector<200x128xi32>
    %shift_left3A_4199 = arith.shli %xor3A_4195, %shift_left3A_4198 : vector<200x128xi32>
    %shift_right_logical3A_4200 = arith.constant 17 : i32
    %shift_right_logical3A_4201 = vector.broadcast %shift_right_logical3A_4200 : i32 to vector<200x128xi32>
    %shift_right_logical3A_4202 = arith.shrui %xor3A_4195, %shift_right_logical3A_4201 : vector<200x128xi32>
    %or3A_4203 = arith.ori %shift_left3A_4199, %shift_right_logical3A_4202 : vector<200x128xi32>
    %xor3A_4204 = arith.xori %add3A_4196, %or3A_4203 : vector<200x128xi32>
    %add3A_4205 = arith.addi %add3A_4196, %xor3A_4204 : vector<200x128xi32>
    %shift_left3A_4206 = arith.constant 26 : i32
    %shift_left3A_4207 = vector.broadcast %shift_left3A_4206 : i32 to vector<200x128xi32>
    %shift_left3A_4208 = arith.shli %xor3A_4204, %shift_left3A_4207 : vector<200x128xi32>
    %shift_right_logical3A_4209 = arith.constant 6 : i32
    %shift_right_logical3A_4210 = vector.broadcast %shift_right_logical3A_4209 : i32 to vector<200x128xi32>
    %shift_right_logical3A_4211 = arith.shrui %xor3A_4204, %shift_right_logical3A_4210 : vector<200x128xi32>
    %or3A_4212 = arith.ori %shift_left3A_4208, %shift_right_logical3A_4211 : vector<200x128xi32>
    %xor3A_4213 = arith.xori %add3A_4205, %or3A_4212 : vector<200x128xi32>
    %add3A_4214 = arith.addi %add3A_4205, %xor3A_4213 : vector<200x128xi32>
    %shift_left3A_4215 = arith.constant 6 : i32
    %shift_left3A_4216 = vector.broadcast %shift_left3A_4215 : i32 to vector<200x128xi32>
    %shift_left3A_4217 = arith.shli %xor3A_4213, %shift_left3A_4216 : vector<200x128xi32>
    %shift_right_logical3A_4218 = arith.constant 26 : i32
    %shift_right_logical3A_4219 = vector.broadcast %shift_right_logical3A_4218 : i32 to vector<200x128xi32>
    %shift_right_logical3A_4220 = arith.shrui %xor3A_4213, %shift_right_logical3A_4219 : vector<200x128xi32>
    %or3A_4221 = arith.ori %shift_left3A_4217, %shift_right_logical3A_4220 : vector<200x128xi32>
    %xor3A_4222 = arith.xori %add3A_4214, %or3A_4221 : vector<200x128xi32>
    %add3A_4223 = arith.constant 0 : i32
    %add3A_4224 = vector.broadcast %add3A_4223 : i32 to vector<200x128xi32>
    %add3A_4225 = arith.addi %add3A_4214, %add3A_4224 : vector<200x128xi32>
    %add3A_4226 = arith.constant 45 : i32
    %add3A_4227 = vector.broadcast %add3A_4226 : i32 to vector<200x128xi32>
    %add3A_4228 = arith.addi %xor3A_4222, %add3A_4227 : vector<200x128xi32>
    %add3A_4229 = arith.addi %add3A_4225, %add3A_4228 : vector<200x128xi32>
    %shift_left3A_4230 = arith.constant 17 : i32
    %shift_left3A_4231 = vector.broadcast %shift_left3A_4230 : i32 to vector<200x128xi32>
    %shift_left3A_4232 = arith.shli %add3A_4228, %shift_left3A_4231 : vector<200x128xi32>
    %shift_right_logical3A_4233 = arith.constant 15 : i32
    %shift_right_logical3A_4234 = vector.broadcast %shift_right_logical3A_4233 : i32 to vector<200x128xi32>
    %shift_right_logical3A_4235 = arith.shrui %add3A_4228, %shift_right_logical3A_4234 : vector<200x128xi32>
    %or3A_4236 = arith.ori %shift_left3A_4232, %shift_right_logical3A_4235 : vector<200x128xi32>
    %xor3A_4237 = arith.xori %add3A_4229, %or3A_4236 : vector<200x128xi32>
    %add3A_4238 = arith.addi %add3A_4229, %xor3A_4237 : vector<200x128xi32>
    %shift_left3A_4239 = arith.constant 29 : i32
    %shift_left3A_4240 = vector.broadcast %shift_left3A_4239 : i32 to vector<200x128xi32>
    %shift_left3A_4241 = arith.shli %xor3A_4237, %shift_left3A_4240 : vector<200x128xi32>
    %shift_right_logical3A_4242 = arith.constant 3 : i32
    %shift_right_logical3A_4243 = vector.broadcast %shift_right_logical3A_4242 : i32 to vector<200x128xi32>
    %shift_right_logical3A_4244 = arith.shrui %xor3A_4237, %shift_right_logical3A_4243 : vector<200x128xi32>
    %or3A_4245 = arith.ori %shift_left3A_4241, %shift_right_logical3A_4244 : vector<200x128xi32>
    %xor3A_4246 = arith.xori %add3A_4238, %or3A_4245 : vector<200x128xi32>
    %add3A_4247 = arith.addi %add3A_4238, %xor3A_4246 : vector<200x128xi32>
    %shift_left3A_4248 = arith.constant 16 : i32
    %shift_left3A_4249 = vector.broadcast %shift_left3A_4248 : i32 to vector<200x128xi32>
    %shift_left3A_4250 = arith.shli %xor3A_4246, %shift_left3A_4249 : vector<200x128xi32>
    %shift_right_logical3A_4251 = arith.constant 16 : i32
    %shift_right_logical3A_4252 = vector.broadcast %shift_right_logical3A_4251 : i32 to vector<200x128xi32>
    %shift_right_logical3A_4253 = arith.shrui %xor3A_4246, %shift_right_logical3A_4252 : vector<200x128xi32>
    %or3A_4254 = arith.ori %shift_left3A_4250, %shift_right_logical3A_4253 : vector<200x128xi32>
    %xor3A_4255 = arith.xori %add3A_4247, %or3A_4254 : vector<200x128xi32>
    %add3A_4256 = arith.addi %add3A_4247, %xor3A_4255 : vector<200x128xi32>
    %shift_left3A_4257 = arith.constant 24 : i32
    %shift_left3A_4258 = vector.broadcast %shift_left3A_4257 : i32 to vector<200x128xi32>
    %shift_left3A_4259 = arith.shli %xor3A_4255, %shift_left3A_4258 : vector<200x128xi32>
    %shift_right_logical3A_4260 = arith.constant 8 : i32
    %shift_right_logical3A_4261 = vector.broadcast %shift_right_logical3A_4260 : i32 to vector<200x128xi32>
    %shift_right_logical3A_4262 = arith.shrui %xor3A_4255, %shift_right_logical3A_4261 : vector<200x128xi32>
    %or3A_4263 = arith.ori %shift_left3A_4259, %shift_right_logical3A_4262 : vector<200x128xi32>
    %xor3A_4264 = arith.xori %add3A_4256, %or3A_4263 : vector<200x128xi32>
    %add3A_4265 = arith.constant 42 : i32
    %add3A_4266 = vector.broadcast %add3A_4265 : i32 to vector<200x128xi32>
    %add3A_4267 = arith.addi %add3A_4256, %add3A_4266 : vector<200x128xi32>
    %add3A_4268 = arith.constant 466689012 : i32
    %add3A_4269 = vector.broadcast %add3A_4268 : i32 to vector<200x128xi32>
    %add3A_4270 = arith.addi %xor3A_4264, %add3A_4269 : vector<200x128xi32>
    %add3A_4271 = arith.addi %add3A_4267, %add3A_4270 : vector<200x128xi32>
    %shift_left3A_4272 = arith.constant 13 : i32
    %shift_left3A_4273 = vector.broadcast %shift_left3A_4272 : i32 to vector<200x128xi32>
    %shift_left3A_4274 = arith.shli %add3A_4270, %shift_left3A_4273 : vector<200x128xi32>
    %shift_right_logical3A_4275 = arith.constant 19 : i32
    %shift_right_logical3A_4276 = vector.broadcast %shift_right_logical3A_4275 : i32 to vector<200x128xi32>
    %shift_right_logical3A_4277 = arith.shrui %add3A_4270, %shift_right_logical3A_4276 : vector<200x128xi32>
    %or3A_4278 = arith.ori %shift_left3A_4274, %shift_right_logical3A_4277 : vector<200x128xi32>
    %xor3A_4279 = arith.xori %add3A_4271, %or3A_4278 : vector<200x128xi32>
    %add3A_4280 = arith.addi %add3A_4271, %xor3A_4279 : vector<200x128xi32>
    %shift_left3A_4281 = arith.constant 15 : i32
    %shift_left3A_4282 = vector.broadcast %shift_left3A_4281 : i32 to vector<200x128xi32>
    %shift_left3A_4283 = arith.shli %xor3A_4279, %shift_left3A_4282 : vector<200x128xi32>
    %shift_right_logical3A_4284 = arith.constant 17 : i32
    %shift_right_logical3A_4285 = vector.broadcast %shift_right_logical3A_4284 : i32 to vector<200x128xi32>
    %shift_right_logical3A_4286 = arith.shrui %xor3A_4279, %shift_right_logical3A_4285 : vector<200x128xi32>
    %or3A_4287 = arith.ori %shift_left3A_4283, %shift_right_logical3A_4286 : vector<200x128xi32>
    %xor3A_4288 = arith.xori %add3A_4280, %or3A_4287 : vector<200x128xi32>
    %add3A_4289 = arith.addi %add3A_4280, %xor3A_4288 : vector<200x128xi32>
    %shift_left3A_4290 = arith.constant 26 : i32
    %shift_left3A_4291 = vector.broadcast %shift_left3A_4290 : i32 to vector<200x128xi32>
    %shift_left3A_4292 = arith.shli %xor3A_4288, %shift_left3A_4291 : vector<200x128xi32>
    %shift_right_logical3A_4293 = arith.constant 6 : i32
    %shift_right_logical3A_4294 = vector.broadcast %shift_right_logical3A_4293 : i32 to vector<200x128xi32>
    %shift_right_logical3A_4295 = arith.shrui %xor3A_4288, %shift_right_logical3A_4294 : vector<200x128xi32>
    %or3A_4296 = arith.ori %shift_left3A_4292, %shift_right_logical3A_4295 : vector<200x128xi32>
    %xor3A_4297 = arith.xori %add3A_4289, %or3A_4296 : vector<200x128xi32>
    %add3A_4298 = arith.addi %add3A_4289, %xor3A_4297 : vector<200x128xi32>
    %shift_left3A_4299 = arith.constant 6 : i32
    %shift_left3A_4300 = vector.broadcast %shift_left3A_4299 : i32 to vector<200x128xi32>
    %shift_left3A_4301 = arith.shli %xor3A_4297, %shift_left3A_4300 : vector<200x128xi32>
    %shift_right_logical3A_4302 = arith.constant 26 : i32
    %shift_right_logical3A_4303 = vector.broadcast %shift_right_logical3A_4302 : i32 to vector<200x128xi32>
    %shift_right_logical3A_4304 = arith.shrui %xor3A_4297, %shift_right_logical3A_4303 : vector<200x128xi32>
    %or3A_4305 = arith.ori %shift_left3A_4301, %shift_right_logical3A_4304 : vector<200x128xi32>
    %xor3A_4306 = arith.xori %add3A_4298, %or3A_4305 : vector<200x128xi32>
    %add3A_4307 = arith.constant 466689008 : i32
    %add3A_4308 = vector.broadcast %add3A_4307 : i32 to vector<200x128xi32>
    %add3A_4309 = arith.addi %add3A_4298, %add3A_4308 : vector<200x128xi32>
    %add3A_4310 = arith.constant 5 : i32
    %add3A_4311 = vector.broadcast %add3A_4310 : i32 to vector<200x128xi32>
    %add3A_4312 = arith.addi %xor3A_4306, %add3A_4311 : vector<200x128xi32>
    %xor3A_4313 = arith.xori %add3A_4309, %add3A_4312 : vector<200x128xi32>
    %shift_right_logical3A_4314 = arith.constant 9 : i32
    %shift_right_logical3A_4315 = vector.broadcast %shift_right_logical3A_4314 : i32 to vector<200x128xi32>
    %shift_right_logical3A_4316 = arith.shrui %xor3A_4313, %shift_right_logical3A_4315 : vector<200x128xi32>
    %or3A_4317 = arith.constant 1065353216 : i32
    %or3A_4318 = vector.broadcast %or3A_4317 : i32 to vector<200x128xi32>
    %or3A_4319 = arith.ori %shift_right_logical3A_4316, %or3A_4318 : vector<200x128xi32>
    %bitcast_convert_type3A_4320 = tpu.bitcast %or3A_4319 : vector<200x128xi32> -> vector<200x128xf32>
    %sub3A_4321 = arith.constant 1.000000e+00 : f32
    %sub3A_4322 = vector.broadcast %sub3A_4321 : f32 to vector<200x128xf32>
    %sub3A_4323 = arith.subf %bitcast_convert_type3A_4320, %sub3A_4322 : vector<200x128xf32>
    %add3A_4324 = arith.constant 1.000000e-10 : f32
    %add3A_4325 = vector.broadcast %add3A_4324 : f32 to vector<200x128xf32>
    %add3A_4326 = arith.addf %sub3A_4323, %add3A_4325 : vector<200x128xf32>
    %max3A_4327 = arith.constant 1.000000e-10 : f32
    %max3A_4328 = vector.broadcast %max3A_4327 : f32 to vector<200x128xf32>
    %max3A_4329 = arith.maximumf %max3A_4328, %add3A_4326 : vector<200x128xf32>
    %log3A_4330 = math.log %max3A_4329 : vector<200x128xf32>
    %neg3A_4331 = arith.constant 0.000000e+00 : f32
    %neg3A_4332 = vector.broadcast %neg3A_4331 : f32 to vector<200x128xf32>
    %neg3A_4333 = arith.subf %neg3A_4332, %log3A_4330 : vector<200x128xf32>
    %log3A_4334 = math.log %neg3A_4333 : vector<200x128xf32>
    %neg3A_4335 = arith.constant 0.000000e+00 : f32
    %neg3A_4336 = vector.broadcast %neg3A_4335 : f32 to vector<200x128xf32>
    %neg3A_4337 = arith.subf %neg3A_4336, %log3A_4334 : vector<200x128xf32>
    %add3A_4338 = arith.addf %get3A_4100, %neg3A_4337 : vector<200x128xf32>
    %reduce_max3A_4339 = arith.constant dense<0xFF800000> : vector<128xf32>
    %reduce_max3A_4340 = vector.multi_reduction <maximumf>, %add3A_4338, %reduce_max3A_4339 [0] : vector<200x128xf32> to vector<128xf32>
    %broadcast_in_dim3A_4341 = vector.shape_cast %reduce_max3A_4340 : vector<128xf32> to vector<1x128xf32>
    %eq3A_4342 = vector.broadcast %broadcast_in_dim3A_4341 : vector<1x128xf32> to vector<200x128xf32>
    %eq3A_4343 = arith.cmpf oeq, %add3A_4338, %eq3A_4342 : vector<200x128xf32>
    %jit3A_4344 = arith.constant 1073741824 : i32
    %broadcast_in_dim3A_4345 = vector.broadcast %jit3A_4344 : i32 to vector<200x128xi32>
    %select_n3A_4346 = arith.select %eq3A_4343, %iota3A_4088, %broadcast_in_dim3A_4345 : vector<200x128xi1>, vector<200x128xi32>
    %reduce_min3A_4347 = arith.constant dense<2147483647> : vector<128xi32>
    %reduce_min3A_4348 = vector.multi_reduction <minsi>, %select_n3A_4346, %reduce_min3A_4347 [0] : vector<200x128xi32> to vector<128xi32>
    %broadcast_in_dim3A_4349 = vector.shape_cast %reduce_min3A_4348 : vector<128xi32> to vector<1x128xi32>
    %add3A_4350 = arith.constant 0 : i32
    %add3A_4351 = vector.broadcast %add3A_4350 : i32 to vector<1x128xi32>
    %add3A_4352 = arith.addi %broadcast_in_dim3A_4349, %add3A_4351 : vector<1x128xi32>
    %gt3A_4353 = arith.cmpf ogt, %broadcast_in_dim3A_4341, %broadcast_in_dim3A_4083 : vector<1x128xf32>
    %select_n3A_4354 = arith.select %gt3A_4353, %broadcast_in_dim3A_4341, %broadcast_in_dim3A_4083 : vector<1x128xi1>, vector<1x128xf32>
    %select_n3A_4355 = arith.select %gt3A_4353, %add3A_4352, %broadcast_in_dim3A_4085 : vector<1x128xi1>, vector<1x128xi32>
    %iota3A_4356 = tpu.iota {dimensions = array<i32: 0>} : vector<200x128xi32>
    %iota3A_4357 = tpu.iota {dimensions = array<i32: 1>} : vector<200x128xi32>
    %iota3A_4358 = tpu.iota {dimensions = array<i32: 0>} : vector<200x128xi32>
    %mul3A_4359 = arith.constant 1000 : i32
    %mul3A_4360 = vector.broadcast %mul3A_4359 : i32 to vector<200x128xi32>
    %mul3A_4361 = arith.muli %iota3A_4357, %mul3A_4360 : vector<200x128xi32>
    %add3A_4362 = vector.broadcast %mul3A_4081 : i32 to vector<200x128xi32>
    %add3A_4363 = arith.addi %add3A_4362, %mul3A_4361 : vector<200x128xi32>
    %add3A_4364 = arith.constant 200 : i32
    %add3A_4365 = vector.broadcast %add3A_4364 : i32 to vector<200x128xi32>
    %add3A_4366 = arith.addi %iota3A_4356, %add3A_4365 : vector<200x128xi32>
    %add3A_4367 = arith.addi %add3A_4363, %add3A_4366 : vector<200x128xi32>
    %get3A_4368 = arith.constant 200 : index
    %get3A_4369 = arith.constant 384 : index
    %get3A_4370 = vector.load %arg1[%get3A_4368, %get3A_4369] : memref<1000x512xf32, #tpu.memory_space<vmem>>, vector<200x128xf32>
    %add3A_4371 = arith.constant 42 : i32
    %add3A_4372 = vector.broadcast %add3A_4371 : i32 to vector<200x128xi32>
    %add3A_4373 = arith.addi %add3A_4367, %add3A_4372 : vector<200x128xi32>
    %shift_left3A_4374 = arith.constant 13 : i32
    %shift_left3A_4375 = vector.broadcast %shift_left3A_4374 : i32 to vector<200x128xi32>
    %shift_left3A_4376 = arith.shli %add3A_4373, %shift_left3A_4375 : vector<200x128xi32>
    %shift_right_logical3A_4377 = arith.constant 19 : i32
    %shift_right_logical3A_4378 = vector.broadcast %shift_right_logical3A_4377 : i32 to vector<200x128xi32>
    %shift_right_logical3A_4379 = arith.shrui %add3A_4373, %shift_right_logical3A_4378 : vector<200x128xi32>
    %or3A_4380 = arith.ori %shift_left3A_4376, %shift_right_logical3A_4379 : vector<200x128xi32>
    %xor3A_4381 = arith.xori %add3A_4373, %or3A_4380 : vector<200x128xi32>
    %add3A_4382 = arith.addi %add3A_4373, %xor3A_4381 : vector<200x128xi32>
    %shift_left3A_4383 = arith.constant 15 : i32
    %shift_left3A_4384 = vector.broadcast %shift_left3A_4383 : i32 to vector<200x128xi32>
    %shift_left3A_4385 = arith.shli %xor3A_4381, %shift_left3A_4384 : vector<200x128xi32>
    %shift_right_logical3A_4386 = arith.constant 17 : i32
    %shift_right_logical3A_4387 = vector.broadcast %shift_right_logical3A_4386 : i32 to vector<200x128xi32>
    %shift_right_logical3A_4388 = arith.shrui %xor3A_4381, %shift_right_logical3A_4387 : vector<200x128xi32>
    %or3A_4389 = arith.ori %shift_left3A_4385, %shift_right_logical3A_4388 : vector<200x128xi32>
    %xor3A_4390 = arith.xori %add3A_4382, %or3A_4389 : vector<200x128xi32>
    %add3A_4391 = arith.addi %add3A_4382, %xor3A_4390 : vector<200x128xi32>
    %shift_left3A_4392 = arith.constant 26 : i32
    %shift_left3A_4393 = vector.broadcast %shift_left3A_4392 : i32 to vector<200x128xi32>
    %shift_left3A_4394 = arith.shli %xor3A_4390, %shift_left3A_4393 : vector<200x128xi32>
    %shift_right_logical3A_4395 = arith.constant 6 : i32
    %shift_right_logical3A_4396 = vector.broadcast %shift_right_logical3A_4395 : i32 to vector<200x128xi32>
    %shift_right_logical3A_4397 = arith.shrui %xor3A_4390, %shift_right_logical3A_4396 : vector<200x128xi32>
    %or3A_4398 = arith.ori %shift_left3A_4394, %shift_right_logical3A_4397 : vector<200x128xi32>
    %xor3A_4399 = arith.xori %add3A_4391, %or3A_4398 : vector<200x128xi32>
    %add3A_4400 = arith.addi %add3A_4391, %xor3A_4399 : vector<200x128xi32>
    %shift_left3A_4401 = arith.constant 6 : i32
    %shift_left3A_4402 = vector.broadcast %shift_left3A_4401 : i32 to vector<200x128xi32>
    %shift_left3A_4403 = arith.shli %xor3A_4399, %shift_left3A_4402 : vector<200x128xi32>
    %shift_right_logical3A_4404 = arith.constant 26 : i32
    %shift_right_logical3A_4405 = vector.broadcast %shift_right_logical3A_4404 : i32 to vector<200x128xi32>
    %shift_right_logical3A_4406 = arith.shrui %xor3A_4399, %shift_right_logical3A_4405 : vector<200x128xi32>
    %or3A_4407 = arith.ori %shift_left3A_4403, %shift_right_logical3A_4406 : vector<200x128xi32>
    %xor3A_4408 = arith.xori %add3A_4400, %or3A_4407 : vector<200x128xi32>
    %add3A_4409 = arith.constant 42 : i32
    %add3A_4410 = vector.broadcast %add3A_4409 : i32 to vector<200x128xi32>
    %add3A_4411 = arith.addi %add3A_4400, %add3A_4410 : vector<200x128xi32>
    %add3A_4412 = arith.constant 466689009 : i32
    %add3A_4413 = vector.broadcast %add3A_4412 : i32 to vector<200x128xi32>
    %add3A_4414 = arith.addi %xor3A_4408, %add3A_4413 : vector<200x128xi32>
    %add3A_4415 = arith.addi %add3A_4411, %add3A_4414 : vector<200x128xi32>
    %shift_left3A_4416 = arith.constant 17 : i32
    %shift_left3A_4417 = vector.broadcast %shift_left3A_4416 : i32 to vector<200x128xi32>
    %shift_left3A_4418 = arith.shli %add3A_4414, %shift_left3A_4417 : vector<200x128xi32>
    %shift_right_logical3A_4419 = arith.constant 15 : i32
    %shift_right_logical3A_4420 = vector.broadcast %shift_right_logical3A_4419 : i32 to vector<200x128xi32>
    %shift_right_logical3A_4421 = arith.shrui %add3A_4414, %shift_right_logical3A_4420 : vector<200x128xi32>
    %or3A_4422 = arith.ori %shift_left3A_4418, %shift_right_logical3A_4421 : vector<200x128xi32>
    %xor3A_4423 = arith.xori %add3A_4415, %or3A_4422 : vector<200x128xi32>
    %add3A_4424 = arith.addi %add3A_4415, %xor3A_4423 : vector<200x128xi32>
    %shift_left3A_4425 = arith.constant 29 : i32
    %shift_left3A_4426 = vector.broadcast %shift_left3A_4425 : i32 to vector<200x128xi32>
    %shift_left3A_4427 = arith.shli %xor3A_4423, %shift_left3A_4426 : vector<200x128xi32>
    %shift_right_logical3A_4428 = arith.constant 3 : i32
    %shift_right_logical3A_4429 = vector.broadcast %shift_right_logical3A_4428 : i32 to vector<200x128xi32>
    %shift_right_logical3A_4430 = arith.shrui %xor3A_4423, %shift_right_logical3A_4429 : vector<200x128xi32>
    %or3A_4431 = arith.ori %shift_left3A_4427, %shift_right_logical3A_4430 : vector<200x128xi32>
    %xor3A_4432 = arith.xori %add3A_4424, %or3A_4431 : vector<200x128xi32>
    %add3A_4433 = arith.addi %add3A_4424, %xor3A_4432 : vector<200x128xi32>
    %shift_left3A_4434 = arith.constant 16 : i32
    %shift_left3A_4435 = vector.broadcast %shift_left3A_4434 : i32 to vector<200x128xi32>
    %shift_left3A_4436 = arith.shli %xor3A_4432, %shift_left3A_4435 : vector<200x128xi32>
    %shift_right_logical3A_4437 = arith.constant 16 : i32
    %shift_right_logical3A_4438 = vector.broadcast %shift_right_logical3A_4437 : i32 to vector<200x128xi32>
    %shift_right_logical3A_4439 = arith.shrui %xor3A_4432, %shift_right_logical3A_4438 : vector<200x128xi32>
    %or3A_4440 = arith.ori %shift_left3A_4436, %shift_right_logical3A_4439 : vector<200x128xi32>
    %xor3A_4441 = arith.xori %add3A_4433, %or3A_4440 : vector<200x128xi32>
    %add3A_4442 = arith.addi %add3A_4433, %xor3A_4441 : vector<200x128xi32>
    %shift_left3A_4443 = arith.constant 24 : i32
    %shift_left3A_4444 = vector.broadcast %shift_left3A_4443 : i32 to vector<200x128xi32>
    %shift_left3A_4445 = arith.shli %xor3A_4441, %shift_left3A_4444 : vector<200x128xi32>
    %shift_right_logical3A_4446 = arith.constant 8 : i32
    %shift_right_logical3A_4447 = vector.broadcast %shift_right_logical3A_4446 : i32 to vector<200x128xi32>
    %shift_right_logical3A_4448 = arith.shrui %xor3A_4441, %shift_right_logical3A_4447 : vector<200x128xi32>
    %or3A_4449 = arith.ori %shift_left3A_4445, %shift_right_logical3A_4448 : vector<200x128xi32>
    %xor3A_4450 = arith.xori %add3A_4442, %or3A_4449 : vector<200x128xi32>
    %add3A_4451 = arith.constant 466689008 : i32
    %add3A_4452 = vector.broadcast %add3A_4451 : i32 to vector<200x128xi32>
    %add3A_4453 = arith.addi %add3A_4442, %add3A_4452 : vector<200x128xi32>
    %add3A_4454 = arith.constant 2 : i32
    %add3A_4455 = vector.broadcast %add3A_4454 : i32 to vector<200x128xi32>
    %add3A_4456 = arith.addi %xor3A_4450, %add3A_4455 : vector<200x128xi32>
    %add3A_4457 = arith.addi %add3A_4453, %add3A_4456 : vector<200x128xi32>
    %shift_left3A_4458 = arith.constant 13 : i32
    %shift_left3A_4459 = vector.broadcast %shift_left3A_4458 : i32 to vector<200x128xi32>
    %shift_left3A_4460 = arith.shli %add3A_4456, %shift_left3A_4459 : vector<200x128xi32>
    %shift_right_logical3A_4461 = arith.constant 19 : i32
    %shift_right_logical3A_4462 = vector.broadcast %shift_right_logical3A_4461 : i32 to vector<200x128xi32>
    %shift_right_logical3A_4463 = arith.shrui %add3A_4456, %shift_right_logical3A_4462 : vector<200x128xi32>
    %or3A_4464 = arith.ori %shift_left3A_4460, %shift_right_logical3A_4463 : vector<200x128xi32>
    %xor3A_4465 = arith.xori %add3A_4457, %or3A_4464 : vector<200x128xi32>
    %add3A_4466 = arith.addi %add3A_4457, %xor3A_4465 : vector<200x128xi32>
    %shift_left3A_4467 = arith.constant 15 : i32
    %shift_left3A_4468 = vector.broadcast %shift_left3A_4467 : i32 to vector<200x128xi32>
    %shift_left3A_4469 = arith.shli %xor3A_4465, %shift_left3A_4468 : vector<200x128xi32>
    %shift_right_logical3A_4470 = arith.constant 17 : i32
    %shift_right_logical3A_4471 = vector.broadcast %shift_right_logical3A_4470 : i32 to vector<200x128xi32>
    %shift_right_logical3A_4472 = arith.shrui %xor3A_4465, %shift_right_logical3A_4471 : vector<200x128xi32>
    %or3A_4473 = arith.ori %shift_left3A_4469, %shift_right_logical3A_4472 : vector<200x128xi32>
    %xor3A_4474 = arith.xori %add3A_4466, %or3A_4473 : vector<200x128xi32>
    %add3A_4475 = arith.addi %add3A_4466, %xor3A_4474 : vector<200x128xi32>
    %shift_left3A_4476 = arith.constant 26 : i32
    %shift_left3A_4477 = vector.broadcast %shift_left3A_4476 : i32 to vector<200x128xi32>
    %shift_left3A_4478 = arith.shli %xor3A_4474, %shift_left3A_4477 : vector<200x128xi32>
    %shift_right_logical3A_4479 = arith.constant 6 : i32
    %shift_right_logical3A_4480 = vector.broadcast %shift_right_logical3A_4479 : i32 to vector<200x128xi32>
    %shift_right_logical3A_4481 = arith.shrui %xor3A_4474, %shift_right_logical3A_4480 : vector<200x128xi32>
    %or3A_4482 = arith.ori %shift_left3A_4478, %shift_right_logical3A_4481 : vector<200x128xi32>
    %xor3A_4483 = arith.xori %add3A_4475, %or3A_4482 : vector<200x128xi32>
    %add3A_4484 = arith.addi %add3A_4475, %xor3A_4483 : vector<200x128xi32>
    %shift_left3A_4485 = arith.constant 6 : i32
    %shift_left3A_4486 = vector.broadcast %shift_left3A_4485 : i32 to vector<200x128xi32>
    %shift_left3A_4487 = arith.shli %xor3A_4483, %shift_left3A_4486 : vector<200x128xi32>
    %shift_right_logical3A_4488 = arith.constant 26 : i32
    %shift_right_logical3A_4489 = vector.broadcast %shift_right_logical3A_4488 : i32 to vector<200x128xi32>
    %shift_right_logical3A_4490 = arith.shrui %xor3A_4483, %shift_right_logical3A_4489 : vector<200x128xi32>
    %or3A_4491 = arith.ori %shift_left3A_4487, %shift_right_logical3A_4490 : vector<200x128xi32>
    %xor3A_4492 = arith.xori %add3A_4484, %or3A_4491 : vector<200x128xi32>
    %add3A_4493 = arith.constant 0 : i32
    %add3A_4494 = vector.broadcast %add3A_4493 : i32 to vector<200x128xi32>
    %add3A_4495 = arith.addi %add3A_4484, %add3A_4494 : vector<200x128xi32>
    %add3A_4496 = arith.constant 45 : i32
    %add3A_4497 = vector.broadcast %add3A_4496 : i32 to vector<200x128xi32>
    %add3A_4498 = arith.addi %xor3A_4492, %add3A_4497 : vector<200x128xi32>
    %add3A_4499 = arith.addi %add3A_4495, %add3A_4498 : vector<200x128xi32>
    %shift_left3A_4500 = arith.constant 17 : i32
    %shift_left3A_4501 = vector.broadcast %shift_left3A_4500 : i32 to vector<200x128xi32>
    %shift_left3A_4502 = arith.shli %add3A_4498, %shift_left3A_4501 : vector<200x128xi32>
    %shift_right_logical3A_4503 = arith.constant 15 : i32
    %shift_right_logical3A_4504 = vector.broadcast %shift_right_logical3A_4503 : i32 to vector<200x128xi32>
    %shift_right_logical3A_4505 = arith.shrui %add3A_4498, %shift_right_logical3A_4504 : vector<200x128xi32>
    %or3A_4506 = arith.ori %shift_left3A_4502, %shift_right_logical3A_4505 : vector<200x128xi32>
    %xor3A_4507 = arith.xori %add3A_4499, %or3A_4506 : vector<200x128xi32>
    %add3A_4508 = arith.addi %add3A_4499, %xor3A_4507 : vector<200x128xi32>
    %shift_left3A_4509 = arith.constant 29 : i32
    %shift_left3A_4510 = vector.broadcast %shift_left3A_4509 : i32 to vector<200x128xi32>
    %shift_left3A_4511 = arith.shli %xor3A_4507, %shift_left3A_4510 : vector<200x128xi32>
    %shift_right_logical3A_4512 = arith.constant 3 : i32
    %shift_right_logical3A_4513 = vector.broadcast %shift_right_logical3A_4512 : i32 to vector<200x128xi32>
    %shift_right_logical3A_4514 = arith.shrui %xor3A_4507, %shift_right_logical3A_4513 : vector<200x128xi32>
    %or3A_4515 = arith.ori %shift_left3A_4511, %shift_right_logical3A_4514 : vector<200x128xi32>
    %xor3A_4516 = arith.xori %add3A_4508, %or3A_4515 : vector<200x128xi32>
    %add3A_4517 = arith.addi %add3A_4508, %xor3A_4516 : vector<200x128xi32>
    %shift_left3A_4518 = arith.constant 16 : i32
    %shift_left3A_4519 = vector.broadcast %shift_left3A_4518 : i32 to vector<200x128xi32>
    %shift_left3A_4520 = arith.shli %xor3A_4516, %shift_left3A_4519 : vector<200x128xi32>
    %shift_right_logical3A_4521 = arith.constant 16 : i32
    %shift_right_logical3A_4522 = vector.broadcast %shift_right_logical3A_4521 : i32 to vector<200x128xi32>
    %shift_right_logical3A_4523 = arith.shrui %xor3A_4516, %shift_right_logical3A_4522 : vector<200x128xi32>
    %or3A_4524 = arith.ori %shift_left3A_4520, %shift_right_logical3A_4523 : vector<200x128xi32>
    %xor3A_4525 = arith.xori %add3A_4517, %or3A_4524 : vector<200x128xi32>
    %add3A_4526 = arith.addi %add3A_4517, %xor3A_4525 : vector<200x128xi32>
    %shift_left3A_4527 = arith.constant 24 : i32
    %shift_left3A_4528 = vector.broadcast %shift_left3A_4527 : i32 to vector<200x128xi32>
    %shift_left3A_4529 = arith.shli %xor3A_4525, %shift_left3A_4528 : vector<200x128xi32>
    %shift_right_logical3A_4530 = arith.constant 8 : i32
    %shift_right_logical3A_4531 = vector.broadcast %shift_right_logical3A_4530 : i32 to vector<200x128xi32>
    %shift_right_logical3A_4532 = arith.shrui %xor3A_4525, %shift_right_logical3A_4531 : vector<200x128xi32>
    %or3A_4533 = arith.ori %shift_left3A_4529, %shift_right_logical3A_4532 : vector<200x128xi32>
    %xor3A_4534 = arith.xori %add3A_4526, %or3A_4533 : vector<200x128xi32>
    %add3A_4535 = arith.constant 42 : i32
    %add3A_4536 = vector.broadcast %add3A_4535 : i32 to vector<200x128xi32>
    %add3A_4537 = arith.addi %add3A_4526, %add3A_4536 : vector<200x128xi32>
    %add3A_4538 = arith.constant 466689012 : i32
    %add3A_4539 = vector.broadcast %add3A_4538 : i32 to vector<200x128xi32>
    %add3A_4540 = arith.addi %xor3A_4534, %add3A_4539 : vector<200x128xi32>
    %add3A_4541 = arith.addi %add3A_4537, %add3A_4540 : vector<200x128xi32>
    %shift_left3A_4542 = arith.constant 13 : i32
    %shift_left3A_4543 = vector.broadcast %shift_left3A_4542 : i32 to vector<200x128xi32>
    %shift_left3A_4544 = arith.shli %add3A_4540, %shift_left3A_4543 : vector<200x128xi32>
    %shift_right_logical3A_4545 = arith.constant 19 : i32
    %shift_right_logical3A_4546 = vector.broadcast %shift_right_logical3A_4545 : i32 to vector<200x128xi32>
    %shift_right_logical3A_4547 = arith.shrui %add3A_4540, %shift_right_logical3A_4546 : vector<200x128xi32>
    %or3A_4548 = arith.ori %shift_left3A_4544, %shift_right_logical3A_4547 : vector<200x128xi32>
    %xor3A_4549 = arith.xori %add3A_4541, %or3A_4548 : vector<200x128xi32>
    %add3A_4550 = arith.addi %add3A_4541, %xor3A_4549 : vector<200x128xi32>
    %shift_left3A_4551 = arith.constant 15 : i32
    %shift_left3A_4552 = vector.broadcast %shift_left3A_4551 : i32 to vector<200x128xi32>
    %shift_left3A_4553 = arith.shli %xor3A_4549, %shift_left3A_4552 : vector<200x128xi32>
    %shift_right_logical3A_4554 = arith.constant 17 : i32
    %shift_right_logical3A_4555 = vector.broadcast %shift_right_logical3A_4554 : i32 to vector<200x128xi32>
    %shift_right_logical3A_4556 = arith.shrui %xor3A_4549, %shift_right_logical3A_4555 : vector<200x128xi32>
    %or3A_4557 = arith.ori %shift_left3A_4553, %shift_right_logical3A_4556 : vector<200x128xi32>
    %xor3A_4558 = arith.xori %add3A_4550, %or3A_4557 : vector<200x128xi32>
    %add3A_4559 = arith.addi %add3A_4550, %xor3A_4558 : vector<200x128xi32>
    %shift_left3A_4560 = arith.constant 26 : i32
    %shift_left3A_4561 = vector.broadcast %shift_left3A_4560 : i32 to vector<200x128xi32>
    %shift_left3A_4562 = arith.shli %xor3A_4558, %shift_left3A_4561 : vector<200x128xi32>
    %shift_right_logical3A_4563 = arith.constant 6 : i32
    %shift_right_logical3A_4564 = vector.broadcast %shift_right_logical3A_4563 : i32 to vector<200x128xi32>
    %shift_right_logical3A_4565 = arith.shrui %xor3A_4558, %shift_right_logical3A_4564 : vector<200x128xi32>
    %or3A_4566 = arith.ori %shift_left3A_4562, %shift_right_logical3A_4565 : vector<200x128xi32>
    %xor3A_4567 = arith.xori %add3A_4559, %or3A_4566 : vector<200x128xi32>
    %add3A_4568 = arith.addi %add3A_4559, %xor3A_4567 : vector<200x128xi32>
    %shift_left3A_4569 = arith.constant 6 : i32
    %shift_left3A_4570 = vector.broadcast %shift_left3A_4569 : i32 to vector<200x128xi32>
    %shift_left3A_4571 = arith.shli %xor3A_4567, %shift_left3A_4570 : vector<200x128xi32>
    %shift_right_logical3A_4572 = arith.constant 26 : i32
    %shift_right_logical3A_4573 = vector.broadcast %shift_right_logical3A_4572 : i32 to vector<200x128xi32>
    %shift_right_logical3A_4574 = arith.shrui %xor3A_4567, %shift_right_logical3A_4573 : vector<200x128xi32>
    %or3A_4575 = arith.ori %shift_left3A_4571, %shift_right_logical3A_4574 : vector<200x128xi32>
    %xor3A_4576 = arith.xori %add3A_4568, %or3A_4575 : vector<200x128xi32>
    %add3A_4577 = arith.constant 466689008 : i32
    %add3A_4578 = vector.broadcast %add3A_4577 : i32 to vector<200x128xi32>
    %add3A_4579 = arith.addi %add3A_4568, %add3A_4578 : vector<200x128xi32>
    %add3A_4580 = arith.constant 5 : i32
    %add3A_4581 = vector.broadcast %add3A_4580 : i32 to vector<200x128xi32>
    %add3A_4582 = arith.addi %xor3A_4576, %add3A_4581 : vector<200x128xi32>
    %xor3A_4583 = arith.xori %add3A_4579, %add3A_4582 : vector<200x128xi32>
    %shift_right_logical3A_4584 = arith.constant 9 : i32
    %shift_right_logical3A_4585 = vector.broadcast %shift_right_logical3A_4584 : i32 to vector<200x128xi32>
    %shift_right_logical3A_4586 = arith.shrui %xor3A_4583, %shift_right_logical3A_4585 : vector<200x128xi32>
    %or3A_4587 = arith.constant 1065353216 : i32
    %or3A_4588 = vector.broadcast %or3A_4587 : i32 to vector<200x128xi32>
    %or3A_4589 = arith.ori %shift_right_logical3A_4586, %or3A_4588 : vector<200x128xi32>
    %bitcast_convert_type3A_4590 = tpu.bitcast %or3A_4589 : vector<200x128xi32> -> vector<200x128xf32>
    %sub3A_4591 = arith.constant 1.000000e+00 : f32
    %sub3A_4592 = vector.broadcast %sub3A_4591 : f32 to vector<200x128xf32>
    %sub3A_4593 = arith.subf %bitcast_convert_type3A_4590, %sub3A_4592 : vector<200x128xf32>
    %add3A_4594 = arith.constant 1.000000e-10 : f32
    %add3A_4595 = vector.broadcast %add3A_4594 : f32 to vector<200x128xf32>
    %add3A_4596 = arith.addf %sub3A_4593, %add3A_4595 : vector<200x128xf32>
    %max3A_4597 = arith.constant 1.000000e-10 : f32
    %max3A_4598 = vector.broadcast %max3A_4597 : f32 to vector<200x128xf32>
    %max3A_4599 = arith.maximumf %max3A_4598, %add3A_4596 : vector<200x128xf32>
    %log3A_4600 = math.log %max3A_4599 : vector<200x128xf32>
    %neg3A_4601 = arith.constant 0.000000e+00 : f32
    %neg3A_4602 = vector.broadcast %neg3A_4601 : f32 to vector<200x128xf32>
    %neg3A_4603 = arith.subf %neg3A_4602, %log3A_4600 : vector<200x128xf32>
    %log3A_4604 = math.log %neg3A_4603 : vector<200x128xf32>
    %neg3A_4605 = arith.constant 0.000000e+00 : f32
    %neg3A_4606 = vector.broadcast %neg3A_4605 : f32 to vector<200x128xf32>
    %neg3A_4607 = arith.subf %neg3A_4606, %log3A_4604 : vector<200x128xf32>
    %add3A_4608 = arith.addf %get3A_4370, %neg3A_4607 : vector<200x128xf32>
    %reduce_max3A_4609 = arith.constant dense<0xFF800000> : vector<128xf32>
    %reduce_max3A_4610 = vector.multi_reduction <maximumf>, %add3A_4608, %reduce_max3A_4609 [0] : vector<200x128xf32> to vector<128xf32>
    %broadcast_in_dim3A_4611 = vector.shape_cast %reduce_max3A_4610 : vector<128xf32> to vector<1x128xf32>
    %eq3A_4612 = vector.broadcast %broadcast_in_dim3A_4611 : vector<1x128xf32> to vector<200x128xf32>
    %eq3A_4613 = arith.cmpf oeq, %add3A_4608, %eq3A_4612 : vector<200x128xf32>
    %jit3A_4614 = arith.constant 1073741824 : i32
    %broadcast_in_dim3A_4615 = vector.broadcast %jit3A_4614 : i32 to vector<200x128xi32>
    %select_n3A_4616 = arith.select %eq3A_4613, %iota3A_4358, %broadcast_in_dim3A_4615 : vector<200x128xi1>, vector<200x128xi32>
    %reduce_min3A_4617 = arith.constant dense<2147483647> : vector<128xi32>
    %reduce_min3A_4618 = vector.multi_reduction <minsi>, %select_n3A_4616, %reduce_min3A_4617 [0] : vector<200x128xi32> to vector<128xi32>
    %broadcast_in_dim3A_4619 = vector.shape_cast %reduce_min3A_4618 : vector<128xi32> to vector<1x128xi32>
    %add3A_4620 = arith.constant 200 : i32
    %add3A_4621 = vector.broadcast %add3A_4620 : i32 to vector<1x128xi32>
    %add3A_4622 = arith.addi %broadcast_in_dim3A_4619, %add3A_4621 : vector<1x128xi32>
    %gt3A_4623 = arith.cmpf ogt, %broadcast_in_dim3A_4611, %select_n3A_4354 : vector<1x128xf32>
    %select_n3A_4624 = arith.select %gt3A_4623, %broadcast_in_dim3A_4611, %select_n3A_4354 : vector<1x128xi1>, vector<1x128xf32>
    %select_n3A_4625 = arith.select %gt3A_4623, %add3A_4622, %select_n3A_4355 : vector<1x128xi1>, vector<1x128xi32>
    %iota3A_4626 = tpu.iota {dimensions = array<i32: 0>} : vector<200x128xi32>
    %iota3A_4627 = tpu.iota {dimensions = array<i32: 1>} : vector<200x128xi32>
    %iota3A_4628 = tpu.iota {dimensions = array<i32: 0>} : vector<200x128xi32>
    %mul3A_4629 = arith.constant 1000 : i32
    %mul3A_4630 = vector.broadcast %mul3A_4629 : i32 to vector<200x128xi32>
    %mul3A_4631 = arith.muli %iota3A_4627, %mul3A_4630 : vector<200x128xi32>
    %add3A_4632 = vector.broadcast %mul3A_4081 : i32 to vector<200x128xi32>
    %add3A_4633 = arith.addi %add3A_4632, %mul3A_4631 : vector<200x128xi32>
    %add3A_4634 = arith.constant 400 : i32
    %add3A_4635 = vector.broadcast %add3A_4634 : i32 to vector<200x128xi32>
    %add3A_4636 = arith.addi %iota3A_4626, %add3A_4635 : vector<200x128xi32>
    %add3A_4637 = arith.addi %add3A_4633, %add3A_4636 : vector<200x128xi32>
    %get3A_4638 = arith.constant 400 : index
    %get3A_4639 = arith.constant 384 : index
    %get3A_4640 = vector.load %arg1[%get3A_4638, %get3A_4639] : memref<1000x512xf32, #tpu.memory_space<vmem>>, vector<200x128xf32>
    %add3A_4641 = arith.constant 42 : i32
    %add3A_4642 = vector.broadcast %add3A_4641 : i32 to vector<200x128xi32>
    %add3A_4643 = arith.addi %add3A_4637, %add3A_4642 : vector<200x128xi32>
    %shift_left3A_4644 = arith.constant 13 : i32
    %shift_left3A_4645 = vector.broadcast %shift_left3A_4644 : i32 to vector<200x128xi32>
    %shift_left3A_4646 = arith.shli %add3A_4643, %shift_left3A_4645 : vector<200x128xi32>
    %shift_right_logical3A_4647 = arith.constant 19 : i32
    %shift_right_logical3A_4648 = vector.broadcast %shift_right_logical3A_4647 : i32 to vector<200x128xi32>
    %shift_right_logical3A_4649 = arith.shrui %add3A_4643, %shift_right_logical3A_4648 : vector<200x128xi32>
    %or3A_4650 = arith.ori %shift_left3A_4646, %shift_right_logical3A_4649 : vector<200x128xi32>
    %xor3A_4651 = arith.xori %add3A_4643, %or3A_4650 : vector<200x128xi32>
    %add3A_4652 = arith.addi %add3A_4643, %xor3A_4651 : vector<200x128xi32>
    %shift_left3A_4653 = arith.constant 15 : i32
    %shift_left3A_4654 = vector.broadcast %shift_left3A_4653 : i32 to vector<200x128xi32>
    %shift_left3A_4655 = arith.shli %xor3A_4651, %shift_left3A_4654 : vector<200x128xi32>
    %shift_right_logical3A_4656 = arith.constant 17 : i32
    %shift_right_logical3A_4657 = vector.broadcast %shift_right_logical3A_4656 : i32 to vector<200x128xi32>
    %shift_right_logical3A_4658 = arith.shrui %xor3A_4651, %shift_right_logical3A_4657 : vector<200x128xi32>
    %or3A_4659 = arith.ori %shift_left3A_4655, %shift_right_logical3A_4658 : vector<200x128xi32>
    %xor3A_4660 = arith.xori %add3A_4652, %or3A_4659 : vector<200x128xi32>
    %add3A_4661 = arith.addi %add3A_4652, %xor3A_4660 : vector<200x128xi32>
    %shift_left3A_4662 = arith.constant 26 : i32
    %shift_left3A_4663 = vector.broadcast %shift_left3A_4662 : i32 to vector<200x128xi32>
    %shift_left3A_4664 = arith.shli %xor3A_4660, %shift_left3A_4663 : vector<200x128xi32>
    %shift_right_logical3A_4665 = arith.constant 6 : i32
    %shift_right_logical3A_4666 = vector.broadcast %shift_right_logical3A_4665 : i32 to vector<200x128xi32>
    %shift_right_logical3A_4667 = arith.shrui %xor3A_4660, %shift_right_logical3A_4666 : vector<200x128xi32>
    %or3A_4668 = arith.ori %shift_left3A_4664, %shift_right_logical3A_4667 : vector<200x128xi32>
    %xor3A_4669 = arith.xori %add3A_4661, %or3A_4668 : vector<200x128xi32>
    %add3A_4670 = arith.addi %add3A_4661, %xor3A_4669 : vector<200x128xi32>
    %shift_left3A_4671 = arith.constant 6 : i32
    %shift_left3A_4672 = vector.broadcast %shift_left3A_4671 : i32 to vector<200x128xi32>
    %shift_left3A_4673 = arith.shli %xor3A_4669, %shift_left3A_4672 : vector<200x128xi32>
    %shift_right_logical3A_4674 = arith.constant 26 : i32
    %shift_right_logical3A_4675 = vector.broadcast %shift_right_logical3A_4674 : i32 to vector<200x128xi32>
    %shift_right_logical3A_4676 = arith.shrui %xor3A_4669, %shift_right_logical3A_4675 : vector<200x128xi32>
    %or3A_4677 = arith.ori %shift_left3A_4673, %shift_right_logical3A_4676 : vector<200x128xi32>
    %xor3A_4678 = arith.xori %add3A_4670, %or3A_4677 : vector<200x128xi32>
    %add3A_4679 = arith.constant 42 : i32
    %add3A_4680 = vector.broadcast %add3A_4679 : i32 to vector<200x128xi32>
    %add3A_4681 = arith.addi %add3A_4670, %add3A_4680 : vector<200x128xi32>
    %add3A_4682 = arith.constant 466689009 : i32
    %add3A_4683 = vector.broadcast %add3A_4682 : i32 to vector<200x128xi32>
    %add3A_4684 = arith.addi %xor3A_4678, %add3A_4683 : vector<200x128xi32>
    %add3A_4685 = arith.addi %add3A_4681, %add3A_4684 : vector<200x128xi32>
    %shift_left3A_4686 = arith.constant 17 : i32
    %shift_left3A_4687 = vector.broadcast %shift_left3A_4686 : i32 to vector<200x128xi32>
    %shift_left3A_4688 = arith.shli %add3A_4684, %shift_left3A_4687 : vector<200x128xi32>
    %shift_right_logical3A_4689 = arith.constant 15 : i32
    %shift_right_logical3A_4690 = vector.broadcast %shift_right_logical3A_4689 : i32 to vector<200x128xi32>
    %shift_right_logical3A_4691 = arith.shrui %add3A_4684, %shift_right_logical3A_4690 : vector<200x128xi32>
    %or3A_4692 = arith.ori %shift_left3A_4688, %shift_right_logical3A_4691 : vector<200x128xi32>
    %xor3A_4693 = arith.xori %add3A_4685, %or3A_4692 : vector<200x128xi32>
    %add3A_4694 = arith.addi %add3A_4685, %xor3A_4693 : vector<200x128xi32>
    %shift_left3A_4695 = arith.constant 29 : i32
    %shift_left3A_4696 = vector.broadcast %shift_left3A_4695 : i32 to vector<200x128xi32>
    %shift_left3A_4697 = arith.shli %xor3A_4693, %shift_left3A_4696 : vector<200x128xi32>
    %shift_right_logical3A_4698 = arith.constant 3 : i32
    %shift_right_logical3A_4699 = vector.broadcast %shift_right_logical3A_4698 : i32 to vector<200x128xi32>
    %shift_right_logical3A_4700 = arith.shrui %xor3A_4693, %shift_right_logical3A_4699 : vector<200x128xi32>
    %or3A_4701 = arith.ori %shift_left3A_4697, %shift_right_logical3A_4700 : vector<200x128xi32>
    %xor3A_4702 = arith.xori %add3A_4694, %or3A_4701 : vector<200x128xi32>
    %add3A_4703 = arith.addi %add3A_4694, %xor3A_4702 : vector<200x128xi32>
    %shift_left3A_4704 = arith.constant 16 : i32
    %shift_left3A_4705 = vector.broadcast %shift_left3A_4704 : i32 to vector<200x128xi32>
    %shift_left3A_4706 = arith.shli %xor3A_4702, %shift_left3A_4705 : vector<200x128xi32>
    %shift_right_logical3A_4707 = arith.constant 16 : i32
    %shift_right_logical3A_4708 = vector.broadcast %shift_right_logical3A_4707 : i32 to vector<200x128xi32>
    %shift_right_logical3A_4709 = arith.shrui %xor3A_4702, %shift_right_logical3A_4708 : vector<200x128xi32>
    %or3A_4710 = arith.ori %shift_left3A_4706, %shift_right_logical3A_4709 : vector<200x128xi32>
    %xor3A_4711 = arith.xori %add3A_4703, %or3A_4710 : vector<200x128xi32>
    %add3A_4712 = arith.addi %add3A_4703, %xor3A_4711 : vector<200x128xi32>
    %shift_left3A_4713 = arith.constant 24 : i32
    %shift_left3A_4714 = vector.broadcast %shift_left3A_4713 : i32 to vector<200x128xi32>
    %shift_left3A_4715 = arith.shli %xor3A_4711, %shift_left3A_4714 : vector<200x128xi32>
    %shift_right_logical3A_4716 = arith.constant 8 : i32
    %shift_right_logical3A_4717 = vector.broadcast %shift_right_logical3A_4716 : i32 to vector<200x128xi32>
    %shift_right_logical3A_4718 = arith.shrui %xor3A_4711, %shift_right_logical3A_4717 : vector<200x128xi32>
    %or3A_4719 = arith.ori %shift_left3A_4715, %shift_right_logical3A_4718 : vector<200x128xi32>
    %xor3A_4720 = arith.xori %add3A_4712, %or3A_4719 : vector<200x128xi32>
    %add3A_4721 = arith.constant 466689008 : i32
    %add3A_4722 = vector.broadcast %add3A_4721 : i32 to vector<200x128xi32>
    %add3A_4723 = arith.addi %add3A_4712, %add3A_4722 : vector<200x128xi32>
    %add3A_4724 = arith.constant 2 : i32
    %add3A_4725 = vector.broadcast %add3A_4724 : i32 to vector<200x128xi32>
    %add3A_4726 = arith.addi %xor3A_4720, %add3A_4725 : vector<200x128xi32>
    %add3A_4727 = arith.addi %add3A_4723, %add3A_4726 : vector<200x128xi32>
    %shift_left3A_4728 = arith.constant 13 : i32
    %shift_left3A_4729 = vector.broadcast %shift_left3A_4728 : i32 to vector<200x128xi32>
    %shift_left3A_4730 = arith.shli %add3A_4726, %shift_left3A_4729 : vector<200x128xi32>
    %shift_right_logical3A_4731 = arith.constant 19 : i32
    %shift_right_logical3A_4732 = vector.broadcast %shift_right_logical3A_4731 : i32 to vector<200x128xi32>
    %shift_right_logical3A_4733 = arith.shrui %add3A_4726, %shift_right_logical3A_4732 : vector<200x128xi32>
    %or3A_4734 = arith.ori %shift_left3A_4730, %shift_right_logical3A_4733 : vector<200x128xi32>
    %xor3A_4735 = arith.xori %add3A_4727, %or3A_4734 : vector<200x128xi32>
    %add3A_4736 = arith.addi %add3A_4727, %xor3A_4735 : vector<200x128xi32>
    %shift_left3A_4737 = arith.constant 15 : i32
    %shift_left3A_4738 = vector.broadcast %shift_left3A_4737 : i32 to vector<200x128xi32>
    %shift_left3A_4739 = arith.shli %xor3A_4735, %shift_left3A_4738 : vector<200x128xi32>
    %shift_right_logical3A_4740 = arith.constant 17 : i32
    %shift_right_logical3A_4741 = vector.broadcast %shift_right_logical3A_4740 : i32 to vector<200x128xi32>
    %shift_right_logical3A_4742 = arith.shrui %xor3A_4735, %shift_right_logical3A_4741 : vector<200x128xi32>
    %or3A_4743 = arith.ori %shift_left3A_4739, %shift_right_logical3A_4742 : vector<200x128xi32>
    %xor3A_4744 = arith.xori %add3A_4736, %or3A_4743 : vector<200x128xi32>
    %add3A_4745 = arith.addi %add3A_4736, %xor3A_4744 : vector<200x128xi32>
    %shift_left3A_4746 = arith.constant 26 : i32
    %shift_left3A_4747 = vector.broadcast %shift_left3A_4746 : i32 to vector<200x128xi32>
    %shift_left3A_4748 = arith.shli %xor3A_4744, %shift_left3A_4747 : vector<200x128xi32>
    %shift_right_logical3A_4749 = arith.constant 6 : i32
    %shift_right_logical3A_4750 = vector.broadcast %shift_right_logical3A_4749 : i32 to vector<200x128xi32>
    %shift_right_logical3A_4751 = arith.shrui %xor3A_4744, %shift_right_logical3A_4750 : vector<200x128xi32>
    %or3A_4752 = arith.ori %shift_left3A_4748, %shift_right_logical3A_4751 : vector<200x128xi32>
    %xor3A_4753 = arith.xori %add3A_4745, %or3A_4752 : vector<200x128xi32>
    %add3A_4754 = arith.addi %add3A_4745, %xor3A_4753 : vector<200x128xi32>
    %shift_left3A_4755 = arith.constant 6 : i32
    %shift_left3A_4756 = vector.broadcast %shift_left3A_4755 : i32 to vector<200x128xi32>
    %shift_left3A_4757 = arith.shli %xor3A_4753, %shift_left3A_4756 : vector<200x128xi32>
    %shift_right_logical3A_4758 = arith.constant 26 : i32
    %shift_right_logical3A_4759 = vector.broadcast %shift_right_logical3A_4758 : i32 to vector<200x128xi32>
    %shift_right_logical3A_4760 = arith.shrui %xor3A_4753, %shift_right_logical3A_4759 : vector<200x128xi32>
    %or3A_4761 = arith.ori %shift_left3A_4757, %shift_right_logical3A_4760 : vector<200x128xi32>
    %xor3A_4762 = arith.xori %add3A_4754, %or3A_4761 : vector<200x128xi32>
    %add3A_4763 = arith.constant 0 : i32
    %add3A_4764 = vector.broadcast %add3A_4763 : i32 to vector<200x128xi32>
    %add3A_4765 = arith.addi %add3A_4754, %add3A_4764 : vector<200x128xi32>
    %add3A_4766 = arith.constant 45 : i32
    %add3A_4767 = vector.broadcast %add3A_4766 : i32 to vector<200x128xi32>
    %add3A_4768 = arith.addi %xor3A_4762, %add3A_4767 : vector<200x128xi32>
    %add3A_4769 = arith.addi %add3A_4765, %add3A_4768 : vector<200x128xi32>
    %shift_left3A_4770 = arith.constant 17 : i32
    %shift_left3A_4771 = vector.broadcast %shift_left3A_4770 : i32 to vector<200x128xi32>
    %shift_left3A_4772 = arith.shli %add3A_4768, %shift_left3A_4771 : vector<200x128xi32>
    %shift_right_logical3A_4773 = arith.constant 15 : i32
    %shift_right_logical3A_4774 = vector.broadcast %shift_right_logical3A_4773 : i32 to vector<200x128xi32>
    %shift_right_logical3A_4775 = arith.shrui %add3A_4768, %shift_right_logical3A_4774 : vector<200x128xi32>
    %or3A_4776 = arith.ori %shift_left3A_4772, %shift_right_logical3A_4775 : vector<200x128xi32>
    %xor3A_4777 = arith.xori %add3A_4769, %or3A_4776 : vector<200x128xi32>
    %add3A_4778 = arith.addi %add3A_4769, %xor3A_4777 : vector<200x128xi32>
    %shift_left3A_4779 = arith.constant 29 : i32
    %shift_left3A_4780 = vector.broadcast %shift_left3A_4779 : i32 to vector<200x128xi32>
    %shift_left3A_4781 = arith.shli %xor3A_4777, %shift_left3A_4780 : vector<200x128xi32>
    %shift_right_logical3A_4782 = arith.constant 3 : i32
    %shift_right_logical3A_4783 = vector.broadcast %shift_right_logical3A_4782 : i32 to vector<200x128xi32>
    %shift_right_logical3A_4784 = arith.shrui %xor3A_4777, %shift_right_logical3A_4783 : vector<200x128xi32>
    %or3A_4785 = arith.ori %shift_left3A_4781, %shift_right_logical3A_4784 : vector<200x128xi32>
    %xor3A_4786 = arith.xori %add3A_4778, %or3A_4785 : vector<200x128xi32>
    %add3A_4787 = arith.addi %add3A_4778, %xor3A_4786 : vector<200x128xi32>
    %shift_left3A_4788 = arith.constant 16 : i32
    %shift_left3A_4789 = vector.broadcast %shift_left3A_4788 : i32 to vector<200x128xi32>
    %shift_left3A_4790 = arith.shli %xor3A_4786, %shift_left3A_4789 : vector<200x128xi32>
    %shift_right_logical3A_4791 = arith.constant 16 : i32
    %shift_right_logical3A_4792 = vector.broadcast %shift_right_logical3A_4791 : i32 to vector<200x128xi32>
    %shift_right_logical3A_4793 = arith.shrui %xor3A_4786, %shift_right_logical3A_4792 : vector<200x128xi32>
    %or3A_4794 = arith.ori %shift_left3A_4790, %shift_right_logical3A_4793 : vector<200x128xi32>
    %xor3A_4795 = arith.xori %add3A_4787, %or3A_4794 : vector<200x128xi32>
    %add3A_4796 = arith.addi %add3A_4787, %xor3A_4795 : vector<200x128xi32>
    %shift_left3A_4797 = arith.constant 24 : i32
    %shift_left3A_4798 = vector.broadcast %shift_left3A_4797 : i32 to vector<200x128xi32>
    %shift_left3A_4799 = arith.shli %xor3A_4795, %shift_left3A_4798 : vector<200x128xi32>
    %shift_right_logical3A_4800 = arith.constant 8 : i32
    %shift_right_logical3A_4801 = vector.broadcast %shift_right_logical3A_4800 : i32 to vector<200x128xi32>
    %shift_right_logical3A_4802 = arith.shrui %xor3A_4795, %shift_right_logical3A_4801 : vector<200x128xi32>
    %or3A_4803 = arith.ori %shift_left3A_4799, %shift_right_logical3A_4802 : vector<200x128xi32>
    %xor3A_4804 = arith.xori %add3A_4796, %or3A_4803 : vector<200x128xi32>
    %add3A_4805 = arith.constant 42 : i32
    %add3A_4806 = vector.broadcast %add3A_4805 : i32 to vector<200x128xi32>
    %add3A_4807 = arith.addi %add3A_4796, %add3A_4806 : vector<200x128xi32>
    %add3A_4808 = arith.constant 466689012 : i32
    %add3A_4809 = vector.broadcast %add3A_4808 : i32 to vector<200x128xi32>
    %add3A_4810 = arith.addi %xor3A_4804, %add3A_4809 : vector<200x128xi32>
    %add3A_4811 = arith.addi %add3A_4807, %add3A_4810 : vector<200x128xi32>
    %shift_left3A_4812 = arith.constant 13 : i32
    %shift_left3A_4813 = vector.broadcast %shift_left3A_4812 : i32 to vector<200x128xi32>
    %shift_left3A_4814 = arith.shli %add3A_4810, %shift_left3A_4813 : vector<200x128xi32>
    %shift_right_logical3A_4815 = arith.constant 19 : i32
    %shift_right_logical3A_4816 = vector.broadcast %shift_right_logical3A_4815 : i32 to vector<200x128xi32>
    %shift_right_logical3A_4817 = arith.shrui %add3A_4810, %shift_right_logical3A_4816 : vector<200x128xi32>
    %or3A_4818 = arith.ori %shift_left3A_4814, %shift_right_logical3A_4817 : vector<200x128xi32>
    %xor3A_4819 = arith.xori %add3A_4811, %or3A_4818 : vector<200x128xi32>
    %add3A_4820 = arith.addi %add3A_4811, %xor3A_4819 : vector<200x128xi32>
    %shift_left3A_4821 = arith.constant 15 : i32
    %shift_left3A_4822 = vector.broadcast %shift_left3A_4821 : i32 to vector<200x128xi32>
    %shift_left3A_4823 = arith.shli %xor3A_4819, %shift_left3A_4822 : vector<200x128xi32>
    %shift_right_logical3A_4824 = arith.constant 17 : i32
    %shift_right_logical3A_4825 = vector.broadcast %shift_right_logical3A_4824 : i32 to vector<200x128xi32>
    %shift_right_logical3A_4826 = arith.shrui %xor3A_4819, %shift_right_logical3A_4825 : vector<200x128xi32>
    %or3A_4827 = arith.ori %shift_left3A_4823, %shift_right_logical3A_4826 : vector<200x128xi32>
    %xor3A_4828 = arith.xori %add3A_4820, %or3A_4827 : vector<200x128xi32>
    %add3A_4829 = arith.addi %add3A_4820, %xor3A_4828 : vector<200x128xi32>
    %shift_left3A_4830 = arith.constant 26 : i32
    %shift_left3A_4831 = vector.broadcast %shift_left3A_4830 : i32 to vector<200x128xi32>
    %shift_left3A_4832 = arith.shli %xor3A_4828, %shift_left3A_4831 : vector<200x128xi32>
    %shift_right_logical3A_4833 = arith.constant 6 : i32
    %shift_right_logical3A_4834 = vector.broadcast %shift_right_logical3A_4833 : i32 to vector<200x128xi32>
    %shift_right_logical3A_4835 = arith.shrui %xor3A_4828, %shift_right_logical3A_4834 : vector<200x128xi32>
    %or3A_4836 = arith.ori %shift_left3A_4832, %shift_right_logical3A_4835 : vector<200x128xi32>
    %xor3A_4837 = arith.xori %add3A_4829, %or3A_4836 : vector<200x128xi32>
    %add3A_4838 = arith.addi %add3A_4829, %xor3A_4837 : vector<200x128xi32>
    %shift_left3A_4839 = arith.constant 6 : i32
    %shift_left3A_4840 = vector.broadcast %shift_left3A_4839 : i32 to vector<200x128xi32>
    %shift_left3A_4841 = arith.shli %xor3A_4837, %shift_left3A_4840 : vector<200x128xi32>
    %shift_right_logical3A_4842 = arith.constant 26 : i32
    %shift_right_logical3A_4843 = vector.broadcast %shift_right_logical3A_4842 : i32 to vector<200x128xi32>
    %shift_right_logical3A_4844 = arith.shrui %xor3A_4837, %shift_right_logical3A_4843 : vector<200x128xi32>
    %or3A_4845 = arith.ori %shift_left3A_4841, %shift_right_logical3A_4844 : vector<200x128xi32>
    %xor3A_4846 = arith.xori %add3A_4838, %or3A_4845 : vector<200x128xi32>
    %add3A_4847 = arith.constant 466689008 : i32
    %add3A_4848 = vector.broadcast %add3A_4847 : i32 to vector<200x128xi32>
    %add3A_4849 = arith.addi %add3A_4838, %add3A_4848 : vector<200x128xi32>
    %add3A_4850 = arith.constant 5 : i32
    %add3A_4851 = vector.broadcast %add3A_4850 : i32 to vector<200x128xi32>
    %add3A_4852 = arith.addi %xor3A_4846, %add3A_4851 : vector<200x128xi32>
    %xor3A_4853 = arith.xori %add3A_4849, %add3A_4852 : vector<200x128xi32>
    %shift_right_logical3A_4854 = arith.constant 9 : i32
    %shift_right_logical3A_4855 = vector.broadcast %shift_right_logical3A_4854 : i32 to vector<200x128xi32>
    %shift_right_logical3A_4856 = arith.shrui %xor3A_4853, %shift_right_logical3A_4855 : vector<200x128xi32>
    %or3A_4857 = arith.constant 1065353216 : i32
    %or3A_4858 = vector.broadcast %or3A_4857 : i32 to vector<200x128xi32>
    %or3A_4859 = arith.ori %shift_right_logical3A_4856, %or3A_4858 : vector<200x128xi32>
    %bitcast_convert_type3A_4860 = tpu.bitcast %or3A_4859 : vector<200x128xi32> -> vector<200x128xf32>
    %sub3A_4861 = arith.constant 1.000000e+00 : f32
    %sub3A_4862 = vector.broadcast %sub3A_4861 : f32 to vector<200x128xf32>
    %sub3A_4863 = arith.subf %bitcast_convert_type3A_4860, %sub3A_4862 : vector<200x128xf32>
    %add3A_4864 = arith.constant 1.000000e-10 : f32
    %add3A_4865 = vector.broadcast %add3A_4864 : f32 to vector<200x128xf32>
    %add3A_4866 = arith.addf %sub3A_4863, %add3A_4865 : vector<200x128xf32>
    %max3A_4867 = arith.constant 1.000000e-10 : f32
    %max3A_4868 = vector.broadcast %max3A_4867 : f32 to vector<200x128xf32>
    %max3A_4869 = arith.maximumf %max3A_4868, %add3A_4866 : vector<200x128xf32>
    %log3A_4870 = math.log %max3A_4869 : vector<200x128xf32>
    %neg3A_4871 = arith.constant 0.000000e+00 : f32
    %neg3A_4872 = vector.broadcast %neg3A_4871 : f32 to vector<200x128xf32>
    %neg3A_4873 = arith.subf %neg3A_4872, %log3A_4870 : vector<200x128xf32>
    %log3A_4874 = math.log %neg3A_4873 : vector<200x128xf32>
    %neg3A_4875 = arith.constant 0.000000e+00 : f32
    %neg3A_4876 = vector.broadcast %neg3A_4875 : f32 to vector<200x128xf32>
    %neg3A_4877 = arith.subf %neg3A_4876, %log3A_4874 : vector<200x128xf32>
    %add3A_4878 = arith.addf %get3A_4640, %neg3A_4877 : vector<200x128xf32>
    %reduce_max3A_4879 = arith.constant dense<0xFF800000> : vector<128xf32>
    %reduce_max3A_4880 = vector.multi_reduction <maximumf>, %add3A_4878, %reduce_max3A_4879 [0] : vector<200x128xf32> to vector<128xf32>
    %broadcast_in_dim3A_4881 = vector.shape_cast %reduce_max3A_4880 : vector<128xf32> to vector<1x128xf32>
    %eq3A_4882 = vector.broadcast %broadcast_in_dim3A_4881 : vector<1x128xf32> to vector<200x128xf32>
    %eq3A_4883 = arith.cmpf oeq, %add3A_4878, %eq3A_4882 : vector<200x128xf32>
    %jit3A_4884 = arith.constant 1073741824 : i32
    %broadcast_in_dim3A_4885 = vector.broadcast %jit3A_4884 : i32 to vector<200x128xi32>
    %select_n3A_4886 = arith.select %eq3A_4883, %iota3A_4628, %broadcast_in_dim3A_4885 : vector<200x128xi1>, vector<200x128xi32>
    %reduce_min3A_4887 = arith.constant dense<2147483647> : vector<128xi32>
    %reduce_min3A_4888 = vector.multi_reduction <minsi>, %select_n3A_4886, %reduce_min3A_4887 [0] : vector<200x128xi32> to vector<128xi32>
    %broadcast_in_dim3A_4889 = vector.shape_cast %reduce_min3A_4888 : vector<128xi32> to vector<1x128xi32>
    %add3A_4890 = arith.constant 400 : i32
    %add3A_4891 = vector.broadcast %add3A_4890 : i32 to vector<1x128xi32>
    %add3A_4892 = arith.addi %broadcast_in_dim3A_4889, %add3A_4891 : vector<1x128xi32>
    %gt3A_4893 = arith.cmpf ogt, %broadcast_in_dim3A_4881, %select_n3A_4624 : vector<1x128xf32>
    %select_n3A_4894 = arith.select %gt3A_4893, %broadcast_in_dim3A_4881, %select_n3A_4624 : vector<1x128xi1>, vector<1x128xf32>
    %select_n3A_4895 = arith.select %gt3A_4893, %add3A_4892, %select_n3A_4625 : vector<1x128xi1>, vector<1x128xi32>
    %iota3A_4896 = tpu.iota {dimensions = array<i32: 0>} : vector<200x128xi32>
    %iota3A_4897 = tpu.iota {dimensions = array<i32: 1>} : vector<200x128xi32>
    %iota3A_4898 = tpu.iota {dimensions = array<i32: 0>} : vector<200x128xi32>
    %mul3A_4899 = arith.constant 1000 : i32
    %mul3A_4900 = vector.broadcast %mul3A_4899 : i32 to vector<200x128xi32>
    %mul3A_4901 = arith.muli %iota3A_4897, %mul3A_4900 : vector<200x128xi32>
    %add3A_4902 = vector.broadcast %mul3A_4081 : i32 to vector<200x128xi32>
    %add3A_4903 = arith.addi %add3A_4902, %mul3A_4901 : vector<200x128xi32>
    %add3A_4904 = arith.constant 600 : i32
    %add3A_4905 = vector.broadcast %add3A_4904 : i32 to vector<200x128xi32>
    %add3A_4906 = arith.addi %iota3A_4896, %add3A_4905 : vector<200x128xi32>
    %add3A_4907 = arith.addi %add3A_4903, %add3A_4906 : vector<200x128xi32>
    %get3A_4908 = arith.constant 600 : index
    %get3A_4909 = arith.constant 384 : index
    %get3A_4910 = vector.load %arg1[%get3A_4908, %get3A_4909] : memref<1000x512xf32, #tpu.memory_space<vmem>>, vector<200x128xf32>
    %add3A_4911 = arith.constant 42 : i32
    %add3A_4912 = vector.broadcast %add3A_4911 : i32 to vector<200x128xi32>
    %add3A_4913 = arith.addi %add3A_4907, %add3A_4912 : vector<200x128xi32>
    %shift_left3A_4914 = arith.constant 13 : i32
    %shift_left3A_4915 = vector.broadcast %shift_left3A_4914 : i32 to vector<200x128xi32>
    %shift_left3A_4916 = arith.shli %add3A_4913, %shift_left3A_4915 : vector<200x128xi32>
    %shift_right_logical3A_4917 = arith.constant 19 : i32
    %shift_right_logical3A_4918 = vector.broadcast %shift_right_logical3A_4917 : i32 to vector<200x128xi32>
    %shift_right_logical3A_4919 = arith.shrui %add3A_4913, %shift_right_logical3A_4918 : vector<200x128xi32>
    %or3A_4920 = arith.ori %shift_left3A_4916, %shift_right_logical3A_4919 : vector<200x128xi32>
    %xor3A_4921 = arith.xori %add3A_4913, %or3A_4920 : vector<200x128xi32>
    %add3A_4922 = arith.addi %add3A_4913, %xor3A_4921 : vector<200x128xi32>
    %shift_left3A_4923 = arith.constant 15 : i32
    %shift_left3A_4924 = vector.broadcast %shift_left3A_4923 : i32 to vector<200x128xi32>
    %shift_left3A_4925 = arith.shli %xor3A_4921, %shift_left3A_4924 : vector<200x128xi32>
    %shift_right_logical3A_4926 = arith.constant 17 : i32
    %shift_right_logical3A_4927 = vector.broadcast %shift_right_logical3A_4926 : i32 to vector<200x128xi32>
    %shift_right_logical3A_4928 = arith.shrui %xor3A_4921, %shift_right_logical3A_4927 : vector<200x128xi32>
    %or3A_4929 = arith.ori %shift_left3A_4925, %shift_right_logical3A_4928 : vector<200x128xi32>
    %xor3A_4930 = arith.xori %add3A_4922, %or3A_4929 : vector<200x128xi32>
    %add3A_4931 = arith.addi %add3A_4922, %xor3A_4930 : vector<200x128xi32>
    %shift_left3A_4932 = arith.constant 26 : i32
    %shift_left3A_4933 = vector.broadcast %shift_left3A_4932 : i32 to vector<200x128xi32>
    %shift_left3A_4934 = arith.shli %xor3A_4930, %shift_left3A_4933 : vector<200x128xi32>
    %shift_right_logical3A_4935 = arith.constant 6 : i32
    %shift_right_logical3A_4936 = vector.broadcast %shift_right_logical3A_4935 : i32 to vector<200x128xi32>
    %shift_right_logical3A_4937 = arith.shrui %xor3A_4930, %shift_right_logical3A_4936 : vector<200x128xi32>
    %or3A_4938 = arith.ori %shift_left3A_4934, %shift_right_logical3A_4937 : vector<200x128xi32>
    %xor3A_4939 = arith.xori %add3A_4931, %or3A_4938 : vector<200x128xi32>
    %add3A_4940 = arith.addi %add3A_4931, %xor3A_4939 : vector<200x128xi32>
    %shift_left3A_4941 = arith.constant 6 : i32
    %shift_left3A_4942 = vector.broadcast %shift_left3A_4941 : i32 to vector<200x128xi32>
    %shift_left3A_4943 = arith.shli %xor3A_4939, %shift_left3A_4942 : vector<200x128xi32>
    %shift_right_logical3A_4944 = arith.constant 26 : i32
    %shift_right_logical3A_4945 = vector.broadcast %shift_right_logical3A_4944 : i32 to vector<200x128xi32>
    %shift_right_logical3A_4946 = arith.shrui %xor3A_4939, %shift_right_logical3A_4945 : vector<200x128xi32>
    %or3A_4947 = arith.ori %shift_left3A_4943, %shift_right_logical3A_4946 : vector<200x128xi32>
    %xor3A_4948 = arith.xori %add3A_4940, %or3A_4947 : vector<200x128xi32>
    %add3A_4949 = arith.constant 42 : i32
    %add3A_4950 = vector.broadcast %add3A_4949 : i32 to vector<200x128xi32>
    %add3A_4951 = arith.addi %add3A_4940, %add3A_4950 : vector<200x128xi32>
    %add3A_4952 = arith.constant 466689009 : i32
    %add3A_4953 = vector.broadcast %add3A_4952 : i32 to vector<200x128xi32>
    %add3A_4954 = arith.addi %xor3A_4948, %add3A_4953 : vector<200x128xi32>
    %add3A_4955 = arith.addi %add3A_4951, %add3A_4954 : vector<200x128xi32>
    %shift_left3A_4956 = arith.constant 17 : i32
    %shift_left3A_4957 = vector.broadcast %shift_left3A_4956 : i32 to vector<200x128xi32>
    %shift_left3A_4958 = arith.shli %add3A_4954, %shift_left3A_4957 : vector<200x128xi32>
    %shift_right_logical3A_4959 = arith.constant 15 : i32
    %shift_right_logical3A_4960 = vector.broadcast %shift_right_logical3A_4959 : i32 to vector<200x128xi32>
    %shift_right_logical3A_4961 = arith.shrui %add3A_4954, %shift_right_logical3A_4960 : vector<200x128xi32>
    %or3A_4962 = arith.ori %shift_left3A_4958, %shift_right_logical3A_4961 : vector<200x128xi32>
    %xor3A_4963 = arith.xori %add3A_4955, %or3A_4962 : vector<200x128xi32>
    %add3A_4964 = arith.addi %add3A_4955, %xor3A_4963 : vector<200x128xi32>
    %shift_left3A_4965 = arith.constant 29 : i32
    %shift_left3A_4966 = vector.broadcast %shift_left3A_4965 : i32 to vector<200x128xi32>
    %shift_left3A_4967 = arith.shli %xor3A_4963, %shift_left3A_4966 : vector<200x128xi32>
    %shift_right_logical3A_4968 = arith.constant 3 : i32
    %shift_right_logical3A_4969 = vector.broadcast %shift_right_logical3A_4968 : i32 to vector<200x128xi32>
    %shift_right_logical3A_4970 = arith.shrui %xor3A_4963, %shift_right_logical3A_4969 : vector<200x128xi32>
    %or3A_4971 = arith.ori %shift_left3A_4967, %shift_right_logical3A_4970 : vector<200x128xi32>
    %xor3A_4972 = arith.xori %add3A_4964, %or3A_4971 : vector<200x128xi32>
    %add3A_4973 = arith.addi %add3A_4964, %xor3A_4972 : vector<200x128xi32>
    %shift_left3A_4974 = arith.constant 16 : i32
    %shift_left3A_4975 = vector.broadcast %shift_left3A_4974 : i32 to vector<200x128xi32>
    %shift_left3A_4976 = arith.shli %xor3A_4972, %shift_left3A_4975 : vector<200x128xi32>
    %shift_right_logical3A_4977 = arith.constant 16 : i32
    %shift_right_logical3A_4978 = vector.broadcast %shift_right_logical3A_4977 : i32 to vector<200x128xi32>
    %shift_right_logical3A_4979 = arith.shrui %xor3A_4972, %shift_right_logical3A_4978 : vector<200x128xi32>
    %or3A_4980 = arith.ori %shift_left3A_4976, %shift_right_logical3A_4979 : vector<200x128xi32>
    %xor3A_4981 = arith.xori %add3A_4973, %or3A_4980 : vector<200x128xi32>
    %add3A_4982 = arith.addi %add3A_4973, %xor3A_4981 : vector<200x128xi32>
    %shift_left3A_4983 = arith.constant 24 : i32
    %shift_left3A_4984 = vector.broadcast %shift_left3A_4983 : i32 to vector<200x128xi32>
    %shift_left3A_4985 = arith.shli %xor3A_4981, %shift_left3A_4984 : vector<200x128xi32>
    %shift_right_logical3A_4986 = arith.constant 8 : i32
    %shift_right_logical3A_4987 = vector.broadcast %shift_right_logical3A_4986 : i32 to vector<200x128xi32>
    %shift_right_logical3A_4988 = arith.shrui %xor3A_4981, %shift_right_logical3A_4987 : vector<200x128xi32>
    %or3A_4989 = arith.ori %shift_left3A_4985, %shift_right_logical3A_4988 : vector<200x128xi32>
    %xor3A_4990 = arith.xori %add3A_4982, %or3A_4989 : vector<200x128xi32>
    %add3A_4991 = arith.constant 466689008 : i32
    %add3A_4992 = vector.broadcast %add3A_4991 : i32 to vector<200x128xi32>
    %add3A_4993 = arith.addi %add3A_4982, %add3A_4992 : vector<200x128xi32>
    %add3A_4994 = arith.constant 2 : i32
    %add3A_4995 = vector.broadcast %add3A_4994 : i32 to vector<200x128xi32>
    %add3A_4996 = arith.addi %xor3A_4990, %add3A_4995 : vector<200x128xi32>
    %add3A_4997 = arith.addi %add3A_4993, %add3A_4996 : vector<200x128xi32>
    %shift_left3A_4998 = arith.constant 13 : i32
    %shift_left3A_4999 = vector.broadcast %shift_left3A_4998 : i32 to vector<200x128xi32>
    %shift_left3A_5000 = arith.shli %add3A_4996, %shift_left3A_4999 : vector<200x128xi32>
    %shift_right_logical3A_5001 = arith.constant 19 : i32
    %shift_right_logical3A_5002 = vector.broadcast %shift_right_logical3A_5001 : i32 to vector<200x128xi32>
    %shift_right_logical3A_5003 = arith.shrui %add3A_4996, %shift_right_logical3A_5002 : vector<200x128xi32>
    %or3A_5004 = arith.ori %shift_left3A_5000, %shift_right_logical3A_5003 : vector<200x128xi32>
    %xor3A_5005 = arith.xori %add3A_4997, %or3A_5004 : vector<200x128xi32>
    %add3A_5006 = arith.addi %add3A_4997, %xor3A_5005 : vector<200x128xi32>
    %shift_left3A_5007 = arith.constant 15 : i32
    %shift_left3A_5008 = vector.broadcast %shift_left3A_5007 : i32 to vector<200x128xi32>
    %shift_left3A_5009 = arith.shli %xor3A_5005, %shift_left3A_5008 : vector<200x128xi32>
    %shift_right_logical3A_5010 = arith.constant 17 : i32
    %shift_right_logical3A_5011 = vector.broadcast %shift_right_logical3A_5010 : i32 to vector<200x128xi32>
    %shift_right_logical3A_5012 = arith.shrui %xor3A_5005, %shift_right_logical3A_5011 : vector<200x128xi32>
    %or3A_5013 = arith.ori %shift_left3A_5009, %shift_right_logical3A_5012 : vector<200x128xi32>
    %xor3A_5014 = arith.xori %add3A_5006, %or3A_5013 : vector<200x128xi32>
    %add3A_5015 = arith.addi %add3A_5006, %xor3A_5014 : vector<200x128xi32>
    %shift_left3A_5016 = arith.constant 26 : i32
    %shift_left3A_5017 = vector.broadcast %shift_left3A_5016 : i32 to vector<200x128xi32>
    %shift_left3A_5018 = arith.shli %xor3A_5014, %shift_left3A_5017 : vector<200x128xi32>
    %shift_right_logical3A_5019 = arith.constant 6 : i32
    %shift_right_logical3A_5020 = vector.broadcast %shift_right_logical3A_5019 : i32 to vector<200x128xi32>
    %shift_right_logical3A_5021 = arith.shrui %xor3A_5014, %shift_right_logical3A_5020 : vector<200x128xi32>
    %or3A_5022 = arith.ori %shift_left3A_5018, %shift_right_logical3A_5021 : vector<200x128xi32>
    %xor3A_5023 = arith.xori %add3A_5015, %or3A_5022 : vector<200x128xi32>
    %add3A_5024 = arith.addi %add3A_5015, %xor3A_5023 : vector<200x128xi32>
    %shift_left3A_5025 = arith.constant 6 : i32
    %shift_left3A_5026 = vector.broadcast %shift_left3A_5025 : i32 to vector<200x128xi32>
    %shift_left3A_5027 = arith.shli %xor3A_5023, %shift_left3A_5026 : vector<200x128xi32>
    %shift_right_logical3A_5028 = arith.constant 26 : i32
    %shift_right_logical3A_5029 = vector.broadcast %shift_right_logical3A_5028 : i32 to vector<200x128xi32>
    %shift_right_logical3A_5030 = arith.shrui %xor3A_5023, %shift_right_logical3A_5029 : vector<200x128xi32>
    %or3A_5031 = arith.ori %shift_left3A_5027, %shift_right_logical3A_5030 : vector<200x128xi32>
    %xor3A_5032 = arith.xori %add3A_5024, %or3A_5031 : vector<200x128xi32>
    %add3A_5033 = arith.constant 0 : i32
    %add3A_5034 = vector.broadcast %add3A_5033 : i32 to vector<200x128xi32>
    %add3A_5035 = arith.addi %add3A_5024, %add3A_5034 : vector<200x128xi32>
    %add3A_5036 = arith.constant 45 : i32
    %add3A_5037 = vector.broadcast %add3A_5036 : i32 to vector<200x128xi32>
    %add3A_5038 = arith.addi %xor3A_5032, %add3A_5037 : vector<200x128xi32>
    %add3A_5039 = arith.addi %add3A_5035, %add3A_5038 : vector<200x128xi32>
    %shift_left3A_5040 = arith.constant 17 : i32
    %shift_left3A_5041 = vector.broadcast %shift_left3A_5040 : i32 to vector<200x128xi32>
    %shift_left3A_5042 = arith.shli %add3A_5038, %shift_left3A_5041 : vector<200x128xi32>
    %shift_right_logical3A_5043 = arith.constant 15 : i32
    %shift_right_logical3A_5044 = vector.broadcast %shift_right_logical3A_5043 : i32 to vector<200x128xi32>
    %shift_right_logical3A_5045 = arith.shrui %add3A_5038, %shift_right_logical3A_5044 : vector<200x128xi32>
    %or3A_5046 = arith.ori %shift_left3A_5042, %shift_right_logical3A_5045 : vector<200x128xi32>
    %xor3A_5047 = arith.xori %add3A_5039, %or3A_5046 : vector<200x128xi32>
    %add3A_5048 = arith.addi %add3A_5039, %xor3A_5047 : vector<200x128xi32>
    %shift_left3A_5049 = arith.constant 29 : i32
    %shift_left3A_5050 = vector.broadcast %shift_left3A_5049 : i32 to vector<200x128xi32>
    %shift_left3A_5051 = arith.shli %xor3A_5047, %shift_left3A_5050 : vector<200x128xi32>
    %shift_right_logical3A_5052 = arith.constant 3 : i32
    %shift_right_logical3A_5053 = vector.broadcast %shift_right_logical3A_5052 : i32 to vector<200x128xi32>
    %shift_right_logical3A_5054 = arith.shrui %xor3A_5047, %shift_right_logical3A_5053 : vector<200x128xi32>
    %or3A_5055 = arith.ori %shift_left3A_5051, %shift_right_logical3A_5054 : vector<200x128xi32>
    %xor3A_5056 = arith.xori %add3A_5048, %or3A_5055 : vector<200x128xi32>
    %add3A_5057 = arith.addi %add3A_5048, %xor3A_5056 : vector<200x128xi32>
    %shift_left3A_5058 = arith.constant 16 : i32
    %shift_left3A_5059 = vector.broadcast %shift_left3A_5058 : i32 to vector<200x128xi32>
    %shift_left3A_5060 = arith.shli %xor3A_5056, %shift_left3A_5059 : vector<200x128xi32>
    %shift_right_logical3A_5061 = arith.constant 16 : i32
    %shift_right_logical3A_5062 = vector.broadcast %shift_right_logical3A_5061 : i32 to vector<200x128xi32>
    %shift_right_logical3A_5063 = arith.shrui %xor3A_5056, %shift_right_logical3A_5062 : vector<200x128xi32>
    %or3A_5064 = arith.ori %shift_left3A_5060, %shift_right_logical3A_5063 : vector<200x128xi32>
    %xor3A_5065 = arith.xori %add3A_5057, %or3A_5064 : vector<200x128xi32>
    %add3A_5066 = arith.addi %add3A_5057, %xor3A_5065 : vector<200x128xi32>
    %shift_left3A_5067 = arith.constant 24 : i32
    %shift_left3A_5068 = vector.broadcast %shift_left3A_5067 : i32 to vector<200x128xi32>
    %shift_left3A_5069 = arith.shli %xor3A_5065, %shift_left3A_5068 : vector<200x128xi32>
    %shift_right_logical3A_5070 = arith.constant 8 : i32
    %shift_right_logical3A_5071 = vector.broadcast %shift_right_logical3A_5070 : i32 to vector<200x128xi32>
    %shift_right_logical3A_5072 = arith.shrui %xor3A_5065, %shift_right_logical3A_5071 : vector<200x128xi32>
    %or3A_5073 = arith.ori %shift_left3A_5069, %shift_right_logical3A_5072 : vector<200x128xi32>
    %xor3A_5074 = arith.xori %add3A_5066, %or3A_5073 : vector<200x128xi32>
    %add3A_5075 = arith.constant 42 : i32
    %add3A_5076 = vector.broadcast %add3A_5075 : i32 to vector<200x128xi32>
    %add3A_5077 = arith.addi %add3A_5066, %add3A_5076 : vector<200x128xi32>
    %add3A_5078 = arith.constant 466689012 : i32
    %add3A_5079 = vector.broadcast %add3A_5078 : i32 to vector<200x128xi32>
    %add3A_5080 = arith.addi %xor3A_5074, %add3A_5079 : vector<200x128xi32>
    %add3A_5081 = arith.addi %add3A_5077, %add3A_5080 : vector<200x128xi32>
    %shift_left3A_5082 = arith.constant 13 : i32
    %shift_left3A_5083 = vector.broadcast %shift_left3A_5082 : i32 to vector<200x128xi32>
    %shift_left3A_5084 = arith.shli %add3A_5080, %shift_left3A_5083 : vector<200x128xi32>
    %shift_right_logical3A_5085 = arith.constant 19 : i32
    %shift_right_logical3A_5086 = vector.broadcast %shift_right_logical3A_5085 : i32 to vector<200x128xi32>
    %shift_right_logical3A_5087 = arith.shrui %add3A_5080, %shift_right_logical3A_5086 : vector<200x128xi32>
    %or3A_5088 = arith.ori %shift_left3A_5084, %shift_right_logical3A_5087 : vector<200x128xi32>
    %xor3A_5089 = arith.xori %add3A_5081, %or3A_5088 : vector<200x128xi32>
    %add3A_5090 = arith.addi %add3A_5081, %xor3A_5089 : vector<200x128xi32>
    %shift_left3A_5091 = arith.constant 15 : i32
    %shift_left3A_5092 = vector.broadcast %shift_left3A_5091 : i32 to vector<200x128xi32>
    %shift_left3A_5093 = arith.shli %xor3A_5089, %shift_left3A_5092 : vector<200x128xi32>
    %shift_right_logical3A_5094 = arith.constant 17 : i32
    %shift_right_logical3A_5095 = vector.broadcast %shift_right_logical3A_5094 : i32 to vector<200x128xi32>
    %shift_right_logical3A_5096 = arith.shrui %xor3A_5089, %shift_right_logical3A_5095 : vector<200x128xi32>
    %or3A_5097 = arith.ori %shift_left3A_5093, %shift_right_logical3A_5096 : vector<200x128xi32>
    %xor3A_5098 = arith.xori %add3A_5090, %or3A_5097 : vector<200x128xi32>
    %add3A_5099 = arith.addi %add3A_5090, %xor3A_5098 : vector<200x128xi32>
    %shift_left3A_5100 = arith.constant 26 : i32
    %shift_left3A_5101 = vector.broadcast %shift_left3A_5100 : i32 to vector<200x128xi32>
    %shift_left3A_5102 = arith.shli %xor3A_5098, %shift_left3A_5101 : vector<200x128xi32>
    %shift_right_logical3A_5103 = arith.constant 6 : i32
    %shift_right_logical3A_5104 = vector.broadcast %shift_right_logical3A_5103 : i32 to vector<200x128xi32>
    %shift_right_logical3A_5105 = arith.shrui %xor3A_5098, %shift_right_logical3A_5104 : vector<200x128xi32>
    %or3A_5106 = arith.ori %shift_left3A_5102, %shift_right_logical3A_5105 : vector<200x128xi32>
    %xor3A_5107 = arith.xori %add3A_5099, %or3A_5106 : vector<200x128xi32>
    %add3A_5108 = arith.addi %add3A_5099, %xor3A_5107 : vector<200x128xi32>
    %shift_left3A_5109 = arith.constant 6 : i32
    %shift_left3A_5110 = vector.broadcast %shift_left3A_5109 : i32 to vector<200x128xi32>
    %shift_left3A_5111 = arith.shli %xor3A_5107, %shift_left3A_5110 : vector<200x128xi32>
    %shift_right_logical3A_5112 = arith.constant 26 : i32
    %shift_right_logical3A_5113 = vector.broadcast %shift_right_logical3A_5112 : i32 to vector<200x128xi32>
    %shift_right_logical3A_5114 = arith.shrui %xor3A_5107, %shift_right_logical3A_5113 : vector<200x128xi32>
    %or3A_5115 = arith.ori %shift_left3A_5111, %shift_right_logical3A_5114 : vector<200x128xi32>
    %xor3A_5116 = arith.xori %add3A_5108, %or3A_5115 : vector<200x128xi32>
    %add3A_5117 = arith.constant 466689008 : i32
    %add3A_5118 = vector.broadcast %add3A_5117 : i32 to vector<200x128xi32>
    %add3A_5119 = arith.addi %add3A_5108, %add3A_5118 : vector<200x128xi32>
    %add3A_5120 = arith.constant 5 : i32
    %add3A_5121 = vector.broadcast %add3A_5120 : i32 to vector<200x128xi32>
    %add3A_5122 = arith.addi %xor3A_5116, %add3A_5121 : vector<200x128xi32>
    %xor3A_5123 = arith.xori %add3A_5119, %add3A_5122 : vector<200x128xi32>
    %shift_right_logical3A_5124 = arith.constant 9 : i32
    %shift_right_logical3A_5125 = vector.broadcast %shift_right_logical3A_5124 : i32 to vector<200x128xi32>
    %shift_right_logical3A_5126 = arith.shrui %xor3A_5123, %shift_right_logical3A_5125 : vector<200x128xi32>
    %or3A_5127 = arith.constant 1065353216 : i32
    %or3A_5128 = vector.broadcast %or3A_5127 : i32 to vector<200x128xi32>
    %or3A_5129 = arith.ori %shift_right_logical3A_5126, %or3A_5128 : vector<200x128xi32>
    %bitcast_convert_type3A_5130 = tpu.bitcast %or3A_5129 : vector<200x128xi32> -> vector<200x128xf32>
    %sub3A_5131 = arith.constant 1.000000e+00 : f32
    %sub3A_5132 = vector.broadcast %sub3A_5131 : f32 to vector<200x128xf32>
    %sub3A_5133 = arith.subf %bitcast_convert_type3A_5130, %sub3A_5132 : vector<200x128xf32>
    %add3A_5134 = arith.constant 1.000000e-10 : f32
    %add3A_5135 = vector.broadcast %add3A_5134 : f32 to vector<200x128xf32>
    %add3A_5136 = arith.addf %sub3A_5133, %add3A_5135 : vector<200x128xf32>
    %max3A_5137 = arith.constant 1.000000e-10 : f32
    %max3A_5138 = vector.broadcast %max3A_5137 : f32 to vector<200x128xf32>
    %max3A_5139 = arith.maximumf %max3A_5138, %add3A_5136 : vector<200x128xf32>
    %log3A_5140 = math.log %max3A_5139 : vector<200x128xf32>
    %neg3A_5141 = arith.constant 0.000000e+00 : f32
    %neg3A_5142 = vector.broadcast %neg3A_5141 : f32 to vector<200x128xf32>
    %neg3A_5143 = arith.subf %neg3A_5142, %log3A_5140 : vector<200x128xf32>
    %log3A_5144 = math.log %neg3A_5143 : vector<200x128xf32>
    %neg3A_5145 = arith.constant 0.000000e+00 : f32
    %neg3A_5146 = vector.broadcast %neg3A_5145 : f32 to vector<200x128xf32>
    %neg3A_5147 = arith.subf %neg3A_5146, %log3A_5144 : vector<200x128xf32>
    %add3A_5148 = arith.addf %get3A_4910, %neg3A_5147 : vector<200x128xf32>
    %reduce_max3A_5149 = arith.constant dense<0xFF800000> : vector<128xf32>
    %reduce_max3A_5150 = vector.multi_reduction <maximumf>, %add3A_5148, %reduce_max3A_5149 [0] : vector<200x128xf32> to vector<128xf32>
    %broadcast_in_dim3A_5151 = vector.shape_cast %reduce_max3A_5150 : vector<128xf32> to vector<1x128xf32>
    %eq3A_5152 = vector.broadcast %broadcast_in_dim3A_5151 : vector<1x128xf32> to vector<200x128xf32>
    %eq3A_5153 = arith.cmpf oeq, %add3A_5148, %eq3A_5152 : vector<200x128xf32>
    %jit3A_5154 = arith.constant 1073741824 : i32
    %broadcast_in_dim3A_5155 = vector.broadcast %jit3A_5154 : i32 to vector<200x128xi32>
    %select_n3A_5156 = arith.select %eq3A_5153, %iota3A_4898, %broadcast_in_dim3A_5155 : vector<200x128xi1>, vector<200x128xi32>
    %reduce_min3A_5157 = arith.constant dense<2147483647> : vector<128xi32>
    %reduce_min3A_5158 = vector.multi_reduction <minsi>, %select_n3A_5156, %reduce_min3A_5157 [0] : vector<200x128xi32> to vector<128xi32>
    %broadcast_in_dim3A_5159 = vector.shape_cast %reduce_min3A_5158 : vector<128xi32> to vector<1x128xi32>
    %add3A_5160 = arith.constant 600 : i32
    %add3A_5161 = vector.broadcast %add3A_5160 : i32 to vector<1x128xi32>
    %add3A_5162 = arith.addi %broadcast_in_dim3A_5159, %add3A_5161 : vector<1x128xi32>
    %gt3A_5163 = arith.cmpf ogt, %broadcast_in_dim3A_5151, %select_n3A_4894 : vector<1x128xf32>
    %select_n3A_5164 = arith.select %gt3A_5163, %broadcast_in_dim3A_5151, %select_n3A_4894 : vector<1x128xi1>, vector<1x128xf32>
    %select_n3A_5165 = arith.select %gt3A_5163, %add3A_5162, %select_n3A_4895 : vector<1x128xi1>, vector<1x128xi32>
    %iota3A_5166 = tpu.iota {dimensions = array<i32: 0>} : vector<200x128xi32>
    %iota3A_5167 = tpu.iota {dimensions = array<i32: 1>} : vector<200x128xi32>
    %iota3A_5168 = tpu.iota {dimensions = array<i32: 0>} : vector<200x128xi32>
    %mul3A_5169 = arith.constant 1000 : i32
    %mul3A_5170 = vector.broadcast %mul3A_5169 : i32 to vector<200x128xi32>
    %mul3A_5171 = arith.muli %iota3A_5167, %mul3A_5170 : vector<200x128xi32>
    %add3A_5172 = vector.broadcast %mul3A_4081 : i32 to vector<200x128xi32>
    %add3A_5173 = arith.addi %add3A_5172, %mul3A_5171 : vector<200x128xi32>
    %add3A_5174 = arith.constant 800 : i32
    %add3A_5175 = vector.broadcast %add3A_5174 : i32 to vector<200x128xi32>
    %add3A_5176 = arith.addi %iota3A_5166, %add3A_5175 : vector<200x128xi32>
    %add3A_5177 = arith.addi %add3A_5173, %add3A_5176 : vector<200x128xi32>
    %get3A_5178 = arith.constant 800 : index
    %get3A_5179 = arith.constant 384 : index
    %get3A_5180 = vector.load %arg1[%get3A_5178, %get3A_5179] : memref<1000x512xf32, #tpu.memory_space<vmem>>, vector<200x128xf32>
    %add3A_5181 = arith.constant 42 : i32
    %add3A_5182 = vector.broadcast %add3A_5181 : i32 to vector<200x128xi32>
    %add3A_5183 = arith.addi %add3A_5177, %add3A_5182 : vector<200x128xi32>
    %shift_left3A_5184 = arith.constant 13 : i32
    %shift_left3A_5185 = vector.broadcast %shift_left3A_5184 : i32 to vector<200x128xi32>
    %shift_left3A_5186 = arith.shli %add3A_5183, %shift_left3A_5185 : vector<200x128xi32>
    %shift_right_logical3A_5187 = arith.constant 19 : i32
    %shift_right_logical3A_5188 = vector.broadcast %shift_right_logical3A_5187 : i32 to vector<200x128xi32>
    %shift_right_logical3A_5189 = arith.shrui %add3A_5183, %shift_right_logical3A_5188 : vector<200x128xi32>
    %or3A_5190 = arith.ori %shift_left3A_5186, %shift_right_logical3A_5189 : vector<200x128xi32>
    %xor3A_5191 = arith.xori %add3A_5183, %or3A_5190 : vector<200x128xi32>
    %add3A_5192 = arith.addi %add3A_5183, %xor3A_5191 : vector<200x128xi32>
    %shift_left3A_5193 = arith.constant 15 : i32
    %shift_left3A_5194 = vector.broadcast %shift_left3A_5193 : i32 to vector<200x128xi32>
    %shift_left3A_5195 = arith.shli %xor3A_5191, %shift_left3A_5194 : vector<200x128xi32>
    %shift_right_logical3A_5196 = arith.constant 17 : i32
    %shift_right_logical3A_5197 = vector.broadcast %shift_right_logical3A_5196 : i32 to vector<200x128xi32>
    %shift_right_logical3A_5198 = arith.shrui %xor3A_5191, %shift_right_logical3A_5197 : vector<200x128xi32>
    %or3A_5199 = arith.ori %shift_left3A_5195, %shift_right_logical3A_5198 : vector<200x128xi32>
    %xor3A_5200 = arith.xori %add3A_5192, %or3A_5199 : vector<200x128xi32>
    %add3A_5201 = arith.addi %add3A_5192, %xor3A_5200 : vector<200x128xi32>
    %shift_left3A_5202 = arith.constant 26 : i32
    %shift_left3A_5203 = vector.broadcast %shift_left3A_5202 : i32 to vector<200x128xi32>
    %shift_left3A_5204 = arith.shli %xor3A_5200, %shift_left3A_5203 : vector<200x128xi32>
    %shift_right_logical3A_5205 = arith.constant 6 : i32
    %shift_right_logical3A_5206 = vector.broadcast %shift_right_logical3A_5205 : i32 to vector<200x128xi32>
    %shift_right_logical3A_5207 = arith.shrui %xor3A_5200, %shift_right_logical3A_5206 : vector<200x128xi32>
    %or3A_5208 = arith.ori %shift_left3A_5204, %shift_right_logical3A_5207 : vector<200x128xi32>
    %xor3A_5209 = arith.xori %add3A_5201, %or3A_5208 : vector<200x128xi32>
    %add3A_5210 = arith.addi %add3A_5201, %xor3A_5209 : vector<200x128xi32>
    %shift_left3A_5211 = arith.constant 6 : i32
    %shift_left3A_5212 = vector.broadcast %shift_left3A_5211 : i32 to vector<200x128xi32>
    %shift_left3A_5213 = arith.shli %xor3A_5209, %shift_left3A_5212 : vector<200x128xi32>
    %shift_right_logical3A_5214 = arith.constant 26 : i32
    %shift_right_logical3A_5215 = vector.broadcast %shift_right_logical3A_5214 : i32 to vector<200x128xi32>
    %shift_right_logical3A_5216 = arith.shrui %xor3A_5209, %shift_right_logical3A_5215 : vector<200x128xi32>
    %or3A_5217 = arith.ori %shift_left3A_5213, %shift_right_logical3A_5216 : vector<200x128xi32>
    %xor3A_5218 = arith.xori %add3A_5210, %or3A_5217 : vector<200x128xi32>
    %add3A_5219 = arith.constant 42 : i32
    %add3A_5220 = vector.broadcast %add3A_5219 : i32 to vector<200x128xi32>
    %add3A_5221 = arith.addi %add3A_5210, %add3A_5220 : vector<200x128xi32>
    %add3A_5222 = arith.constant 466689009 : i32
    %add3A_5223 = vector.broadcast %add3A_5222 : i32 to vector<200x128xi32>
    %add3A_5224 = arith.addi %xor3A_5218, %add3A_5223 : vector<200x128xi32>
    %add3A_5225 = arith.addi %add3A_5221, %add3A_5224 : vector<200x128xi32>
    %shift_left3A_5226 = arith.constant 17 : i32
    %shift_left3A_5227 = vector.broadcast %shift_left3A_5226 : i32 to vector<200x128xi32>
    %shift_left3A_5228 = arith.shli %add3A_5224, %shift_left3A_5227 : vector<200x128xi32>
    %shift_right_logical3A_5229 = arith.constant 15 : i32
    %shift_right_logical3A_5230 = vector.broadcast %shift_right_logical3A_5229 : i32 to vector<200x128xi32>
    %shift_right_logical3A_5231 = arith.shrui %add3A_5224, %shift_right_logical3A_5230 : vector<200x128xi32>
    %or3A_5232 = arith.ori %shift_left3A_5228, %shift_right_logical3A_5231 : vector<200x128xi32>
    %xor3A_5233 = arith.xori %add3A_5225, %or3A_5232 : vector<200x128xi32>
    %add3A_5234 = arith.addi %add3A_5225, %xor3A_5233 : vector<200x128xi32>
    %shift_left3A_5235 = arith.constant 29 : i32
    %shift_left3A_5236 = vector.broadcast %shift_left3A_5235 : i32 to vector<200x128xi32>
    %shift_left3A_5237 = arith.shli %xor3A_5233, %shift_left3A_5236 : vector<200x128xi32>
    %shift_right_logical3A_5238 = arith.constant 3 : i32
    %shift_right_logical3A_5239 = vector.broadcast %shift_right_logical3A_5238 : i32 to vector<200x128xi32>
    %shift_right_logical3A_5240 = arith.shrui %xor3A_5233, %shift_right_logical3A_5239 : vector<200x128xi32>
    %or3A_5241 = arith.ori %shift_left3A_5237, %shift_right_logical3A_5240 : vector<200x128xi32>
    %xor3A_5242 = arith.xori %add3A_5234, %or3A_5241 : vector<200x128xi32>
    %add3A_5243 = arith.addi %add3A_5234, %xor3A_5242 : vector<200x128xi32>
    %shift_left3A_5244 = arith.constant 16 : i32
    %shift_left3A_5245 = vector.broadcast %shift_left3A_5244 : i32 to vector<200x128xi32>
    %shift_left3A_5246 = arith.shli %xor3A_5242, %shift_left3A_5245 : vector<200x128xi32>
    %shift_right_logical3A_5247 = arith.constant 16 : i32
    %shift_right_logical3A_5248 = vector.broadcast %shift_right_logical3A_5247 : i32 to vector<200x128xi32>
    %shift_right_logical3A_5249 = arith.shrui %xor3A_5242, %shift_right_logical3A_5248 : vector<200x128xi32>
    %or3A_5250 = arith.ori %shift_left3A_5246, %shift_right_logical3A_5249 : vector<200x128xi32>
    %xor3A_5251 = arith.xori %add3A_5243, %or3A_5250 : vector<200x128xi32>
    %add3A_5252 = arith.addi %add3A_5243, %xor3A_5251 : vector<200x128xi32>
    %shift_left3A_5253 = arith.constant 24 : i32
    %shift_left3A_5254 = vector.broadcast %shift_left3A_5253 : i32 to vector<200x128xi32>
    %shift_left3A_5255 = arith.shli %xor3A_5251, %shift_left3A_5254 : vector<200x128xi32>
    %shift_right_logical3A_5256 = arith.constant 8 : i32
    %shift_right_logical3A_5257 = vector.broadcast %shift_right_logical3A_5256 : i32 to vector<200x128xi32>
    %shift_right_logical3A_5258 = arith.shrui %xor3A_5251, %shift_right_logical3A_5257 : vector<200x128xi32>
    %or3A_5259 = arith.ori %shift_left3A_5255, %shift_right_logical3A_5258 : vector<200x128xi32>
    %xor3A_5260 = arith.xori %add3A_5252, %or3A_5259 : vector<200x128xi32>
    %add3A_5261 = arith.constant 466689008 : i32
    %add3A_5262 = vector.broadcast %add3A_5261 : i32 to vector<200x128xi32>
    %add3A_5263 = arith.addi %add3A_5252, %add3A_5262 : vector<200x128xi32>
    %add3A_5264 = arith.constant 2 : i32
    %add3A_5265 = vector.broadcast %add3A_5264 : i32 to vector<200x128xi32>
    %add3A_5266 = arith.addi %xor3A_5260, %add3A_5265 : vector<200x128xi32>
    %add3A_5267 = arith.addi %add3A_5263, %add3A_5266 : vector<200x128xi32>
    %shift_left3A_5268 = arith.constant 13 : i32
    %shift_left3A_5269 = vector.broadcast %shift_left3A_5268 : i32 to vector<200x128xi32>
    %shift_left3A_5270 = arith.shli %add3A_5266, %shift_left3A_5269 : vector<200x128xi32>
    %shift_right_logical3A_5271 = arith.constant 19 : i32
    %shift_right_logical3A_5272 = vector.broadcast %shift_right_logical3A_5271 : i32 to vector<200x128xi32>
    %shift_right_logical3A_5273 = arith.shrui %add3A_5266, %shift_right_logical3A_5272 : vector<200x128xi32>
    %or3A_5274 = arith.ori %shift_left3A_5270, %shift_right_logical3A_5273 : vector<200x128xi32>
    %xor3A_5275 = arith.xori %add3A_5267, %or3A_5274 : vector<200x128xi32>
    %add3A_5276 = arith.addi %add3A_5267, %xor3A_5275 : vector<200x128xi32>
    %shift_left3A_5277 = arith.constant 15 : i32
    %shift_left3A_5278 = vector.broadcast %shift_left3A_5277 : i32 to vector<200x128xi32>
    %shift_left3A_5279 = arith.shli %xor3A_5275, %shift_left3A_5278 : vector<200x128xi32>
    %shift_right_logical3A_5280 = arith.constant 17 : i32
    %shift_right_logical3A_5281 = vector.broadcast %shift_right_logical3A_5280 : i32 to vector<200x128xi32>
    %shift_right_logical3A_5282 = arith.shrui %xor3A_5275, %shift_right_logical3A_5281 : vector<200x128xi32>
    %or3A_5283 = arith.ori %shift_left3A_5279, %shift_right_logical3A_5282 : vector<200x128xi32>
    %xor3A_5284 = arith.xori %add3A_5276, %or3A_5283 : vector<200x128xi32>
    %add3A_5285 = arith.addi %add3A_5276, %xor3A_5284 : vector<200x128xi32>
    %shift_left3A_5286 = arith.constant 26 : i32
    %shift_left3A_5287 = vector.broadcast %shift_left3A_5286 : i32 to vector<200x128xi32>
    %shift_left3A_5288 = arith.shli %xor3A_5284, %shift_left3A_5287 : vector<200x128xi32>
    %shift_right_logical3A_5289 = arith.constant 6 : i32
    %shift_right_logical3A_5290 = vector.broadcast %shift_right_logical3A_5289 : i32 to vector<200x128xi32>
    %shift_right_logical3A_5291 = arith.shrui %xor3A_5284, %shift_right_logical3A_5290 : vector<200x128xi32>
    %or3A_5292 = arith.ori %shift_left3A_5288, %shift_right_logical3A_5291 : vector<200x128xi32>
    %xor3A_5293 = arith.xori %add3A_5285, %or3A_5292 : vector<200x128xi32>
    %add3A_5294 = arith.addi %add3A_5285, %xor3A_5293 : vector<200x128xi32>
    %shift_left3A_5295 = arith.constant 6 : i32
    %shift_left3A_5296 = vector.broadcast %shift_left3A_5295 : i32 to vector<200x128xi32>
    %shift_left3A_5297 = arith.shli %xor3A_5293, %shift_left3A_5296 : vector<200x128xi32>
    %shift_right_logical3A_5298 = arith.constant 26 : i32
    %shift_right_logical3A_5299 = vector.broadcast %shift_right_logical3A_5298 : i32 to vector<200x128xi32>
    %shift_right_logical3A_5300 = arith.shrui %xor3A_5293, %shift_right_logical3A_5299 : vector<200x128xi32>
    %or3A_5301 = arith.ori %shift_left3A_5297, %shift_right_logical3A_5300 : vector<200x128xi32>
    %xor3A_5302 = arith.xori %add3A_5294, %or3A_5301 : vector<200x128xi32>
    %add3A_5303 = arith.constant 0 : i32
    %add3A_5304 = vector.broadcast %add3A_5303 : i32 to vector<200x128xi32>
    %add3A_5305 = arith.addi %add3A_5294, %add3A_5304 : vector<200x128xi32>
    %add3A_5306 = arith.constant 45 : i32
    %add3A_5307 = vector.broadcast %add3A_5306 : i32 to vector<200x128xi32>
    %add3A_5308 = arith.addi %xor3A_5302, %add3A_5307 : vector<200x128xi32>
    %add3A_5309 = arith.addi %add3A_5305, %add3A_5308 : vector<200x128xi32>
    %shift_left3A_5310 = arith.constant 17 : i32
    %shift_left3A_5311 = vector.broadcast %shift_left3A_5310 : i32 to vector<200x128xi32>
    %shift_left3A_5312 = arith.shli %add3A_5308, %shift_left3A_5311 : vector<200x128xi32>
    %shift_right_logical3A_5313 = arith.constant 15 : i32
    %shift_right_logical3A_5314 = vector.broadcast %shift_right_logical3A_5313 : i32 to vector<200x128xi32>
    %shift_right_logical3A_5315 = arith.shrui %add3A_5308, %shift_right_logical3A_5314 : vector<200x128xi32>
    %or3A_5316 = arith.ori %shift_left3A_5312, %shift_right_logical3A_5315 : vector<200x128xi32>
    %xor3A_5317 = arith.xori %add3A_5309, %or3A_5316 : vector<200x128xi32>
    %add3A_5318 = arith.addi %add3A_5309, %xor3A_5317 : vector<200x128xi32>
    %shift_left3A_5319 = arith.constant 29 : i32
    %shift_left3A_5320 = vector.broadcast %shift_left3A_5319 : i32 to vector<200x128xi32>
    %shift_left3A_5321 = arith.shli %xor3A_5317, %shift_left3A_5320 : vector<200x128xi32>
    %shift_right_logical3A_5322 = arith.constant 3 : i32
    %shift_right_logical3A_5323 = vector.broadcast %shift_right_logical3A_5322 : i32 to vector<200x128xi32>
    %shift_right_logical3A_5324 = arith.shrui %xor3A_5317, %shift_right_logical3A_5323 : vector<200x128xi32>
    %or3A_5325 = arith.ori %shift_left3A_5321, %shift_right_logical3A_5324 : vector<200x128xi32>
    %xor3A_5326 = arith.xori %add3A_5318, %or3A_5325 : vector<200x128xi32>
    %add3A_5327 = arith.addi %add3A_5318, %xor3A_5326 : vector<200x128xi32>
    %shift_left3A_5328 = arith.constant 16 : i32
    %shift_left3A_5329 = vector.broadcast %shift_left3A_5328 : i32 to vector<200x128xi32>
    %shift_left3A_5330 = arith.shli %xor3A_5326, %shift_left3A_5329 : vector<200x128xi32>
    %shift_right_logical3A_5331 = arith.constant 16 : i32
    %shift_right_logical3A_5332 = vector.broadcast %shift_right_logical3A_5331 : i32 to vector<200x128xi32>
    %shift_right_logical3A_5333 = arith.shrui %xor3A_5326, %shift_right_logical3A_5332 : vector<200x128xi32>
    %or3A_5334 = arith.ori %shift_left3A_5330, %shift_right_logical3A_5333 : vector<200x128xi32>
    %xor3A_5335 = arith.xori %add3A_5327, %or3A_5334 : vector<200x128xi32>
    %add3A_5336 = arith.addi %add3A_5327, %xor3A_5335 : vector<200x128xi32>
    %shift_left3A_5337 = arith.constant 24 : i32
    %shift_left3A_5338 = vector.broadcast %shift_left3A_5337 : i32 to vector<200x128xi32>
    %shift_left3A_5339 = arith.shli %xor3A_5335, %shift_left3A_5338 : vector<200x128xi32>
    %shift_right_logical3A_5340 = arith.constant 8 : i32
    %shift_right_logical3A_5341 = vector.broadcast %shift_right_logical3A_5340 : i32 to vector<200x128xi32>
    %shift_right_logical3A_5342 = arith.shrui %xor3A_5335, %shift_right_logical3A_5341 : vector<200x128xi32>
    %or3A_5343 = arith.ori %shift_left3A_5339, %shift_right_logical3A_5342 : vector<200x128xi32>
    %xor3A_5344 = arith.xori %add3A_5336, %or3A_5343 : vector<200x128xi32>
    %add3A_5345 = arith.constant 42 : i32
    %add3A_5346 = vector.broadcast %add3A_5345 : i32 to vector<200x128xi32>
    %add3A_5347 = arith.addi %add3A_5336, %add3A_5346 : vector<200x128xi32>
    %add3A_5348 = arith.constant 466689012 : i32
    %add3A_5349 = vector.broadcast %add3A_5348 : i32 to vector<200x128xi32>
    %add3A_5350 = arith.addi %xor3A_5344, %add3A_5349 : vector<200x128xi32>
    %add3A_5351 = arith.addi %add3A_5347, %add3A_5350 : vector<200x128xi32>
    %shift_left3A_5352 = arith.constant 13 : i32
    %shift_left3A_5353 = vector.broadcast %shift_left3A_5352 : i32 to vector<200x128xi32>
    %shift_left3A_5354 = arith.shli %add3A_5350, %shift_left3A_5353 : vector<200x128xi32>
    %shift_right_logical3A_5355 = arith.constant 19 : i32
    %shift_right_logical3A_5356 = vector.broadcast %shift_right_logical3A_5355 : i32 to vector<200x128xi32>
    %shift_right_logical3A_5357 = arith.shrui %add3A_5350, %shift_right_logical3A_5356 : vector<200x128xi32>
    %or3A_5358 = arith.ori %shift_left3A_5354, %shift_right_logical3A_5357 : vector<200x128xi32>
    %xor3A_5359 = arith.xori %add3A_5351, %or3A_5358 : vector<200x128xi32>
    %add3A_5360 = arith.addi %add3A_5351, %xor3A_5359 : vector<200x128xi32>
    %shift_left3A_5361 = arith.constant 15 : i32
    %shift_left3A_5362 = vector.broadcast %shift_left3A_5361 : i32 to vector<200x128xi32>
    %shift_left3A_5363 = arith.shli %xor3A_5359, %shift_left3A_5362 : vector<200x128xi32>
    %shift_right_logical3A_5364 = arith.constant 17 : i32
    %shift_right_logical3A_5365 = vector.broadcast %shift_right_logical3A_5364 : i32 to vector<200x128xi32>
    %shift_right_logical3A_5366 = arith.shrui %xor3A_5359, %shift_right_logical3A_5365 : vector<200x128xi32>
    %or3A_5367 = arith.ori %shift_left3A_5363, %shift_right_logical3A_5366 : vector<200x128xi32>
    %xor3A_5368 = arith.xori %add3A_5360, %or3A_5367 : vector<200x128xi32>
    %add3A_5369 = arith.addi %add3A_5360, %xor3A_5368 : vector<200x128xi32>
    %shift_left3A_5370 = arith.constant 26 : i32
    %shift_left3A_5371 = vector.broadcast %shift_left3A_5370 : i32 to vector<200x128xi32>
    %shift_left3A_5372 = arith.shli %xor3A_5368, %shift_left3A_5371 : vector<200x128xi32>
    %shift_right_logical3A_5373 = arith.constant 6 : i32
    %shift_right_logical3A_5374 = vector.broadcast %shift_right_logical3A_5373 : i32 to vector<200x128xi32>
    %shift_right_logical3A_5375 = arith.shrui %xor3A_5368, %shift_right_logical3A_5374 : vector<200x128xi32>
    %or3A_5376 = arith.ori %shift_left3A_5372, %shift_right_logical3A_5375 : vector<200x128xi32>
    %xor3A_5377 = arith.xori %add3A_5369, %or3A_5376 : vector<200x128xi32>
    %add3A_5378 = arith.addi %add3A_5369, %xor3A_5377 : vector<200x128xi32>
    %shift_left3A_5379 = arith.constant 6 : i32
    %shift_left3A_5380 = vector.broadcast %shift_left3A_5379 : i32 to vector<200x128xi32>
    %shift_left3A_5381 = arith.shli %xor3A_5377, %shift_left3A_5380 : vector<200x128xi32>
    %shift_right_logical3A_5382 = arith.constant 26 : i32
    %shift_right_logical3A_5383 = vector.broadcast %shift_right_logical3A_5382 : i32 to vector<200x128xi32>
    %shift_right_logical3A_5384 = arith.shrui %xor3A_5377, %shift_right_logical3A_5383 : vector<200x128xi32>
    %or3A_5385 = arith.ori %shift_left3A_5381, %shift_right_logical3A_5384 : vector<200x128xi32>
    %xor3A_5386 = arith.xori %add3A_5378, %or3A_5385 : vector<200x128xi32>
    %add3A_5387 = arith.constant 466689008 : i32
    %add3A_5388 = vector.broadcast %add3A_5387 : i32 to vector<200x128xi32>
    %add3A_5389 = arith.addi %add3A_5378, %add3A_5388 : vector<200x128xi32>
    %add3A_5390 = arith.constant 5 : i32
    %add3A_5391 = vector.broadcast %add3A_5390 : i32 to vector<200x128xi32>
    %add3A_5392 = arith.addi %xor3A_5386, %add3A_5391 : vector<200x128xi32>
    %xor3A_5393 = arith.xori %add3A_5389, %add3A_5392 : vector<200x128xi32>
    %shift_right_logical3A_5394 = arith.constant 9 : i32
    %shift_right_logical3A_5395 = vector.broadcast %shift_right_logical3A_5394 : i32 to vector<200x128xi32>
    %shift_right_logical3A_5396 = arith.shrui %xor3A_5393, %shift_right_logical3A_5395 : vector<200x128xi32>
    %or3A_5397 = arith.constant 1065353216 : i32
    %or3A_5398 = vector.broadcast %or3A_5397 : i32 to vector<200x128xi32>
    %or3A_5399 = arith.ori %shift_right_logical3A_5396, %or3A_5398 : vector<200x128xi32>
    %bitcast_convert_type3A_5400 = tpu.bitcast %or3A_5399 : vector<200x128xi32> -> vector<200x128xf32>
    %sub3A_5401 = arith.constant 1.000000e+00 : f32
    %sub3A_5402 = vector.broadcast %sub3A_5401 : f32 to vector<200x128xf32>
    %sub3A_5403 = arith.subf %bitcast_convert_type3A_5400, %sub3A_5402 : vector<200x128xf32>
    %add3A_5404 = arith.constant 1.000000e-10 : f32
    %add3A_5405 = vector.broadcast %add3A_5404 : f32 to vector<200x128xf32>
    %add3A_5406 = arith.addf %sub3A_5403, %add3A_5405 : vector<200x128xf32>
    %max3A_5407 = arith.constant 1.000000e-10 : f32
    %max3A_5408 = vector.broadcast %max3A_5407 : f32 to vector<200x128xf32>
    %max3A_5409 = arith.maximumf %max3A_5408, %add3A_5406 : vector<200x128xf32>
    %log3A_5410 = math.log %max3A_5409 : vector<200x128xf32>
    %neg3A_5411 = arith.constant 0.000000e+00 : f32
    %neg3A_5412 = vector.broadcast %neg3A_5411 : f32 to vector<200x128xf32>
    %neg3A_5413 = arith.subf %neg3A_5412, %log3A_5410 : vector<200x128xf32>
    %log3A_5414 = math.log %neg3A_5413 : vector<200x128xf32>
    %neg3A_5415 = arith.constant 0.000000e+00 : f32
    %neg3A_5416 = vector.broadcast %neg3A_5415 : f32 to vector<200x128xf32>
    %neg3A_5417 = arith.subf %neg3A_5416, %log3A_5414 : vector<200x128xf32>
    %add3A_5418 = arith.addf %get3A_5180, %neg3A_5417 : vector<200x128xf32>
    %reduce_max3A_5419 = arith.constant dense<0xFF800000> : vector<128xf32>
    %reduce_max3A_5420 = vector.multi_reduction <maximumf>, %add3A_5418, %reduce_max3A_5419 [0] : vector<200x128xf32> to vector<128xf32>
    %broadcast_in_dim3A_5421 = vector.shape_cast %reduce_max3A_5420 : vector<128xf32> to vector<1x128xf32>
    %eq3A_5422 = vector.broadcast %broadcast_in_dim3A_5421 : vector<1x128xf32> to vector<200x128xf32>
    %eq3A_5423 = arith.cmpf oeq, %add3A_5418, %eq3A_5422 : vector<200x128xf32>
    %jit3A_5424 = arith.constant 1073741824 : i32
    %broadcast_in_dim3A_5425 = vector.broadcast %jit3A_5424 : i32 to vector<200x128xi32>
    %select_n3A_5426 = arith.select %eq3A_5423, %iota3A_5168, %broadcast_in_dim3A_5425 : vector<200x128xi1>, vector<200x128xi32>
    %reduce_min3A_5427 = arith.constant dense<2147483647> : vector<128xi32>
    %reduce_min3A_5428 = vector.multi_reduction <minsi>, %select_n3A_5426, %reduce_min3A_5427 [0] : vector<200x128xi32> to vector<128xi32>
    %broadcast_in_dim3A_5429 = vector.shape_cast %reduce_min3A_5428 : vector<128xi32> to vector<1x128xi32>
    %add3A_5430 = arith.constant 800 : i32
    %add3A_5431 = vector.broadcast %add3A_5430 : i32 to vector<1x128xi32>
    %add3A_5432 = arith.addi %broadcast_in_dim3A_5429, %add3A_5431 : vector<1x128xi32>
    %gt3A_5433 = arith.cmpf ogt, %broadcast_in_dim3A_5421, %select_n3A_5164 : vector<1x128xf32>
    %select_n3A_5434 = arith.select %gt3A_5433, %add3A_5432, %select_n3A_5165 : vector<1x128xi1>, vector<1x128xi32>
    %squeeze3A_5435 = vector.shape_cast %select_n3A_5434 : vector<1x128xi32> to vector<128xi32>
    %swap3A_5436 = arith.constant 0 : index
    %swap3A_5437 = arith.constant 0 : index
    %swap3A_5438 = arith.constant 384 : index
    %swap3A_5439 = vector.load %arg2[%swap3A_5436, %swap3A_5437, %swap3A_5438] : memref<1x1x512xi32, #tpu.memory_space<vmem>>, vector<1x1x128xi32>
    %swap3A_5440 = vector.shape_cast %swap3A_5439 : vector<1x1x128xi32> to vector<128xi32>
    %swap3A_5441 = vector.shape_cast %squeeze3A_5435 : vector<128xi32> to vector<1x1x128xi32>
    tpu.vector_store %arg2[%swap3A_5436, %swap3A_5437, %swap3A_5438], %swap3A_5441 {strides = array<i32>} : memref<1x1x512xi32, #tpu.memory_space<vmem>>, vector<1x1x128xi32>,
    return
  }
  func.func @transform_0(%arg0: i32) -> (i32, i32) {
    %c0_i32 = arith.constant 0 : i32
    %c0_i32_0 = arith.constant 0 : i32
    return %c0_i32, %arg0 : i32, i32
  }
  func.func @transform_1(%arg0: i32) -> (i32, i32, i32) {
    %c0_i32 = arith.constant 0 : i32
    %c0_i32_0 = arith.constant 0 : i32
    %c0_i32_1 = arith.constant 0 : i32
    return %arg0, %c0_i32, %c0_i32_0 : i32, i32, i32
  }
}

</mosaic_0001>

<sc_bundles>
// kernel: kernel.4.cloned.1.call-start
scs
__scs_entry_jumppad:
0x0: {  	(pc) =	sbr.rel $0x88, $3  }
0x1: {  	(tag) =	ssettag $0x0;
	lr =	simm.s32 $0x1  }
0x2: {  	[smem:$0x3F9F] =	sst lr;
	_ =	strace $0xD0000000  }
0x3: {  	_ = 	snop  }
0x4: {  	_ = 	snop  }
0x5: {  	_ = 	snop  }
0x6: {  	_ = 	snop  }
0x7: {  	_ = 	snop  }
__scs_overlays_trampoline_lowered:
0x8: {  	[smem:$0x3FAE] =	sst s0  }
0x9: {  	[smem:$0x3FAF] =	sst s1  }
0xa: {  	[smem:$0x3FB0] =	sst s2  }
0xb: {  	[smem:$0x3FB1] =	sst s3  }
0xc: {  	[smem:$0x3FB2] =	sst s4  }
0xd: {  	[smem:$0x3FB3] =	sst s5  }
0xe: {  	[smem:$0x3FB4] =	sst s6  }
0xf: {  	[smem:$0x3FB5] =	sst s7  }
0x10: {  	[smem:$0x3FB6] =	sst s8  }
0x11: {  	[smem:$0x3FB7] =	sst s9;
	s0 =	simm.s32 @!p0 $0x0  }
0x12: {  	s1 =	sld [smem:$0x3F9D];
	s0 =	simm.s32 @p0 $0x1  }
0x13: {  	[smem:$0x3FB8] =	sst s0;
	s0 =	simm.s32 @!p1 $0x0  }
0x14: {  	s2 =	sld [smem:$0x3F9C];
	s0 =	simm.s32 @p1 $0x1  }
0x15: {  	[smem:$0x3FB9] =	sst s0;
	s0 =	simm.s32 @!p2 $0x0  }
0x16: {  	s3 =	sld [smem:$0x3FDB];
	s0 =	simm.s32 @p2 $0x1  }
0x17: {  	s4 =	simm.s32 $0x1BF5;
	[smem:$0x3FBB] =	sst s0  }
0x18: {  	s0 =	sld [smem:$0x3F9E];
	_ =	swait.ge [sflag:s4], $0x0  }
0x19: {  	s7 =	sld [smem:$0x3F9F]  }
0x1a: {  	s8 =	sadd.s32 $0xFFFFE003, lr  }
0x1b: {  	s9 =	sadd.s32 $0xFFFFFEF7, lr;
	s5 =	simm.s32 $0xFFFFFFFF;
	p2 =	slt.u32 s8, $0xFFFFF086  }
0x1c: {  	p1 =	slt.u32 s9, $0xF7A;
	s5 =	simm.s32 @!p2 $0x0  }
0x1d: {  	s5 =	simm.s32 @p1 $0x1;
	p0 =	seq.s32 s7, s2  }
0x1e: {  	s7 =	smul.u32 @!p0 $0xF7A, s2;
	p2 =	seq.s32 @!p0 s5, $0x0  }
0x1f: {  	s9 =	smul.u32 $0xF7A, s1;
	s8 =	simm.s32 @!p0 $0x1BF5;
	p2 =	por !p2, p0  }
0x20: {  	[sflag:s8] =	ssyncset.s32 @!p0 $0xFFFFF086;
	s6 =	sadd.s32 @!p0 s3, s7;
	s7 =	simm.s32 @!p0 $0x108  }
0x21: {  	s3 =	sadd.s32 s3, s9;
	s6 =	sadd.s32 @!p0 $0x88, s6;
	s7 =	simm.s32 @p2 $0x1082  }
0x22: {  	[simem:s7], [sflag:s8] =	dma.local @!p0 [hbm:s6], $0xF7A  }
0x23: {  	s9 =	sor.u32 $0xD0000000, s2;
	s6 =	simm.s32 $0x108;
	_ =	swait.ge @!p0 [sflag:s8], $0x0  }
0x24: {  	s3 =	sadd.s32 $0x88, s3;
	s6 =	simm.s32 @!p1 $0x1082;
	[sflag:s4] =	ssyncset.s32 $0xFFFFF086  }
0x25: {  	[simem:s6], [sflag:s4] =	dma.local [hbm:s3], $0xF7A  }
0x26: {  	[smem:$0x3F9F] =	sst s1;
	(tag) =	ssettag s2;
	_ =	strace s9  }
0x27: {  	s1 =	sld [smem:$0x3FAF]  }
0x28: {  	s2 =	sld [smem:$0x3FB0]  }
0x29: {  	s4 =	sld [smem:$0x3FB2]  }
0x2a: {  	p0 =	seq.s32 s5, $0x0;
	s5 =	sld [smem:$0x3FB3]  }
0x2b: {  	s6 =	sld [smem:$0x3FB4]  }
0x2c: {  	s7 =	sld [smem:$0x3FB5]  }
0x2d: {  	s3 =	simm.s32 $0x108;
	s8 =	sld [smem:$0x3FB6]  }
0x2e: {  	s3 =	simm.s32 @!p0 $0x1082;
	s9 =	sld [smem:$0x3FB7]  }
0x2f: {  	lr =	sadd.s32 s0, s3;
	s0 =	sld [smem:$0x3FAE]  }
0x30: {  	s3 =	sld [smem:$0x3FB1]  }
0x31: {  	[smem:$0x3FBA] =	sst s10  }
0x32: {  	s10 =	sld [smem:$0x3FB8];
	_ =	sdelay $0x3  }
0x33: {  	p0 =	seq.s32 s10, $0x1;
	s10 =	sld [smem:$0x3FBA];
	_ =	sdelay $0x3  }
0x34: {  	[smem:$0x3FBA] =	sst s10  }
0x35: {  	s10 =	sld [smem:$0x3FB9];
	_ =	sdelay $0x3  }
0x36: {  	p1 =	seq.s32 s10, $0x1;
	s10 =	sld [smem:$0x3FBA];
	_ =	sdelay $0x3  }
0x37: {  	[smem:$0x3FBA] =	sst s10  }
0x38: {  	s10 =	sld [smem:$0x3FBB]  }
0x39: {  	_ = 	snop;
	(pc) =	sbr.ind lr, $3  }
0x3a: {  	_ = 	snop  }
0x3b: {  	_ = 	snop  }
0x3c: {  	p2 =	seq.s32 s10, $0x1;
	s10 =	sld [smem:$0x3FBA]  }
0x3d: {  	_ =	shalt  }
0x3e: {  	_ =	shalt  }
0x3f: {  	_ =	shalt  }
0x40: {  	_ =	shalt  }
0x41: {  	_ =	shalt  }
0x42: {  	_ =	shalt  }
0x43: {  	_ =	shalt  }
0x44: {  	_ =	shalt  }
0x45: {  	_ =	shalt  }
0x46: {  	_ =	shalt  }
0x47: {  	_ =	shalt  }
0x48: {  	_ =	shalt  }
0x49: {  	_ =	shalt  }
0x4a: {  	_ =	shalt  }
0x4b: {  	_ =	shalt  }
0x4c: {  	_ =	shalt  }
0x4d: {  	_ =	shalt  }
0x4e: {  	_ =	shalt  }
0x4f: {  	_ =	shalt  }
0x50: {  	_ =	shalt  }
0x51: {  	_ =	shalt  }
0x52: {  	_ =	shalt  }
0x53: {  	_ =	shalt  }
0x54: {  	_ =	shalt  }
0x55: {  	_ =	shalt  }
0x56: {  	_ =	shalt  }
0x57: {  	_ =	shalt  }
0x58: {  	_ =	shalt  }
0x59: {  	_ =	shalt  }
0x5a: {  	_ =	shalt  }
0x5b: {  	_ =	shalt  }
0x5c: {  	_ =	shalt  }
0x5d: {  	_ =	shalt  }
0x5e: {  	_ =	shalt  }
0x5f: {  	_ =	shalt  }
0x60: {  	_ =	shalt  }
0x61: {  	_ =	shalt  }
0x62: {  	_ =	shalt  }
0x63: {  	_ =	shalt  }
0x64: {  	_ =	shalt  }
0x65: {  	_ =	shalt  }
0x66: {  	_ =	shalt  }
0x67: {  	_ =	shalt  }
0x68: {  	_ =	shalt  }
0x69: {  	_ =	shalt  }
0x6a: {  	_ =	shalt  }
0x6b: {  	_ =	shalt  }
0x6c: {  	_ =	shalt  }
0x6d: {  	_ =	shalt  }
0x6e: {  	_ =	shalt  }
0x6f: {  	_ =	shalt  }
0x70: {  	_ =	shalt  }
0x71: {  	_ =	shalt  }
0x72: {  	_ =	shalt  }
0x73: {  	_ =	shalt  }
0x74: {  	_ =	shalt  }
0x75: {  	_ =	shalt  }
0x76: {  	_ =	shalt  }
0x77: {  	_ =	shalt  }
0x78: {  	_ =	shalt  }
0x79: {  	_ =	shalt  }
0x7a: {  	_ =	shalt  }
0x7b: {  	_ =	shalt  }
0x7c: {  	_ =	shalt  }
0x7d: {  	_ =	shalt  }
0x7e: {  	_ =	shalt  }
0x7f: {  	_ =	shalt  }
0x80: {  	_ =	shalt  }
0x81: {  	_ =	shalt  }
0x82: {  	_ =	shalt  }
0x83: {  	_ =	shalt  }
0x84: {  	_ =	shalt  }
0x85: {  	_ =	shalt  }
0x86: {  	_ =	shalt  }
0x87: {  	_ =	shalt  }
.Lfunc_end0:
.L_simem_size_0:
called_computation_lowered:
.L_overlay_start_0:
0x88: {  	s2 =	sld [smem:$0x3FD9]  }
0x89: {  	s3 =	sld [smem:$0x3FFE];
	_ =	sdelay $0x1  }
0x8a: {  	s1 =	srdreg.scid  }
0x8b: {  	s0 =	sand.u32 $0x1, s1  }
0x8c: {  	s17 =	sshll.u32 s0, $0xA;
	s2 =	sadd.s32 s3, s2  }
0x8d: {  	s2 =	sadd.s32 s2, s17  }
0x8e: {  	[smem:$0x3FC6] =	sst s2  }
0x8f: {  	_ = 	snop  }
0x90: {  	s2 =	sld [smem:$0x3FC8]  }
0x91: {  	s18 =	sld [smem:$0x3FD0];
	(tm) =	ssettm $0x1  }
0x92: {  	s4 =	sld [smem:$0x3FFB];
	_ =	sdelay $0x3  }
0x93: {  	_ =	strace s4  }
0x94: {  	s4 =	sld [smem:$0x3FFC];
	_ =	sdelay $0x3  }
0x95: {  	_ =	strace s4  }
0x96: {  	s4 =	sld [smem:$0x3FFD];
	_ =	sdelay $0x3  }
0x97: {  	_ =	strace s4  }
0x98: {  	_ =	strace $0x8FFFFFFF  }
0x99: {  	s19 =	sld [smem:$0x3FDB];
	_ =	sdelay $0x1  }
0x9a: {  	s5 =	simm.s32 $_scs_section_size  }
0x9b: {  	s6 =	simm.s32 $_size__tile_overlayer_lowered;
	s7 =	simm.s32 $_tile_overlayer_lowered  }
0x9c: {  	s22 =	simm.s32 $0x1BFF;
	s21 =	sshll.u32 s7, $0x1;
	s4 =	sadd.s32 s5, s19  }
0x9d: {  	s8 =	simm.s32 $0x0;
	s20 =	sshll.u32 s6, $0x1;
	s6 =	sadd.s32 s21, s4  }
0x9e: {  	[timem:s8], [sflag:s22] =	dma.local [hbm:s6], s20  }
0x9f: {  	_ =	swait.ge [sflag:s22], s20  }
0xa0: {  	s5 =	ssub.s32 $0x0, s20;
	[sflag:s22] =	ssyncset.done $0x0  }
0xa1: {  	[sflag:s22] =	ssyncadd.s32 s5;
	_ =	sdelay $0x1  }
0xa2: {  	s23 =	simm.s32 $0x1B8B  }
0xa3: {  	_ =	swait.ge [sflag:s23], $0x1  }
0xa4: {  	[sflag:s23] =	ssyncset.done $0x0  }
0xa5: {  	s25 =	simm.s32 $0x1B8E;
	s24 =	sld [smem:$0x3FFE];
	[sflag:s23] =	ssyncadd.s32 $0xFFFFFFFF  }
0xa6: {  	s26 =	simm.s32 $execute0_lowered;
	[smem:$0x3FD2] =	sst s25  }
0xa7: {  	s6 =	sshll.u32 s26, $0x1;
	_ =	strace $0x80000046;
	[dreg:$0x1] =	wrdreg $0xFFFFFFFF  }
0xa8: {  	s28 =	simm.s32 $_size_execute0_lowered;
	s4 =	sadd.s32 s4, s6;
	[dreg:$0x0] =	wrdreg $0x0  }
0xa9: {  	s6 =	sshll.u32 s28, $0x1;
	[dreg:$0x2] =	wrdreg s4  }
0xaa: {  	[dreg:$0x3] =	wrdreg s6  }
0xab: {  	[dreg:$0x4] =	wrdreg $0xC0  }
0xac: {  	_ =	task [dreg:s8], $0x5FFFF  }
0xad: {  	[dreg:$0x1] =	wrdreg $0xFFFFFFFF  }
0xae: {  	[dreg:$0x0] =	wrdreg $0x60  }
0xaf: {  	[dreg:$0x2] =	wrdreg s2  }
0xb0: {  	[dreg:$0x3] =	wrdreg s24  }
0xb1: {  	[dreg:$0x4] =	wrdreg s18  }
0xb2: {  	[dreg:$0x5] =	wrdreg $0x9  }
0xb3: {  	_ =	task.clear_ibuf [dreg:s8], $0x6FFFF;
	_ =	strace $0x90000046  }
0xb4: {  	s29 =	simm.s32 $0x9;
	_ =	strace $0x80000048  }
0xb5: {  	_ =	swait.ge [sflag:s29], $0x1  }
0xb6: {  	[sflag:s29] =	ssyncadd.s32 $0xFFFFFFFF  }
0xb7: {  	_ =	strace $0x90000048  }
0xb8: {  	_ =	sfence  }
0xb9: {  	s30 =	sld [smem:$0x0];
	_ =	sdelay $0x2  }
0xba: {  	s31 =	sshll.u32 s1, $0xD;
	s1 =	sshrl.u32 s1, $0x2  }
0xbb: {  	s3 =	sand.u32 $0x4000, s31;
	s1 =	sadd.s32 s1, s30  }
0xbc: {  	s0 =	sor.u32 s3, s0;
	s1 =	sshll.u32 s1, $0x11  }
0xbd: {  	s0 =	sor.u32 s1, s0  }
0xbe: {  	s0 =	sadd.s32 $0x8F2B, s0  }
0xbf: {  	[sflag:s0] =	ssyncadd.remote.s32 $0x1  }
0xc0: {  	_ =	sfence.sel $0xFFFF  }
0xc1: {  	[dreg:$0x0] =	wrdreg $0xFFFFFFFF;
	(pc) =	sbr.abs _section_cstart, $3  }
0xc2: {  	[dreg:$0x1] =	wrdreg $0xFFFFFFFF  }
0xc3: {  	_ =	task.clear_ibuf [dreg:s8], $0x2FFFF;
	_ =	strace $0x9FFFFFFF  }
0xc4: {  	(tm) =	ssettm $0x7FFFFFFF  }
0xc5: {  	_ =	shalt  }
tec
execute0_lowered:
.L_overlay_start_1:
0x0: {  	(tag) =	ssettag $0x1  }
0x1: {  	s2 =	srdreg.scid  }
0x2: {  	s1 =	rddreg [dreg:$0x0];
	s0 =	stileid.u32;
	s14 =	sand.u32 $0x1, s2  }
0x3: {  	s4 =	rddreg [dreg:$0x1];
	s29 =	sshll.u32 s0, $0xA;
	s3 =	sshll.u32 s14, $0x9  }
0x4: {  	s15 =	rddreg [dreg:$0x2];
	s16 =	sor.u32 s3, s29  }
0x5: {  	s2 =	rddreg [dreg:$0x3];
	s3 =	simm.s32 $0x0;
	s5 =	sshrl.u32 s16, $0x3  }
0x6: {  	[smem:$0x7FF] =	sst s3;
	s4 =	sadd.s32 s5, s4  }
0x7: {  	_ =	strace $0x80000047;
	s5 =	sadd.s32 $0x600, s4;
	s4 =	simm.s32 $0x2  }
0x8: {  	[tilespmem:s3], [sflag:$0x2] =	stream.linear.gather [hbm4b:s5+s3], $0x200, $0x38;
	[tilespmem:$0x10200] =	vst v63  }
0x9: {  	_ =	swait.ge [sflag:s4], $0x200  }
0xa: {  	[sflag:s4] =	ssyncset.done $0x0  }
0xb: {  	s6 =	simm.s32 $0x80;
	s7 =	simm.s32 $0x200;
	[sflag:s4] =	ssyncadd.s32 $0xFFFFFE00  }
0xc: {  	[tilespmem:s7], [sflag:$0x1] =	stream.indirect.gather [hbm4b:s1+s6], $0x80, s3, s6, $0xb8;
	[tilespmem:$0x10200] =	vst v63  }
0xd: {  	s8 =	simm.s32 $0x4200  }
0xe: {  	[tilespmem:s8], [sflag:$0x1] =	stream.indirect.gather [hbm4b:s1+s6], $0x80, s6, s6, $0xb8;
	[tilespmem:$0x10200] =	vst v63  }
0xf: {  	s9 =	simm.s32 $0x100;
	s10 =	simm.s32 $0x8200  }
0x10: {  	[tilespmem:s10], [sflag:$0x1] =	stream.indirect.gather [hbm4b:s1+s6], $0x80, s9, s6, $0xb8;
	[tilespmem:$0x10200] =	vst v63  }
0x11: {  	s11 =	simm.s32 $0x180;
	s12 =	simm.s32 $0xC200;
	s13 =	simm.s32 $0x1  }
0x12: {  	[tilespmem:s12], [sflag:$0x1] =	stream.indirect.gather [hbm4b:s1+s6], $0x80, s11, s6, $0xb8;
	[tilespmem:$0x10200] =	vst v63  }
0x13: {  	_ =	swait.ge [sflag:s13], $0x4000  }
0x14: {  	[sflag:s13] =	ssyncset.done $0x0  }
0x15: {  	[sflag:s13] =	ssyncadd.s32 $0xFFFFC000  }
0x16: {  	_ =	swait.ge [sflag:s13], $0x4000  }
0x17: {  	[sflag:s13] =	ssyncset.done $0x0  }
0x18: {  	s14 =	ssub.s32 $0x2, s14;
	[sflag:s13] =	ssyncadd.s32 $0xFFFFC000  }
0x19: {  	s17 =	sshrl.u32 s14, $0x1;
	_ =	swait.ge [sflag:s13], $0x4000  }
0x1a: {  	s17 =	ssub.s32 s14, s17;
	[sflag:s13] =	ssyncset.done $0x0  }
0x1b: {  	s31 =	smax.u32 s17, $0x1;
	[sflag:s13] =	ssyncadd.s32 $0xFFFFC000  }
0x1c: {  	p0 =	sne.s32 s31, $0x1;
	_ =	swait.ge [sflag:s13], $0x4000  }
.Ltmp0:
0x1d: {  	s30 =	sshll.u32 s16, $0x4;
	[sflag:s13] =	ssyncset.done $0x0;
	(pc) =	sbr.rel @!p0 .LBB2_2-.Ltmp0, $4  }
0x1e: {  	s14 =	sadd.s32 s15, s30;
	[sflag:s13] =	ssyncadd.s32 $0xFFFFC000  }
0x1f: {  	[hbm4b:s14+s3] =	stream.linear.scatter [tilespmem:s7], [sflag:$0x2], $0x10000, $0x38;
	[tilespmem:$0x10200] =	vst v63  }
0x20: {  	_ =	swait.ge [sflag:s4], $0x10000  }
0x21: {  	s15 =	sadd.s32 $0xFFFFFFFF, s31;
	[sflag:s4] =	ssyncset.done $0x0  }
.LBB2_1:
0x22: {  	p0 =	sne.s32 s15, $0x1;
	s15 =	sadd.s32 $0xFFFFFFFF, s15;
	[sflag:s4] =	ssyncadd.s32 $0xFFFF0000  }
0x23: {  	[tilespmem:s3], [sflag:$0x2] =	stream.linear.gather [hbm4b:s5+s3], $0x200, $0x38;
	[tilespmem:$0x10200] =	vst v63  }
0x24: {  	_ =	swait.ge [sflag:s4], $0x200  }
0x25: {  	[sflag:s4] =	ssyncset.done $0x0  }
0x26: {  	[sflag:s4] =	ssyncadd.s32 $0xFFFFFE00  }
0x27: {  	[tilespmem:s7], [sflag:$0x1] =	stream.indirect.gather [hbm4b:s1+s6], $0x80, s3, s6, $0xb8;
	[tilespmem:$0x10200] =	vst v63  }
0x28: {  	_ = 	snop  }
0x29: {  	[tilespmem:s8], [sflag:$0x1] =	stream.indirect.gather [hbm4b:s1+s6], $0x80, s6, s6, $0xb8;
	[tilespmem:$0x10200] =	vst v63  }
0x2a: {  	_ = 	snop  }
0x2b: {  	[tilespmem:s10], [sflag:$0x1] =	stream.indirect.gather [hbm4b:s1+s6], $0x80, s9, s6, $0xb8;
	[tilespmem:$0x10200] =	vst v63  }
0x2c: {  	_ = 	snop  }
0x2d: {  	[tilespmem:s12], [sflag:$0x1] =	stream.indirect.gather [hbm4b:s1+s6], $0x80, s11, s6, $0xb8;
	[tilespmem:$0x10200] =	vst v63  }
0x2e: {  	_ =	swait.ge [sflag:s13], $0x4000  }
0x2f: {  	[sflag:s13] =	ssyncset.done $0x0  }
0x30: {  	[sflag:s13] =	ssyncadd.s32 $0xFFFFC000  }
0x31: {  	_ =	swait.ge [sflag:s13], $0x4000  }
0x32: {  	[sflag:s13] =	ssyncset.done $0x0  }
0x33: {  	[sflag:s13] =	ssyncadd.s32 $0xFFFFC000  }
0x34: {  	_ =	swait.ge [sflag:s13], $0x4000  }
0x35: {  	[sflag:s13] =	ssyncset.done $0x0  }
0x36: {  	[sflag:s13] =	ssyncadd.s32 $0xFFFFC000  }
0x37: {  	_ =	swait.ge [sflag:s13], $0x4000  }
.Ltmp1:
0x38: {  	[sflag:s13] =	ssyncset.done $0x0;
	(pc) =	sbr.rel @p0 .LBB2_1-.Ltmp1, $4  }
0x39: {  	[sflag:s13] =	ssyncadd.s32 $0xFFFFC000  }
0x3a: {  	[hbm4b:s14+s3] =	stream.linear.scatter [tilespmem:s7], [sflag:$0x2], $0x10000, $0x38;
	[tilespmem:$0x10200] =	vst v63  }
0x3b: {  	_ =	swait.ge [sflag:s4], $0x10000  }
0x3c: {  	[sflag:s4] =	ssyncset.done $0x0  }
.LBB2_2:
0x3d: {  	[sflag:s4] =	ssyncadd.s32 $0xFFFF0000  }
0x3e: {  	_ =	sfence.sel $0x180000  }
0x3f: {  	[bflag:$0x0] =	sbarrier.arrive $0xFFFF  }
0x40: {  	p0 =	sne.s32 s0, $0x0;
	_ =	strace $0x90000047  }
0x41: {  	s0 =	sadd.s32 @!p0 $0x100000, s2;
	[bflag:$0x2] =	sbarrier.arrive $0xFFFF  }
0x42: {  	[sflag:s0] =	ssyncadd.tile.s32 @!p0 $0x1;
	_ =	shalt  }
.Lfunc_end2:
_tile_overlayer_lowered:
.L_overlay_start_2:
0x43: {  	(tag) =	ssettag $0x2  }
0x44: {  	s0 =	rddreg [dreg:$0x0];
	s2 =	stileid.u32  }
0x45: {  	s1 =	rddreg [dreg:$0x1];
	p0 =	sne.s32 s2, $0x0  }
0x46: {  	s3 =	rddreg [dreg:$0x2];
	[bflag:$0x3] =	sbarrier.arrive $0xFFFF;
	s2 =	simm.s32 @!p0 $0x1C02  }
0x47: {  	[timem:s3], [sflag:s2] =	dma.local @!p0 [hbm:s0], s1  }
0x48: {  	s0 =	simm.s32 @!p0 $0x2  }
0x49: {  	_ =	swait.ge @!p0 [sflag:s0], s1  }
0x4a: {  	s1 =	ssub.s32 @!p0 $0x0, s1;
	[sflag:s0] =	ssyncset.done @!p0 $0x0  }
0x4b: {  	[sflag:s0] =	ssyncadd.s32 @!p0 s1  }
0x4c: {  	[bflag:$0x3] =	sbarrier.arrive $0xFFFF  }
0x4d: {  	_ =	shalt  }

</sc_bundles>
